<compile_context>
chip_gen: v7x
topology: tpu7x:2x2x1
jax: 0.10.2.dev20260603
libtpu: 0.0.44.dev20260713+nightly
codegen_flags: <defaults>
</compile_context>

<pallas_src>
import functools

import jax
import jax.numpy as jnp
from jax import lax
from jax.experimental import pallas as pl
from jax.experimental.pallas import tpu as pltpu
from jax.experimental.pallas import tpu_sc as plsc

D = 128
B = 16384
L = 50
N_ROWS = 777

NC = 2
NS = 16
NW = NC * NS
NPW = B // NW
SB = 128
NSB = NPW // SB
NPAIR = D // 2
PP = 16
NCP = NPAIR // PP


def _emb_pool_body(table_hbm, xt_hbm, ht_hbm, table_v, idxt_v, htsb_v):
    wid = lax.axis_index("s") * NC + lax.axis_index("c")
    base = wid * NPW
    pltpu.sync_copy(table_hbm, table_v)

    def sb_body(sb, carry):
        s0 = base + sb * SB
        pltpu.sync_copy(xt_hbm.at[:, pl.ds(s0, SB)], idxt_v)

        iota16 = jnp.arange(16, dtype=jnp.int32)

        def b_body(b, c):
            b16 = b * 16
            samplev = iota16 + b16
            for cp in range(NCP):
                k0 = cp * PP
                diag = [(iota16 + (k0 + kk)) % NPAIR for kk in range(PP)]
                init = tuple(jnp.zeros((16,), jnp.float32) for _ in range(2 * PP))

                @plsc.parallel_loop(0, L, unroll=2, carry=init)
                def accs(j, accs_in):
                    rowv = idxt_v[j, pl.ds(b16, 16)]
                    new = []
                    for kk in range(PP):
                        g = plsc.load_gather(table_v, [rowv, diag[kk]])
                        lo, hi = plsc.unpack(
                            plsc.bitcast(g, jnp.bfloat16),
                            format=plsc.PackFormat.INTERLEAVED,
                            preferred_element_type=jnp.float32)
                        new.append(accs_in[2 * kk] + lo)
                        new.append(accs_in[2 * kk + 1] + hi)
                    return tuple(new)

                for kk in range(PP):
                    colv = diag[kk] * 2
                    plsc.store_scatter(htsb_v, [colv, samplev], accs[2 * kk])
                    plsc.store_scatter(htsb_v, [colv + 1, samplev], accs[2 * kk + 1])
            return c

        lax.fori_loop(0, SB // 16, b_body, 0)
        pltpu.sync_copy(htsb_v, ht_hbm.at[:, pl.ds(s0, SB)])
        return carry

    lax.fori_loop(0, NSB, sb_body, 0)


@functools.cache
def _emb_pool():
    mesh = plsc.VectorSubcoreMesh(core_axis_name="c", subcore_axis_name="s")
    return pl.kernel(
        _emb_pool_body,
        out_type=jax.ShapeDtypeStruct((D, B), jnp.float32),
        mesh=mesh,
        compiler_params=pltpu.CompilerParams(needs_layout_passes=False),
        scratch_types=[
            pltpu.VMEM((N_ROWS, NPAIR), jnp.int32),
            pltpu.VMEM((L, SB), jnp.int32),
            pltpu.VMEM((D, SB), jnp.float32),
        ],
    )


_SCALE = 256.0
_QUANT = 65536.0
_LOW = _QUANT / 2.0
_SHIFT = _QUANT * 5.0 + _LOW

MLP_BLK = 2048
_NBLK = B // MLP_BLK


def _mlp_body(ht_ref, n1_ref, n2_ref, ebt_ref, w1_ref, b1_ref, w2_ref, b2_ref,
              w3_ref, out_ref, pen_ref):
    i = pl.program_id(0)
    h = jnp.clip(ht_ref[...] + ebt_ref[...], 0.0, 1.0)
    t = (lax.dot_general(h, w1_ref[...], (((0,), (1,)), ((), ())),
                         preferred_element_type=jnp.float32) + b1_ref[...]) * _SCALE
    p1 = jnp.sum((jnp.maximum(jnp.abs(t) - _LOW * 0.5, 0.0) / _SCALE) ** 2)
    t = t + n1_ref[...]
    t = ((t + _SHIFT) % _QUANT - _QUANT / 2.0) / _SCALE
    t = jnp.clip(t, 0.0, 1.0)
    t = (lax.dot_general(t, w2_ref[...], (((1,), (1,)), ((), ())),
                         preferred_element_type=jnp.float32) + b2_ref[...]) * _SCALE
    p2 = jnp.sum((jnp.maximum(jnp.abs(t) - _LOW * 0.5, 0.0) / _SCALE) ** 2)
    t = t + n2_ref[...]
    t = ((t + _SHIFT) % _QUANT - _QUANT / 2.0) / _SCALE
    t = jnp.clip(t, 0.0, 1.0)
    out_ref[...] = jnp.sum(t * w3_ref[...], axis=1, keepdims=True)

    @pl.when(i == 0)
    def _():
        pen_ref[...] = jnp.zeros_like(pen_ref)

    pen_ref[...] += jnp.reshape(p1 + p2, (1, 1))

    @pl.when(i == _NBLK - 1)
    def _():
        pen_ref[...] = pen_ref[...] * (1.0 / (B * 32.0))


_mlp = pl.pallas_call(
    _mlp_body,
    grid=(_NBLK,),
    in_specs=[
        pl.BlockSpec((D, MLP_BLK), lambda i: (0, i)),
        pl.BlockSpec((MLP_BLK, 32), lambda i: (i, 0)),
        pl.BlockSpec((MLP_BLK, 32), lambda i: (i, 0)),
        pl.BlockSpec((D, 1), lambda i: (0, 0)),
        pl.BlockSpec((32, D), lambda i: (0, 0)),
        pl.BlockSpec((1, 32), lambda i: (0, 0)),
        pl.BlockSpec((32, 32), lambda i: (0, 0)),
        pl.BlockSpec((1, 32), lambda i: (0, 0)),
        pl.BlockSpec((1, 32), lambda i: (0, 0)),
    ],
    out_specs=[
        pl.BlockSpec((MLP_BLK, 1), lambda i: (i, 0)),
        pl.BlockSpec((1, 1), lambda i: (0, 0)),
    ],
    out_shape=[
        jax.ShapeDtypeStruct((B, 1), jnp.float32),
        jax.ShapeDtypeStruct((1, 1), jnp.float32),
    ],
)


def kernel(x, misc, tiles, coord, piece, row, col, tilecolor, zeros_param,
           emb_bias, W1, b1, W2, b2, W3, white_tile_mask, noise1, noise2):
    T = (tiles + coord + piece + row + col
         + tilecolor * white_tile_mask).reshape(12 * 8 * 8, D)
    table = jnp.concatenate([T, misc, zeros_param], axis=0)
    tb = lax.bitcast_convert_type(table.astype(jnp.bfloat16), jnp.uint16)
    tb = tb.astype(jnp.uint32)
    packed = lax.bitcast_convert_type(
        tb[:, 0::2] | (tb[:, 1::2] << 16), jnp.int32)
    ht = _emb_pool()(packed, x.T)
    ebt = emb_bias.reshape(D, 1)
    out, pen = _mlp(ht, noise1, noise2, ebt, W1, b1.reshape(1, 32), W2,
                    b2.reshape(1, 32), W3)
    return out, pen[0, 0]

# --- scband reference (transcript-rebuilt; emitter-appended) ---
"""Pipeline reference for scband-model-55817394979563 (READ-ONLY COPY).

The authoritative reference and input builder live on the scoring server;
editing this copy changes nothing except your own understanding.
"""

import jax, jax.numpy as jnp
import numpy as np

DOUT = 128
K2 = 32
K3 = 32
B = 16384
L = 50
N_ROWS = 12 * 8 * 8 + 8 + 1  # 777


def _xavier(k, fan_out, fan_in):
    std = float(np.sqrt(2.0 / (fan_in + fan_out)))
    return jax.random.normal(k, (fan_out, fan_in), dtype=jnp.float32) * std


def _white_tile_mask():
    yy, xx = np.meshgrid(np.arange(8), np.arange(8), indexing='ij')
    m = ((yy + xx) % 2 == 0).astype(np.float32)
    return jnp.asarray(m.reshape(1, 8, 8, 1))


def setup_inputs(seed: int = 0) -> dict:
    key = jax.random.key(seed)
    ks = jax.random.split(key, 13)
    inp = {}
    inp['x'] = jax.random.randint(ks[0], (B, L), 0, N_ROWS, dtype=jnp.int32)
    inp['misc'] = jax.random.normal(ks[1], (8, DOUT), dtype=jnp.float32) * 0.01
    inp['tiles'] = jax.random.normal(ks[2], (12, 8, 8, DOUT), dtype=jnp.float32) * 0.01
    inp['coord'] = jax.random.normal(ks[3], (1, 8, 8, DOUT), dtype=jnp.float32) * 0.01
    inp['piece'] = jax.random.normal(ks[4], (12, 1, 1, DOUT), dtype=jnp.float32) * 0.01
    inp['row'] = jax.random.normal(ks[5], (1, 8, 1, DOUT), dtype=jnp.float32) * 0.01
    inp['col'] = jax.random.normal(ks[6], (1, 1, 8, DOUT), dtype=jnp.float32) * 0.01
    inp['tilecolor'] = jax.random.normal(ks[7], (1, 1, 1, DOUT), dtype=jnp.float32) * 0.01
    inp['zeros_param'] = jnp.zeros((1, DOUT), dtype=jnp.float32)
    inp['emb_bias'] = jnp.zeros((DOUT,), dtype=jnp.float32)
    inp['W1'] = _xavier(ks[8], K2, DOUT)
    inp['b1'] = jnp.zeros((K2,), dtype=jnp.float32)
    inp['W2'] = _xavier(ks[9], K3, K2)
    inp['b2'] = jnp.zeros((K3,), dtype=jnp.float32)
    inp['W3'] = _xavier(ks[10], 1, K3)
    inp['white_tile_mask'] = _white_tile_mask()
    inp['noise1'] = jax.random.uniform(ks[11], (B, K2), dtype=jnp.float32) - 0.5
    inp['noise2'] = jax.random.uniform(ks[12], (B, K3), dtype=jnp.float32) - 0.5
    return inp


def reference(x, misc, tiles, coord, piece, row, col, tilecolor, zeros_param, emb_bias,
              W1, b1, W2, b2, W3, white_tile_mask, noise1, noise2):
    # Emb.weight property
    T = (tiles + coord + piece + row + col + tilecolor * white_tile_mask).reshape(12 * 8 * 8, -1)
    weight = jnp.concatenate([T, misc, zeros_param], axis=0)  # [777, DOUT]
    # Emb.forward: gather + sum over active features + bias
    h = jnp.take(weight, x, axis=0).sum(axis=1) + emb_bias  # [B, DOUT]
    # CReLU
    h = jnp.clip(h, 0.0, 1.0)
    scale = 256.0
    quant = 65536.0
    low = quant / 2.0
    shift = quant * 5.0 + low
    penalty = jnp.float32(0.0)
    # Linear(k1 -> k2) + quantization noise
    h = h @ W1.T + b1
    h = h * scale
    penalty = penalty + ((jax.nn.relu(jnp.abs(h) - low * 0.5) / scale) ** 2).mean()
    h = h + noise1
    h = ((h + shift) % quant - quant / 2.0) / scale
    h = jnp.clip(h, 0.0, 1.0)
    # Linear(k2 -> k3) + quantization noise
    h = h @ W2.T + b2
    h = h * scale
    penalty = penalty + ((jax.nn.relu(jnp.abs(h) - low * 0.5) / scale) ** 2).mean()
    h = h + noise2
    h = ((h + shift) % quant - quant / 2.0) / scale
    h = jnp.clip(h, 0.0, 1.0)
    # Final Linear(k3 -> 1, no bias), no quantization
    out = h @ W3.T
    return (out, penalty)

if __name__ == "__main__":
    import jax
    _d = setup_inputs()
    print(jax.jit(kernel)(*tuple(_d.values())))

</pallas_src>

<mosaic_0001>
#map = affine_map<(d0, d1) -> (0, 0)>
module attributes {stable_mosaic.version = 14 : i64} {
  func.func @_emb_pool_body(%arg0: i32, %arg1: i32, %arg2: memref<777x64xi32, #tpu.memory_space<hbm>>, %arg3: memref<50x16384xi32, #tpu.memory_space<hbm>>, %arg4: memref<128x16384xf32, #tpu.memory_space<hbm>>, %arg5: memref<777x64xi32, #tpu.memory_space<vmem>>, %arg6: memref<50x128xi32, #tpu.memory_space<vmem>>, %arg7: memref<128x128xf32, #tpu.memory_space<vmem>>) attributes {dimension_semantics = [#tpu.dimension_semantics<core_parallel>, #tpu.dimension_semantics<subcore_parallel>], iteration_bounds = array<i64: 2, 16>, scalar_prefetch = 0 : i64, scratch_operands = 3 : i64, tpu.core_type = #tpu.core_type<sc_vector_subcore>, window_params = [{transform_indices = #map}, {transform_indices = #map}, {transform_indices = #map}]} {
    %mul3A = arith.constant 2 : i32
    %mul3A_0 = arith.muli %arg1, %mul3A : i32
    %add3A = arith.addi %mul3A_0, %arg0 : i32
    %mul3A_1 = arith.constant 512 : i32
    %mul3A_2 = arith.muli %add3A, %mul3A_1 : i32
    "tpu.region"() ({
      %run_scoped3A = tpu.sem_alloc : memref<!tpu.dma_semaphore, #tpu.memory_space<semaphore_mem>>
      tpu.enqueue_dma source(%arg2 : memref<777x64xi32, #tpu.memory_space<hbm>>) target(%arg5 : memref<777x64xi32, #tpu.memory_space<vmem>>) target_semaphore(%run_scoped3A : memref<!tpu.dma_semaphore, #tpu.memory_space<semaphore_mem>>)
      tpu.wait_dma2 semaphore(%run_scoped3A : memref<!tpu.dma_semaphore, #tpu.memory_space<semaphore_mem>>) src(%arg2 : memref<777x64xi32, #tpu.memory_space<hbm>>) dst(%arg5 : memref<777x64xi32, #tpu.memory_space<vmem>>)
      tpu.yield
    }) : () -> ()
    %scan3A = arith.constant 0 : i32
    %scan3A_3 = arith.constant 0 : i32
    %scan3A_4 = arith.constant 4 : i32
    %scan3A_5 = arith.addi %scan3A_3, %scan3A_4 : i32
    %scan3A_6 = arith.constant 1 : i32
    scf.for %scan3A_8 = %scan3A_3 to %scan3A_5 step %scan3A_6  : i32 {
      %mul3A_9 = arith.constant 128 : i32
      %mul3A_10 = arith.muli %scan3A_8, %mul3A_9 : i32
      %add3A_11 = arith.addi %mul3A_2, %mul3A_10 : i32
      "tpu.region"() ({
        %run_scoped3A = tpu.sem_alloc : memref<!tpu.dma_semaphore, #tpu.memory_space<semaphore_mem>>
        %dma_start3A = arith.constant 0 : i32
        %dma_start3A_18 = tpu.memref_slice %arg3[%dma_start3A, %add3A_11] : memref<50x16384xi32, #tpu.memory_space<hbm>> -> memref<50x128xi32, #tpu.memory_space<hbm>>
        %dma_start3A_19 = arith.constant 0 : i32
        %dma_start3A_20 = tpu.memref_slice %arg3[%dma_start3A_19, %add3A_11] : memref<50x16384xi32, #tpu.memory_space<hbm>> -> memref<50x128xi32, #tpu.memory_space<hbm>>
        tpu.enqueue_dma source(%dma_start3A_20 : memref<50x128xi32, #tpu.memory_space<hbm>>) target(%arg6 : memref<50x128xi32, #tpu.memory_space<vmem>>) target_semaphore(%run_scoped3A : memref<!tpu.dma_semaphore, #tpu.memory_space<semaphore_mem>>)
        %dma_wait3A = arith.constant 0 : i32
        %dma_wait3A_21 = tpu.memref_slice %arg3[%dma_wait3A, %add3A_11] : memref<50x16384xi32, #tpu.memory_space<hbm>> -> memref<50x128xi32, #tpu.memory_space<hbm>>
        %dma_wait3A_22 = arith.constant 0 : i32
        %dma_wait3A_23 = tpu.memref_slice %arg3[%dma_wait3A_22, %add3A_11] : memref<50x16384xi32, #tpu.memory_space<hbm>> -> memref<50x128xi32, #tpu.memory_space<hbm>>
        tpu.wait_dma2 semaphore(%run_scoped3A : memref<!tpu.dma_semaphore, #tpu.memory_space<semaphore_mem>>) src(%dma_wait3A_23 : memref<50x128xi32, #tpu.memory_space<hbm>>) dst(%arg6 : memref<50x128xi32, #tpu.memory_space<vmem>>)
        tpu.yield
      }) : () -> ()
      %iota3A = tpu.iota {dimensions = array<i32: 0>} : vector<16xi32>
      %scan3A_12 = arith.constant 0 : i32
      %scan3A_13 = arith.constant 0 : i32
      %scan3A_14 = arith.constant 8 : i32
      %scan3A_15 = arith.addi %scan3A_13, %scan3A_14 : i32
      %scan3A_16 = arith.constant 1 : i32
      scf.for %scan3A_18 = %scan3A_13 to %scan3A_15 step %scan3A_16  : i32 {
        %mul3A_19 = arith.constant 16 : i32
        %mul3A_20 = arith.muli %scan3A_18, %mul3A_19 : i32
        %add3A_21 = vector.broadcast %mul3A_20 : i32 to vector<16xi32>
        %add3A_22 = arith.addi %iota3A, %add3A_21 : vector<16xi32>
        %add3A_23 = arith.constant 0 : i32
        %add3A_24 = vector.broadcast %add3A_23 : i32 to vector<16xi32>
        %add3A_25 = arith.addi %iota3A, %add3A_24 : vector<16xi32>
        %jit3A = arith.constant 64 : i32
        %eq3A = arith.constant 0 : i32
        %eq3A_26 = arith.cmpi eq, %jit3A, %eq3A : i32
        %jit3A_27 = arith.constant 1 : i32
        %select_n3A = arith.select %eq3A_26, %jit3A_27, %jit3A : i32
        %rem3A = vector.broadcast %select_n3A : i32 to vector<16xi32>
        %rem3A_28 = arith.remsi %add3A_25, %rem3A : vector<16xi32>
        %ne3A = arith.constant 0 : i32
        %ne3A_29 = vector.broadcast %ne3A : i32 to vector<16xi32>
        %ne3A_30 = arith.cmpi ne, %rem3A_28, %ne3A_29 : vector<16xi32>
        %lt3A = arith.constant 0 : i32
        %lt3A_31 = vector.broadcast %lt3A : i32 to vector<16xi32>
        %lt3A_32 = arith.cmpi slt, %rem3A_28, %lt3A_31 : vector<16xi32>
        %lt3A_33 = arith.constant 0 : i32
        %lt3A_34 = arith.cmpi slt, %select_n3A, %lt3A_33 : i32
        %ne3A_35 = vector.broadcast %lt3A_34 : i1 to vector<16xi1>
        %ne3A_36 = vector.broadcast %ne3A_35 : vector<16xi1> to vector<16xi1>
        %ne3A_37 = arith.xori %lt3A_32, %ne3A_36 : vector<16xi1>
        %and3A = arith.andi %ne3A_37, %ne3A_30 : vector<16xi1>
        %add3A_38 = vector.broadcast %select_n3A : i32 to vector<16xi32>
        %add3A_39 = arith.addi %rem3A_28, %add3A_38 : vector<16xi32>
        %select_n3A_40 = arith.select %and3A, %add3A_39, %rem3A_28 : vector<16xi1>, vector<16xi32>
        %add3A_41 = arith.constant 1 : i32
        %add3A_42 = vector.broadcast %add3A_41 : i32 to vector<16xi32>
        %add3A_43 = arith.addi %iota3A, %add3A_42 : vector<16xi32>
        %jit3A_44 = arith.constant 64 : i32
        %eq3A_45 = arith.constant 0 : i32
        %eq3A_46 = arith.cmpi eq, %jit3A_44, %eq3A_45 : i32
        %jit3A_47 = arith.constant 1 : i32
        %select_n3A_48 = arith.select %eq3A_46, %jit3A_47, %jit3A_44 : i32
        %rem3A_49 = vector.broadcast %select_n3A_48 : i32 to vector<16xi32>
        %rem3A_50 = arith.remsi %add3A_43, %rem3A_49 : vector<16xi32>
        %ne3A_51 = arith.constant 0 : i32
        %ne3A_52 = vector.broadcast %ne3A_51 : i32 to vector<16xi32>
        %ne3A_53 = arith.cmpi ne, %rem3A_50, %ne3A_52 : vector<16xi32>
        %lt3A_54 = arith.constant 0 : i32
        %lt3A_55 = vector.broadcast %lt3A_54 : i32 to vector<16xi32>
        %lt3A_56 = arith.cmpi slt, %rem3A_50, %lt3A_55 : vector<16xi32>
        %lt3A_57 = arith.constant 0 : i32
        %lt3A_58 = arith.cmpi slt, %select_n3A_48, %lt3A_57 : i32
        %ne3A_59 = vector.broadcast %lt3A_58 : i1 to vector<16xi1>
        %ne3A_60 = vector.broadcast %ne3A_59 : vector<16xi1> to vector<16xi1>
        %ne3A_61 = arith.xori %lt3A_56, %ne3A_60 : vector<16xi1>
        %and3A_62 = arith.andi %ne3A_61, %ne3A_53 : vector<16xi1>
        %add3A_63 = vector.broadcast %select_n3A_48 : i32 to vector<16xi32>
        %add3A_64 = arith.addi %rem3A_50, %add3A_63 : vector<16xi32>
        %select_n3A_65 = arith.select %and3A_62, %add3A_64, %rem3A_50 : vector<16xi1>, vector<16xi32>
        %add3A_66 = arith.constant 2 : i32
        %add3A_67 = vector.broadcast %add3A_66 : i32 to vector<16xi32>
        %add3A_68 = arith.addi %iota3A, %add3A_67 : vector<16xi32>
        %jit3A_69 = arith.constant 64 : i32
        %eq3A_70 = arith.constant 0 : i32
        %eq3A_71 = arith.cmpi eq, %jit3A_69, %eq3A_70 : i32
        %jit3A_72 = arith.constant 1 : i32
        %select_n3A_73 = arith.select %eq3A_71, %jit3A_72, %jit3A_69 : i32
        %rem3A_74 = vector.broadcast %select_n3A_73 : i32 to vector<16xi32>
        %rem3A_75 = arith.remsi %add3A_68, %rem3A_74 : vector<16xi32>
        %ne3A_76 = arith.constant 0 : i32
        %ne3A_77 = vector.broadcast %ne3A_76 : i32 to vector<16xi32>
        %ne3A_78 = arith.cmpi ne, %rem3A_75, %ne3A_77 : vector<16xi32>
        %lt3A_79 = arith.constant 0 : i32
        %lt3A_80 = vector.broadcast %lt3A_79 : i32 to vector<16xi32>
        %lt3A_81 = arith.cmpi slt, %rem3A_75, %lt3A_80 : vector<16xi32>
        %lt3A_82 = arith.constant 0 : i32
        %lt3A_83 = arith.cmpi slt, %select_n3A_73, %lt3A_82 : i32
        %ne3A_84 = vector.broadcast %lt3A_83 : i1 to vector<16xi1>
        %ne3A_85 = vector.broadcast %ne3A_84 : vector<16xi1> to vector<16xi1>
        %ne3A_86 = arith.xori %lt3A_81, %ne3A_85 : vector<16xi1>
        %and3A_87 = arith.andi %ne3A_86, %ne3A_78 : vector<16xi1>
        %add3A_88 = vector.broadcast %select_n3A_73 : i32 to vector<16xi32>
        %add3A_89 = arith.addi %rem3A_75, %add3A_88 : vector<16xi32>
        %select_n3A_90 = arith.select %and3A_87, %add3A_89, %rem3A_75 : vector<16xi1>, vector<16xi32>
        %add3A_91 = arith.constant 3 : i32
        %add3A_92 = vector.broadcast %add3A_91 : i32 to vector<16xi32>
        %add3A_93 = arith.addi %iota3A, %add3A_92 : vector<16xi32>
        %jit3A_94 = arith.constant 64 : i32
        %eq3A_95 = arith.constant 0 : i32
        %eq3A_96 = arith.cmpi eq, %jit3A_94, %eq3A_95 : i32
        %jit3A_97 = arith.constant 1 : i32
        %select_n3A_98 = arith.select %eq3A_96, %jit3A_97, %jit3A_94 : i32
        %rem3A_99 = vector.broadcast %select_n3A_98 : i32 to vector<16xi32>
        %rem3A_100 = arith.remsi %add3A_93, %rem3A_99 : vector<16xi32>
        %ne3A_101 = arith.constant 0 : i32
        %ne3A_102 = vector.broadcast %ne3A_101 : i32 to vector<16xi32>
        %ne3A_103 = arith.cmpi ne, %rem3A_100, %ne3A_102 : vector<16xi32>
        %lt3A_104 = arith.constant 0 : i32
        %lt3A_105 = vector.broadcast %lt3A_104 : i32 to vector<16xi32>
        %lt3A_106 = arith.cmpi slt, %rem3A_100, %lt3A_105 : vector<16xi32>
        %lt3A_107 = arith.constant 0 : i32
        %lt3A_108 = arith.cmpi slt, %select_n3A_98, %lt3A_107 : i32
        %ne3A_109 = vector.broadcast %lt3A_108 : i1 to vector<16xi1>
        %ne3A_110 = vector.broadcast %ne3A_109 : vector<16xi1> to vector<16xi1>
        %ne3A_111 = arith.xori %lt3A_106, %ne3A_110 : vector<16xi1>
        %and3A_112 = arith.andi %ne3A_111, %ne3A_103 : vector<16xi1>
        %add3A_113 = vector.broadcast %select_n3A_98 : i32 to vector<16xi32>
        %add3A_114 = arith.addi %rem3A_100, %add3A_113 : vector<16xi32>
        %select_n3A_115 = arith.select %and3A_112, %add3A_114, %rem3A_100 : vector<16xi1>, vector<16xi32>
        %add3A_116 = arith.constant 4 : i32
        %add3A_117 = vector.broadcast %add3A_116 : i32 to vector<16xi32>
        %add3A_118 = arith.addi %iota3A, %add3A_117 : vector<16xi32>
        %jit3A_119 = arith.constant 64 : i32
        %eq3A_120 = arith.constant 0 : i32
        %eq3A_121 = arith.cmpi eq, %jit3A_119, %eq3A_120 : i32
        %jit3A_122 = arith.constant 1 : i32
        %select_n3A_123 = arith.select %eq3A_121, %jit3A_122, %jit3A_119 : i32
        %rem3A_124 = vector.broadcast %select_n3A_123 : i32 to vector<16xi32>
        %rem3A_125 = arith.remsi %add3A_118, %rem3A_124 : vector<16xi32>
        %ne3A_126 = arith.constant 0 : i32
        %ne3A_127 = vector.broadcast %ne3A_126 : i32 to vector<16xi32>
        %ne3A_128 = arith.cmpi ne, %rem3A_125, %ne3A_127 : vector<16xi32>
        %lt3A_129 = arith.constant 0 : i32
        %lt3A_130 = vector.broadcast %lt3A_129 : i32 to vector<16xi32>
        %lt3A_131 = arith.cmpi slt, %rem3A_125, %lt3A_130 : vector<16xi32>
        %lt3A_132 = arith.constant 0 : i32
        %lt3A_133 = arith.cmpi slt, %select_n3A_123, %lt3A_132 : i32
        %ne3A_134 = vector.broadcast %lt3A_133 : i1 to vector<16xi1>
        %ne3A_135 = vector.broadcast %ne3A_134 : vector<16xi1> to vector<16xi1>
        %ne3A_136 = arith.xori %lt3A_131, %ne3A_135 : vector<16xi1>
        %and3A_137 = arith.andi %ne3A_136, %ne3A_128 : vector<16xi1>
        %add3A_138 = vector.broadcast %select_n3A_123 : i32 to vector<16xi32>
        %add3A_139 = arith.addi %rem3A_125, %add3A_138 : vector<16xi32>
        %select_n3A_140 = arith.select %and3A_137, %add3A_139, %rem3A_125 : vector<16xi1>, vector<16xi32>
        %add3A_141 = arith.constant 5 : i32
        %add3A_142 = vector.broadcast %add3A_141 : i32 to vector<16xi32>
        %add3A_143 = arith.addi %iota3A, %add3A_142 : vector<16xi32>
        %jit3A_144 = arith.constant 64 : i32
        %eq3A_145 = arith.constant 0 : i32
        %eq3A_146 = arith.cmpi eq, %jit3A_144, %eq3A_145 : i32
        %jit3A_147 = arith.constant 1 : i32
        %select_n3A_148 = arith.select %eq3A_146, %jit3A_147, %jit3A_144 : i32
        %rem3A_149 = vector.broadcast %select_n3A_148 : i32 to vector<16xi32>
        %rem3A_150 = arith.remsi %add3A_143, %rem3A_149 : vector<16xi32>
        %ne3A_151 = arith.constant 0 : i32
        %ne3A_152 = vector.broadcast %ne3A_151 : i32 to vector<16xi32>
        %ne3A_153 = arith.cmpi ne, %rem3A_150, %ne3A_152 : vector<16xi32>
        %lt3A_154 = arith.constant 0 : i32
        %lt3A_155 = vector.broadcast %lt3A_154 : i32 to vector<16xi32>
        %lt3A_156 = arith.cmpi slt, %rem3A_150, %lt3A_155 : vector<16xi32>
        %lt3A_157 = arith.constant 0 : i32
        %lt3A_158 = arith.cmpi slt, %select_n3A_148, %lt3A_157 : i32
        %ne3A_159 = vector.broadcast %lt3A_158 : i1 to vector<16xi1>
        %ne3A_160 = vector.broadcast %ne3A_159 : vector<16xi1> to vector<16xi1>
        %ne3A_161 = arith.xori %lt3A_156, %ne3A_160 : vector<16xi1>
        %and3A_162 = arith.andi %ne3A_161, %ne3A_153 : vector<16xi1>
        %add3A_163 = vector.broadcast %select_n3A_148 : i32 to vector<16xi32>
        %add3A_164 = arith.addi %rem3A_150, %add3A_163 : vector<16xi32>
        %select_n3A_165 = arith.select %and3A_162, %add3A_164, %rem3A_150 : vector<16xi1>, vector<16xi32>
        %add3A_166 = arith.constant 6 : i32
        %add3A_167 = vector.broadcast %add3A_166 : i32 to vector<16xi32>
        %add3A_168 = arith.addi %iota3A, %add3A_167 : vector<16xi32>
        %jit3A_169 = arith.constant 64 : i32
        %eq3A_170 = arith.constant 0 : i32
        %eq3A_171 = arith.cmpi eq, %jit3A_169, %eq3A_170 : i32
        %jit3A_172 = arith.constant 1 : i32
        %select_n3A_173 = arith.select %eq3A_171, %jit3A_172, %jit3A_169 : i32
        %rem3A_174 = vector.broadcast %select_n3A_173 : i32 to vector<16xi32>
        %rem3A_175 = arith.remsi %add3A_168, %rem3A_174 : vector<16xi32>
        %ne3A_176 = arith.constant 0 : i32
        %ne3A_177 = vector.broadcast %ne3A_176 : i32 to vector<16xi32>
        %ne3A_178 = arith.cmpi ne, %rem3A_175, %ne3A_177 : vector<16xi32>
        %lt3A_179 = arith.constant 0 : i32
        %lt3A_180 = vector.broadcast %lt3A_179 : i32 to vector<16xi32>
        %lt3A_181 = arith.cmpi slt, %rem3A_175, %lt3A_180 : vector<16xi32>
        %lt3A_182 = arith.constant 0 : i32
        %lt3A_183 = arith.cmpi slt, %select_n3A_173, %lt3A_182 : i32
        %ne3A_184 = vector.broadcast %lt3A_183 : i1 to vector<16xi1>
        %ne3A_185 = vector.broadcast %ne3A_184 : vector<16xi1> to vector<16xi1>
        %ne3A_186 = arith.xori %lt3A_181, %ne3A_185 : vector<16xi1>
        %and3A_187 = arith.andi %ne3A_186, %ne3A_178 : vector<16xi1>
        %add3A_188 = vector.broadcast %select_n3A_173 : i32 to vector<16xi32>
        %add3A_189 = arith.addi %rem3A_175, %add3A_188 : vector<16xi32>
        %select_n3A_190 = arith.select %and3A_187, %add3A_189, %rem3A_175 : vector<16xi1>, vector<16xi32>
        %add3A_191 = arith.constant 7 : i32
        %add3A_192 = vector.broadcast %add3A_191 : i32 to vector<16xi32>
        %add3A_193 = arith.addi %iota3A, %add3A_192 : vector<16xi32>
        %jit3A_194 = arith.constant 64 : i32
        %eq3A_195 = arith.constant 0 : i32
        %eq3A_196 = arith.cmpi eq, %jit3A_194, %eq3A_195 : i32
        %jit3A_197 = arith.constant 1 : i32
        %select_n3A_198 = arith.select %eq3A_196, %jit3A_197, %jit3A_194 : i32
        %rem3A_199 = vector.broadcast %select_n3A_198 : i32 to vector<16xi32>
        %rem3A_200 = arith.remsi %add3A_193, %rem3A_199 : vector<16xi32>
        %ne3A_201 = arith.constant 0 : i32
        %ne3A_202 = vector.broadcast %ne3A_201 : i32 to vector<16xi32>
        %ne3A_203 = arith.cmpi ne, %rem3A_200, %ne3A_202 : vector<16xi32>
        %lt3A_204 = arith.constant 0 : i32
        %lt3A_205 = vector.broadcast %lt3A_204 : i32 to vector<16xi32>
        %lt3A_206 = arith.cmpi slt, %rem3A_200, %lt3A_205 : vector<16xi32>
        %lt3A_207 = arith.constant 0 : i32
        %lt3A_208 = arith.cmpi slt, %select_n3A_198, %lt3A_207 : i32
        %ne3A_209 = vector.broadcast %lt3A_208 : i1 to vector<16xi1>
        %ne3A_210 = vector.broadcast %ne3A_209 : vector<16xi1> to vector<16xi1>
        %ne3A_211 = arith.xori %lt3A_206, %ne3A_210 : vector<16xi1>
        %and3A_212 = arith.andi %ne3A_211, %ne3A_203 : vector<16xi1>
        %add3A_213 = vector.broadcast %select_n3A_198 : i32 to vector<16xi32>
        %add3A_214 = arith.addi %rem3A_200, %add3A_213 : vector<16xi32>
        %select_n3A_215 = arith.select %and3A_212, %add3A_214, %rem3A_200 : vector<16xi1>, vector<16xi32>
        %add3A_216 = arith.constant 8 : i32
        %add3A_217 = vector.broadcast %add3A_216 : i32 to vector<16xi32>
        %add3A_218 = arith.addi %iota3A, %add3A_217 : vector<16xi32>
        %jit3A_219 = arith.constant 64 : i32
        %eq3A_220 = arith.constant 0 : i32
        %eq3A_221 = arith.cmpi eq, %jit3A_219, %eq3A_220 : i32
        %jit3A_222 = arith.constant 1 : i32
        %select_n3A_223 = arith.select %eq3A_221, %jit3A_222, %jit3A_219 : i32
        %rem3A_224 = vector.broadcast %select_n3A_223 : i32 to vector<16xi32>
        %rem3A_225 = arith.remsi %add3A_218, %rem3A_224 : vector<16xi32>
        %ne3A_226 = arith.constant 0 : i32
        %ne3A_227 = vector.broadcast %ne3A_226 : i32 to vector<16xi32>
        %ne3A_228 = arith.cmpi ne, %rem3A_225, %ne3A_227 : vector<16xi32>
        %lt3A_229 = arith.constant 0 : i32
        %lt3A_230 = vector.broadcast %lt3A_229 : i32 to vector<16xi32>
        %lt3A_231 = arith.cmpi slt, %rem3A_225, %lt3A_230 : vector<16xi32>
        %lt3A_232 = arith.constant 0 : i32
        %lt3A_233 = arith.cmpi slt, %select_n3A_223, %lt3A_232 : i32
        %ne3A_234 = vector.broadcast %lt3A_233 : i1 to vector<16xi1>
        %ne3A_235 = vector.broadcast %ne3A_234 : vector<16xi1> to vector<16xi1>
        %ne3A_236 = arith.xori %lt3A_231, %ne3A_235 : vector<16xi1>
        %and3A_237 = arith.andi %ne3A_236, %ne3A_228 : vector<16xi1>
        %add3A_238 = vector.broadcast %select_n3A_223 : i32 to vector<16xi32>
        %add3A_239 = arith.addi %rem3A_225, %add3A_238 : vector<16xi32>
        %select_n3A_240 = arith.select %and3A_237, %add3A_239, %rem3A_225 : vector<16xi1>, vector<16xi32>
        %add3A_241 = arith.constant 9 : i32
        %add3A_242 = vector.broadcast %add3A_241 : i32 to vector<16xi32>
        %add3A_243 = arith.addi %iota3A, %add3A_242 : vector<16xi32>
        %jit3A_244 = arith.constant 64 : i32
        %eq3A_245 = arith.constant 0 : i32
        %eq3A_246 = arith.cmpi eq, %jit3A_244, %eq3A_245 : i32
        %jit3A_247 = arith.constant 1 : i32
        %select_n3A_248 = arith.select %eq3A_246, %jit3A_247, %jit3A_244 : i32
        %rem3A_249 = vector.broadcast %select_n3A_248 : i32 to vector<16xi32>
        %rem3A_250 = arith.remsi %add3A_243, %rem3A_249 : vector<16xi32>
        %ne3A_251 = arith.constant 0 : i32
        %ne3A_252 = vector.broadcast %ne3A_251 : i32 to vector<16xi32>
        %ne3A_253 = arith.cmpi ne, %rem3A_250, %ne3A_252 : vector<16xi32>
        %lt3A_254 = arith.constant 0 : i32
        %lt3A_255 = vector.broadcast %lt3A_254 : i32 to vector<16xi32>
        %lt3A_256 = arith.cmpi slt, %rem3A_250, %lt3A_255 : vector<16xi32>
        %lt3A_257 = arith.constant 0 : i32
        %lt3A_258 = arith.cmpi slt, %select_n3A_248, %lt3A_257 : i32
        %ne3A_259 = vector.broadcast %lt3A_258 : i1 to vector<16xi1>
        %ne3A_260 = vector.broadcast %ne3A_259 : vector<16xi1> to vector<16xi1>
        %ne3A_261 = arith.xori %lt3A_256, %ne3A_260 : vector<16xi1>
        %and3A_262 = arith.andi %ne3A_261, %ne3A_253 : vector<16xi1>
        %add3A_263 = vector.broadcast %select_n3A_248 : i32 to vector<16xi32>
        %add3A_264 = arith.addi %rem3A_250, %add3A_263 : vector<16xi32>
        %select_n3A_265 = arith.select %and3A_262, %add3A_264, %rem3A_250 : vector<16xi1>, vector<16xi32>
        %add3A_266 = arith.constant 10 : i32
        %add3A_267 = vector.broadcast %add3A_266 : i32 to vector<16xi32>
        %add3A_268 = arith.addi %iota3A, %add3A_267 : vector<16xi32>
        %jit3A_269 = arith.constant 64 : i32
        %eq3A_270 = arith.constant 0 : i32
        %eq3A_271 = arith.cmpi eq, %jit3A_269, %eq3A_270 : i32
        %jit3A_272 = arith.constant 1 : i32
        %select_n3A_273 = arith.select %eq3A_271, %jit3A_272, %jit3A_269 : i32
        %rem3A_274 = vector.broadcast %select_n3A_273 : i32 to vector<16xi32>
        %rem3A_275 = arith.remsi %add3A_268, %rem3A_274 : vector<16xi32>
        %ne3A_276 = arith.constant 0 : i32
        %ne3A_277 = vector.broadcast %ne3A_276 : i32 to vector<16xi32>
        %ne3A_278 = arith.cmpi ne, %rem3A_275, %ne3A_277 : vector<16xi32>
        %lt3A_279 = arith.constant 0 : i32
        %lt3A_280 = vector.broadcast %lt3A_279 : i32 to vector<16xi32>
        %lt3A_281 = arith.cmpi slt, %rem3A_275, %lt3A_280 : vector<16xi32>
        %lt3A_282 = arith.constant 0 : i32
        %lt3A_283 = arith.cmpi slt, %select_n3A_273, %lt3A_282 : i32
        %ne3A_284 = vector.broadcast %lt3A_283 : i1 to vector<16xi1>
        %ne3A_285 = vector.broadcast %ne3A_284 : vector<16xi1> to vector<16xi1>
        %ne3A_286 = arith.xori %lt3A_281, %ne3A_285 : vector<16xi1>
        %and3A_287 = arith.andi %ne3A_286, %ne3A_278 : vector<16xi1>
        %add3A_288 = vector.broadcast %select_n3A_273 : i32 to vector<16xi32>
        %add3A_289 = arith.addi %rem3A_275, %add3A_288 : vector<16xi32>
        %select_n3A_290 = arith.select %and3A_287, %add3A_289, %rem3A_275 : vector<16xi1>, vector<16xi32>
        %add3A_291 = arith.constant 11 : i32
        %add3A_292 = vector.broadcast %add3A_291 : i32 to vector<16xi32>
        %add3A_293 = arith.addi %iota3A, %add3A_292 : vector<16xi32>
        %jit3A_294 = arith.constant 64 : i32
        %eq3A_295 = arith.constant 0 : i32
        %eq3A_296 = arith.cmpi eq, %jit3A_294, %eq3A_295 : i32
        %jit3A_297 = arith.constant 1 : i32
        %select_n3A_298 = arith.select %eq3A_296, %jit3A_297, %jit3A_294 : i32
        %rem3A_299 = vector.broadcast %select_n3A_298 : i32 to vector<16xi32>
        %rem3A_300 = arith.remsi %add3A_293, %rem3A_299 : vector<16xi32>
        %ne3A_301 = arith.constant 0 : i32
        %ne3A_302 = vector.broadcast %ne3A_301 : i32 to vector<16xi32>
        %ne3A_303 = arith.cmpi ne, %rem3A_300, %ne3A_302 : vector<16xi32>
        %lt3A_304 = arith.constant 0 : i32
        %lt3A_305 = vector.broadcast %lt3A_304 : i32 to vector<16xi32>
        %lt3A_306 = arith.cmpi slt, %rem3A_300, %lt3A_305 : vector<16xi32>
        %lt3A_307 = arith.constant 0 : i32
        %lt3A_308 = arith.cmpi slt, %select_n3A_298, %lt3A_307 : i32
        %ne3A_309 = vector.broadcast %lt3A_308 : i1 to vector<16xi1>
        %ne3A_310 = vector.broadcast %ne3A_309 : vector<16xi1> to vector<16xi1>
        %ne3A_311 = arith.xori %lt3A_306, %ne3A_310 : vector<16xi1>
        %and3A_312 = arith.andi %ne3A_311, %ne3A_303 : vector<16xi1>
        %add3A_313 = vector.broadcast %select_n3A_298 : i32 to vector<16xi32>
        %add3A_314 = arith.addi %rem3A_300, %add3A_313 : vector<16xi32>
        %select_n3A_315 = arith.select %and3A_312, %add3A_314, %rem3A_300 : vector<16xi1>, vector<16xi32>
        %add3A_316 = arith.constant 12 : i32
        %add3A_317 = vector.broadcast %add3A_316 : i32 to vector<16xi32>
        %add3A_318 = arith.addi %iota3A, %add3A_317 : vector<16xi32>
        %jit3A_319 = arith.constant 64 : i32
        %eq3A_320 = arith.constant 0 : i32
        %eq3A_321 = arith.cmpi eq, %jit3A_319, %eq3A_320 : i32
        %jit3A_322 = arith.constant 1 : i32
        %select_n3A_323 = arith.select %eq3A_321, %jit3A_322, %jit3A_319 : i32
        %rem3A_324 = vector.broadcast %select_n3A_323 : i32 to vector<16xi32>
        %rem3A_325 = arith.remsi %add3A_318, %rem3A_324 : vector<16xi32>
        %ne3A_326 = arith.constant 0 : i32
        %ne3A_327 = vector.broadcast %ne3A_326 : i32 to vector<16xi32>
        %ne3A_328 = arith.cmpi ne, %rem3A_325, %ne3A_327 : vector<16xi32>
        %lt3A_329 = arith.constant 0 : i32
        %lt3A_330 = vector.broadcast %lt3A_329 : i32 to vector<16xi32>
        %lt3A_331 = arith.cmpi slt, %rem3A_325, %lt3A_330 : vector<16xi32>
        %lt3A_332 = arith.constant 0 : i32
        %lt3A_333 = arith.cmpi slt, %select_n3A_323, %lt3A_332 : i32
        %ne3A_334 = vector.broadcast %lt3A_333 : i1 to vector<16xi1>
        %ne3A_335 = vector.broadcast %ne3A_334 : vector<16xi1> to vector<16xi1>
        %ne3A_336 = arith.xori %lt3A_331, %ne3A_335 : vector<16xi1>
        %and3A_337 = arith.andi %ne3A_336, %ne3A_328 : vector<16xi1>
        %add3A_338 = vector.broadcast %select_n3A_323 : i32 to vector<16xi32>
        %add3A_339 = arith.addi %rem3A_325, %add3A_338 : vector<16xi32>
        %select_n3A_340 = arith.select %and3A_337, %add3A_339, %rem3A_325 : vector<16xi1>, vector<16xi32>
        %add3A_341 = arith.constant 13 : i32
        %add3A_342 = vector.broadcast %add3A_341 : i32 to vector<16xi32>
        %add3A_343 = arith.addi %iota3A, %add3A_342 : vector<16xi32>
        %jit3A_344 = arith.constant 64 : i32
        %eq3A_345 = arith.constant 0 : i32
        %eq3A_346 = arith.cmpi eq, %jit3A_344, %eq3A_345 : i32
        %jit3A_347 = arith.constant 1 : i32
        %select_n3A_348 = arith.select %eq3A_346, %jit3A_347, %jit3A_344 : i32
        %rem3A_349 = vector.broadcast %select_n3A_348 : i32 to vector<16xi32>
        %rem3A_350 = arith.remsi %add3A_343, %rem3A_349 : vector<16xi32>
        %ne3A_351 = arith.constant 0 : i32
        %ne3A_352 = vector.broadcast %ne3A_351 : i32 to vector<16xi32>
        %ne3A_353 = arith.cmpi ne, %rem3A_350, %ne3A_352 : vector<16xi32>
        %lt3A_354 = arith.constant 0 : i32
        %lt3A_355 = vector.broadcast %lt3A_354 : i32 to vector<16xi32>
        %lt3A_356 = arith.cmpi slt, %rem3A_350, %lt3A_355 : vector<16xi32>
        %lt3A_357 = arith.constant 0 : i32
        %lt3A_358 = arith.cmpi slt, %select_n3A_348, %lt3A_357 : i32
        %ne3A_359 = vector.broadcast %lt3A_358 : i1 to vector<16xi1>
        %ne3A_360 = vector.broadcast %ne3A_359 : vector<16xi1> to vector<16xi1>
        %ne3A_361 = arith.xori %lt3A_356, %ne3A_360 : vector<16xi1>
        %and3A_362 = arith.andi %ne3A_361, %ne3A_353 : vector<16xi1>
        %add3A_363 = vector.broadcast %select_n3A_348 : i32 to vector<16xi32>
        %add3A_364 = arith.addi %rem3A_350, %add3A_363 : vector<16xi32>
        %select_n3A_365 = arith.select %and3A_362, %add3A_364, %rem3A_350 : vector<16xi1>, vector<16xi32>
        %add3A_366 = arith.constant 14 : i32
        %add3A_367 = vector.broadcast %add3A_366 : i32 to vector<16xi32>
        %add3A_368 = arith.addi %iota3A, %add3A_367 : vector<16xi32>
        %jit3A_369 = arith.constant 64 : i32
        %eq3A_370 = arith.constant 0 : i32
        %eq3A_371 = arith.cmpi eq, %jit3A_369, %eq3A_370 : i32
        %jit3A_372 = arith.constant 1 : i32
        %select_n3A_373 = arith.select %eq3A_371, %jit3A_372, %jit3A_369 : i32
        %rem3A_374 = vector.broadcast %select_n3A_373 : i32 to vector<16xi32>
        %rem3A_375 = arith.remsi %add3A_368, %rem3A_374 : vector<16xi32>
        %ne3A_376 = arith.constant 0 : i32
        %ne3A_377 = vector.broadcast %ne3A_376 : i32 to vector<16xi32>
        %ne3A_378 = arith.cmpi ne, %rem3A_375, %ne3A_377 : vector<16xi32>
        %lt3A_379 = arith.constant 0 : i32
        %lt3A_380 = vector.broadcast %lt3A_379 : i32 to vector<16xi32>
        %lt3A_381 = arith.cmpi slt, %rem3A_375, %lt3A_380 : vector<16xi32>
        %lt3A_382 = arith.constant 0 : i32
        %lt3A_383 = arith.cmpi slt, %select_n3A_373, %lt3A_382 : i32
        %ne3A_384 = vector.broadcast %lt3A_383 : i1 to vector<16xi1>
        %ne3A_385 = vector.broadcast %ne3A_384 : vector<16xi1> to vector<16xi1>
        %ne3A_386 = arith.xori %lt3A_381, %ne3A_385 : vector<16xi1>
        %and3A_387 = arith.andi %ne3A_386, %ne3A_378 : vector<16xi1>
        %add3A_388 = vector.broadcast %select_n3A_373 : i32 to vector<16xi32>
        %add3A_389 = arith.addi %rem3A_375, %add3A_388 : vector<16xi32>
        %select_n3A_390 = arith.select %and3A_387, %add3A_389, %rem3A_375 : vector<16xi1>, vector<16xi32>
        %add3A_391 = arith.constant 15 : i32
        %add3A_392 = vector.broadcast %add3A_391 : i32 to vector<16xi32>
        %add3A_393 = arith.addi %iota3A, %add3A_392 : vector<16xi32>
        %jit3A_394 = arith.constant 64 : i32
        %eq3A_395 = arith.constant 0 : i32
        %eq3A_396 = arith.cmpi eq, %jit3A_394, %eq3A_395 : i32
        %jit3A_397 = arith.constant 1 : i32
        %select_n3A_398 = arith.select %eq3A_396, %jit3A_397, %jit3A_394 : i32
        %rem3A_399 = vector.broadcast %select_n3A_398 : i32 to vector<16xi32>
        %rem3A_400 = arith.remsi %add3A_393, %rem3A_399 : vector<16xi32>
        %ne3A_401 = arith.constant 0 : i32
        %ne3A_402 = vector.broadcast %ne3A_401 : i32 to vector<16xi32>
        %ne3A_403 = arith.cmpi ne, %rem3A_400, %ne3A_402 : vector<16xi32>
        %lt3A_404 = arith.constant 0 : i32
        %lt3A_405 = vector.broadcast %lt3A_404 : i32 to vector<16xi32>
        %lt3A_406 = arith.cmpi slt, %rem3A_400, %lt3A_405 : vector<16xi32>
        %lt3A_407 = arith.constant 0 : i32
        %lt3A_408 = arith.cmpi slt, %select_n3A_398, %lt3A_407 : i32
        %ne3A_409 = vector.broadcast %lt3A_408 : i1 to vector<16xi1>
        %ne3A_410 = vector.broadcast %ne3A_409 : vector<16xi1> to vector<16xi1>
        %ne3A_411 = arith.xori %lt3A_406, %ne3A_410 : vector<16xi1>
        %and3A_412 = arith.andi %ne3A_411, %ne3A_403 : vector<16xi1>
        %add3A_413 = vector.broadcast %select_n3A_398 : i32 to vector<16xi32>
        %add3A_414 = arith.addi %rem3A_400, %add3A_413 : vector<16xi32>
        %select_n3A_415 = arith.select %and3A_412, %add3A_414, %rem3A_400 : vector<16xi1>, vector<16xi32>
        %broadcast_in_dim3A = arith.constant 0.000000e+00 : f32
        %broadcast_in_dim3A_416 = vector.broadcast %broadcast_in_dim3A : f32 to vector<16xf32>
        %broadcast_in_dim3A_417 = arith.constant 0.000000e+00 : f32
        %broadcast_in_dim3A_418 = vector.broadcast %broadcast_in_dim3A_417 : f32 to vector<16xf32>
        %broadcast_in_dim3A_419 = arith.constant 0.000000e+00 : f32
        %broadcast_in_dim3A_420 = vector.broadcast %broadcast_in_dim3A_419 : f32 to vector<16xf32>
        %broadcast_in_dim3A_421 = arith.constant 0.000000e+00 : f32
        %broadcast_in_dim3A_422 = vector.broadcast %broadcast_in_dim3A_421 : f32 to vector<16xf32>
        %broadcast_in_dim3A_423 = arith.constant 0.000000e+00 : f32
        %broadcast_in_dim3A_424 = vector.broadcast %broadcast_in_dim3A_423 : f32 to vector<16xf32>
        %broadcast_in_dim3A_425 = arith.constant 0.000000e+00 : f32
        %broadcast_in_dim3A_426 = vector.broadcast %broadcast_in_dim3A_425 : f32 to vector<16xf32>
        %broadcast_in_dim3A_427 = arith.constant 0.000000e+00 : f32
        %broadcast_in_dim3A_428 = vector.broadcast %broadcast_in_dim3A_427 : f32 to vector<16xf32>
        %broadcast_in_dim3A_429 = arith.constant 0.000000e+00 : f32
        %broadcast_in_dim3A_430 = vector.broadcast %broadcast_in_dim3A_429 : f32 to vector<16xf32>
        %broadcast_in_dim3A_431 = arith.constant 0.000000e+00 : f32
        %broadcast_in_dim3A_432 = vector.broadcast %broadcast_in_dim3A_431 : f32 to vector<16xf32>
        %broadcast_in_dim3A_433 = arith.constant 0.000000e+00 : f32
        %broadcast_in_dim3A_434 = vector.broadcast %broadcast_in_dim3A_433 : f32 to vector<16xf32>
        %broadcast_in_dim3A_435 = arith.constant 0.000000e+00 : f32
        %broadcast_in_dim3A_436 = vector.broadcast %broadcast_in_dim3A_435 : f32 to vector<16xf32>
        %broadcast_in_dim3A_437 = arith.constant 0.000000e+00 : f32
        %broadcast_in_dim3A_438 = vector.broadcast %broadcast_in_dim3A_437 : f32 to vector<16xf32>
        %broadcast_in_dim3A_439 = arith.constant 0.000000e+00 : f32
        %broadcast_in_dim3A_440 = vector.broadcast %broadcast_in_dim3A_439 : f32 to vector<16xf32>
        %broadcast_in_dim3A_441 = arith.constant 0.000000e+00 : f32
        %broadcast_in_dim3A_442 = vector.broadcast %broadcast_in_dim3A_441 : f32 to vector<16xf32>
        %broadcast_in_dim3A_443 = arith.constant 0.000000e+00 : f32
        %broadcast_in_dim3A_444 = vector.broadcast %broadcast_in_dim3A_443 : f32 to vector<16xf32>
        %broadcast_in_dim3A_445 = arith.constant 0.000000e+00 : f32
        %broadcast_in_dim3A_446 = vector.broadcast %broadcast_in_dim3A_445 : f32 to vector<16xf32>
        %broadcast_in_dim3A_447 = arith.constant 0.000000e+00 : f32
        %broadcast_in_dim3A_448 = vector.broadcast %broadcast_in_dim3A_447 : f32 to vector<16xf32>
        %broadcast_in_dim3A_449 = arith.constant 0.000000e+00 : f32
        %broadcast_in_dim3A_450 = vector.broadcast %broadcast_in_dim3A_449 : f32 to vector<16xf32>
        %broadcast_in_dim3A_451 = arith.constant 0.000000e+00 : f32
        %broadcast_in_dim3A_452 = vector.broadcast %broadcast_in_dim3A_451 : f32 to vector<16xf32>
        %broadcast_in_dim3A_453 = arith.constant 0.000000e+00 : f32
        %broadcast_in_dim3A_454 = vector.broadcast %broadcast_in_dim3A_453 : f32 to vector<16xf32>
        %broadcast_in_dim3A_455 = arith.constant 0.000000e+00 : f32
        %broadcast_in_dim3A_456 = vector.broadcast %broadcast_in_dim3A_455 : f32 to vector<16xf32>
        %broadcast_in_dim3A_457 = arith.constant 0.000000e+00 : f32
        %broadcast_in_dim3A_458 = vector.broadcast %broadcast_in_dim3A_457 : f32 to vector<16xf32>
        %broadcast_in_dim3A_459 = arith.constant 0.000000e+00 : f32
        %broadcast_in_dim3A_460 = vector.broadcast %broadcast_in_dim3A_459 : f32 to vector<16xf32>
        %broadcast_in_dim3A_461 = arith.constant 0.000000e+00 : f32
        %broadcast_in_dim3A_462 = vector.broadcast %broadcast_in_dim3A_461 : f32 to vector<16xf32>
        %broadcast_in_dim3A_463 = arith.constant 0.000000e+00 : f32
        %broadcast_in_dim3A_464 = vector.broadcast %broadcast_in_dim3A_463 : f32 to vector<16xf32>
        %broadcast_in_dim3A_465 = arith.constant 0.000000e+00 : f32
        %broadcast_in_dim3A_466 = vector.broadcast %broadcast_in_dim3A_465 : f32 to vector<16xf32>
        %broadcast_in_dim3A_467 = arith.constant 0.000000e+00 : f32
        %broadcast_in_dim3A_468 = vector.broadcast %broadcast_in_dim3A_467 : f32 to vector<16xf32>
        %broadcast_in_dim3A_469 = arith.constant 0.000000e+00 : f32
        %broadcast_in_dim3A_470 = vector.broadcast %broadcast_in_dim3A_469 : f32 to vector<16xf32>
        %broadcast_in_dim3A_471 = arith.constant 0.000000e+00 : f32
        %broadcast_in_dim3A_472 = vector.broadcast %broadcast_in_dim3A_471 : f32 to vector<16xf32>
        %broadcast_in_dim3A_473 = arith.constant 0.000000e+00 : f32
        %broadcast_in_dim3A_474 = vector.broadcast %broadcast_in_dim3A_473 : f32 to vector<16xf32>
        %broadcast_in_dim3A_475 = arith.constant 0.000000e+00 : f32
        %broadcast_in_dim3A_476 = vector.broadcast %broadcast_in_dim3A_475 : f32 to vector<16xf32>
        %broadcast_in_dim3A_477 = arith.constant 0.000000e+00 : f32
        %broadcast_in_dim3A_478 = vector.broadcast %broadcast_in_dim3A_477 : f32 to vector<16xf32>
        %parallel_loop3A = arith.constant 0 : i32
        %parallel_loop3A_479 = arith.constant 50 : i32
        %parallel_loop3A_480 = arith.constant 1 : i32
        %parallel_loop3A_481:32 = scf.for %parallel_loop3A_2270 = %parallel_loop3A to %parallel_loop3A_479 step %parallel_loop3A_480 iter_args(%parallel_loop3A_2271 = %broadcast_in_dim3A_416, %parallel_loop3A_2272 = %broadcast_in_dim3A_418, %parallel_loop3A_2273 = %broadcast_in_dim3A_420, %parallel_loop3A_2274 = %broadcast_in_dim3A_422, %parallel_loop3A_2275 = %broadcast_in_dim3A_424, %parallel_loop3A_2276 = %broadcast_in_dim3A_426, %parallel_loop3A_2277 = %broadcast_in_dim3A_428, %parallel_loop3A_2278 = %broadcast_in_dim3A_430, %parallel_loop3A_2279 = %broadcast_in_dim3A_432, %parallel_loop3A_2280 = %broadcast_in_dim3A_434, %parallel_loop3A_2281 = %broadcast_in_dim3A_436, %parallel_loop3A_2282 = %broadcast_in_dim3A_438, %parallel_loop3A_2283 = %broadcast_in_dim3A_440, %parallel_loop3A_2284 = %broadcast_in_dim3A_442, %parallel_loop3A_2285 = %broadcast_in_dim3A_444, %parallel_loop3A_2286 = %broadcast_in_dim3A_446, %parallel_loop3A_2287 = %broadcast_in_dim3A_448, %parallel_loop3A_2288 = %broadcast_in_dim3A_450, %parallel_loop3A_2289 = %broadcast_in_dim3A_452, %parallel_loop3A_2290 = %broadcast_in_dim3A_454, %parallel_loop3A_2291 = %broadcast_in_dim3A_456, %parallel_loop3A_2292 = %broadcast_in_dim3A_458, %parallel_loop3A_2293 = %broadcast_in_dim3A_460, %parallel_loop3A_2294 = %broadcast_in_dim3A_462, %parallel_loop3A_2295 = %broadcast_in_dim3A_464, %parallel_loop3A_2296 = %broadcast_in_dim3A_466, %parallel_loop3A_2297 = %broadcast_in_dim3A_468, %parallel_loop3A_2298 = %broadcast_in_dim3A_470, %parallel_loop3A_2299 = %broadcast_in_dim3A_472, %parallel_loop3A_2300 = %broadcast_in_dim3A_474, %parallel_loop3A_2301 = %broadcast_in_dim3A_476, %parallel_loop3A_2302 = %broadcast_in_dim3A_478) -> (vector<16xf32>, vector<16xf32>, vector<16xf32>, vector<16xf32>, vector<16xf32>, vector<16xf32>, vector<16xf32>, vector<16xf32>, vector<16xf32>, vector<16xf32>, vector<16xf32>, vector<16xf32>, vector<16xf32>, vector<16xf32>, vector<16xf32>, vector<16xf32>, vector<16xf32>, vector<16xf32>, vector<16xf32>, vector<16xf32>, vector<16xf32>, vector<16xf32>, vector<16xf32>, vector<16xf32>, vector<16xf32>, vector<16xf32>, vector<16xf32>, vector<16xf32>, vector<16xf32>, vector<16xf32>, vector<16xf32>, vector<16xf32>)  : i32 {
          %parallel_loop3A_2303 = arith.index_cast %parallel_loop3A_2270 : i32 to index
          %parallel_loop3A_2304 = arith.index_cast %mul3A_20 : i32 to index
          %parallel_loop3A_2305 = tpu.vector_load %arg6[%parallel_loop3A_2303, %parallel_loop3A_2304] {strides = array<i32>} : memref<50x128xi32, #tpu.memory_space<vmem>>, vector<16xi32>,
          %parallel_loop3A_2306 = tpu.vector_load_idx %arg5[%parallel_loop3A_2305, %select_n3A_40] : memref<777x64xi32, #tpu.memory_space<vmem>>[vector<16xi32>, vector<16xi32>], vector<16xi32>,
          %parallel_loop3A_2307 = vector.bitcast %parallel_loop3A_2306 : vector<16xi32> to vector<32xbf16>
          %parallel_loop3A_2308 = tpu.unpack_subelements %parallel_loop3A_2307, 0 {pack_format = #tpu.pack_format<interleaved>} : vector<32xbf16> -> vector<16xf32>
          %parallel_loop3A_2309 = tpu.unpack_subelements %parallel_loop3A_2307, 1 {pack_format = #tpu.pack_format<interleaved>} : vector<32xbf16> -> vector<16xf32>
          %parallel_loop3A_2310 = arith.addf %parallel_loop3A_2271, %parallel_loop3A_2308 : vector<16xf32>
          %parallel_loop3A_2311 = arith.addf %parallel_loop3A_2272, %parallel_loop3A_2309 : vector<16xf32>
          %parallel_loop3A_2312 = tpu.vector_load_idx %arg5[%parallel_loop3A_2305, %select_n3A_65] : memref<777x64xi32, #tpu.memory_space<vmem>>[vector<16xi32>, vector<16xi32>], vector<16xi32>,
          %parallel_loop3A_2313 = vector.bitcast %parallel_loop3A_2312 : vector<16xi32> to vector<32xbf16>
          %parallel_loop3A_2314 = tpu.unpack_subelements %parallel_loop3A_2313, 0 {pack_format = #tpu.pack_format<interleaved>} : vector<32xbf16> -> vector<16xf32>
          %parallel_loop3A_2315 = tpu.unpack_subelements %parallel_loop3A_2313, 1 {pack_format = #tpu.pack_format<interleaved>} : vector<32xbf16> -> vector<16xf32>
          %parallel_loop3A_2316 = arith.addf %parallel_loop3A_2273, %parallel_loop3A_2314 : vector<16xf32>
          %parallel_loop3A_2317 = arith.addf %parallel_loop3A_2274, %parallel_loop3A_2315 : vector<16xf32>
          %parallel_loop3A_2318 = tpu.vector_load_idx %arg5[%parallel_loop3A_2305, %select_n3A_90] : memref<777x64xi32, #tpu.memory_space<vmem>>[vector<16xi32>, vector<16xi32>], vector<16xi32>,
          %parallel_loop3A_2319 = vector.bitcast %parallel_loop3A_2318 : vector<16xi32> to vector<32xbf16>
          %parallel_loop3A_2320 = tpu.unpack_subelements %parallel_loop3A_2319, 0 {pack_format = #tpu.pack_format<interleaved>} : vector<32xbf16> -> vector<16xf32>
          %parallel_loop3A_2321 = tpu.unpack_subelements %parallel_loop3A_2319, 1 {pack_format = #tpu.pack_format<interleaved>} : vector<32xbf16> -> vector<16xf32>
          %parallel_loop3A_2322 = arith.addf %parallel_loop3A_2275, %parallel_loop3A_2320 : vector<16xf32>
          %parallel_loop3A_2323 = arith.addf %parallel_loop3A_2276, %parallel_loop3A_2321 : vector<16xf32>
          %parallel_loop3A_2324 = tpu.vector_load_idx %arg5[%parallel_loop3A_2305, %select_n3A_115] : memref<777x64xi32, #tpu.memory_space<vmem>>[vector<16xi32>, vector<16xi32>], vector<16xi32>,
          %parallel_loop3A_2325 = vector.bitcast %parallel_loop3A_2324 : vector<16xi32> to vector<32xbf16>
          %parallel_loop3A_2326 = tpu.unpack_subelements %parallel_loop3A_2325, 0 {pack_format = #tpu.pack_format<interleaved>} : vector<32xbf16> -> vector<16xf32>
          %parallel_loop3A_2327 = tpu.unpack_subelements %parallel_loop3A_2325, 1 {pack_format = #tpu.pack_format<interleaved>} : vector<32xbf16> -> vector<16xf32>
          %parallel_loop3A_2328 = arith.addf %parallel_loop3A_2277, %parallel_loop3A_2326 : vector<16xf32>
          %parallel_loop3A_2329 = arith.addf %parallel_loop3A_2278, %parallel_loop3A_2327 : vector<16xf32>
          %parallel_loop3A_2330 = tpu.vector_load_idx %arg5[%parallel_loop3A_2305, %select_n3A_140] : memref<777x64xi32, #tpu.memory_space<vmem>>[vector<16xi32>, vector<16xi32>], vector<16xi32>,
          %parallel_loop3A_2331 = vector.bitcast %parallel_loop3A_2330 : vector<16xi32> to vector<32xbf16>
          %parallel_loop3A_2332 = tpu.unpack_subelements %parallel_loop3A_2331, 0 {pack_format = #tpu.pack_format<interleaved>} : vector<32xbf16> -> vector<16xf32>
          %parallel_loop3A_2333 = tpu.unpack_subelements %parallel_loop3A_2331, 1 {pack_format = #tpu.pack_format<interleaved>} : vector<32xbf16> -> vector<16xf32>
          %parallel_loop3A_2334 = arith.addf %parallel_loop3A_2279, %parallel_loop3A_2332 : vector<16xf32>
          %parallel_loop3A_2335 = arith.addf %parallel_loop3A_2280, %parallel_loop3A_2333 : vector<16xf32>
          %parallel_loop3A_2336 = tpu.vector_load_idx %arg5[%parallel_loop3A_2305, %select_n3A_165] : memref<777x64xi32, #tpu.memory_space<vmem>>[vector<16xi32>, vector<16xi32>], vector<16xi32>,
          %parallel_loop3A_2337 = vector.bitcast %parallel_loop3A_2336 : vector<16xi32> to vector<32xbf16>
          %parallel_loop3A_2338 = tpu.unpack_subelements %parallel_loop3A_2337, 0 {pack_format = #tpu.pack_format<interleaved>} : vector<32xbf16> -> vector<16xf32>
          %parallel_loop3A_2339 = tpu.unpack_subelements %parallel_loop3A_2337, 1 {pack_format = #tpu.pack_format<interleaved>} : vector<32xbf16> -> vector<16xf32>
          %parallel_loop3A_2340 = arith.addf %parallel_loop3A_2281, %parallel_loop3A_2338 : vector<16xf32>
          %parallel_loop3A_2341 = arith.addf %parallel_loop3A_2282, %parallel_loop3A_2339 : vector<16xf32>
          %parallel_loop3A_2342 = tpu.vector_load_idx %arg5[%parallel_loop3A_2305, %select_n3A_190] : memref<777x64xi32, #tpu.memory_space<vmem>>[vector<16xi32>, vector<16xi32>], vector<16xi32>,
          %parallel_loop3A_2343 = vector.bitcast %parallel_loop3A_2342 : vector<16xi32> to vector<32xbf16>
          %parallel_loop3A_2344 = tpu.unpack_subelements %parallel_loop3A_2343, 0 {pack_format = #tpu.pack_format<interleaved>} : vector<32xbf16> -> vector<16xf32>
          %parallel_loop3A_2345 = tpu.unpack_subelements %parallel_loop3A_2343, 1 {pack_format = #tpu.pack_format<interleaved>} : vector<32xbf16> -> vector<16xf32>
          %parallel_loop3A_2346 = arith.addf %parallel_loop3A_2283, %parallel_loop3A_2344 : vector<16xf32>
          %parallel_loop3A_2347 = arith.addf %parallel_loop3A_2284, %parallel_loop3A_2345 : vector<16xf32>
          %parallel_loop3A_2348 = tpu.vector_load_idx %arg5[%parallel_loop3A_2305, %select_n3A_215] : memref<777x64xi32, #tpu.memory_space<vmem>>[vector<16xi32>, vector<16xi32>], vector<16xi32>,
          %parallel_loop3A_2349 = vector.bitcast %parallel_loop3A_2348 : vector<16xi32> to vector<32xbf16>
          %parallel_loop3A_2350 = tpu.unpack_subelements %parallel_loop3A_2349, 0 {pack_format = #tpu.pack_format<interleaved>} : vector<32xbf16> -> vector<16xf32>
          %parallel_loop3A_2351 = tpu.unpack_subelements %parallel_loop3A_2349, 1 {pack_format = #tpu.pack_format<interleaved>} : vector<32xbf16> -> vector<16xf32>
          %parallel_loop3A_2352 = arith.addf %parallel_loop3A_2285, %parallel_loop3A_2350 : vector<16xf32>
          %parallel_loop3A_2353 = arith.addf %parallel_loop3A_2286, %parallel_loop3A_2351 : vector<16xf32>
          %parallel_loop3A_2354 = tpu.vector_load_idx %arg5[%parallel_loop3A_2305, %select_n3A_240] : memref<777x64xi32, #tpu.memory_space<vmem>>[vector<16xi32>, vector<16xi32>], vector<16xi32>,
          %parallel_loop3A_2355 = vector.bitcast %parallel_loop3A_2354 : vector<16xi32> to vector<32xbf16>
          %parallel_loop3A_2356 = tpu.unpack_subelements %parallel_loop3A_2355, 0 {pack_format = #tpu.pack_format<interleaved>} : vector<32xbf16> -> vector<16xf32>
          %parallel_loop3A_2357 = tpu.unpack_subelements %parallel_loop3A_2355, 1 {pack_format = #tpu.pack_format<interleaved>} : vector<32xbf16> -> vector<16xf32>
          %parallel_loop3A_2358 = arith.addf %parallel_loop3A_2287, %parallel_loop3A_2356 : vector<16xf32>
          %parallel_loop3A_2359 = arith.addf %parallel_loop3A_2288, %parallel_loop3A_2357 : vector<16xf32>
          %parallel_loop3A_2360 = tpu.vector_load_idx %arg5[%parallel_loop3A_2305, %select_n3A_265] : memref<777x64xi32, #tpu.memory_space<vmem>>[vector<16xi32>, vector<16xi32>], vector<16xi32>,
          %parallel_loop3A_2361 = vector.bitcast %parallel_loop3A_2360 : vector<16xi32> to vector<32xbf16>
          %parallel_loop3A_2362 = tpu.unpack_subelements %parallel_loop3A_2361, 0 {pack_format = #tpu.pack_format<interleaved>} : vector<32xbf16> -> vector<16xf32>
          %parallel_loop3A_2363 = tpu.unpack_subelements %parallel_loop3A_2361, 1 {pack_format = #tpu.pack_format<interleaved>} : vector<32xbf16> -> vector<16xf32>
          %parallel_loop3A_2364 = arith.addf %parallel_loop3A_2289, %parallel_loop3A_2362 : vector<16xf32>
          %parallel_loop3A_2365 = arith.addf %parallel_loop3A_2290, %parallel_loop3A_2363 : vector<16xf32>
          %parallel_loop3A_2366 = tpu.vector_load_idx %arg5[%parallel_loop3A_2305, %select_n3A_290] : memref<777x64xi32, #tpu.memory_space<vmem>>[vector<16xi32>, vector<16xi32>], vector<16xi32>,
          %parallel_loop3A_2367 = vector.bitcast %parallel_loop3A_2366 : vector<16xi32> to vector<32xbf16>
          %parallel_loop3A_2368 = tpu.unpack_subelements %parallel_loop3A_2367, 0 {pack_format = #tpu.pack_format<interleaved>} : vector<32xbf16> -> vector<16xf32>
          %parallel_loop3A_2369 = tpu.unpack_subelements %parallel_loop3A_2367, 1 {pack_format = #tpu.pack_format<interleaved>} : vector<32xbf16> -> vector<16xf32>
          %parallel_loop3A_2370 = arith.addf %parallel_loop3A_2291, %parallel_loop3A_2368 : vector<16xf32>
          %parallel_loop3A_2371 = arith.addf %parallel_loop3A_2292, %parallel_loop3A_2369 : vector<16xf32>
          %parallel_loop3A_2372 = tpu.vector_load_idx %arg5[%parallel_loop3A_2305, %select_n3A_315] : memref<777x64xi32, #tpu.memory_space<vmem>>[vector<16xi32>, vector<16xi32>], vector<16xi32>,
          %parallel_loop3A_2373 = vector.bitcast %parallel_loop3A_2372 : vector<16xi32> to vector<32xbf16>
          %parallel_loop3A_2374 = tpu.unpack_subelements %parallel_loop3A_2373, 0 {pack_format = #tpu.pack_format<interleaved>} : vector<32xbf16> -> vector<16xf32>
          %parallel_loop3A_2375 = tpu.unpack_subelements %parallel_loop3A_2373, 1 {pack_format = #tpu.pack_format<interleaved>} : vector<32xbf16> -> vector<16xf32>
          %parallel_loop3A_2376 = arith.addf %parallel_loop3A_2293, %parallel_loop3A_2374 : vector<16xf32>
          %parallel_loop3A_2377 = arith.addf %parallel_loop3A_2294, %parallel_loop3A_2375 : vector<16xf32>
          %parallel_loop3A_2378 = tpu.vector_load_idx %arg5[%parallel_loop3A_2305, %select_n3A_340] : memref<777x64xi32, #tpu.memory_space<vmem>>[vector<16xi32>, vector<16xi32>], vector<16xi32>,
          %parallel_loop3A_2379 = vector.bitcast %parallel_loop3A_2378 : vector<16xi32> to vector<32xbf16>
          %parallel_loop3A_2380 = tpu.unpack_subelements %parallel_loop3A_2379, 0 {pack_format = #tpu.pack_format<interleaved>} : vector<32xbf16> -> vector<16xf32>
          %parallel_loop3A_2381 = tpu.unpack_subelements %parallel_loop3A_2379, 1 {pack_format = #tpu.pack_format<interleaved>} : vector<32xbf16> -> vector<16xf32>
          %parallel_loop3A_2382 = arith.addf %parallel_loop3A_2295, %parallel_loop3A_2380 : vector<16xf32>
          %parallel_loop3A_2383 = arith.addf %parallel_loop3A_2296, %parallel_loop3A_2381 : vector<16xf32>
          %parallel_loop3A_2384 = tpu.vector_load_idx %arg5[%parallel_loop3A_2305, %select_n3A_365] : memref<777x64xi32, #tpu.memory_space<vmem>>[vector<16xi32>, vector<16xi32>], vector<16xi32>,
          %parallel_loop3A_2385 = vector.bitcast %parallel_loop3A_2384 : vector<16xi32> to vector<32xbf16>
          %parallel_loop3A_2386 = tpu.unpack_subelements %parallel_loop3A_2385, 0 {pack_format = #tpu.pack_format<interleaved>} : vector<32xbf16> -> vector<16xf32>
          %parallel_loop3A_2387 = tpu.unpack_subelements %parallel_loop3A_2385, 1 {pack_format = #tpu.pack_format<interleaved>} : vector<32xbf16> -> vector<16xf32>
          %parallel_loop3A_2388 = arith.addf %parallel_loop3A_2297, %parallel_loop3A_2386 : vector<16xf32>
          %parallel_loop3A_2389 = arith.addf %parallel_loop3A_2298, %parallel_loop3A_2387 : vector<16xf32>
          %parallel_loop3A_2390 = tpu.vector_load_idx %arg5[%parallel_loop3A_2305, %select_n3A_390] : memref<777x64xi32, #tpu.memory_space<vmem>>[vector<16xi32>, vector<16xi32>], vector<16xi32>,
          %parallel_loop3A_2391 = vector.bitcast %parallel_loop3A_2390 : vector<16xi32> to vector<32xbf16>
          %parallel_loop3A_2392 = tpu.unpack_subelements %parallel_loop3A_2391, 0 {pack_format = #tpu.pack_format<interleaved>} : vector<32xbf16> -> vector<16xf32>
          %parallel_loop3A_2393 = tpu.unpack_subelements %parallel_loop3A_2391, 1 {pack_format = #tpu.pack_format<interleaved>} : vector<32xbf16> -> vector<16xf32>
          %parallel_loop3A_2394 = arith.addf %parallel_loop3A_2299, %parallel_loop3A_2392 : vector<16xf32>
          %parallel_loop3A_2395 = arith.addf %parallel_loop3A_2300, %parallel_loop3A_2393 : vector<16xf32>
          %parallel_loop3A_2396 = tpu.vector_load_idx %arg5[%parallel_loop3A_2305, %select_n3A_415] : memref<777x64xi32, #tpu.memory_space<vmem>>[vector<16xi32>, vector<16xi32>], vector<16xi32>,
          %parallel_loop3A_2397 = vector.bitcast %parallel_loop3A_2396 : vector<16xi32> to vector<32xbf16>
          %parallel_loop3A_2398 = tpu.unpack_subelements %parallel_loop3A_2397, 0 {pack_format = #tpu.pack_format<interleaved>} : vector<32xbf16> -> vector<16xf32>
          %parallel_loop3A_2399 = tpu.unpack_subelements %parallel_loop3A_2397, 1 {pack_format = #tpu.pack_format<interleaved>} : vector<32xbf16> -> vector<16xf32>
          %parallel_loop3A_2400 = arith.addf %parallel_loop3A_2301, %parallel_loop3A_2398 : vector<16xf32>
          %parallel_loop3A_2401 = arith.addf %parallel_loop3A_2302, %parallel_loop3A_2399 : vector<16xf32>
          scf.yield %parallel_loop3A_2310, %parallel_loop3A_2311, %parallel_loop3A_2316, %parallel_loop3A_2317, %parallel_loop3A_2322, %parallel_loop3A_2323, %parallel_loop3A_2328, %parallel_loop3A_2329, %parallel_loop3A_2334, %parallel_loop3A_2335, %parallel_loop3A_2340, %parallel_loop3A_2341, %parallel_loop3A_2346, %parallel_loop3A_2347, %parallel_loop3A_2352, %parallel_loop3A_2353, %parallel_loop3A_2358, %parallel_loop3A_2359, %parallel_loop3A_2364, %parallel_loop3A_2365, %parallel_loop3A_2370, %parallel_loop3A_2371, %parallel_loop3A_2376, %parallel_loop3A_2377, %parallel_loop3A_2382, %parallel_loop3A_2383, %parallel_loop3A_2388, %parallel_loop3A_2389, %parallel_loop3A_2394, %parallel_loop3A_2395, %parallel_loop3A_2400, %parallel_loop3A_2401 : vector<16xf32>, vector<16xf32>, vector<16xf32>, vector<16xf32>, vector<16xf32>, vector<16xf32>, vector<16xf32>, vector<16xf32>, vector<16xf32>, vector<16xf32>, vector<16xf32>, vector<16xf32>, vector<16xf32>, vector<16xf32>, vector<16xf32>, vector<16xf32>, vector<16xf32>, vector<16xf32>, vector<16xf32>, vector<16xf32>, vector<16xf32>, vector<16xf32>, vector<16xf32>, vector<16xf32>, vector<16xf32>, vector<16xf32>, vector<16xf32>, vector<16xf32>, vector<16xf32>, vector<16xf32>, vector<16xf32>, vector<16xf32>
        } {sc.loop_unroll_factor = 2 : i64, sc.parallel_access}
        %mul3A_482 = arith.constant 2 : i32
        %mul3A_483 = vector.broadcast %mul3A_482 : i32 to vector<16xi32>
        %mul3A_484 = arith.muli %select_n3A_40, %mul3A_483 : vector<16xi32>
        tpu.vector_store_idx %arg7[%mul3A_484, %add3A_22], %parallel_loop3A_481#0 : memref<128x128xf32, #tpu.memory_space<vmem>>[vector<16xi32>, vector<16xi32>], vector<16xf32>,
        %add3A_485 = arith.constant 1 : i32
        %add3A_486 = vector.broadcast %add3A_485 : i32 to vector<16xi32>
        %add3A_487 = arith.addi %mul3A_484, %add3A_486 : vector<16xi32>
        tpu.vector_store_idx %arg7[%add3A_487, %add3A_22], %parallel_loop3A_481#1 : memref<128x128xf32, #tpu.memory_space<vmem>>[vector<16xi32>, vector<16xi32>], vector<16xf32>,
        %mul3A_488 = arith.constant 2 : i32
        %mul3A_489 = vector.broadcast %mul3A_488 : i32 to vector<16xi32>
        %mul3A_490 = arith.muli %select_n3A_65, %mul3A_489 : vector<16xi32>
        tpu.vector_store_idx %arg7[%mul3A_490, %add3A_22], %parallel_loop3A_481#2 : memref<128x128xf32, #tpu.memory_space<vmem>>[vector<16xi32>, vector<16xi32>], vector<16xf32>,
        %add3A_491 = arith.constant 1 : i32
        %add3A_492 = vector.broadcast %add3A_491 : i32 to vector<16xi32>
        %add3A_493 = arith.addi %mul3A_490, %add3A_492 : vector<16xi32>
        tpu.vector_store_idx %arg7[%add3A_493, %add3A_22], %parallel_loop3A_481#3 : memref<128x128xf32, #tpu.memory_space<vmem>>[vector<16xi32>, vector<16xi32>], vector<16xf32>,
        %mul3A_494 = arith.constant 2 : i32
        %mul3A_495 = vector.broadcast %mul3A_494 : i32 to vector<16xi32>
        %mul3A_496 = arith.muli %select_n3A_90, %mul3A_495 : vector<16xi32>
        tpu.vector_store_idx %arg7[%mul3A_496, %add3A_22], %parallel_loop3A_481#4 : memref<128x128xf32, #tpu.memory_space<vmem>>[vector<16xi32>, vector<16xi32>], vector<16xf32>,
        %add3A_497 = arith.constant 1 : i32
        %add3A_498 = vector.broadcast %add3A_497 : i32 to vector<16xi32>
        %add3A_499 = arith.addi %mul3A_496, %add3A_498 : vector<16xi32>
        tpu.vector_store_idx %arg7[%add3A_499, %add3A_22], %parallel_loop3A_481#5 : memref<128x128xf32, #tpu.memory_space<vmem>>[vector<16xi32>, vector<16xi32>], vector<16xf32>,
        %mul3A_500 = arith.constant 2 : i32
        %mul3A_501 = vector.broadcast %mul3A_500 : i32 to vector<16xi32>
        %mul3A_502 = arith.muli %select_n3A_115, %mul3A_501 : vector<16xi32>
        tpu.vector_store_idx %arg7[%mul3A_502, %add3A_22], %parallel_loop3A_481#6 : memref<128x128xf32, #tpu.memory_space<vmem>>[vector<16xi32>, vector<16xi32>], vector<16xf32>,
        %add3A_503 = arith.constant 1 : i32
        %add3A_504 = vector.broadcast %add3A_503 : i32 to vector<16xi32>
        %add3A_505 = arith.addi %mul3A_502, %add3A_504 : vector<16xi32>
        tpu.vector_store_idx %arg7[%add3A_505, %add3A_22], %parallel_loop3A_481#7 : memref<128x128xf32, #tpu.memory_space<vmem>>[vector<16xi32>, vector<16xi32>], vector<16xf32>,
        %mul3A_506 = arith.constant 2 : i32
        %mul3A_507 = vector.broadcast %mul3A_506 : i32 to vector<16xi32>
        %mul3A_508 = arith.muli %select_n3A_140, %mul3A_507 : vector<16xi32>
        tpu.vector_store_idx %arg7[%mul3A_508, %add3A_22], %parallel_loop3A_481#8 : memref<128x128xf32, #tpu.memory_space<vmem>>[vector<16xi32>, vector<16xi32>], vector<16xf32>,
        %add3A_509 = arith.constant 1 : i32
        %add3A_510 = vector.broadcast %add3A_509 : i32 to vector<16xi32>
        %add3A_511 = arith.addi %mul3A_508, %add3A_510 : vector<16xi32>
        tpu.vector_store_idx %arg7[%add3A_511, %add3A_22], %parallel_loop3A_481#9 : memref<128x128xf32, #tpu.memory_space<vmem>>[vector<16xi32>, vector<16xi32>], vector<16xf32>,
        %mul3A_512 = arith.constant 2 : i32
        %mul3A_513 = vector.broadcast %mul3A_512 : i32 to vector<16xi32>
        %mul3A_514 = arith.muli %select_n3A_165, %mul3A_513 : vector<16xi32>
        tpu.vector_store_idx %arg7[%mul3A_514, %add3A_22], %parallel_loop3A_481#10 : memref<128x128xf32, #tpu.memory_space<vmem>>[vector<16xi32>, vector<16xi32>], vector<16xf32>,
        %add3A_515 = arith.constant 1 : i32
        %add3A_516 = vector.broadcast %add3A_515 : i32 to vector<16xi32>
        %add3A_517 = arith.addi %mul3A_514, %add3A_516 : vector<16xi32>
        tpu.vector_store_idx %arg7[%add3A_517, %add3A_22], %parallel_loop3A_481#11 : memref<128x128xf32, #tpu.memory_space<vmem>>[vector<16xi32>, vector<16xi32>], vector<16xf32>,
        %mul3A_518 = arith.constant 2 : i32
        %mul3A_519 = vector.broadcast %mul3A_518 : i32 to vector<16xi32>
        %mul3A_520 = arith.muli %select_n3A_190, %mul3A_519 : vector<16xi32>
        tpu.vector_store_idx %arg7[%mul3A_520, %add3A_22], %parallel_loop3A_481#12 : memref<128x128xf32, #tpu.memory_space<vmem>>[vector<16xi32>, vector<16xi32>], vector<16xf32>,
        %add3A_521 = arith.constant 1 : i32
        %add3A_522 = vector.broadcast %add3A_521 : i32 to vector<16xi32>
        %add3A_523 = arith.addi %mul3A_520, %add3A_522 : vector<16xi32>
        tpu.vector_store_idx %arg7[%add3A_523, %add3A_22], %parallel_loop3A_481#13 : memref<128x128xf32, #tpu.memory_space<vmem>>[vector<16xi32>, vector<16xi32>], vector<16xf32>,
        %mul3A_524 = arith.constant 2 : i32
        %mul3A_525 = vector.broadcast %mul3A_524 : i32 to vector<16xi32>
        %mul3A_526 = arith.muli %select_n3A_215, %mul3A_525 : vector<16xi32>
        tpu.vector_store_idx %arg7[%mul3A_526, %add3A_22], %parallel_loop3A_481#14 : memref<128x128xf32, #tpu.memory_space<vmem>>[vector<16xi32>, vector<16xi32>], vector<16xf32>,
        %add3A_527 = arith.constant 1 : i32
        %add3A_528 = vector.broadcast %add3A_527 : i32 to vector<16xi32>
        %add3A_529 = arith.addi %mul3A_526, %add3A_528 : vector<16xi32>
        tpu.vector_store_idx %arg7[%add3A_529, %add3A_22], %parallel_loop3A_481#15 : memref<128x128xf32, #tpu.memory_space<vmem>>[vector<16xi32>, vector<16xi32>], vector<16xf32>,
        %mul3A_530 = arith.constant 2 : i32
        %mul3A_531 = vector.broadcast %mul3A_530 : i32 to vector<16xi32>
        %mul3A_532 = arith.muli %select_n3A_240, %mul3A_531 : vector<16xi32>
        tpu.vector_store_idx %arg7[%mul3A_532, %add3A_22], %parallel_loop3A_481#16 : memref<128x128xf32, #tpu.memory_space<vmem>>[vector<16xi32>, vector<16xi32>], vector<16xf32>,
        %add3A_533 = arith.constant 1 : i32
        %add3A_534 = vector.broadcast %add3A_533 : i32 to vector<16xi32>
        %add3A_535 = arith.addi %mul3A_532, %add3A_534 : vector<16xi32>
        tpu.vector_store_idx %arg7[%add3A_535, %add3A_22], %parallel_loop3A_481#17 : memref<128x128xf32, #tpu.memory_space<vmem>>[vector<16xi32>, vector<16xi32>], vector<16xf32>,
        %mul3A_536 = arith.constant 2 : i32
        %mul3A_537 = vector.broadcast %mul3A_536 : i32 to vector<16xi32>
        %mul3A_538 = arith.muli %select_n3A_265, %mul3A_537 : vector<16xi32>
        tpu.vector_store_idx %arg7[%mul3A_538, %add3A_22], %parallel_loop3A_481#18 : memref<128x128xf32, #tpu.memory_space<vmem>>[vector<16xi32>, vector<16xi32>], vector<16xf32>,
        %add3A_539 = arith.constant 1 : i32
        %add3A_540 = vector.broadcast %add3A_539 : i32 to vector<16xi32>
        %add3A_541 = arith.addi %mul3A_538, %add3A_540 : vector<16xi32>
        tpu.vector_store_idx %arg7[%add3A_541, %add3A_22], %parallel_loop3A_481#19 : memref<128x128xf32, #tpu.memory_space<vmem>>[vector<16xi32>, vector<16xi32>], vector<16xf32>,
        %mul3A_542 = arith.constant 2 : i32
        %mul3A_543 = vector.broadcast %mul3A_542 : i32 to vector<16xi32>
        %mul3A_544 = arith.muli %select_n3A_290, %mul3A_543 : vector<16xi32>
        tpu.vector_store_idx %arg7[%mul3A_544, %add3A_22], %parallel_loop3A_481#20 : memref<128x128xf32, #tpu.memory_space<vmem>>[vector<16xi32>, vector<16xi32>], vector<16xf32>,
        %add3A_545 = arith.constant 1 : i32
        %add3A_546 = vector.broadcast %add3A_545 : i32 to vector<16xi32>
        %add3A_547 = arith.addi %mul3A_544, %add3A_546 : vector<16xi32>
        tpu.vector_store_idx %arg7[%add3A_547, %add3A_22], %parallel_loop3A_481#21 : memref<128x128xf32, #tpu.memory_space<vmem>>[vector<16xi32>, vector<16xi32>], vector<16xf32>,
        %mul3A_548 = arith.constant 2 : i32
        %mul3A_549 = vector.broadcast %mul3A_548 : i32 to vector<16xi32>
        %mul3A_550 = arith.muli %select_n3A_315, %mul3A_549 : vector<16xi32>
        tpu.vector_store_idx %arg7[%mul3A_550, %add3A_22], %parallel_loop3A_481#22 : memref<128x128xf32, #tpu.memory_space<vmem>>[vector<16xi32>, vector<16xi32>], vector<16xf32>,
        %add3A_551 = arith.constant 1 : i32
        %add3A_552 = vector.broadcast %add3A_551 : i32 to vector<16xi32>
        %add3A_553 = arith.addi %mul3A_550, %add3A_552 : vector<16xi32>
        tpu.vector_store_idx %arg7[%add3A_553, %add3A_22], %parallel_loop3A_481#23 : memref<128x128xf32, #tpu.memory_space<vmem>>[vector<16xi32>, vector<16xi32>], vector<16xf32>,
        %mul3A_554 = arith.constant 2 : i32
        %mul3A_555 = vector.broadcast %mul3A_554 : i32 to vector<16xi32>
        %mul3A_556 = arith.muli %select_n3A_340, %mul3A_555 : vector<16xi32>
        tpu.vector_store_idx %arg7[%mul3A_556, %add3A_22], %parallel_loop3A_481#24 : memref<128x128xf32, #tpu.memory_space<vmem>>[vector<16xi32>, vector<16xi32>], vector<16xf32>,
        %add3A_557 = arith.constant 1 : i32
        %add3A_558 = vector.broadcast %add3A_557 : i32 to vector<16xi32>
        %add3A_559 = arith.addi %mul3A_556, %add3A_558 : vector<16xi32>
        tpu.vector_store_idx %arg7[%add3A_559, %add3A_22], %parallel_loop3A_481#25 : memref<128x128xf32, #tpu.memory_space<vmem>>[vector<16xi32>, vector<16xi32>], vector<16xf32>,
        %mul3A_560 = arith.constant 2 : i32
        %mul3A_561 = vector.broadcast %mul3A_560 : i32 to vector<16xi32>
        %mul3A_562 = arith.muli %select_n3A_365, %mul3A_561 : vector<16xi32>
        tpu.vector_store_idx %arg7[%mul3A_562, %add3A_22], %parallel_loop3A_481#26 : memref<128x128xf32, #tpu.memory_space<vmem>>[vector<16xi32>, vector<16xi32>], vector<16xf32>,
        %add3A_563 = arith.constant 1 : i32
        %add3A_564 = vector.broadcast %add3A_563 : i32 to vector<16xi32>
        %add3A_565 = arith.addi %mul3A_562, %add3A_564 : vector<16xi32>
        tpu.vector_store_idx %arg7[%add3A_565, %add3A_22], %parallel_loop3A_481#27 : memref<128x128xf32, #tpu.memory_space<vmem>>[vector<16xi32>, vector<16xi32>], vector<16xf32>,
        %mul3A_566 = arith.constant 2 : i32
        %mul3A_567 = vector.broadcast %mul3A_566 : i32 to vector<16xi32>
        %mul3A_568 = arith.muli %select_n3A_390, %mul3A_567 : vector<16xi32>
        tpu.vector_store_idx %arg7[%mul3A_568, %add3A_22], %parallel_loop3A_481#28 : memref<128x128xf32, #tpu.memory_space<vmem>>[vector<16xi32>, vector<16xi32>], vector<16xf32>,
        %add3A_569 = arith.constant 1 : i32
        %add3A_570 = vector.broadcast %add3A_569 : i32 to vector<16xi32>
        %add3A_571 = arith.addi %mul3A_568, %add3A_570 : vector<16xi32>
        tpu.vector_store_idx %arg7[%add3A_571, %add3A_22], %parallel_loop3A_481#29 : memref<128x128xf32, #tpu.memory_space<vmem>>[vector<16xi32>, vector<16xi32>], vector<16xf32>,
        %mul3A_572 = arith.constant 2 : i32
        %mul3A_573 = vector.broadcast %mul3A_572 : i32 to vector<16xi32>
        %mul3A_574 = arith.muli %select_n3A_415, %mul3A_573 : vector<16xi32>
        tpu.vector_store_idx %arg7[%mul3A_574, %add3A_22], %parallel_loop3A_481#30 : memref<128x128xf32, #tpu.memory_space<vmem>>[vector<16xi32>, vector<16xi32>], vector<16xf32>,
        %add3A_575 = arith.constant 1 : i32
        %add3A_576 = vector.broadcast %add3A_575 : i32 to vector<16xi32>
        %add3A_577 = arith.addi %mul3A_574, %add3A_576 : vector<16xi32>
        tpu.vector_store_idx %arg7[%add3A_577, %add3A_22], %parallel_loop3A_481#31 : memref<128x128xf32, #tpu.memory_space<vmem>>[vector<16xi32>, vector<16xi32>], vector<16xf32>,
        %add3A_578 = arith.constant 16 : i32
        %add3A_579 = vector.broadcast %add3A_578 : i32 to vector<16xi32>
        %add3A_580 = arith.addi %iota3A, %add3A_579 : vector<16xi32>
        %jit3A_581 = arith.constant 64 : i32
        %eq3A_582 = arith.constant 0 : i32
        %eq3A_583 = arith.cmpi eq, %jit3A_581, %eq3A_582 : i32
        %jit3A_584 = arith.constant 1 : i32
        %select_n3A_585 = arith.select %eq3A_583, %jit3A_584, %jit3A_581 : i32
        %rem3A_586 = vector.broadcast %select_n3A_585 : i32 to vector<16xi32>
        %rem3A_587 = arith.remsi %add3A_580, %rem3A_586 : vector<16xi32>
        %ne3A_588 = arith.constant 0 : i32
        %ne3A_589 = vector.broadcast %ne3A_588 : i32 to vector<16xi32>
        %ne3A_590 = arith.cmpi ne, %rem3A_587, %ne3A_589 : vector<16xi32>
        %lt3A_591 = arith.constant 0 : i32
        %lt3A_592 = vector.broadcast %lt3A_591 : i32 to vector<16xi32>
        %lt3A_593 = arith.cmpi slt, %rem3A_587, %lt3A_592 : vector<16xi32>
        %lt3A_594 = arith.constant 0 : i32
        %lt3A_595 = arith.cmpi slt, %select_n3A_585, %lt3A_594 : i32
        %ne3A_596 = vector.broadcast %lt3A_595 : i1 to vector<16xi1>
        %ne3A_597 = vector.broadcast %ne3A_596 : vector<16xi1> to vector<16xi1>
        %ne3A_598 = arith.xori %lt3A_593, %ne3A_597 : vector<16xi1>
        %and3A_599 = arith.andi %ne3A_598, %ne3A_590 : vector<16xi1>
        %add3A_600 = vector.broadcast %select_n3A_585 : i32 to vector<16xi32>
        %add3A_601 = arith.addi %rem3A_587, %add3A_600 : vector<16xi32>
        %select_n3A_602 = arith.select %and3A_599, %add3A_601, %rem3A_587 : vector<16xi1>, vector<16xi32>
        %add3A_603 = arith.constant 17 : i32
        %add3A_604 = vector.broadcast %add3A_603 : i32 to vector<16xi32>
        %add3A_605 = arith.addi %iota3A, %add3A_604 : vector<16xi32>
        %jit3A_606 = arith.constant 64 : i32
        %eq3A_607 = arith.constant 0 : i32
        %eq3A_608 = arith.cmpi eq, %jit3A_606, %eq3A_607 : i32
        %jit3A_609 = arith.constant 1 : i32
        %select_n3A_610 = arith.select %eq3A_608, %jit3A_609, %jit3A_606 : i32
        %rem3A_611 = vector.broadcast %select_n3A_610 : i32 to vector<16xi32>
        %rem3A_612 = arith.remsi %add3A_605, %rem3A_611 : vector<16xi32>
        %ne3A_613 = arith.constant 0 : i32
        %ne3A_614 = vector.broadcast %ne3A_613 : i32 to vector<16xi32>
        %ne3A_615 = arith.cmpi ne, %rem3A_612, %ne3A_614 : vector<16xi32>
        %lt3A_616 = arith.constant 0 : i32
        %lt3A_617 = vector.broadcast %lt3A_616 : i32 to vector<16xi32>
        %lt3A_618 = arith.cmpi slt, %rem3A_612, %lt3A_617 : vector<16xi32>
        %lt3A_619 = arith.constant 0 : i32
        %lt3A_620 = arith.cmpi slt, %select_n3A_610, %lt3A_619 : i32
        %ne3A_621 = vector.broadcast %lt3A_620 : i1 to vector<16xi1>
        %ne3A_622 = vector.broadcast %ne3A_621 : vector<16xi1> to vector<16xi1>
        %ne3A_623 = arith.xori %lt3A_618, %ne3A_622 : vector<16xi1>
        %and3A_624 = arith.andi %ne3A_623, %ne3A_615 : vector<16xi1>
        %add3A_625 = vector.broadcast %select_n3A_610 : i32 to vector<16xi32>
        %add3A_626 = arith.addi %rem3A_612, %add3A_625 : vector<16xi32>
        %select_n3A_627 = arith.select %and3A_624, %add3A_626, %rem3A_612 : vector<16xi1>, vector<16xi32>
        %add3A_628 = arith.constant 18 : i32
        %add3A_629 = vector.broadcast %add3A_628 : i32 to vector<16xi32>
        %add3A_630 = arith.addi %iota3A, %add3A_629 : vector<16xi32>
        %jit3A_631 = arith.constant 64 : i32
        %eq3A_632 = arith.constant 0 : i32
        %eq3A_633 = arith.cmpi eq, %jit3A_631, %eq3A_632 : i32
        %jit3A_634 = arith.constant 1 : i32
        %select_n3A_635 = arith.select %eq3A_633, %jit3A_634, %jit3A_631 : i32
        %rem3A_636 = vector.broadcast %select_n3A_635 : i32 to vector<16xi32>
        %rem3A_637 = arith.remsi %add3A_630, %rem3A_636 : vector<16xi32>
        %ne3A_638 = arith.constant 0 : i32
        %ne3A_639 = vector.broadcast %ne3A_638 : i32 to vector<16xi32>
        %ne3A_640 = arith.cmpi ne, %rem3A_637, %ne3A_639 : vector<16xi32>
        %lt3A_641 = arith.constant 0 : i32
        %lt3A_642 = vector.broadcast %lt3A_641 : i32 to vector<16xi32>
        %lt3A_643 = arith.cmpi slt, %rem3A_637, %lt3A_642 : vector<16xi32>
        %lt3A_644 = arith.constant 0 : i32
        %lt3A_645 = arith.cmpi slt, %select_n3A_635, %lt3A_644 : i32
        %ne3A_646 = vector.broadcast %lt3A_645 : i1 to vector<16xi1>
        %ne3A_647 = vector.broadcast %ne3A_646 : vector<16xi1> to vector<16xi1>
        %ne3A_648 = arith.xori %lt3A_643, %ne3A_647 : vector<16xi1>
        %and3A_649 = arith.andi %ne3A_648, %ne3A_640 : vector<16xi1>
        %add3A_650 = vector.broadcast %select_n3A_635 : i32 to vector<16xi32>
        %add3A_651 = arith.addi %rem3A_637, %add3A_650 : vector<16xi32>
        %select_n3A_652 = arith.select %and3A_649, %add3A_651, %rem3A_637 : vector<16xi1>, vector<16xi32>
        %add3A_653 = arith.constant 19 : i32
        %add3A_654 = vector.broadcast %add3A_653 : i32 to vector<16xi32>
        %add3A_655 = arith.addi %iota3A, %add3A_654 : vector<16xi32>
        %jit3A_656 = arith.constant 64 : i32
        %eq3A_657 = arith.constant 0 : i32
        %eq3A_658 = arith.cmpi eq, %jit3A_656, %eq3A_657 : i32
        %jit3A_659 = arith.constant 1 : i32
        %select_n3A_660 = arith.select %eq3A_658, %jit3A_659, %jit3A_656 : i32
        %rem3A_661 = vector.broadcast %select_n3A_660 : i32 to vector<16xi32>
        %rem3A_662 = arith.remsi %add3A_655, %rem3A_661 : vector<16xi32>
        %ne3A_663 = arith.constant 0 : i32
        %ne3A_664 = vector.broadcast %ne3A_663 : i32 to vector<16xi32>
        %ne3A_665 = arith.cmpi ne, %rem3A_662, %ne3A_664 : vector<16xi32>
        %lt3A_666 = arith.constant 0 : i32
        %lt3A_667 = vector.broadcast %lt3A_666 : i32 to vector<16xi32>
        %lt3A_668 = arith.cmpi slt, %rem3A_662, %lt3A_667 : vector<16xi32>
        %lt3A_669 = arith.constant 0 : i32
        %lt3A_670 = arith.cmpi slt, %select_n3A_660, %lt3A_669 : i32
        %ne3A_671 = vector.broadcast %lt3A_670 : i1 to vector<16xi1>
        %ne3A_672 = vector.broadcast %ne3A_671 : vector<16xi1> to vector<16xi1>
        %ne3A_673 = arith.xori %lt3A_668, %ne3A_672 : vector<16xi1>
        %and3A_674 = arith.andi %ne3A_673, %ne3A_665 : vector<16xi1>
        %add3A_675 = vector.broadcast %select_n3A_660 : i32 to vector<16xi32>
        %add3A_676 = arith.addi %rem3A_662, %add3A_675 : vector<16xi32>
        %select_n3A_677 = arith.select %and3A_674, %add3A_676, %rem3A_662 : vector<16xi1>, vector<16xi32>
        %add3A_678 = arith.constant 20 : i32
        %add3A_679 = vector.broadcast %add3A_678 : i32 to vector<16xi32>
        %add3A_680 = arith.addi %iota3A, %add3A_679 : vector<16xi32>
        %jit3A_681 = arith.constant 64 : i32
        %eq3A_682 = arith.constant 0 : i32
        %eq3A_683 = arith.cmpi eq, %jit3A_681, %eq3A_682 : i32
        %jit3A_684 = arith.constant 1 : i32
        %select_n3A_685 = arith.select %eq3A_683, %jit3A_684, %jit3A_681 : i32
        %rem3A_686 = vector.broadcast %select_n3A_685 : i32 to vector<16xi32>
        %rem3A_687 = arith.remsi %add3A_680, %rem3A_686 : vector<16xi32>
        %ne3A_688 = arith.constant 0 : i32
        %ne3A_689 = vector.broadcast %ne3A_688 : i32 to vector<16xi32>
        %ne3A_690 = arith.cmpi ne, %rem3A_687, %ne3A_689 : vector<16xi32>
        %lt3A_691 = arith.constant 0 : i32
        %lt3A_692 = vector.broadcast %lt3A_691 : i32 to vector<16xi32>
        %lt3A_693 = arith.cmpi slt, %rem3A_687, %lt3A_692 : vector<16xi32>
        %lt3A_694 = arith.constant 0 : i32
        %lt3A_695 = arith.cmpi slt, %select_n3A_685, %lt3A_694 : i32
        %ne3A_696 = vector.broadcast %lt3A_695 : i1 to vector<16xi1>
        %ne3A_697 = vector.broadcast %ne3A_696 : vector<16xi1> to vector<16xi1>
        %ne3A_698 = arith.xori %lt3A_693, %ne3A_697 : vector<16xi1>
        %and3A_699 = arith.andi %ne3A_698, %ne3A_690 : vector<16xi1>
        %add3A_700 = vector.broadcast %select_n3A_685 : i32 to vector<16xi32>
        %add3A_701 = arith.addi %rem3A_687, %add3A_700 : vector<16xi32>
        %select_n3A_702 = arith.select %and3A_699, %add3A_701, %rem3A_687 : vector<16xi1>, vector<16xi32>
        %add3A_703 = arith.constant 21 : i32
        %add3A_704 = vector.broadcast %add3A_703 : i32 to vector<16xi32>
        %add3A_705 = arith.addi %iota3A, %add3A_704 : vector<16xi32>
        %jit3A_706 = arith.constant 64 : i32
        %eq3A_707 = arith.constant 0 : i32
        %eq3A_708 = arith.cmpi eq, %jit3A_706, %eq3A_707 : i32
        %jit3A_709 = arith.constant 1 : i32
        %select_n3A_710 = arith.select %eq3A_708, %jit3A_709, %jit3A_706 : i32
        %rem3A_711 = vector.broadcast %select_n3A_710 : i32 to vector<16xi32>
        %rem3A_712 = arith.remsi %add3A_705, %rem3A_711 : vector<16xi32>
        %ne3A_713 = arith.constant 0 : i32
        %ne3A_714 = vector.broadcast %ne3A_713 : i32 to vector<16xi32>
        %ne3A_715 = arith.cmpi ne, %rem3A_712, %ne3A_714 : vector<16xi32>
        %lt3A_716 = arith.constant 0 : i32
        %lt3A_717 = vector.broadcast %lt3A_716 : i32 to vector<16xi32>
        %lt3A_718 = arith.cmpi slt, %rem3A_712, %lt3A_717 : vector<16xi32>
        %lt3A_719 = arith.constant 0 : i32
        %lt3A_720 = arith.cmpi slt, %select_n3A_710, %lt3A_719 : i32
        %ne3A_721 = vector.broadcast %lt3A_720 : i1 to vector<16xi1>
        %ne3A_722 = vector.broadcast %ne3A_721 : vector<16xi1> to vector<16xi1>
        %ne3A_723 = arith.xori %lt3A_718, %ne3A_722 : vector<16xi1>
        %and3A_724 = arith.andi %ne3A_723, %ne3A_715 : vector<16xi1>
        %add3A_725 = vector.broadcast %select_n3A_710 : i32 to vector<16xi32>
        %add3A_726 = arith.addi %rem3A_712, %add3A_725 : vector<16xi32>
        %select_n3A_727 = arith.select %and3A_724, %add3A_726, %rem3A_712 : vector<16xi1>, vector<16xi32>
        %add3A_728 = arith.constant 22 : i32
        %add3A_729 = vector.broadcast %add3A_728 : i32 to vector<16xi32>
        %add3A_730 = arith.addi %iota3A, %add3A_729 : vector<16xi32>
        %jit3A_731 = arith.constant 64 : i32
        %eq3A_732 = arith.constant 0 : i32
        %eq3A_733 = arith.cmpi eq, %jit3A_731, %eq3A_732 : i32
        %jit3A_734 = arith.constant 1 : i32
        %select_n3A_735 = arith.select %eq3A_733, %jit3A_734, %jit3A_731 : i32
        %rem3A_736 = vector.broadcast %select_n3A_735 : i32 to vector<16xi32>
        %rem3A_737 = arith.remsi %add3A_730, %rem3A_736 : vector<16xi32>
        %ne3A_738 = arith.constant 0 : i32
        %ne3A_739 = vector.broadcast %ne3A_738 : i32 to vector<16xi32>
        %ne3A_740 = arith.cmpi ne, %rem3A_737, %ne3A_739 : vector<16xi32>
        %lt3A_741 = arith.constant 0 : i32
        %lt3A_742 = vector.broadcast %lt3A_741 : i32 to vector<16xi32>
        %lt3A_743 = arith.cmpi slt, %rem3A_737, %lt3A_742 : vector<16xi32>
        %lt3A_744 = arith.constant 0 : i32
        %lt3A_745 = arith.cmpi slt, %select_n3A_735, %lt3A_744 : i32
        %ne3A_746 = vector.broadcast %lt3A_745 : i1 to vector<16xi1>
        %ne3A_747 = vector.broadcast %ne3A_746 : vector<16xi1> to vector<16xi1>
        %ne3A_748 = arith.xori %lt3A_743, %ne3A_747 : vector<16xi1>
        %and3A_749 = arith.andi %ne3A_748, %ne3A_740 : vector<16xi1>
        %add3A_750 = vector.broadcast %select_n3A_735 : i32 to vector<16xi32>
        %add3A_751 = arith.addi %rem3A_737, %add3A_750 : vector<16xi32>
        %select_n3A_752 = arith.select %and3A_749, %add3A_751, %rem3A_737 : vector<16xi1>, vector<16xi32>
        %add3A_753 = arith.constant 23 : i32
        %add3A_754 = vector.broadcast %add3A_753 : i32 to vector<16xi32>
        %add3A_755 = arith.addi %iota3A, %add3A_754 : vector<16xi32>
        %jit3A_756 = arith.constant 64 : i32
        %eq3A_757 = arith.constant 0 : i32
        %eq3A_758 = arith.cmpi eq, %jit3A_756, %eq3A_757 : i32
        %jit3A_759 = arith.constant 1 : i32
        %select_n3A_760 = arith.select %eq3A_758, %jit3A_759, %jit3A_756 : i32
        %rem3A_761 = vector.broadcast %select_n3A_760 : i32 to vector<16xi32>
        %rem3A_762 = arith.remsi %add3A_755, %rem3A_761 : vector<16xi32>
        %ne3A_763 = arith.constant 0 : i32
        %ne3A_764 = vector.broadcast %ne3A_763 : i32 to vector<16xi32>
        %ne3A_765 = arith.cmpi ne, %rem3A_762, %ne3A_764 : vector<16xi32>
        %lt3A_766 = arith.constant 0 : i32
        %lt3A_767 = vector.broadcast %lt3A_766 : i32 to vector<16xi32>
        %lt3A_768 = arith.cmpi slt, %rem3A_762, %lt3A_767 : vector<16xi32>
        %lt3A_769 = arith.constant 0 : i32
        %lt3A_770 = arith.cmpi slt, %select_n3A_760, %lt3A_769 : i32
        %ne3A_771 = vector.broadcast %lt3A_770 : i1 to vector<16xi1>
        %ne3A_772 = vector.broadcast %ne3A_771 : vector<16xi1> to vector<16xi1>
        %ne3A_773 = arith.xori %lt3A_768, %ne3A_772 : vector<16xi1>
        %and3A_774 = arith.andi %ne3A_773, %ne3A_765 : vector<16xi1>
        %add3A_775 = vector.broadcast %select_n3A_760 : i32 to vector<16xi32>
        %add3A_776 = arith.addi %rem3A_762, %add3A_775 : vector<16xi32>
        %select_n3A_777 = arith.select %and3A_774, %add3A_776, %rem3A_762 : vector<16xi1>, vector<16xi32>
        %add3A_778 = arith.constant 24 : i32
        %add3A_779 = vector.broadcast %add3A_778 : i32 to vector<16xi32>
        %add3A_780 = arith.addi %iota3A, %add3A_779 : vector<16xi32>
        %jit3A_781 = arith.constant 64 : i32
        %eq3A_782 = arith.constant 0 : i32
        %eq3A_783 = arith.cmpi eq, %jit3A_781, %eq3A_782 : i32
        %jit3A_784 = arith.constant 1 : i32
        %select_n3A_785 = arith.select %eq3A_783, %jit3A_784, %jit3A_781 : i32
        %rem3A_786 = vector.broadcast %select_n3A_785 : i32 to vector<16xi32>
        %rem3A_787 = arith.remsi %add3A_780, %rem3A_786 : vector<16xi32>
        %ne3A_788 = arith.constant 0 : i32
        %ne3A_789 = vector.broadcast %ne3A_788 : i32 to vector<16xi32>
        %ne3A_790 = arith.cmpi ne, %rem3A_787, %ne3A_789 : vector<16xi32>
        %lt3A_791 = arith.constant 0 : i32
        %lt3A_792 = vector.broadcast %lt3A_791 : i32 to vector<16xi32>
        %lt3A_793 = arith.cmpi slt, %rem3A_787, %lt3A_792 : vector<16xi32>
        %lt3A_794 = arith.constant 0 : i32
        %lt3A_795 = arith.cmpi slt, %select_n3A_785, %lt3A_794 : i32
        %ne3A_796 = vector.broadcast %lt3A_795 : i1 to vector<16xi1>
        %ne3A_797 = vector.broadcast %ne3A_796 : vector<16xi1> to vector<16xi1>
        %ne3A_798 = arith.xori %lt3A_793, %ne3A_797 : vector<16xi1>
        %and3A_799 = arith.andi %ne3A_798, %ne3A_790 : vector<16xi1>
        %add3A_800 = vector.broadcast %select_n3A_785 : i32 to vector<16xi32>
        %add3A_801 = arith.addi %rem3A_787, %add3A_800 : vector<16xi32>
        %select_n3A_802 = arith.select %and3A_799, %add3A_801, %rem3A_787 : vector<16xi1>, vector<16xi32>
        %add3A_803 = arith.constant 25 : i32
        %add3A_804 = vector.broadcast %add3A_803 : i32 to vector<16xi32>
        %add3A_805 = arith.addi %iota3A, %add3A_804 : vector<16xi32>
        %jit3A_806 = arith.constant 64 : i32
        %eq3A_807 = arith.constant 0 : i32
        %eq3A_808 = arith.cmpi eq, %jit3A_806, %eq3A_807 : i32
        %jit3A_809 = arith.constant 1 : i32
        %select_n3A_810 = arith.select %eq3A_808, %jit3A_809, %jit3A_806 : i32
        %rem3A_811 = vector.broadcast %select_n3A_810 : i32 to vector<16xi32>
        %rem3A_812 = arith.remsi %add3A_805, %rem3A_811 : vector<16xi32>
        %ne3A_813 = arith.constant 0 : i32
        %ne3A_814 = vector.broadcast %ne3A_813 : i32 to vector<16xi32>
        %ne3A_815 = arith.cmpi ne, %rem3A_812, %ne3A_814 : vector<16xi32>
        %lt3A_816 = arith.constant 0 : i32
        %lt3A_817 = vector.broadcast %lt3A_816 : i32 to vector<16xi32>
        %lt3A_818 = arith.cmpi slt, %rem3A_812, %lt3A_817 : vector<16xi32>
        %lt3A_819 = arith.constant 0 : i32
        %lt3A_820 = arith.cmpi slt, %select_n3A_810, %lt3A_819 : i32
        %ne3A_821 = vector.broadcast %lt3A_820 : i1 to vector<16xi1>
        %ne3A_822 = vector.broadcast %ne3A_821 : vector<16xi1> to vector<16xi1>
        %ne3A_823 = arith.xori %lt3A_818, %ne3A_822 : vector<16xi1>
        %and3A_824 = arith.andi %ne3A_823, %ne3A_815 : vector<16xi1>
        %add3A_825 = vector.broadcast %select_n3A_810 : i32 to vector<16xi32>
        %add3A_826 = arith.addi %rem3A_812, %add3A_825 : vector<16xi32>
        %select_n3A_827 = arith.select %and3A_824, %add3A_826, %rem3A_812 : vector<16xi1>, vector<16xi32>
        %add3A_828 = arith.constant 26 : i32
        %add3A_829 = vector.broadcast %add3A_828 : i32 to vector<16xi32>
        %add3A_830 = arith.addi %iota3A, %add3A_829 : vector<16xi32>
        %jit3A_831 = arith.constant 64 : i32
        %eq3A_832 = arith.constant 0 : i32
        %eq3A_833 = arith.cmpi eq, %jit3A_831, %eq3A_832 : i32
        %jit3A_834 = arith.constant 1 : i32
        %select_n3A_835 = arith.select %eq3A_833, %jit3A_834, %jit3A_831 : i32
        %rem3A_836 = vector.broadcast %select_n3A_835 : i32 to vector<16xi32>
        %rem3A_837 = arith.remsi %add3A_830, %rem3A_836 : vector<16xi32>
        %ne3A_838 = arith.constant 0 : i32
        %ne3A_839 = vector.broadcast %ne3A_838 : i32 to vector<16xi32>
        %ne3A_840 = arith.cmpi ne, %rem3A_837, %ne3A_839 : vector<16xi32>
        %lt3A_841 = arith.constant 0 : i32
        %lt3A_842 = vector.broadcast %lt3A_841 : i32 to vector<16xi32>
        %lt3A_843 = arith.cmpi slt, %rem3A_837, %lt3A_842 : vector<16xi32>
        %lt3A_844 = arith.constant 0 : i32
        %lt3A_845 = arith.cmpi slt, %select_n3A_835, %lt3A_844 : i32
        %ne3A_846 = vector.broadcast %lt3A_845 : i1 to vector<16xi1>
        %ne3A_847 = vector.broadcast %ne3A_846 : vector<16xi1> to vector<16xi1>
        %ne3A_848 = arith.xori %lt3A_843, %ne3A_847 : vector<16xi1>
        %and3A_849 = arith.andi %ne3A_848, %ne3A_840 : vector<16xi1>
        %add3A_850 = vector.broadcast %select_n3A_835 : i32 to vector<16xi32>
        %add3A_851 = arith.addi %rem3A_837, %add3A_850 : vector<16xi32>
        %select_n3A_852 = arith.select %and3A_849, %add3A_851, %rem3A_837 : vector<16xi1>, vector<16xi32>
        %add3A_853 = arith.constant 27 : i32
        %add3A_854 = vector.broadcast %add3A_853 : i32 to vector<16xi32>
        %add3A_855 = arith.addi %iota3A, %add3A_854 : vector<16xi32>
        %jit3A_856 = arith.constant 64 : i32
        %eq3A_857 = arith.constant 0 : i32
        %eq3A_858 = arith.cmpi eq, %jit3A_856, %eq3A_857 : i32
        %jit3A_859 = arith.constant 1 : i32
        %select_n3A_860 = arith.select %eq3A_858, %jit3A_859, %jit3A_856 : i32
        %rem3A_861 = vector.broadcast %select_n3A_860 : i32 to vector<16xi32>
        %rem3A_862 = arith.remsi %add3A_855, %rem3A_861 : vector<16xi32>
        %ne3A_863 = arith.constant 0 : i32
        %ne3A_864 = vector.broadcast %ne3A_863 : i32 to vector<16xi32>
        %ne3A_865 = arith.cmpi ne, %rem3A_862, %ne3A_864 : vector<16xi32>
        %lt3A_866 = arith.constant 0 : i32
        %lt3A_867 = vector.broadcast %lt3A_866 : i32 to vector<16xi32>
        %lt3A_868 = arith.cmpi slt, %rem3A_862, %lt3A_867 : vector<16xi32>
        %lt3A_869 = arith.constant 0 : i32
        %lt3A_870 = arith.cmpi slt, %select_n3A_860, %lt3A_869 : i32
        %ne3A_871 = vector.broadcast %lt3A_870 : i1 to vector<16xi1>
        %ne3A_872 = vector.broadcast %ne3A_871 : vector<16xi1> to vector<16xi1>
        %ne3A_873 = arith.xori %lt3A_868, %ne3A_872 : vector<16xi1>
        %and3A_874 = arith.andi %ne3A_873, %ne3A_865 : vector<16xi1>
        %add3A_875 = vector.broadcast %select_n3A_860 : i32 to vector<16xi32>
        %add3A_876 = arith.addi %rem3A_862, %add3A_875 : vector<16xi32>
        %select_n3A_877 = arith.select %and3A_874, %add3A_876, %rem3A_862 : vector<16xi1>, vector<16xi32>
        %add3A_878 = arith.constant 28 : i32
        %add3A_879 = vector.broadcast %add3A_878 : i32 to vector<16xi32>
        %add3A_880 = arith.addi %iota3A, %add3A_879 : vector<16xi32>
        %jit3A_881 = arith.constant 64 : i32
        %eq3A_882 = arith.constant 0 : i32
        %eq3A_883 = arith.cmpi eq, %jit3A_881, %eq3A_882 : i32
        %jit3A_884 = arith.constant 1 : i32
        %select_n3A_885 = arith.select %eq3A_883, %jit3A_884, %jit3A_881 : i32
        %rem3A_886 = vector.broadcast %select_n3A_885 : i32 to vector<16xi32>
        %rem3A_887 = arith.remsi %add3A_880, %rem3A_886 : vector<16xi32>
        %ne3A_888 = arith.constant 0 : i32
        %ne3A_889 = vector.broadcast %ne3A_888 : i32 to vector<16xi32>
        %ne3A_890 = arith.cmpi ne, %rem3A_887, %ne3A_889 : vector<16xi32>
        %lt3A_891 = arith.constant 0 : i32
        %lt3A_892 = vector.broadcast %lt3A_891 : i32 to vector<16xi32>
        %lt3A_893 = arith.cmpi slt, %rem3A_887, %lt3A_892 : vector<16xi32>
        %lt3A_894 = arith.constant 0 : i32
        %lt3A_895 = arith.cmpi slt, %select_n3A_885, %lt3A_894 : i32
        %ne3A_896 = vector.broadcast %lt3A_895 : i1 to vector<16xi1>
        %ne3A_897 = vector.broadcast %ne3A_896 : vector<16xi1> to vector<16xi1>
        %ne3A_898 = arith.xori %lt3A_893, %ne3A_897 : vector<16xi1>
        %and3A_899 = arith.andi %ne3A_898, %ne3A_890 : vector<16xi1>
        %add3A_900 = vector.broadcast %select_n3A_885 : i32 to vector<16xi32>
        %add3A_901 = arith.addi %rem3A_887, %add3A_900 : vector<16xi32>
        %select_n3A_902 = arith.select %and3A_899, %add3A_901, %rem3A_887 : vector<16xi1>, vector<16xi32>
        %add3A_903 = arith.constant 29 : i32
        %add3A_904 = vector.broadcast %add3A_903 : i32 to vector<16xi32>
        %add3A_905 = arith.addi %iota3A, %add3A_904 : vector<16xi32>
        %jit3A_906 = arith.constant 64 : i32
        %eq3A_907 = arith.constant 0 : i32
        %eq3A_908 = arith.cmpi eq, %jit3A_906, %eq3A_907 : i32
        %jit3A_909 = arith.constant 1 : i32
        %select_n3A_910 = arith.select %eq3A_908, %jit3A_909, %jit3A_906 : i32
        %rem3A_911 = vector.broadcast %select_n3A_910 : i32 to vector<16xi32>
        %rem3A_912 = arith.remsi %add3A_905, %rem3A_911 : vector<16xi32>
        %ne3A_913 = arith.constant 0 : i32
        %ne3A_914 = vector.broadcast %ne3A_913 : i32 to vector<16xi32>
        %ne3A_915 = arith.cmpi ne, %rem3A_912, %ne3A_914 : vector<16xi32>
        %lt3A_916 = arith.constant 0 : i32
        %lt3A_917 = vector.broadcast %lt3A_916 : i32 to vector<16xi32>
        %lt3A_918 = arith.cmpi slt, %rem3A_912, %lt3A_917 : vector<16xi32>
        %lt3A_919 = arith.constant 0 : i32
        %lt3A_920 = arith.cmpi slt, %select_n3A_910, %lt3A_919 : i32
        %ne3A_921 = vector.broadcast %lt3A_920 : i1 to vector<16xi1>
        %ne3A_922 = vector.broadcast %ne3A_921 : vector<16xi1> to vector<16xi1>
        %ne3A_923 = arith.xori %lt3A_918, %ne3A_922 : vector<16xi1>
        %and3A_924 = arith.andi %ne3A_923, %ne3A_915 : vector<16xi1>
        %add3A_925 = vector.broadcast %select_n3A_910 : i32 to vector<16xi32>
        %add3A_926 = arith.addi %rem3A_912, %add3A_925 : vector<16xi32>
        %select_n3A_927 = arith.select %and3A_924, %add3A_926, %rem3A_912 : vector<16xi1>, vector<16xi32>
        %add3A_928 = arith.constant 30 : i32
        %add3A_929 = vector.broadcast %add3A_928 : i32 to vector<16xi32>
        %add3A_930 = arith.addi %iota3A, %add3A_929 : vector<16xi32>
        %jit3A_931 = arith.constant 64 : i32
        %eq3A_932 = arith.constant 0 : i32
        %eq3A_933 = arith.cmpi eq, %jit3A_931, %eq3A_932 : i32
        %jit3A_934 = arith.constant 1 : i32
        %select_n3A_935 = arith.select %eq3A_933, %jit3A_934, %jit3A_931 : i32
        %rem3A_936 = vector.broadcast %select_n3A_935 : i32 to vector<16xi32>
        %rem3A_937 = arith.remsi %add3A_930, %rem3A_936 : vector<16xi32>
        %ne3A_938 = arith.constant 0 : i32
        %ne3A_939 = vector.broadcast %ne3A_938 : i32 to vector<16xi32>
        %ne3A_940 = arith.cmpi ne, %rem3A_937, %ne3A_939 : vector<16xi32>
        %lt3A_941 = arith.constant 0 : i32
        %lt3A_942 = vector.broadcast %lt3A_941 : i32 to vector<16xi32>
        %lt3A_943 = arith.cmpi slt, %rem3A_937, %lt3A_942 : vector<16xi32>
        %lt3A_944 = arith.constant 0 : i32
        %lt3A_945 = arith.cmpi slt, %select_n3A_935, %lt3A_944 : i32
        %ne3A_946 = vector.broadcast %lt3A_945 : i1 to vector<16xi1>
        %ne3A_947 = vector.broadcast %ne3A_946 : vector<16xi1> to vector<16xi1>
        %ne3A_948 = arith.xori %lt3A_943, %ne3A_947 : vector<16xi1>
        %and3A_949 = arith.andi %ne3A_948, %ne3A_940 : vector<16xi1>
        %add3A_950 = vector.broadcast %select_n3A_935 : i32 to vector<16xi32>
        %add3A_951 = arith.addi %rem3A_937, %add3A_950 : vector<16xi32>
        %select_n3A_952 = arith.select %and3A_949, %add3A_951, %rem3A_937 : vector<16xi1>, vector<16xi32>
        %add3A_953 = arith.constant 31 : i32
        %add3A_954 = vector.broadcast %add3A_953 : i32 to vector<16xi32>
        %add3A_955 = arith.addi %iota3A, %add3A_954 : vector<16xi32>
        %jit3A_956 = arith.constant 64 : i32
        %eq3A_957 = arith.constant 0 : i32
        %eq3A_958 = arith.cmpi eq, %jit3A_956, %eq3A_957 : i32
        %jit3A_959 = arith.constant 1 : i32
        %select_n3A_960 = arith.select %eq3A_958, %jit3A_959, %jit3A_956 : i32
        %rem3A_961 = vector.broadcast %select_n3A_960 : i32 to vector<16xi32>
        %rem3A_962 = arith.remsi %add3A_955, %rem3A_961 : vector<16xi32>
        %ne3A_963 = arith.constant 0 : i32
        %ne3A_964 = vector.broadcast %ne3A_963 : i32 to vector<16xi32>
        %ne3A_965 = arith.cmpi ne, %rem3A_962, %ne3A_964 : vector<16xi32>
        %lt3A_966 = arith.constant 0 : i32
        %lt3A_967 = vector.broadcast %lt3A_966 : i32 to vector<16xi32>
        %lt3A_968 = arith.cmpi slt, %rem3A_962, %lt3A_967 : vector<16xi32>
        %lt3A_969 = arith.constant 0 : i32
        %lt3A_970 = arith.cmpi slt, %select_n3A_960, %lt3A_969 : i32
        %ne3A_971 = vector.broadcast %lt3A_970 : i1 to vector<16xi1>
        %ne3A_972 = vector.broadcast %ne3A_971 : vector<16xi1> to vector<16xi1>
        %ne3A_973 = arith.xori %lt3A_968, %ne3A_972 : vector<16xi1>
        %and3A_974 = arith.andi %ne3A_973, %ne3A_965 : vector<16xi1>
        %add3A_975 = vector.broadcast %select_n3A_960 : i32 to vector<16xi32>
        %add3A_976 = arith.addi %rem3A_962, %add3A_975 : vector<16xi32>
        %select_n3A_977 = arith.select %and3A_974, %add3A_976, %rem3A_962 : vector<16xi1>, vector<16xi32>
        %broadcast_in_dim3A_978 = arith.constant 0.000000e+00 : f32
        %broadcast_in_dim3A_979 = vector.broadcast %broadcast_in_dim3A_978 : f32 to vector<16xf32>
        %broadcast_in_dim3A_980 = arith.constant 0.000000e+00 : f32
        %broadcast_in_dim3A_981 = vector.broadcast %broadcast_in_dim3A_980 : f32 to vector<16xf32>
        %broadcast_in_dim3A_982 = arith.constant 0.000000e+00 : f32
        %broadcast_in_dim3A_983 = vector.broadcast %broadcast_in_dim3A_982 : f32 to vector<16xf32>
        %broadcast_in_dim3A_984 = arith.constant 0.000000e+00 : f32
        %broadcast_in_dim3A_985 = vector.broadcast %broadcast_in_dim3A_984 : f32 to vector<16xf32>
        %broadcast_in_dim3A_986 = arith.constant 0.000000e+00 : f32
        %broadcast_in_dim3A_987 = vector.broadcast %broadcast_in_dim3A_986 : f32 to vector<16xf32>
        %broadcast_in_dim3A_988 = arith.constant 0.000000e+00 : f32
        %broadcast_in_dim3A_989 = vector.broadcast %broadcast_in_dim3A_988 : f32 to vector<16xf32>
        %broadcast_in_dim3A_990 = arith.constant 0.000000e+00 : f32
        %broadcast_in_dim3A_991 = vector.broadcast %broadcast_in_dim3A_990 : f32 to vector<16xf32>
        %broadcast_in_dim3A_992 = arith.constant 0.000000e+00 : f32
        %broadcast_in_dim3A_993 = vector.broadcast %broadcast_in_dim3A_992 : f32 to vector<16xf32>
        %broadcast_in_dim3A_994 = arith.constant 0.000000e+00 : f32
        %broadcast_in_dim3A_995 = vector.broadcast %broadcast_in_dim3A_994 : f32 to vector<16xf32>
        %broadcast_in_dim3A_996 = arith.constant 0.000000e+00 : f32
        %broadcast_in_dim3A_997 = vector.broadcast %broadcast_in_dim3A_996 : f32 to vector<16xf32>
        %broadcast_in_dim3A_998 = arith.constant 0.000000e+00 : f32
        %broadcast_in_dim3A_999 = vector.broadcast %broadcast_in_dim3A_998 : f32 to vector<16xf32>
        %broadcast_in_dim3A_1000 = arith.constant 0.000000e+00 : f32
        %broadcast_in_dim3A_1001 = vector.broadcast %broadcast_in_dim3A_1000 : f32 to vector<16xf32>
        %broadcast_in_dim3A_1002 = arith.constant 0.000000e+00 : f32
        %broadcast_in_dim3A_1003 = vector.broadcast %broadcast_in_dim3A_1002 : f32 to vector<16xf32>
        %broadcast_in_dim3A_1004 = arith.constant 0.000000e+00 : f32
        %broadcast_in_dim3A_1005 = vector.broadcast %broadcast_in_dim3A_1004 : f32 to vector<16xf32>
        %broadcast_in_dim3A_1006 = arith.constant 0.000000e+00 : f32
        %broadcast_in_dim3A_1007 = vector.broadcast %broadcast_in_dim3A_1006 : f32 to vector<16xf32>
        %broadcast_in_dim3A_1008 = arith.constant 0.000000e+00 : f32
        %broadcast_in_dim3A_1009 = vector.broadcast %broadcast_in_dim3A_1008 : f32 to vector<16xf32>
        %broadcast_in_dim3A_1010 = arith.constant 0.000000e+00 : f32
        %broadcast_in_dim3A_1011 = vector.broadcast %broadcast_in_dim3A_1010 : f32 to vector<16xf32>
        %broadcast_in_dim3A_1012 = arith.constant 0.000000e+00 : f32
        %broadcast_in_dim3A_1013 = vector.broadcast %broadcast_in_dim3A_1012 : f32 to vector<16xf32>
        %broadcast_in_dim3A_1014 = arith.constant 0.000000e+00 : f32
        %broadcast_in_dim3A_1015 = vector.broadcast %broadcast_in_dim3A_1014 : f32 to vector<16xf32>
        %broadcast_in_dim3A_1016 = arith.constant 0.000000e+00 : f32
        %broadcast_in_dim3A_1017 = vector.broadcast %broadcast_in_dim3A_1016 : f32 to vector<16xf32>
        %broadcast_in_dim3A_1018 = arith.constant 0.000000e+00 : f32
        %broadcast_in_dim3A_1019 = vector.broadcast %broadcast_in_dim3A_1018 : f32 to vector<16xf32>
        %broadcast_in_dim3A_1020 = arith.constant 0.000000e+00 : f32
        %broadcast_in_dim3A_1021 = vector.broadcast %broadcast_in_dim3A_1020 : f32 to vector<16xf32>
        %broadcast_in_dim3A_1022 = arith.constant 0.000000e+00 : f32
        %broadcast_in_dim3A_1023 = vector.broadcast %broadcast_in_dim3A_1022 : f32 to vector<16xf32>
        %broadcast_in_dim3A_1024 = arith.constant 0.000000e+00 : f32
        %broadcast_in_dim3A_1025 = vector.broadcast %broadcast_in_dim3A_1024 : f32 to vector<16xf32>
        %broadcast_in_dim3A_1026 = arith.constant 0.000000e+00 : f32
        %broadcast_in_dim3A_1027 = vector.broadcast %broadcast_in_dim3A_1026 : f32 to vector<16xf32>
        %broadcast_in_dim3A_1028 = arith.constant 0.000000e+00 : f32
        %broadcast_in_dim3A_1029 = vector.broadcast %broadcast_in_dim3A_1028 : f32 to vector<16xf32>
        %broadcast_in_dim3A_1030 = arith.constant 0.000000e+00 : f32
        %broadcast_in_dim3A_1031 = vector.broadcast %broadcast_in_dim3A_1030 : f32 to vector<16xf32>
        %broadcast_in_dim3A_1032 = arith.constant 0.000000e+00 : f32
        %broadcast_in_dim3A_1033 = vector.broadcast %broadcast_in_dim3A_1032 : f32 to vector<16xf32>
        %broadcast_in_dim3A_1034 = arith.constant 0.000000e+00 : f32
        %broadcast_in_dim3A_1035 = vector.broadcast %broadcast_in_dim3A_1034 : f32 to vector<16xf32>
        %broadcast_in_dim3A_1036 = arith.constant 0.000000e+00 : f32
        %broadcast_in_dim3A_1037 = vector.broadcast %broadcast_in_dim3A_1036 : f32 to vector<16xf32>
        %broadcast_in_dim3A_1038 = arith.constant 0.000000e+00 : f32
        %broadcast_in_dim3A_1039 = vector.broadcast %broadcast_in_dim3A_1038 : f32 to vector<16xf32>
        %broadcast_in_dim3A_1040 = arith.constant 0.000000e+00 : f32
        %broadcast_in_dim3A_1041 = vector.broadcast %broadcast_in_dim3A_1040 : f32 to vector<16xf32>
        %parallel_loop3A_1042 = arith.constant 0 : i32
        %parallel_loop3A_1043 = arith.constant 50 : i32
        %parallel_loop3A_1044 = arith.constant 1 : i32
        %parallel_loop3A_1045:32 = scf.for %parallel_loop3A_2270 = %parallel_loop3A_1042 to %parallel_loop3A_1043 step %parallel_loop3A_1044 iter_args(%parallel_loop3A_2271 = %broadcast_in_dim3A_979, %parallel_loop3A_2272 = %broadcast_in_dim3A_981, %parallel_loop3A_2273 = %broadcast_in_dim3A_983, %parallel_loop3A_2274 = %broadcast_in_dim3A_985, %parallel_loop3A_2275 = %broadcast_in_dim3A_987, %parallel_loop3A_2276 = %broadcast_in_dim3A_989, %parallel_loop3A_2277 = %broadcast_in_dim3A_991, %parallel_loop3A_2278 = %broadcast_in_dim3A_993, %parallel_loop3A_2279 = %broadcast_in_dim3A_995, %parallel_loop3A_2280 = %broadcast_in_dim3A_997, %parallel_loop3A_2281 = %broadcast_in_dim3A_999, %parallel_loop3A_2282 = %broadcast_in_dim3A_1001, %parallel_loop3A_2283 = %broadcast_in_dim3A_1003, %parallel_loop3A_2284 = %broadcast_in_dim3A_1005, %parallel_loop3A_2285 = %broadcast_in_dim3A_1007, %parallel_loop3A_2286 = %broadcast_in_dim3A_1009, %parallel_loop3A_2287 = %broadcast_in_dim3A_1011, %parallel_loop3A_2288 = %broadcast_in_dim3A_1013, %parallel_loop3A_2289 = %broadcast_in_dim3A_1015, %parallel_loop3A_2290 = %broadcast_in_dim3A_1017, %parallel_loop3A_2291 = %broadcast_in_dim3A_1019, %parallel_loop3A_2292 = %broadcast_in_dim3A_1021, %parallel_loop3A_2293 = %broadcast_in_dim3A_1023, %parallel_loop3A_2294 = %broadcast_in_dim3A_1025, %parallel_loop3A_2295 = %broadcast_in_dim3A_1027, %parallel_loop3A_2296 = %broadcast_in_dim3A_1029, %parallel_loop3A_2297 = %broadcast_in_dim3A_1031, %parallel_loop3A_2298 = %broadcast_in_dim3A_1033, %parallel_loop3A_2299 = %broadcast_in_dim3A_1035, %parallel_loop3A_2300 = %broadcast_in_dim3A_1037, %parallel_loop3A_2301 = %broadcast_in_dim3A_1039, %parallel_loop3A_2302 = %broadcast_in_dim3A_1041) -> (vector<16xf32>, vector<16xf32>, vector<16xf32>, vector<16xf32>, vector<16xf32>, vector<16xf32>, vector<16xf32>, vector<16xf32>, vector<16xf32>, vector<16xf32>, vector<16xf32>, vector<16xf32>, vector<16xf32>, vector<16xf32>, vector<16xf32>, vector<16xf32>, vector<16xf32>, vector<16xf32>, vector<16xf32>, vector<16xf32>, vector<16xf32>, vector<16xf32>, vector<16xf32>, vector<16xf32>, vector<16xf32>, vector<16xf32>, vector<16xf32>, vector<16xf32>, vector<16xf32>, vector<16xf32>, vector<16xf32>, vector<16xf32>)  : i32 {
          %parallel_loop3A_2303 = arith.index_cast %parallel_loop3A_2270 : i32 to index
          %parallel_loop3A_2304 = arith.index_cast %mul3A_20 : i32 to index
          %parallel_loop3A_2305 = tpu.vector_load %arg6[%parallel_loop3A_2303, %parallel_loop3A_2304] {strides = array<i32>} : memref<50x128xi32, #tpu.memory_space<vmem>>, vector<16xi32>,
          %parallel_loop3A_2306 = tpu.vector_load_idx %arg5[%parallel_loop3A_2305, %select_n3A_602] : memref<777x64xi32, #tpu.memory_space<vmem>>[vector<16xi32>, vector<16xi32>], vector<16xi32>,
          %parallel_loop3A_2307 = vector.bitcast %parallel_loop3A_2306 : vector<16xi32> to vector<32xbf16>
          %parallel_loop3A_2308 = tpu.unpack_subelements %parallel_loop3A_2307, 0 {pack_format = #tpu.pack_format<interleaved>} : vector<32xbf16> -> vector<16xf32>
          %parallel_loop3A_2309 = tpu.unpack_subelements %parallel_loop3A_2307, 1 {pack_format = #tpu.pack_format<interleaved>} : vector<32xbf16> -> vector<16xf32>
          %parallel_loop3A_2310 = arith.addf %parallel_loop3A_2271, %parallel_loop3A_2308 : vector<16xf32>
          %parallel_loop3A_2311 = arith.addf %parallel_loop3A_2272, %parallel_loop3A_2309 : vector<16xf32>
          %parallel_loop3A_2312 = tpu.vector_load_idx %arg5[%parallel_loop3A_2305, %select_n3A_627] : memref<777x64xi32, #tpu.memory_space<vmem>>[vector<16xi32>, vector<16xi32>], vector<16xi32>,
          %parallel_loop3A_2313 = vector.bitcast %parallel_loop3A_2312 : vector<16xi32> to vector<32xbf16>
          %parallel_loop3A_2314 = tpu.unpack_subelements %parallel_loop3A_2313, 0 {pack_format = #tpu.pack_format<interleaved>} : vector<32xbf16> -> vector<16xf32>
          %parallel_loop3A_2315 = tpu.unpack_subelements %parallel_loop3A_2313, 1 {pack_format = #tpu.pack_format<interleaved>} : vector<32xbf16> -> vector<16xf32>
          %parallel_loop3A_2316 = arith.addf %parallel_loop3A_2273, %parallel_loop3A_2314 : vector<16xf32>
          %parallel_loop3A_2317 = arith.addf %parallel_loop3A_2274, %parallel_loop3A_2315 : vector<16xf32>
          %parallel_loop3A_2318 = tpu.vector_load_idx %arg5[%parallel_loop3A_2305, %select_n3A_652] : memref<777x64xi32, #tpu.memory_space<vmem>>[vector<16xi32>, vector<16xi32>], vector<16xi32>,
          %parallel_loop3A_2319 = vector.bitcast %parallel_loop3A_2318 : vector<16xi32> to vector<32xbf16>
          %parallel_loop3A_2320 = tpu.unpack_subelements %parallel_loop3A_2319, 0 {pack_format = #tpu.pack_format<interleaved>} : vector<32xbf16> -> vector<16xf32>
          %parallel_loop3A_2321 = tpu.unpack_subelements %parallel_loop3A_2319, 1 {pack_format = #tpu.pack_format<interleaved>} : vector<32xbf16> -> vector<16xf32>
          %parallel_loop3A_2322 = arith.addf %parallel_loop3A_2275, %parallel_loop3A_2320 : vector<16xf32>
          %parallel_loop3A_2323 = arith.addf %parallel_loop3A_2276, %parallel_loop3A_2321 : vector<16xf32>
          %parallel_loop3A_2324 = tpu.vector_load_idx %arg5[%parallel_loop3A_2305, %select_n3A_677] : memref<777x64xi32, #tpu.memory_space<vmem>>[vector<16xi32>, vector<16xi32>], vector<16xi32>,
          %parallel_loop3A_2325 = vector.bitcast %parallel_loop3A_2324 : vector<16xi32> to vector<32xbf16>
          %parallel_loop3A_2326 = tpu.unpack_subelements %parallel_loop3A_2325, 0 {pack_format = #tpu.pack_format<interleaved>} : vector<32xbf16> -> vector<16xf32>
          %parallel_loop3A_2327 = tpu.unpack_subelements %parallel_loop3A_2325, 1 {pack_format = #tpu.pack_format<interleaved>} : vector<32xbf16> -> vector<16xf32>
          %parallel_loop3A_2328 = arith.addf %parallel_loop3A_2277, %parallel_loop3A_2326 : vector<16xf32>
          %parallel_loop3A_2329 = arith.addf %parallel_loop3A_2278, %parallel_loop3A_2327 : vector<16xf32>
          %parallel_loop3A_2330 = tpu.vector_load_idx %arg5[%parallel_loop3A_2305, %select_n3A_702] : memref<777x64xi32, #tpu.memory_space<vmem>>[vector<16xi32>, vector<16xi32>], vector<16xi32>,
          %parallel_loop3A_2331 = vector.bitcast %parallel_loop3A_2330 : vector<16xi32> to vector<32xbf16>
          %parallel_loop3A_2332 = tpu.unpack_subelements %parallel_loop3A_2331, 0 {pack_format = #tpu.pack_format<interleaved>} : vector<32xbf16> -> vector<16xf32>
          %parallel_loop3A_2333 = tpu.unpack_subelements %parallel_loop3A_2331, 1 {pack_format = #tpu.pack_format<interleaved>} : vector<32xbf16> -> vector<16xf32>
          %parallel_loop3A_2334 = arith.addf %parallel_loop3A_2279, %parallel_loop3A_2332 : vector<16xf32>
          %parallel_loop3A_2335 = arith.addf %parallel_loop3A_2280, %parallel_loop3A_2333 : vector<16xf32>
          %parallel_loop3A_2336 = tpu.vector_load_idx %arg5[%parallel_loop3A_2305, %select_n3A_727] : memref<777x64xi32, #tpu.memory_space<vmem>>[vector<16xi32>, vector<16xi32>], vector<16xi32>,
          %parallel_loop3A_2337 = vector.bitcast %parallel_loop3A_2336 : vector<16xi32> to vector<32xbf16>
          %parallel_loop3A_2338 = tpu.unpack_subelements %parallel_loop3A_2337, 0 {pack_format = #tpu.pack_format<interleaved>} : vector<32xbf16> -> vector<16xf32>
          %parallel_loop3A_2339 = tpu.unpack_subelements %parallel_loop3A_2337, 1 {pack_format = #tpu.pack_format<interleaved>} : vector<32xbf16> -> vector<16xf32>
          %parallel_loop3A_2340 = arith.addf %parallel_loop3A_2281, %parallel_loop3A_2338 : vector<16xf32>
          %parallel_loop3A_2341 = arith.addf %parallel_loop3A_2282, %parallel_loop3A_2339 : vector<16xf32>
          %parallel_loop3A_2342 = tpu.vector_load_idx %arg5[%parallel_loop3A_2305, %select_n3A_752] : memref<777x64xi32, #tpu.memory_space<vmem>>[vector<16xi32>, vector<16xi32>], vector<16xi32>,
          %parallel_loop3A_2343 = vector.bitcast %parallel_loop3A_2342 : vector<16xi32> to vector<32xbf16>
          %parallel_loop3A_2344 = tpu.unpack_subelements %parallel_loop3A_2343, 0 {pack_format = #tpu.pack_format<interleaved>} : vector<32xbf16> -> vector<16xf32>
          %parallel_loop3A_2345 = tpu.unpack_subelements %parallel_loop3A_2343, 1 {pack_format = #tpu.pack_format<interleaved>} : vector<32xbf16> -> vector<16xf32>
          %parallel_loop3A_2346 = arith.addf %parallel_loop3A_2283, %parallel_loop3A_2344 : vector<16xf32>
          %parallel_loop3A_2347 = arith.addf %parallel_loop3A_2284, %parallel_loop3A_2345 : vector<16xf32>
          %parallel_loop3A_2348 = tpu.vector_load_idx %arg5[%parallel_loop3A_2305, %select_n3A_777] : memref<777x64xi32, #tpu.memory_space<vmem>>[vector<16xi32>, vector<16xi32>], vector<16xi32>,
          %parallel_loop3A_2349 = vector.bitcast %parallel_loop3A_2348 : vector<16xi32> to vector<32xbf16>
          %parallel_loop3A_2350 = tpu.unpack_subelements %parallel_loop3A_2349, 0 {pack_format = #tpu.pack_format<interleaved>} : vector<32xbf16> -> vector<16xf32>
          %parallel_loop3A_2351 = tpu.unpack_subelements %parallel_loop3A_2349, 1 {pack_format = #tpu.pack_format<interleaved>} : vector<32xbf16> -> vector<16xf32>
          %parallel_loop3A_2352 = arith.addf %parallel_loop3A_2285, %parallel_loop3A_2350 : vector<16xf32>
          %parallel_loop3A_2353 = arith.addf %parallel_loop3A_2286, %parallel_loop3A_2351 : vector<16xf32>
          %parallel_loop3A_2354 = tpu.vector_load_idx %arg5[%parallel_loop3A_2305, %select_n3A_802] : memref<777x64xi32, #tpu.memory_space<vmem>>[vector<16xi32>, vector<16xi32>], vector<16xi32>,
          %parallel_loop3A_2355 = vector.bitcast %parallel_loop3A_2354 : vector<16xi32> to vector<32xbf16>
          %parallel_loop3A_2356 = tpu.unpack_subelements %parallel_loop3A_2355, 0 {pack_format = #tpu.pack_format<interleaved>} : vector<32xbf16> -> vector<16xf32>
          %parallel_loop3A_2357 = tpu.unpack_subelements %parallel_loop3A_2355, 1 {pack_format = #tpu.pack_format<interleaved>} : vector<32xbf16> -> vector<16xf32>
          %parallel_loop3A_2358 = arith.addf %parallel_loop3A_2287, %parallel_loop3A_2356 : vector<16xf32>
          %parallel_loop3A_2359 = arith.addf %parallel_loop3A_2288, %parallel_loop3A_2357 : vector<16xf32>
          %parallel_loop3A_2360 = tpu.vector_load_idx %arg5[%parallel_loop3A_2305, %select_n3A_827] : memref<777x64xi32, #tpu.memory_space<vmem>>[vector<16xi32>, vector<16xi32>], vector<16xi32>,
          %parallel_loop3A_2361 = vector.bitcast %parallel_loop3A_2360 : vector<16xi32> to vector<32xbf16>
          %parallel_loop3A_2362 = tpu.unpack_subelements %parallel_loop3A_2361, 0 {pack_format = #tpu.pack_format<interleaved>} : vector<32xbf16> -> vector<16xf32>
          %parallel_loop3A_2363 = tpu.unpack_subelements %parallel_loop3A_2361, 1 {pack_format = #tpu.pack_format<interleaved>} : vector<32xbf16> -> vector<16xf32>
          %parallel_loop3A_2364 = arith.addf %parallel_loop3A_2289, %parallel_loop3A_2362 : vector<16xf32>
          %parallel_loop3A_2365 = arith.addf %parallel_loop3A_2290, %parallel_loop3A_2363 : vector<16xf32>
          %parallel_loop3A_2366 = tpu.vector_load_idx %arg5[%parallel_loop3A_2305, %select_n3A_852] : memref<777x64xi32, #tpu.memory_space<vmem>>[vector<16xi32>, vector<16xi32>], vector<16xi32>,
          %parallel_loop3A_2367 = vector.bitcast %parallel_loop3A_2366 : vector<16xi32> to vector<32xbf16>
          %parallel_loop3A_2368 = tpu.unpack_subelements %parallel_loop3A_2367, 0 {pack_format = #tpu.pack_format<interleaved>} : vector<32xbf16> -> vector<16xf32>
          %parallel_loop3A_2369 = tpu.unpack_subelements %parallel_loop3A_2367, 1 {pack_format = #tpu.pack_format<interleaved>} : vector<32xbf16> -> vector<16xf32>
          %parallel_loop3A_2370 = arith.addf %parallel_loop3A_2291, %parallel_loop3A_2368 : vector<16xf32>
          %parallel_loop3A_2371 = arith.addf %parallel_loop3A_2292, %parallel_loop3A_2369 : vector<16xf32>
          %parallel_loop3A_2372 = tpu.vector_load_idx %arg5[%parallel_loop3A_2305, %select_n3A_877] : memref<777x64xi32, #tpu.memory_space<vmem>>[vector<16xi32>, vector<16xi32>], vector<16xi32>,
          %parallel_loop3A_2373 = vector.bitcast %parallel_loop3A_2372 : vector<16xi32> to vector<32xbf16>
          %parallel_loop3A_2374 = tpu.unpack_subelements %parallel_loop3A_2373, 0 {pack_format = #tpu.pack_format<interleaved>} : vector<32xbf16> -> vector<16xf32>
          %parallel_loop3A_2375 = tpu.unpack_subelements %parallel_loop3A_2373, 1 {pack_format = #tpu.pack_format<interleaved>} : vector<32xbf16> -> vector<16xf32>
          %parallel_loop3A_2376 = arith.addf %parallel_loop3A_2293, %parallel_loop3A_2374 : vector<16xf32>
          %parallel_loop3A_2377 = arith.addf %parallel_loop3A_2294, %parallel_loop3A_2375 : vector<16xf32>
          %parallel_loop3A_2378 = tpu.vector_load_idx %arg5[%parallel_loop3A_2305, %select_n3A_902] : memref<777x64xi32, #tpu.memory_space<vmem>>[vector<16xi32>, vector<16xi32>], vector<16xi32>,
          %parallel_loop3A_2379 = vector.bitcast %parallel_loop3A_2378 : vector<16xi32> to vector<32xbf16>
          %parallel_loop3A_2380 = tpu.unpack_subelements %parallel_loop3A_2379, 0 {pack_format = #tpu.pack_format<interleaved>} : vector<32xbf16> -> vector<16xf32>
          %parallel_loop3A_2381 = tpu.unpack_subelements %parallel_loop3A_2379, 1 {pack_format = #tpu.pack_format<interleaved>} : vector<32xbf16> -> vector<16xf32>
          %parallel_loop3A_2382 = arith.addf %parallel_loop3A_2295, %parallel_loop3A_2380 : vector<16xf32>
          %parallel_loop3A_2383 = arith.addf %parallel_loop3A_2296, %parallel_loop3A_2381 : vector<16xf32>
          %parallel_loop3A_2384 = tpu.vector_load_idx %arg5[%parallel_loop3A_2305, %select_n3A_927] : memref<777x64xi32, #tpu.memory_space<vmem>>[vector<16xi32>, vector<16xi32>], vector<16xi32>,
          %parallel_loop3A_2385 = vector.bitcast %parallel_loop3A_2384 : vector<16xi32> to vector<32xbf16>
          %parallel_loop3A_2386 = tpu.unpack_subelements %parallel_loop3A_2385, 0 {pack_format = #tpu.pack_format<interleaved>} : vector<32xbf16> -> vector<16xf32>
          %parallel_loop3A_2387 = tpu.unpack_subelements %parallel_loop3A_2385, 1 {pack_format = #tpu.pack_format<interleaved>} : vector<32xbf16> -> vector<16xf32>
          %parallel_loop3A_2388 = arith.addf %parallel_loop3A_2297, %parallel_loop3A_2386 : vector<16xf32>
          %parallel_loop3A_2389 = arith.addf %parallel_loop3A_2298, %parallel_loop3A_2387 : vector<16xf32>
          %parallel_loop3A_2390 = tpu.vector_load_idx %arg5[%parallel_loop3A_2305, %select_n3A_952] : memref<777x64xi32, #tpu.memory_space<vmem>>[vector<16xi32>, vector<16xi32>], vector<16xi32>,
          %parallel_loop3A_2391 = vector.bitcast %parallel_loop3A_2390 : vector<16xi32> to vector<32xbf16>
          %parallel_loop3A_2392 = tpu.unpack_subelements %parallel_loop3A_2391, 0 {pack_format = #tpu.pack_format<interleaved>} : vector<32xbf16> -> vector<16xf32>
          %parallel_loop3A_2393 = tpu.unpack_subelements %parallel_loop3A_2391, 1 {pack_format = #tpu.pack_format<interleaved>} : vector<32xbf16> -> vector<16xf32>
          %parallel_loop3A_2394 = arith.addf %parallel_loop3A_2299, %parallel_loop3A_2392 : vector<16xf32>
          %parallel_loop3A_2395 = arith.addf %parallel_loop3A_2300, %parallel_loop3A_2393 : vector<16xf32>
          %parallel_loop3A_2396 = tpu.vector_load_idx %arg5[%parallel_loop3A_2305, %select_n3A_977] : memref<777x64xi32, #tpu.memory_space<vmem>>[vector<16xi32>, vector<16xi32>], vector<16xi32>,
          %parallel_loop3A_2397 = vector.bitcast %parallel_loop3A_2396 : vector<16xi32> to vector<32xbf16>
          %parallel_loop3A_2398 = tpu.unpack_subelements %parallel_loop3A_2397, 0 {pack_format = #tpu.pack_format<interleaved>} : vector<32xbf16> -> vector<16xf32>
          %parallel_loop3A_2399 = tpu.unpack_subelements %parallel_loop3A_2397, 1 {pack_format = #tpu.pack_format<interleaved>} : vector<32xbf16> -> vector<16xf32>
          %parallel_loop3A_2400 = arith.addf %parallel_loop3A_2301, %parallel_loop3A_2398 : vector<16xf32>
          %parallel_loop3A_2401 = arith.addf %parallel_loop3A_2302, %parallel_loop3A_2399 : vector<16xf32>
          scf.yield %parallel_loop3A_2310, %parallel_loop3A_2311, %parallel_loop3A_2316, %parallel_loop3A_2317, %parallel_loop3A_2322, %parallel_loop3A_2323, %parallel_loop3A_2328, %parallel_loop3A_2329, %parallel_loop3A_2334, %parallel_loop3A_2335, %parallel_loop3A_2340, %parallel_loop3A_2341, %parallel_loop3A_2346, %parallel_loop3A_2347, %parallel_loop3A_2352, %parallel_loop3A_2353, %parallel_loop3A_2358, %parallel_loop3A_2359, %parallel_loop3A_2364, %parallel_loop3A_2365, %parallel_loop3A_2370, %parallel_loop3A_2371, %parallel_loop3A_2376, %parallel_loop3A_2377, %parallel_loop3A_2382, %parallel_loop3A_2383, %parallel_loop3A_2388, %parallel_loop3A_2389, %parallel_loop3A_2394, %parallel_loop3A_2395, %parallel_loop3A_2400, %parallel_loop3A_2401 : vector<16xf32>, vector<16xf32>, vector<16xf32>, vector<16xf32>, vector<16xf32>, vector<16xf32>, vector<16xf32>, vector<16xf32>, vector<16xf32>, vector<16xf32>, vector<16xf32>, vector<16xf32>, vector<16xf32>, vector<16xf32>, vector<16xf32>, vector<16xf32>, vector<16xf32>, vector<16xf32>, vector<16xf32>, vector<16xf32>, vector<16xf32>, vector<16xf32>, vector<16xf32>, vector<16xf32>, vector<16xf32>, vector<16xf32>, vector<16xf32>, vector<16xf32>, vector<16xf32>, vector<16xf32>, vector<16xf32>, vector<16xf32>
        } {sc.loop_unroll_factor = 2 : i64, sc.parallel_access}
        %mul3A_1046 = arith.constant 2 : i32
        %mul3A_1047 = vector.broadcast %mul3A_1046 : i32 to vector<16xi32>
        %mul3A_1048 = arith.muli %select_n3A_602, %mul3A_1047 : vector<16xi32>
        tpu.vector_store_idx %arg7[%mul3A_1048, %add3A_22], %parallel_loop3A_1045#0 : memref<128x128xf32, #tpu.memory_space<vmem>>[vector<16xi32>, vector<16xi32>], vector<16xf32>,
        %add3A_1049 = arith.constant 1 : i32
        %add3A_1050 = vector.broadcast %add3A_1049 : i32 to vector<16xi32>
        %add3A_1051 = arith.addi %mul3A_1048, %add3A_1050 : vector<16xi32>
        tpu.vector_store_idx %arg7[%add3A_1051, %add3A_22], %parallel_loop3A_1045#1 : memref<128x128xf32, #tpu.memory_space<vmem>>[vector<16xi32>, vector<16xi32>], vector<16xf32>,
        %mul3A_1052 = arith.constant 2 : i32
        %mul3A_1053 = vector.broadcast %mul3A_1052 : i32 to vector<16xi32>
        %mul3A_1054 = arith.muli %select_n3A_627, %mul3A_1053 : vector<16xi32>
        tpu.vector_store_idx %arg7[%mul3A_1054, %add3A_22], %parallel_loop3A_1045#2 : memref<128x128xf32, #tpu.memory_space<vmem>>[vector<16xi32>, vector<16xi32>], vector<16xf32>,
        %add3A_1055 = arith.constant 1 : i32
        %add3A_1056 = vector.broadcast %add3A_1055 : i32 to vector<16xi32>
        %add3A_1057 = arith.addi %mul3A_1054, %add3A_1056 : vector<16xi32>
        tpu.vector_store_idx %arg7[%add3A_1057, %add3A_22], %parallel_loop3A_1045#3 : memref<128x128xf32, #tpu.memory_space<vmem>>[vector<16xi32>, vector<16xi32>], vector<16xf32>,
        %mul3A_1058 = arith.constant 2 : i32
        %mul3A_1059 = vector.broadcast %mul3A_1058 : i32 to vector<16xi32>
        %mul3A_1060 = arith.muli %select_n3A_652, %mul3A_1059 : vector<16xi32>
        tpu.vector_store_idx %arg7[%mul3A_1060, %add3A_22], %parallel_loop3A_1045#4 : memref<128x128xf32, #tpu.memory_space<vmem>>[vector<16xi32>, vector<16xi32>], vector<16xf32>,
        %add3A_1061 = arith.constant 1 : i32
        %add3A_1062 = vector.broadcast %add3A_1061 : i32 to vector<16xi32>
        %add3A_1063 = arith.addi %mul3A_1060, %add3A_1062 : vector<16xi32>
        tpu.vector_store_idx %arg7[%add3A_1063, %add3A_22], %parallel_loop3A_1045#5 : memref<128x128xf32, #tpu.memory_space<vmem>>[vector<16xi32>, vector<16xi32>], vector<16xf32>,
        %mul3A_1064 = arith.constant 2 : i32
        %mul3A_1065 = vector.broadcast %mul3A_1064 : i32 to vector<16xi32>
        %mul3A_1066 = arith.muli %select_n3A_677, %mul3A_1065 : vector<16xi32>
        tpu.vector_store_idx %arg7[%mul3A_1066, %add3A_22], %parallel_loop3A_1045#6 : memref<128x128xf32, #tpu.memory_space<vmem>>[vector<16xi32>, vector<16xi32>], vector<16xf32>,
        %add3A_1067 = arith.constant 1 : i32
        %add3A_1068 = vector.broadcast %add3A_1067 : i32 to vector<16xi32>
        %add3A_1069 = arith.addi %mul3A_1066, %add3A_1068 : vector<16xi32>
        tpu.vector_store_idx %arg7[%add3A_1069, %add3A_22], %parallel_loop3A_1045#7 : memref<128x128xf32, #tpu.memory_space<vmem>>[vector<16xi32>, vector<16xi32>], vector<16xf32>,
        %mul3A_1070 = arith.constant 2 : i32
        %mul3A_1071 = vector.broadcast %mul3A_1070 : i32 to vector<16xi32>
        %mul3A_1072 = arith.muli %select_n3A_702, %mul3A_1071 : vector<16xi32>
        tpu.vector_store_idx %arg7[%mul3A_1072, %add3A_22], %parallel_loop3A_1045#8 : memref<128x128xf32, #tpu.memory_space<vmem>>[vector<16xi32>, vector<16xi32>], vector<16xf32>,
        %add3A_1073 = arith.constant 1 : i32
        %add3A_1074 = vector.broadcast %add3A_1073 : i32 to vector<16xi32>
        %add3A_1075 = arith.addi %mul3A_1072, %add3A_1074 : vector<16xi32>
        tpu.vector_store_idx %arg7[%add3A_1075, %add3A_22], %parallel_loop3A_1045#9 : memref<128x128xf32, #tpu.memory_space<vmem>>[vector<16xi32>, vector<16xi32>], vector<16xf32>,
        %mul3A_1076 = arith.constant 2 : i32
        %mul3A_1077 = vector.broadcast %mul3A_1076 : i32 to vector<16xi32>
        %mul3A_1078 = arith.muli %select_n3A_727, %mul3A_1077 : vector<16xi32>
        tpu.vector_store_idx %arg7[%mul3A_1078, %add3A_22], %parallel_loop3A_1045#10 : memref<128x128xf32, #tpu.memory_space<vmem>>[vector<16xi32>, vector<16xi32>], vector<16xf32>,
        %add3A_1079 = arith.constant 1 : i32
        %add3A_1080 = vector.broadcast %add3A_1079 : i32 to vector<16xi32>
        %add3A_1081 = arith.addi %mul3A_1078, %add3A_1080 : vector<16xi32>
        tpu.vector_store_idx %arg7[%add3A_1081, %add3A_22], %parallel_loop3A_1045#11 : memref<128x128xf32, #tpu.memory_space<vmem>>[vector<16xi32>, vector<16xi32>], vector<16xf32>,
        %mul3A_1082 = arith.constant 2 : i32
        %mul3A_1083 = vector.broadcast %mul3A_1082 : i32 to vector<16xi32>
        %mul3A_1084 = arith.muli %select_n3A_752, %mul3A_1083 : vector<16xi32>
        tpu.vector_store_idx %arg7[%mul3A_1084, %add3A_22], %parallel_loop3A_1045#12 : memref<128x128xf32, #tpu.memory_space<vmem>>[vector<16xi32>, vector<16xi32>], vector<16xf32>,
        %add3A_1085 = arith.constant 1 : i32
        %add3A_1086 = vector.broadcast %add3A_1085 : i32 to vector<16xi32>
        %add3A_1087 = arith.addi %mul3A_1084, %add3A_1086 : vector<16xi32>
        tpu.vector_store_idx %arg7[%add3A_1087, %add3A_22], %parallel_loop3A_1045#13 : memref<128x128xf32, #tpu.memory_space<vmem>>[vector<16xi32>, vector<16xi32>], vector<16xf32>,
        %mul3A_1088 = arith.constant 2 : i32
        %mul3A_1089 = vector.broadcast %mul3A_1088 : i32 to vector<16xi32>
        %mul3A_1090 = arith.muli %select_n3A_777, %mul3A_1089 : vector<16xi32>
        tpu.vector_store_idx %arg7[%mul3A_1090, %add3A_22], %parallel_loop3A_1045#14 : memref<128x128xf32, #tpu.memory_space<vmem>>[vector<16xi32>, vector<16xi32>], vector<16xf32>,
        %add3A_1091 = arith.constant 1 : i32
        %add3A_1092 = vector.broadcast %add3A_1091 : i32 to vector<16xi32>
        %add3A_1093 = arith.addi %mul3A_1090, %add3A_1092 : vector<16xi32>
        tpu.vector_store_idx %arg7[%add3A_1093, %add3A_22], %parallel_loop3A_1045#15 : memref<128x128xf32, #tpu.memory_space<vmem>>[vector<16xi32>, vector<16xi32>], vector<16xf32>,
        %mul3A_1094 = arith.constant 2 : i32
        %mul3A_1095 = vector.broadcast %mul3A_1094 : i32 to vector<16xi32>
        %mul3A_1096 = arith.muli %select_n3A_802, %mul3A_1095 : vector<16xi32>
        tpu.vector_store_idx %arg7[%mul3A_1096, %add3A_22], %parallel_loop3A_1045#16 : memref<128x128xf32, #tpu.memory_space<vmem>>[vector<16xi32>, vector<16xi32>], vector<16xf32>,
        %add3A_1097 = arith.constant 1 : i32
        %add3A_1098 = vector.broadcast %add3A_1097 : i32 to vector<16xi32>
        %add3A_1099 = arith.addi %mul3A_1096, %add3A_1098 : vector<16xi32>
        tpu.vector_store_idx %arg7[%add3A_1099, %add3A_22], %parallel_loop3A_1045#17 : memref<128x128xf32, #tpu.memory_space<vmem>>[vector<16xi32>, vector<16xi32>], vector<16xf32>,
        %mul3A_1100 = arith.constant 2 : i32
        %mul3A_1101 = vector.broadcast %mul3A_1100 : i32 to vector<16xi32>
        %mul3A_1102 = arith.muli %select_n3A_827, %mul3A_1101 : vector<16xi32>
        tpu.vector_store_idx %arg7[%mul3A_1102, %add3A_22], %parallel_loop3A_1045#18 : memref<128x128xf32, #tpu.memory_space<vmem>>[vector<16xi32>, vector<16xi32>], vector<16xf32>,
        %add3A_1103 = arith.constant 1 : i32
        %add3A_1104 = vector.broadcast %add3A_1103 : i32 to vector<16xi32>
        %add3A_1105 = arith.addi %mul3A_1102, %add3A_1104 : vector<16xi32>
        tpu.vector_store_idx %arg7[%add3A_1105, %add3A_22], %parallel_loop3A_1045#19 : memref<128x128xf32, #tpu.memory_space<vmem>>[vector<16xi32>, vector<16xi32>], vector<16xf32>,
        %mul3A_1106 = arith.constant 2 : i32
        %mul3A_1107 = vector.broadcast %mul3A_1106 : i32 to vector<16xi32>
        %mul3A_1108 = arith.muli %select_n3A_852, %mul3A_1107 : vector<16xi32>
        tpu.vector_store_idx %arg7[%mul3A_1108, %add3A_22], %parallel_loop3A_1045#20 : memref<128x128xf32, #tpu.memory_space<vmem>>[vector<16xi32>, vector<16xi32>], vector<16xf32>,
        %add3A_1109 = arith.constant 1 : i32
        %add3A_1110 = vector.broadcast %add3A_1109 : i32 to vector<16xi32>
        %add3A_1111 = arith.addi %mul3A_1108, %add3A_1110 : vector<16xi32>
        tpu.vector_store_idx %arg7[%add3A_1111, %add3A_22], %parallel_loop3A_1045#21 : memref<128x128xf32, #tpu.memory_space<vmem>>[vector<16xi32>, vector<16xi32>], vector<16xf32>,
        %mul3A_1112 = arith.constant 2 : i32
        %mul3A_1113 = vector.broadcast %mul3A_1112 : i32 to vector<16xi32>
        %mul3A_1114 = arith.muli %select_n3A_877, %mul3A_1113 : vector<16xi32>
        tpu.vector_store_idx %arg7[%mul3A_1114, %add3A_22], %parallel_loop3A_1045#22 : memref<128x128xf32, #tpu.memory_space<vmem>>[vector<16xi32>, vector<16xi32>], vector<16xf32>,
        %add3A_1115 = arith.constant 1 : i32
        %add3A_1116 = vector.broadcast %add3A_1115 : i32 to vector<16xi32>
        %add3A_1117 = arith.addi %mul3A_1114, %add3A_1116 : vector<16xi32>
        tpu.vector_store_idx %arg7[%add3A_1117, %add3A_22], %parallel_loop3A_1045#23 : memref<128x128xf32, #tpu.memory_space<vmem>>[vector<16xi32>, vector<16xi32>], vector<16xf32>,
        %mul3A_1118 = arith.constant 2 : i32
        %mul3A_1119 = vector.broadcast %mul3A_1118 : i32 to vector<16xi32>
        %mul3A_1120 = arith.muli %select_n3A_902, %mul3A_1119 : vector<16xi32>
        tpu.vector_store_idx %arg7[%mul3A_1120, %add3A_22], %parallel_loop3A_1045#24 : memref<128x128xf32, #tpu.memory_space<vmem>>[vector<16xi32>, vector<16xi32>], vector<16xf32>,
        %add3A_1121 = arith.constant 1 : i32
        %add3A_1122 = vector.broadcast %add3A_1121 : i32 to vector<16xi32>
        %add3A_1123 = arith.addi %mul3A_1120, %add3A_1122 : vector<16xi32>
        tpu.vector_store_idx %arg7[%add3A_1123, %add3A_22], %parallel_loop3A_1045#25 : memref<128x128xf32, #tpu.memory_space<vmem>>[vector<16xi32>, vector<16xi32>], vector<16xf32>,
        %mul3A_1124 = arith.constant 2 : i32
        %mul3A_1125 = vector.broadcast %mul3A_1124 : i32 to vector<16xi32>
        %mul3A_1126 = arith.muli %select_n3A_927, %mul3A_1125 : vector<16xi32>
        tpu.vector_store_idx %arg7[%mul3A_1126, %add3A_22], %parallel_loop3A_1045#26 : memref<128x128xf32, #tpu.memory_space<vmem>>[vector<16xi32>, vector<16xi32>], vector<16xf32>,
        %add3A_1127 = arith.constant 1 : i32
        %add3A_1128 = vector.broadcast %add3A_1127 : i32 to vector<16xi32>
        %add3A_1129 = arith.addi %mul3A_1126, %add3A_1128 : vector<16xi32>
        tpu.vector_store_idx %arg7[%add3A_1129, %add3A_22], %parallel_loop3A_1045#27 : memref<128x128xf32, #tpu.memory_space<vmem>>[vector<16xi32>, vector<16xi32>], vector<16xf32>,
        %mul3A_1130 = arith.constant 2 : i32
        %mul3A_1131 = vector.broadcast %mul3A_1130 : i32 to vector<16xi32>
        %mul3A_1132 = arith.muli %select_n3A_952, %mul3A_1131 : vector<16xi32>
        tpu.vector_store_idx %arg7[%mul3A_1132, %add3A_22], %parallel_loop3A_1045#28 : memref<128x128xf32, #tpu.memory_space<vmem>>[vector<16xi32>, vector<16xi32>], vector<16xf32>,
        %add3A_1133 = arith.constant 1 : i32
        %add3A_1134 = vector.broadcast %add3A_1133 : i32 to vector<16xi32>
        %add3A_1135 = arith.addi %mul3A_1132, %add3A_1134 : vector<16xi32>
        tpu.vector_store_idx %arg7[%add3A_1135, %add3A_22], %parallel_loop3A_1045#29 : memref<128x128xf32, #tpu.memory_space<vmem>>[vector<16xi32>, vector<16xi32>], vector<16xf32>,
        %mul3A_1136 = arith.constant 2 : i32
        %mul3A_1137 = vector.broadcast %mul3A_1136 : i32 to vector<16xi32>
        %mul3A_1138 = arith.muli %select_n3A_977, %mul3A_1137 : vector<16xi32>
        tpu.vector_store_idx %arg7[%mul3A_1138, %add3A_22], %parallel_loop3A_1045#30 : memref<128x128xf32, #tpu.memory_space<vmem>>[vector<16xi32>, vector<16xi32>], vector<16xf32>,
        %add3A_1139 = arith.constant 1 : i32
        %add3A_1140 = vector.broadcast %add3A_1139 : i32 to vector<16xi32>
        %add3A_1141 = arith.addi %mul3A_1138, %add3A_1140 : vector<16xi32>
        tpu.vector_store_idx %arg7[%add3A_1141, %add3A_22], %parallel_loop3A_1045#31 : memref<128x128xf32, #tpu.memory_space<vmem>>[vector<16xi32>, vector<16xi32>], vector<16xf32>,
        %add3A_1142 = arith.constant 32 : i32
        %add3A_1143 = vector.broadcast %add3A_1142 : i32 to vector<16xi32>
        %add3A_1144 = arith.addi %iota3A, %add3A_1143 : vector<16xi32>
        %jit3A_1145 = arith.constant 64 : i32
        %eq3A_1146 = arith.constant 0 : i32
        %eq3A_1147 = arith.cmpi eq, %jit3A_1145, %eq3A_1146 : i32
        %jit3A_1148 = arith.constant 1 : i32
        %select_n3A_1149 = arith.select %eq3A_1147, %jit3A_1148, %jit3A_1145 : i32
        %rem3A_1150 = vector.broadcast %select_n3A_1149 : i32 to vector<16xi32>
        %rem3A_1151 = arith.remsi %add3A_1144, %rem3A_1150 : vector<16xi32>
        %ne3A_1152 = arith.constant 0 : i32
        %ne3A_1153 = vector.broadcast %ne3A_1152 : i32 to vector<16xi32>
        %ne3A_1154 = arith.cmpi ne, %rem3A_1151, %ne3A_1153 : vector<16xi32>
        %lt3A_1155 = arith.constant 0 : i32
        %lt3A_1156 = vector.broadcast %lt3A_1155 : i32 to vector<16xi32>
        %lt3A_1157 = arith.cmpi slt, %rem3A_1151, %lt3A_1156 : vector<16xi32>
        %lt3A_1158 = arith.constant 0 : i32
        %lt3A_1159 = arith.cmpi slt, %select_n3A_1149, %lt3A_1158 : i32
        %ne3A_1160 = vector.broadcast %lt3A_1159 : i1 to vector<16xi1>
        %ne3A_1161 = vector.broadcast %ne3A_1160 : vector<16xi1> to vector<16xi1>
        %ne3A_1162 = arith.xori %lt3A_1157, %ne3A_1161 : vector<16xi1>
        %and3A_1163 = arith.andi %ne3A_1162, %ne3A_1154 : vector<16xi1>
        %add3A_1164 = vector.broadcast %select_n3A_1149 : i32 to vector<16xi32>
        %add3A_1165 = arith.addi %rem3A_1151, %add3A_1164 : vector<16xi32>
        %select_n3A_1166 = arith.select %and3A_1163, %add3A_1165, %rem3A_1151 : vector<16xi1>, vector<16xi32>
        %add3A_1167 = arith.constant 33 : i32
        %add3A_1168 = vector.broadcast %add3A_1167 : i32 to vector<16xi32>
        %add3A_1169 = arith.addi %iota3A, %add3A_1168 : vector<16xi32>
        %jit3A_1170 = arith.constant 64 : i32
        %eq3A_1171 = arith.constant 0 : i32
        %eq3A_1172 = arith.cmpi eq, %jit3A_1170, %eq3A_1171 : i32
        %jit3A_1173 = arith.constant 1 : i32
        %select_n3A_1174 = arith.select %eq3A_1172, %jit3A_1173, %jit3A_1170 : i32
        %rem3A_1175 = vector.broadcast %select_n3A_1174 : i32 to vector<16xi32>
        %rem3A_1176 = arith.remsi %add3A_1169, %rem3A_1175 : vector<16xi32>
        %ne3A_1177 = arith.constant 0 : i32
        %ne3A_1178 = vector.broadcast %ne3A_1177 : i32 to vector<16xi32>
        %ne3A_1179 = arith.cmpi ne, %rem3A_1176, %ne3A_1178 : vector<16xi32>
        %lt3A_1180 = arith.constant 0 : i32
        %lt3A_1181 = vector.broadcast %lt3A_1180 : i32 to vector<16xi32>
        %lt3A_1182 = arith.cmpi slt, %rem3A_1176, %lt3A_1181 : vector<16xi32>
        %lt3A_1183 = arith.constant 0 : i32
        %lt3A_1184 = arith.cmpi slt, %select_n3A_1174, %lt3A_1183 : i32
        %ne3A_1185 = vector.broadcast %lt3A_1184 : i1 to vector<16xi1>
        %ne3A_1186 = vector.broadcast %ne3A_1185 : vector<16xi1> to vector<16xi1>
        %ne3A_1187 = arith.xori %lt3A_1182, %ne3A_1186 : vector<16xi1>
        %and3A_1188 = arith.andi %ne3A_1187, %ne3A_1179 : vector<16xi1>
        %add3A_1189 = vector.broadcast %select_n3A_1174 : i32 to vector<16xi32>
        %add3A_1190 = arith.addi %rem3A_1176, %add3A_1189 : vector<16xi32>
        %select_n3A_1191 = arith.select %and3A_1188, %add3A_1190, %rem3A_1176 : vector<16xi1>, vector<16xi32>
        %add3A_1192 = arith.constant 34 : i32
        %add3A_1193 = vector.broadcast %add3A_1192 : i32 to vector<16xi32>
        %add3A_1194 = arith.addi %iota3A, %add3A_1193 : vector<16xi32>
        %jit3A_1195 = arith.constant 64 : i32
        %eq3A_1196 = arith.constant 0 : i32
        %eq3A_1197 = arith.cmpi eq, %jit3A_1195, %eq3A_1196 : i32
        %jit3A_1198 = arith.constant 1 : i32
        %select_n3A_1199 = arith.select %eq3A_1197, %jit3A_1198, %jit3A_1195 : i32
        %rem3A_1200 = vector.broadcast %select_n3A_1199 : i32 to vector<16xi32>
        %rem3A_1201 = arith.remsi %add3A_1194, %rem3A_1200 : vector<16xi32>
        %ne3A_1202 = arith.constant 0 : i32
        %ne3A_1203 = vector.broadcast %ne3A_1202 : i32 to vector<16xi32>
        %ne3A_1204 = arith.cmpi ne, %rem3A_1201, %ne3A_1203 : vector<16xi32>
        %lt3A_1205 = arith.constant 0 : i32
        %lt3A_1206 = vector.broadcast %lt3A_1205 : i32 to vector<16xi32>
        %lt3A_1207 = arith.cmpi slt, %rem3A_1201, %lt3A_1206 : vector<16xi32>
        %lt3A_1208 = arith.constant 0 : i32
        %lt3A_1209 = arith.cmpi slt, %select_n3A_1199, %lt3A_1208 : i32
        %ne3A_1210 = vector.broadcast %lt3A_1209 : i1 to vector<16xi1>
        %ne3A_1211 = vector.broadcast %ne3A_1210 : vector<16xi1> to vector<16xi1>
        %ne3A_1212 = arith.xori %lt3A_1207, %ne3A_1211 : vector<16xi1>
        %and3A_1213 = arith.andi %ne3A_1212, %ne3A_1204 : vector<16xi1>
        %add3A_1214 = vector.broadcast %select_n3A_1199 : i32 to vector<16xi32>
        %add3A_1215 = arith.addi %rem3A_1201, %add3A_1214 : vector<16xi32>
        %select_n3A_1216 = arith.select %and3A_1213, %add3A_1215, %rem3A_1201 : vector<16xi1>, vector<16xi32>
        %add3A_1217 = arith.constant 35 : i32
        %add3A_1218 = vector.broadcast %add3A_1217 : i32 to vector<16xi32>
        %add3A_1219 = arith.addi %iota3A, %add3A_1218 : vector<16xi32>
        %jit3A_1220 = arith.constant 64 : i32
        %eq3A_1221 = arith.constant 0 : i32
        %eq3A_1222 = arith.cmpi eq, %jit3A_1220, %eq3A_1221 : i32
        %jit3A_1223 = arith.constant 1 : i32
        %select_n3A_1224 = arith.select %eq3A_1222, %jit3A_1223, %jit3A_1220 : i32
        %rem3A_1225 = vector.broadcast %select_n3A_1224 : i32 to vector<16xi32>
        %rem3A_1226 = arith.remsi %add3A_1219, %rem3A_1225 : vector<16xi32>
        %ne3A_1227 = arith.constant 0 : i32
        %ne3A_1228 = vector.broadcast %ne3A_1227 : i32 to vector<16xi32>
        %ne3A_1229 = arith.cmpi ne, %rem3A_1226, %ne3A_1228 : vector<16xi32>
        %lt3A_1230 = arith.constant 0 : i32
        %lt3A_1231 = vector.broadcast %lt3A_1230 : i32 to vector<16xi32>
        %lt3A_1232 = arith.cmpi slt, %rem3A_1226, %lt3A_1231 : vector<16xi32>
        %lt3A_1233 = arith.constant 0 : i32
        %lt3A_1234 = arith.cmpi slt, %select_n3A_1224, %lt3A_1233 : i32
        %ne3A_1235 = vector.broadcast %lt3A_1234 : i1 to vector<16xi1>
        %ne3A_1236 = vector.broadcast %ne3A_1235 : vector<16xi1> to vector<16xi1>
        %ne3A_1237 = arith.xori %lt3A_1232, %ne3A_1236 : vector<16xi1>
        %and3A_1238 = arith.andi %ne3A_1237, %ne3A_1229 : vector<16xi1>
        %add3A_1239 = vector.broadcast %select_n3A_1224 : i32 to vector<16xi32>
        %add3A_1240 = arith.addi %rem3A_1226, %add3A_1239 : vector<16xi32>
        %select_n3A_1241 = arith.select %and3A_1238, %add3A_1240, %rem3A_1226 : vector<16xi1>, vector<16xi32>
        %add3A_1242 = arith.constant 36 : i32
        %add3A_1243 = vector.broadcast %add3A_1242 : i32 to vector<16xi32>
        %add3A_1244 = arith.addi %iota3A, %add3A_1243 : vector<16xi32>
        %jit3A_1245 = arith.constant 64 : i32
        %eq3A_1246 = arith.constant 0 : i32
        %eq3A_1247 = arith.cmpi eq, %jit3A_1245, %eq3A_1246 : i32
        %jit3A_1248 = arith.constant 1 : i32
        %select_n3A_1249 = arith.select %eq3A_1247, %jit3A_1248, %jit3A_1245 : i32
        %rem3A_1250 = vector.broadcast %select_n3A_1249 : i32 to vector<16xi32>
        %rem3A_1251 = arith.remsi %add3A_1244, %rem3A_1250 : vector<16xi32>
        %ne3A_1252 = arith.constant 0 : i32
        %ne3A_1253 = vector.broadcast %ne3A_1252 : i32 to vector<16xi32>
        %ne3A_1254 = arith.cmpi ne, %rem3A_1251, %ne3A_1253 : vector<16xi32>
        %lt3A_1255 = arith.constant 0 : i32
        %lt3A_1256 = vector.broadcast %lt3A_1255 : i32 to vector<16xi32>
        %lt3A_1257 = arith.cmpi slt, %rem3A_1251, %lt3A_1256 : vector<16xi32>
        %lt3A_1258 = arith.constant 0 : i32
        %lt3A_1259 = arith.cmpi slt, %select_n3A_1249, %lt3A_1258 : i32
        %ne3A_1260 = vector.broadcast %lt3A_1259 : i1 to vector<16xi1>
        %ne3A_1261 = vector.broadcast %ne3A_1260 : vector<16xi1> to vector<16xi1>
        %ne3A_1262 = arith.xori %lt3A_1257, %ne3A_1261 : vector<16xi1>
        %and3A_1263 = arith.andi %ne3A_1262, %ne3A_1254 : vector<16xi1>
        %add3A_1264 = vector.broadcast %select_n3A_1249 : i32 to vector<16xi32>
        %add3A_1265 = arith.addi %rem3A_1251, %add3A_1264 : vector<16xi32>
        %select_n3A_1266 = arith.select %and3A_1263, %add3A_1265, %rem3A_1251 : vector<16xi1>, vector<16xi32>
        %add3A_1267 = arith.constant 37 : i32
        %add3A_1268 = vector.broadcast %add3A_1267 : i32 to vector<16xi32>
        %add3A_1269 = arith.addi %iota3A, %add3A_1268 : vector<16xi32>
        %jit3A_1270 = arith.constant 64 : i32
        %eq3A_1271 = arith.constant 0 : i32
        %eq3A_1272 = arith.cmpi eq, %jit3A_1270, %eq3A_1271 : i32
        %jit3A_1273 = arith.constant 1 : i32
        %select_n3A_1274 = arith.select %eq3A_1272, %jit3A_1273, %jit3A_1270 : i32
        %rem3A_1275 = vector.broadcast %select_n3A_1274 : i32 to vector<16xi32>
        %rem3A_1276 = arith.remsi %add3A_1269, %rem3A_1275 : vector<16xi32>
        %ne3A_1277 = arith.constant 0 : i32
        %ne3A_1278 = vector.broadcast %ne3A_1277 : i32 to vector<16xi32>
        %ne3A_1279 = arith.cmpi ne, %rem3A_1276, %ne3A_1278 : vector<16xi32>
        %lt3A_1280 = arith.constant 0 : i32
        %lt3A_1281 = vector.broadcast %lt3A_1280 : i32 to vector<16xi32>
        %lt3A_1282 = arith.cmpi slt, %rem3A_1276, %lt3A_1281 : vector<16xi32>
        %lt3A_1283 = arith.constant 0 : i32
        %lt3A_1284 = arith.cmpi slt, %select_n3A_1274, %lt3A_1283 : i32
        %ne3A_1285 = vector.broadcast %lt3A_1284 : i1 to vector<16xi1>
        %ne3A_1286 = vector.broadcast %ne3A_1285 : vector<16xi1> to vector<16xi1>
        %ne3A_1287 = arith.xori %lt3A_1282, %ne3A_1286 : vector<16xi1>
        %and3A_1288 = arith.andi %ne3A_1287, %ne3A_1279 : vector<16xi1>
        %add3A_1289 = vector.broadcast %select_n3A_1274 : i32 to vector<16xi32>
        %add3A_1290 = arith.addi %rem3A_1276, %add3A_1289 : vector<16xi32>
        %select_n3A_1291 = arith.select %and3A_1288, %add3A_1290, %rem3A_1276 : vector<16xi1>, vector<16xi32>
        %add3A_1292 = arith.constant 38 : i32
        %add3A_1293 = vector.broadcast %add3A_1292 : i32 to vector<16xi32>
        %add3A_1294 = arith.addi %iota3A, %add3A_1293 : vector<16xi32>
        %jit3A_1295 = arith.constant 64 : i32
        %eq3A_1296 = arith.constant 0 : i32
        %eq3A_1297 = arith.cmpi eq, %jit3A_1295, %eq3A_1296 : i32
        %jit3A_1298 = arith.constant 1 : i32
        %select_n3A_1299 = arith.select %eq3A_1297, %jit3A_1298, %jit3A_1295 : i32
        %rem3A_1300 = vector.broadcast %select_n3A_1299 : i32 to vector<16xi32>
        %rem3A_1301 = arith.remsi %add3A_1294, %rem3A_1300 : vector<16xi32>
        %ne3A_1302 = arith.constant 0 : i32
        %ne3A_1303 = vector.broadcast %ne3A_1302 : i32 to vector<16xi32>
        %ne3A_1304 = arith.cmpi ne, %rem3A_1301, %ne3A_1303 : vector<16xi32>
        %lt3A_1305 = arith.constant 0 : i32
        %lt3A_1306 = vector.broadcast %lt3A_1305 : i32 to vector<16xi32>
        %lt3A_1307 = arith.cmpi slt, %rem3A_1301, %lt3A_1306 : vector<16xi32>
        %lt3A_1308 = arith.constant 0 : i32
        %lt3A_1309 = arith.cmpi slt, %select_n3A_1299, %lt3A_1308 : i32
        %ne3A_1310 = vector.broadcast %lt3A_1309 : i1 to vector<16xi1>
        %ne3A_1311 = vector.broadcast %ne3A_1310 : vector<16xi1> to vector<16xi1>
        %ne3A_1312 = arith.xori %lt3A_1307, %ne3A_1311 : vector<16xi1>
        %and3A_1313 = arith.andi %ne3A_1312, %ne3A_1304 : vector<16xi1>
        %add3A_1314 = vector.broadcast %select_n3A_1299 : i32 to vector<16xi32>
        %add3A_1315 = arith.addi %rem3A_1301, %add3A_1314 : vector<16xi32>
        %select_n3A_1316 = arith.select %and3A_1313, %add3A_1315, %rem3A_1301 : vector<16xi1>, vector<16xi32>
        %add3A_1317 = arith.constant 39 : i32
        %add3A_1318 = vector.broadcast %add3A_1317 : i32 to vector<16xi32>
        %add3A_1319 = arith.addi %iota3A, %add3A_1318 : vector<16xi32>
        %jit3A_1320 = arith.constant 64 : i32
        %eq3A_1321 = arith.constant 0 : i32
        %eq3A_1322 = arith.cmpi eq, %jit3A_1320, %eq3A_1321 : i32
        %jit3A_1323 = arith.constant 1 : i32
        %select_n3A_1324 = arith.select %eq3A_1322, %jit3A_1323, %jit3A_1320 : i32
        %rem3A_1325 = vector.broadcast %select_n3A_1324 : i32 to vector<16xi32>
        %rem3A_1326 = arith.remsi %add3A_1319, %rem3A_1325 : vector<16xi32>
        %ne3A_1327 = arith.constant 0 : i32
        %ne3A_1328 = vector.broadcast %ne3A_1327 : i32 to vector<16xi32>
        %ne3A_1329 = arith.cmpi ne, %rem3A_1326, %ne3A_1328 : vector<16xi32>
        %lt3A_1330 = arith.constant 0 : i32
        %lt3A_1331 = vector.broadcast %lt3A_1330 : i32 to vector<16xi32>
        %lt3A_1332 = arith.cmpi slt, %rem3A_1326, %lt3A_1331 : vector<16xi32>
        %lt3A_1333 = arith.constant 0 : i32
        %lt3A_1334 = arith.cmpi slt, %select_n3A_1324, %lt3A_1333 : i32
        %ne3A_1335 = vector.broadcast %lt3A_1334 : i1 to vector<16xi1>
        %ne3A_1336 = vector.broadcast %ne3A_1335 : vector<16xi1> to vector<16xi1>
        %ne3A_1337 = arith.xori %lt3A_1332, %ne3A_1336 : vector<16xi1>
        %and3A_1338 = arith.andi %ne3A_1337, %ne3A_1329 : vector<16xi1>
        %add3A_1339 = vector.broadcast %select_n3A_1324 : i32 to vector<16xi32>
        %add3A_1340 = arith.addi %rem3A_1326, %add3A_1339 : vector<16xi32>
        %select_n3A_1341 = arith.select %and3A_1338, %add3A_1340, %rem3A_1326 : vector<16xi1>, vector<16xi32>
        %add3A_1342 = arith.constant 40 : i32
        %add3A_1343 = vector.broadcast %add3A_1342 : i32 to vector<16xi32>
        %add3A_1344 = arith.addi %iota3A, %add3A_1343 : vector<16xi32>
        %jit3A_1345 = arith.constant 64 : i32
        %eq3A_1346 = arith.constant 0 : i32
        %eq3A_1347 = arith.cmpi eq, %jit3A_1345, %eq3A_1346 : i32
        %jit3A_1348 = arith.constant 1 : i32
        %select_n3A_1349 = arith.select %eq3A_1347, %jit3A_1348, %jit3A_1345 : i32
        %rem3A_1350 = vector.broadcast %select_n3A_1349 : i32 to vector<16xi32>
        %rem3A_1351 = arith.remsi %add3A_1344, %rem3A_1350 : vector<16xi32>
        %ne3A_1352 = arith.constant 0 : i32
        %ne3A_1353 = vector.broadcast %ne3A_1352 : i32 to vector<16xi32>
        %ne3A_1354 = arith.cmpi ne, %rem3A_1351, %ne3A_1353 : vector<16xi32>
        %lt3A_1355 = arith.constant 0 : i32
        %lt3A_1356 = vector.broadcast %lt3A_1355 : i32 to vector<16xi32>
        %lt3A_1357 = arith.cmpi slt, %rem3A_1351, %lt3A_1356 : vector<16xi32>
        %lt3A_1358 = arith.constant 0 : i32
        %lt3A_1359 = arith.cmpi slt, %select_n3A_1349, %lt3A_1358 : i32
        %ne3A_1360 = vector.broadcast %lt3A_1359 : i1 to vector<16xi1>
        %ne3A_1361 = vector.broadcast %ne3A_1360 : vector<16xi1> to vector<16xi1>
        %ne3A_1362 = arith.xori %lt3A_1357, %ne3A_1361 : vector<16xi1>
        %and3A_1363 = arith.andi %ne3A_1362, %ne3A_1354 : vector<16xi1>
        %add3A_1364 = vector.broadcast %select_n3A_1349 : i32 to vector<16xi32>
        %add3A_1365 = arith.addi %rem3A_1351, %add3A_1364 : vector<16xi32>
        %select_n3A_1366 = arith.select %and3A_1363, %add3A_1365, %rem3A_1351 : vector<16xi1>, vector<16xi32>
        %add3A_1367 = arith.constant 41 : i32
        %add3A_1368 = vector.broadcast %add3A_1367 : i32 to vector<16xi32>
        %add3A_1369 = arith.addi %iota3A, %add3A_1368 : vector<16xi32>
        %jit3A_1370 = arith.constant 64 : i32
        %eq3A_1371 = arith.constant 0 : i32
        %eq3A_1372 = arith.cmpi eq, %jit3A_1370, %eq3A_1371 : i32
        %jit3A_1373 = arith.constant 1 : i32
        %select_n3A_1374 = arith.select %eq3A_1372, %jit3A_1373, %jit3A_1370 : i32
        %rem3A_1375 = vector.broadcast %select_n3A_1374 : i32 to vector<16xi32>
        %rem3A_1376 = arith.remsi %add3A_1369, %rem3A_1375 : vector<16xi32>
        %ne3A_1377 = arith.constant 0 : i32
        %ne3A_1378 = vector.broadcast %ne3A_1377 : i32 to vector<16xi32>
        %ne3A_1379 = arith.cmpi ne, %rem3A_1376, %ne3A_1378 : vector<16xi32>
        %lt3A_1380 = arith.constant 0 : i32
        %lt3A_1381 = vector.broadcast %lt3A_1380 : i32 to vector<16xi32>
        %lt3A_1382 = arith.cmpi slt, %rem3A_1376, %lt3A_1381 : vector<16xi32>
        %lt3A_1383 = arith.constant 0 : i32
        %lt3A_1384 = arith.cmpi slt, %select_n3A_1374, %lt3A_1383 : i32
        %ne3A_1385 = vector.broadcast %lt3A_1384 : i1 to vector<16xi1>
        %ne3A_1386 = vector.broadcast %ne3A_1385 : vector<16xi1> to vector<16xi1>
        %ne3A_1387 = arith.xori %lt3A_1382, %ne3A_1386 : vector<16xi1>
        %and3A_1388 = arith.andi %ne3A_1387, %ne3A_1379 : vector<16xi1>
        %add3A_1389 = vector.broadcast %select_n3A_1374 : i32 to vector<16xi32>
        %add3A_1390 = arith.addi %rem3A_1376, %add3A_1389 : vector<16xi32>
        %select_n3A_1391 = arith.select %and3A_1388, %add3A_1390, %rem3A_1376 : vector<16xi1>, vector<16xi32>
        %add3A_1392 = arith.constant 42 : i32
        %add3A_1393 = vector.broadcast %add3A_1392 : i32 to vector<16xi32>
        %add3A_1394 = arith.addi %iota3A, %add3A_1393 : vector<16xi32>
        %jit3A_1395 = arith.constant 64 : i32
        %eq3A_1396 = arith.constant 0 : i32
        %eq3A_1397 = arith.cmpi eq, %jit3A_1395, %eq3A_1396 : i32
        %jit3A_1398 = arith.constant 1 : i32
        %select_n3A_1399 = arith.select %eq3A_1397, %jit3A_1398, %jit3A_1395 : i32
        %rem3A_1400 = vector.broadcast %select_n3A_1399 : i32 to vector<16xi32>
        %rem3A_1401 = arith.remsi %add3A_1394, %rem3A_1400 : vector<16xi32>
        %ne3A_1402 = arith.constant 0 : i32
        %ne3A_1403 = vector.broadcast %ne3A_1402 : i32 to vector<16xi32>
        %ne3A_1404 = arith.cmpi ne, %rem3A_1401, %ne3A_1403 : vector<16xi32>
        %lt3A_1405 = arith.constant 0 : i32
        %lt3A_1406 = vector.broadcast %lt3A_1405 : i32 to vector<16xi32>
        %lt3A_1407 = arith.cmpi slt, %rem3A_1401, %lt3A_1406 : vector<16xi32>
        %lt3A_1408 = arith.constant 0 : i32
        %lt3A_1409 = arith.cmpi slt, %select_n3A_1399, %lt3A_1408 : i32
        %ne3A_1410 = vector.broadcast %lt3A_1409 : i1 to vector<16xi1>
        %ne3A_1411 = vector.broadcast %ne3A_1410 : vector<16xi1> to vector<16xi1>
        %ne3A_1412 = arith.xori %lt3A_1407, %ne3A_1411 : vector<16xi1>
        %and3A_1413 = arith.andi %ne3A_1412, %ne3A_1404 : vector<16xi1>
        %add3A_1414 = vector.broadcast %select_n3A_1399 : i32 to vector<16xi32>
        %add3A_1415 = arith.addi %rem3A_1401, %add3A_1414 : vector<16xi32>
        %select_n3A_1416 = arith.select %and3A_1413, %add3A_1415, %rem3A_1401 : vector<16xi1>, vector<16xi32>
        %add3A_1417 = arith.constant 43 : i32
        %add3A_1418 = vector.broadcast %add3A_1417 : i32 to vector<16xi32>
        %add3A_1419 = arith.addi %iota3A, %add3A_1418 : vector<16xi32>
        %jit3A_1420 = arith.constant 64 : i32
        %eq3A_1421 = arith.constant 0 : i32
        %eq3A_1422 = arith.cmpi eq, %jit3A_1420, %eq3A_1421 : i32
        %jit3A_1423 = arith.constant 1 : i32
        %select_n3A_1424 = arith.select %eq3A_1422, %jit3A_1423, %jit3A_1420 : i32
        %rem3A_1425 = vector.broadcast %select_n3A_1424 : i32 to vector<16xi32>
        %rem3A_1426 = arith.remsi %add3A_1419, %rem3A_1425 : vector<16xi32>
        %ne3A_1427 = arith.constant 0 : i32
        %ne3A_1428 = vector.broadcast %ne3A_1427 : i32 to vector<16xi32>
        %ne3A_1429 = arith.cmpi ne, %rem3A_1426, %ne3A_1428 : vector<16xi32>
        %lt3A_1430 = arith.constant 0 : i32
        %lt3A_1431 = vector.broadcast %lt3A_1430 : i32 to vector<16xi32>
        %lt3A_1432 = arith.cmpi slt, %rem3A_1426, %lt3A_1431 : vector<16xi32>
        %lt3A_1433 = arith.constant 0 : i32
        %lt3A_1434 = arith.cmpi slt, %select_n3A_1424, %lt3A_1433 : i32
        %ne3A_1435 = vector.broadcast %lt3A_1434 : i1 to vector<16xi1>
        %ne3A_1436 = vector.broadcast %ne3A_1435 : vector<16xi1> to vector<16xi1>
        %ne3A_1437 = arith.xori %lt3A_1432, %ne3A_1436 : vector<16xi1>
        %and3A_1438 = arith.andi %ne3A_1437, %ne3A_1429 : vector<16xi1>
        %add3A_1439 = vector.broadcast %select_n3A_1424 : i32 to vector<16xi32>
        %add3A_1440 = arith.addi %rem3A_1426, %add3A_1439 : vector<16xi32>
        %select_n3A_1441 = arith.select %and3A_1438, %add3A_1440, %rem3A_1426 : vector<16xi1>, vector<16xi32>
        %add3A_1442 = arith.constant 44 : i32
        %add3A_1443 = vector.broadcast %add3A_1442 : i32 to vector<16xi32>
        %add3A_1444 = arith.addi %iota3A, %add3A_1443 : vector<16xi32>
        %jit3A_1445 = arith.constant 64 : i32
        %eq3A_1446 = arith.constant 0 : i32
        %eq3A_1447 = arith.cmpi eq, %jit3A_1445, %eq3A_1446 : i32
        %jit3A_1448 = arith.constant 1 : i32
        %select_n3A_1449 = arith.select %eq3A_1447, %jit3A_1448, %jit3A_1445 : i32
        %rem3A_1450 = vector.broadcast %select_n3A_1449 : i32 to vector<16xi32>
        %rem3A_1451 = arith.remsi %add3A_1444, %rem3A_1450 : vector<16xi32>
        %ne3A_1452 = arith.constant 0 : i32
        %ne3A_1453 = vector.broadcast %ne3A_1452 : i32 to vector<16xi32>
        %ne3A_1454 = arith.cmpi ne, %rem3A_1451, %ne3A_1453 : vector<16xi32>
        %lt3A_1455 = arith.constant 0 : i32
        %lt3A_1456 = vector.broadcast %lt3A_1455 : i32 to vector<16xi32>
        %lt3A_1457 = arith.cmpi slt, %rem3A_1451, %lt3A_1456 : vector<16xi32>
        %lt3A_1458 = arith.constant 0 : i32
        %lt3A_1459 = arith.cmpi slt, %select_n3A_1449, %lt3A_1458 : i32
        %ne3A_1460 = vector.broadcast %lt3A_1459 : i1 to vector<16xi1>
        %ne3A_1461 = vector.broadcast %ne3A_1460 : vector<16xi1> to vector<16xi1>
        %ne3A_1462 = arith.xori %lt3A_1457, %ne3A_1461 : vector<16xi1>
        %and3A_1463 = arith.andi %ne3A_1462, %ne3A_1454 : vector<16xi1>
        %add3A_1464 = vector.broadcast %select_n3A_1449 : i32 to vector<16xi32>
        %add3A_1465 = arith.addi %rem3A_1451, %add3A_1464 : vector<16xi32>
        %select_n3A_1466 = arith.select %and3A_1463, %add3A_1465, %rem3A_1451 : vector<16xi1>, vector<16xi32>
        %add3A_1467 = arith.constant 45 : i32
        %add3A_1468 = vector.broadcast %add3A_1467 : i32 to vector<16xi32>
        %add3A_1469 = arith.addi %iota3A, %add3A_1468 : vector<16xi32>
        %jit3A_1470 = arith.constant 64 : i32
        %eq3A_1471 = arith.constant 0 : i32
        %eq3A_1472 = arith.cmpi eq, %jit3A_1470, %eq3A_1471 : i32
        %jit3A_1473 = arith.constant 1 : i32
        %select_n3A_1474 = arith.select %eq3A_1472, %jit3A_1473, %jit3A_1470 : i32
        %rem3A_1475 = vector.broadcast %select_n3A_1474 : i32 to vector<16xi32>
        %rem3A_1476 = arith.remsi %add3A_1469, %rem3A_1475 : vector<16xi32>
        %ne3A_1477 = arith.constant 0 : i32
        %ne3A_1478 = vector.broadcast %ne3A_1477 : i32 to vector<16xi32>
        %ne3A_1479 = arith.cmpi ne, %rem3A_1476, %ne3A_1478 : vector<16xi32>
        %lt3A_1480 = arith.constant 0 : i32
        %lt3A_1481 = vector.broadcast %lt3A_1480 : i32 to vector<16xi32>
        %lt3A_1482 = arith.cmpi slt, %rem3A_1476, %lt3A_1481 : vector<16xi32>
        %lt3A_1483 = arith.constant 0 : i32
        %lt3A_1484 = arith.cmpi slt, %select_n3A_1474, %lt3A_1483 : i32
        %ne3A_1485 = vector.broadcast %lt3A_1484 : i1 to vector<16xi1>
        %ne3A_1486 = vector.broadcast %ne3A_1485 : vector<16xi1> to vector<16xi1>
        %ne3A_1487 = arith.xori %lt3A_1482, %ne3A_1486 : vector<16xi1>
        %and3A_1488 = arith.andi %ne3A_1487, %ne3A_1479 : vector<16xi1>
        %add3A_1489 = vector.broadcast %select_n3A_1474 : i32 to vector<16xi32>
        %add3A_1490 = arith.addi %rem3A_1476, %add3A_1489 : vector<16xi32>
        %select_n3A_1491 = arith.select %and3A_1488, %add3A_1490, %rem3A_1476 : vector<16xi1>, vector<16xi32>
        %add3A_1492 = arith.constant 46 : i32
        %add3A_1493 = vector.broadcast %add3A_1492 : i32 to vector<16xi32>
        %add3A_1494 = arith.addi %iota3A, %add3A_1493 : vector<16xi32>
        %jit3A_1495 = arith.constant 64 : i32
        %eq3A_1496 = arith.constant 0 : i32
        %eq3A_1497 = arith.cmpi eq, %jit3A_1495, %eq3A_1496 : i32
        %jit3A_1498 = arith.constant 1 : i32
        %select_n3A_1499 = arith.select %eq3A_1497, %jit3A_1498, %jit3A_1495 : i32
        %rem3A_1500 = vector.broadcast %select_n3A_1499 : i32 to vector<16xi32>
        %rem3A_1501 = arith.remsi %add3A_1494, %rem3A_1500 : vector<16xi32>
        %ne3A_1502 = arith.constant 0 : i32
        %ne3A_1503 = vector.broadcast %ne3A_1502 : i32 to vector<16xi32>
        %ne3A_1504 = arith.cmpi ne, %rem3A_1501, %ne3A_1503 : vector<16xi32>
        %lt3A_1505 = arith.constant 0 : i32
        %lt3A_1506 = vector.broadcast %lt3A_1505 : i32 to vector<16xi32>
        %lt3A_1507 = arith.cmpi slt, %rem3A_1501, %lt3A_1506 : vector<16xi32>
        %lt3A_1508 = arith.constant 0 : i32
        %lt3A_1509 = arith.cmpi slt, %select_n3A_1499, %lt3A_1508 : i32
        %ne3A_1510 = vector.broadcast %lt3A_1509 : i1 to vector<16xi1>
        %ne3A_1511 = vector.broadcast %ne3A_1510 : vector<16xi1> to vector<16xi1>
        %ne3A_1512 = arith.xori %lt3A_1507, %ne3A_1511 : vector<16xi1>
        %and3A_1513 = arith.andi %ne3A_1512, %ne3A_1504 : vector<16xi1>
        %add3A_1514 = vector.broadcast %select_n3A_1499 : i32 to vector<16xi32>
        %add3A_1515 = arith.addi %rem3A_1501, %add3A_1514 : vector<16xi32>
        %select_n3A_1516 = arith.select %and3A_1513, %add3A_1515, %rem3A_1501 : vector<16xi1>, vector<16xi32>
        %add3A_1517 = arith.constant 47 : i32
        %add3A_1518 = vector.broadcast %add3A_1517 : i32 to vector<16xi32>
        %add3A_1519 = arith.addi %iota3A, %add3A_1518 : vector<16xi32>
        %jit3A_1520 = arith.constant 64 : i32
        %eq3A_1521 = arith.constant 0 : i32
        %eq3A_1522 = arith.cmpi eq, %jit3A_1520, %eq3A_1521 : i32
        %jit3A_1523 = arith.constant 1 : i32
        %select_n3A_1524 = arith.select %eq3A_1522, %jit3A_1523, %jit3A_1520 : i32
        %rem3A_1525 = vector.broadcast %select_n3A_1524 : i32 to vector<16xi32>
        %rem3A_1526 = arith.remsi %add3A_1519, %rem3A_1525 : vector<16xi32>
        %ne3A_1527 = arith.constant 0 : i32
        %ne3A_1528 = vector.broadcast %ne3A_1527 : i32 to vector<16xi32>
        %ne3A_1529 = arith.cmpi ne, %rem3A_1526, %ne3A_1528 : vector<16xi32>
        %lt3A_1530 = arith.constant 0 : i32
        %lt3A_1531 = vector.broadcast %lt3A_1530 : i32 to vector<16xi32>
        %lt3A_1532 = arith.cmpi slt, %rem3A_1526, %lt3A_1531 : vector<16xi32>
        %lt3A_1533 = arith.constant 0 : i32
        %lt3A_1534 = arith.cmpi slt, %select_n3A_1524, %lt3A_1533 : i32
        %ne3A_1535 = vector.broadcast %lt3A_1534 : i1 to vector<16xi1>
        %ne3A_1536 = vector.broadcast %ne3A_1535 : vector<16xi1> to vector<16xi1>
        %ne3A_1537 = arith.xori %lt3A_1532, %ne3A_1536 : vector<16xi1>
        %and3A_1538 = arith.andi %ne3A_1537, %ne3A_1529 : vector<16xi1>
        %add3A_1539 = vector.broadcast %select_n3A_1524 : i32 to vector<16xi32>
        %add3A_1540 = arith.addi %rem3A_1526, %add3A_1539 : vector<16xi32>
        %select_n3A_1541 = arith.select %and3A_1538, %add3A_1540, %rem3A_1526 : vector<16xi1>, vector<16xi32>
        %broadcast_in_dim3A_1542 = arith.constant 0.000000e+00 : f32
        %broadcast_in_dim3A_1543 = vector.broadcast %broadcast_in_dim3A_1542 : f32 to vector<16xf32>
        %broadcast_in_dim3A_1544 = arith.constant 0.000000e+00 : f32
        %broadcast_in_dim3A_1545 = vector.broadcast %broadcast_in_dim3A_1544 : f32 to vector<16xf32>
        %broadcast_in_dim3A_1546 = arith.constant 0.000000e+00 : f32
        %broadcast_in_dim3A_1547 = vector.broadcast %broadcast_in_dim3A_1546 : f32 to vector<16xf32>
        %broadcast_in_dim3A_1548 = arith.constant 0.000000e+00 : f32
        %broadcast_in_dim3A_1549 = vector.broadcast %broadcast_in_dim3A_1548 : f32 to vector<16xf32>
        %broadcast_in_dim3A_1550 = arith.constant 0.000000e+00 : f32
        %broadcast_in_dim3A_1551 = vector.broadcast %broadcast_in_dim3A_1550 : f32 to vector<16xf32>
        %broadcast_in_dim3A_1552 = arith.constant 0.000000e+00 : f32
        %broadcast_in_dim3A_1553 = vector.broadcast %broadcast_in_dim3A_1552 : f32 to vector<16xf32>
        %broadcast_in_dim3A_1554 = arith.constant 0.000000e+00 : f32
        %broadcast_in_dim3A_1555 = vector.broadcast %broadcast_in_dim3A_1554 : f32 to vector<16xf32>
        %broadcast_in_dim3A_1556 = arith.constant 0.000000e+00 : f32
        %broadcast_in_dim3A_1557 = vector.broadcast %broadcast_in_dim3A_1556 : f32 to vector<16xf32>
        %broadcast_in_dim3A_1558 = arith.constant 0.000000e+00 : f32
        %broadcast_in_dim3A_1559 = vector.broadcast %broadcast_in_dim3A_1558 : f32 to vector<16xf32>
        %broadcast_in_dim3A_1560 = arith.constant 0.000000e+00 : f32
        %broadcast_in_dim3A_1561 = vector.broadcast %broadcast_in_dim3A_1560 : f32 to vector<16xf32>
        %broadcast_in_dim3A_1562 = arith.constant 0.000000e+00 : f32
        %broadcast_in_dim3A_1563 = vector.broadcast %broadcast_in_dim3A_1562 : f32 to vector<16xf32>
        %broadcast_in_dim3A_1564 = arith.constant 0.000000e+00 : f32
        %broadcast_in_dim3A_1565 = vector.broadcast %broadcast_in_dim3A_1564 : f32 to vector<16xf32>
        %broadcast_in_dim3A_1566 = arith.constant 0.000000e+00 : f32
        %broadcast_in_dim3A_1567 = vector.broadcast %broadcast_in_dim3A_1566 : f32 to vector<16xf32>
        %broadcast_in_dim3A_1568 = arith.constant 0.000000e+00 : f32
        %broadcast_in_dim3A_1569 = vector.broadcast %broadcast_in_dim3A_1568 : f32 to vector<16xf32>
        %broadcast_in_dim3A_1570 = arith.constant 0.000000e+00 : f32
        %broadcast_in_dim3A_1571 = vector.broadcast %broadcast_in_dim3A_1570 : f32 to vector<16xf32>
        %broadcast_in_dim3A_1572 = arith.constant 0.000000e+00 : f32
        %broadcast_in_dim3A_1573 = vector.broadcast %broadcast_in_dim3A_1572 : f32 to vector<16xf32>
        %broadcast_in_dim3A_1574 = arith.constant 0.000000e+00 : f32
        %broadcast_in_dim3A_1575 = vector.broadcast %broadcast_in_dim3A_1574 : f32 to vector<16xf32>
        %broadcast_in_dim3A_1576 = arith.constant 0.000000e+00 : f32
        %broadcast_in_dim3A_1577 = vector.broadcast %broadcast_in_dim3A_1576 : f32 to vector<16xf32>
        %broadcast_in_dim3A_1578 = arith.constant 0.000000e+00 : f32
        %broadcast_in_dim3A_1579 = vector.broadcast %broadcast_in_dim3A_1578 : f32 to vector<16xf32>
        %broadcast_in_dim3A_1580 = arith.constant 0.000000e+00 : f32
        %broadcast_in_dim3A_1581 = vector.broadcast %broadcast_in_dim3A_1580 : f32 to vector<16xf32>
        %broadcast_in_dim3A_1582 = arith.constant 0.000000e+00 : f32
        %broadcast_in_dim3A_1583 = vector.broadcast %broadcast_in_dim3A_1582 : f32 to vector<16xf32>
        %broadcast_in_dim3A_1584 = arith.constant 0.000000e+00 : f32
        %broadcast_in_dim3A_1585 = vector.broadcast %broadcast_in_dim3A_1584 : f32 to vector<16xf32>
        %broadcast_in_dim3A_1586 = arith.constant 0.000000e+00 : f32
        %broadcast_in_dim3A_1587 = vector.broadcast %broadcast_in_dim3A_1586 : f32 to vector<16xf32>
        %broadcast_in_dim3A_1588 = arith.constant 0.000000e+00 : f32
        %broadcast_in_dim3A_1589 = vector.broadcast %broadcast_in_dim3A_1588 : f32 to vector<16xf32>
        %broadcast_in_dim3A_1590 = arith.constant 0.000000e+00 : f32
        %broadcast_in_dim3A_1591 = vector.broadcast %broadcast_in_dim3A_1590 : f32 to vector<16xf32>
        %broadcast_in_dim3A_1592 = arith.constant 0.000000e+00 : f32
        %broadcast_in_dim3A_1593 = vector.broadcast %broadcast_in_dim3A_1592 : f32 to vector<16xf32>
        %broadcast_in_dim3A_1594 = arith.constant 0.000000e+00 : f32
        %broadcast_in_dim3A_1595 = vector.broadcast %broadcast_in_dim3A_1594 : f32 to vector<16xf32>
        %broadcast_in_dim3A_1596 = arith.constant 0.000000e+00 : f32
        %broadcast_in_dim3A_1597 = vector.broadcast %broadcast_in_dim3A_1596 : f32 to vector<16xf32>
        %broadcast_in_dim3A_1598 = arith.constant 0.000000e+00 : f32
        %broadcast_in_dim3A_1599 = vector.broadcast %broadcast_in_dim3A_1598 : f32 to vector<16xf32>
        %broadcast_in_dim3A_1600 = arith.constant 0.000000e+00 : f32
        %broadcast_in_dim3A_1601 = vector.broadcast %broadcast_in_dim3A_1600 : f32 to vector<16xf32>
        %broadcast_in_dim3A_1602 = arith.constant 0.000000e+00 : f32
        %broadcast_in_dim3A_1603 = vector.broadcast %broadcast_in_dim3A_1602 : f32 to vector<16xf32>
        %broadcast_in_dim3A_1604 = arith.constant 0.000000e+00 : f32
        %broadcast_in_dim3A_1605 = vector.broadcast %broadcast_in_dim3A_1604 : f32 to vector<16xf32>
        %parallel_loop3A_1606 = arith.constant 0 : i32
        %parallel_loop3A_1607 = arith.constant 50 : i32
        %parallel_loop3A_1608 = arith.constant 1 : i32
        %parallel_loop3A_1609:32 = scf.for %parallel_loop3A_2270 = %parallel_loop3A_1606 to %parallel_loop3A_1607 step %parallel_loop3A_1608 iter_args(%parallel_loop3A_2271 = %broadcast_in_dim3A_1543, %parallel_loop3A_2272 = %broadcast_in_dim3A_1545, %parallel_loop3A_2273 = %broadcast_in_dim3A_1547, %parallel_loop3A_2274 = %broadcast_in_dim3A_1549, %parallel_loop3A_2275 = %broadcast_in_dim3A_1551, %parallel_loop3A_2276 = %broadcast_in_dim3A_1553, %parallel_loop3A_2277 = %broadcast_in_dim3A_1555, %parallel_loop3A_2278 = %broadcast_in_dim3A_1557, %parallel_loop3A_2279 = %broadcast_in_dim3A_1559, %parallel_loop3A_2280 = %broadcast_in_dim3A_1561, %parallel_loop3A_2281 = %broadcast_in_dim3A_1563, %parallel_loop3A_2282 = %broadcast_in_dim3A_1565, %parallel_loop3A_2283 = %broadcast_in_dim3A_1567, %parallel_loop3A_2284 = %broadcast_in_dim3A_1569, %parallel_loop3A_2285 = %broadcast_in_dim3A_1571, %parallel_loop3A_2286 = %broadcast_in_dim3A_1573, %parallel_loop3A_2287 = %broadcast_in_dim3A_1575, %parallel_loop3A_2288 = %broadcast_in_dim3A_1577, %parallel_loop3A_2289 = %broadcast_in_dim3A_1579, %parallel_loop3A_2290 = %broadcast_in_dim3A_1581, %parallel_loop3A_2291 = %broadcast_in_dim3A_1583, %parallel_loop3A_2292 = %broadcast_in_dim3A_1585, %parallel_loop3A_2293 = %broadcast_in_dim3A_1587, %parallel_loop3A_2294 = %broadcast_in_dim3A_1589, %parallel_loop3A_2295 = %broadcast_in_dim3A_1591, %parallel_loop3A_2296 = %broadcast_in_dim3A_1593, %parallel_loop3A_2297 = %broadcast_in_dim3A_1595, %parallel_loop3A_2298 = %broadcast_in_dim3A_1597, %parallel_loop3A_2299 = %broadcast_in_dim3A_1599, %parallel_loop3A_2300 = %broadcast_in_dim3A_1601, %parallel_loop3A_2301 = %broadcast_in_dim3A_1603, %parallel_loop3A_2302 = %broadcast_in_dim3A_1605) -> (vector<16xf32>, vector<16xf32>, vector<16xf32>, vector<16xf32>, vector<16xf32>, vector<16xf32>, vector<16xf32>, vector<16xf32>, vector<16xf32>, vector<16xf32>, vector<16xf32>, vector<16xf32>, vector<16xf32>, vector<16xf32>, vector<16xf32>, vector<16xf32>, vector<16xf32>, vector<16xf32>, vector<16xf32>, vector<16xf32>, vector<16xf32>, vector<16xf32>, vector<16xf32>, vector<16xf32>, vector<16xf32>, vector<16xf32>, vector<16xf32>, vector<16xf32>, vector<16xf32>, vector<16xf32>, vector<16xf32>, vector<16xf32>)  : i32 {
          %parallel_loop3A_2303 = arith.index_cast %parallel_loop3A_2270 : i32 to index
          %parallel_loop3A_2304 = arith.index_cast %mul3A_20 : i32 to index
          %parallel_loop3A_2305 = tpu.vector_load %arg6[%parallel_loop3A_2303, %parallel_loop3A_2304] {strides = array<i32>} : memref<50x128xi32, #tpu.memory_space<vmem>>, vector<16xi32>,
          %parallel_loop3A_2306 = tpu.vector_load_idx %arg5[%parallel_loop3A_2305, %select_n3A_1166] : memref<777x64xi32, #tpu.memory_space<vmem>>[vector<16xi32>, vector<16xi32>], vector<16xi32>,
          %parallel_loop3A_2307 = vector.bitcast %parallel_loop3A_2306 : vector<16xi32> to vector<32xbf16>
          %parallel_loop3A_2308 = tpu.unpack_subelements %parallel_loop3A_2307, 0 {pack_format = #tpu.pack_format<interleaved>} : vector<32xbf16> -> vector<16xf32>
          %parallel_loop3A_2309 = tpu.unpack_subelements %parallel_loop3A_2307, 1 {pack_format = #tpu.pack_format<interleaved>} : vector<32xbf16> -> vector<16xf32>
          %parallel_loop3A_2310 = arith.addf %parallel_loop3A_2271, %parallel_loop3A_2308 : vector<16xf32>
          %parallel_loop3A_2311 = arith.addf %parallel_loop3A_2272, %parallel_loop3A_2309 : vector<16xf32>
          %parallel_loop3A_2312 = tpu.vector_load_idx %arg5[%parallel_loop3A_2305, %select_n3A_1191] : memref<777x64xi32, #tpu.memory_space<vmem>>[vector<16xi32>, vector<16xi32>], vector<16xi32>,
          %parallel_loop3A_2313 = vector.bitcast %parallel_loop3A_2312 : vector<16xi32> to vector<32xbf16>
          %parallel_loop3A_2314 = tpu.unpack_subelements %parallel_loop3A_2313, 0 {pack_format = #tpu.pack_format<interleaved>} : vector<32xbf16> -> vector<16xf32>
          %parallel_loop3A_2315 = tpu.unpack_subelements %parallel_loop3A_2313, 1 {pack_format = #tpu.pack_format<interleaved>} : vector<32xbf16> -> vector<16xf32>
          %parallel_loop3A_2316 = arith.addf %parallel_loop3A_2273, %parallel_loop3A_2314 : vector<16xf32>
          %parallel_loop3A_2317 = arith.addf %parallel_loop3A_2274, %parallel_loop3A_2315 : vector<16xf32>
          %parallel_loop3A_2318 = tpu.vector_load_idx %arg5[%parallel_loop3A_2305, %select_n3A_1216] : memref<777x64xi32, #tpu.memory_space<vmem>>[vector<16xi32>, vector<16xi32>], vector<16xi32>,
          %parallel_loop3A_2319 = vector.bitcast %parallel_loop3A_2318 : vector<16xi32> to vector<32xbf16>
          %parallel_loop3A_2320 = tpu.unpack_subelements %parallel_loop3A_2319, 0 {pack_format = #tpu.pack_format<interleaved>} : vector<32xbf16> -> vector<16xf32>
          %parallel_loop3A_2321 = tpu.unpack_subelements %parallel_loop3A_2319, 1 {pack_format = #tpu.pack_format<interleaved>} : vector<32xbf16> -> vector<16xf32>
          %parallel_loop3A_2322 = arith.addf %parallel_loop3A_2275, %parallel_loop3A_2320 : vector<16xf32>
          %parallel_loop3A_2323 = arith.addf %parallel_loop3A_2276, %parallel_loop3A_2321 : vector<16xf32>
          %parallel_loop3A_2324 = tpu.vector_load_idx %arg5[%parallel_loop3A_2305, %select_n3A_1241] : memref<777x64xi32, #tpu.memory_space<vmem>>[vector<16xi32>, vector<16xi32>], vector<16xi32>,
          %parallel_loop3A_2325 = vector.bitcast %parallel_loop3A_2324 : vector<16xi32> to vector<32xbf16>
          %parallel_loop3A_2326 = tpu.unpack_subelements %parallel_loop3A_2325, 0 {pack_format = #tpu.pack_format<interleaved>} : vector<32xbf16> -> vector<16xf32>
          %parallel_loop3A_2327 = tpu.unpack_subelements %parallel_loop3A_2325, 1 {pack_format = #tpu.pack_format<interleaved>} : vector<32xbf16> -> vector<16xf32>
          %parallel_loop3A_2328 = arith.addf %parallel_loop3A_2277, %parallel_loop3A_2326 : vector<16xf32>
          %parallel_loop3A_2329 = arith.addf %parallel_loop3A_2278, %parallel_loop3A_2327 : vector<16xf32>
          %parallel_loop3A_2330 = tpu.vector_load_idx %arg5[%parallel_loop3A_2305, %select_n3A_1266] : memref<777x64xi32, #tpu.memory_space<vmem>>[vector<16xi32>, vector<16xi32>], vector<16xi32>,
          %parallel_loop3A_2331 = vector.bitcast %parallel_loop3A_2330 : vector<16xi32> to vector<32xbf16>
          %parallel_loop3A_2332 = tpu.unpack_subelements %parallel_loop3A_2331, 0 {pack_format = #tpu.pack_format<interleaved>} : vector<32xbf16> -> vector<16xf32>
          %parallel_loop3A_2333 = tpu.unpack_subelements %parallel_loop3A_2331, 1 {pack_format = #tpu.pack_format<interleaved>} : vector<32xbf16> -> vector<16xf32>
          %parallel_loop3A_2334 = arith.addf %parallel_loop3A_2279, %parallel_loop3A_2332 : vector<16xf32>
          %parallel_loop3A_2335 = arith.addf %parallel_loop3A_2280, %parallel_loop3A_2333 : vector<16xf32>
          %parallel_loop3A_2336 = tpu.vector_load_idx %arg5[%parallel_loop3A_2305, %select_n3A_1291] : memref<777x64xi32, #tpu.memory_space<vmem>>[vector<16xi32>, vector<16xi32>], vector<16xi32>,
          %parallel_loop3A_2337 = vector.bitcast %parallel_loop3A_2336 : vector<16xi32> to vector<32xbf16>
          %parallel_loop3A_2338 = tpu.unpack_subelements %parallel_loop3A_2337, 0 {pack_format = #tpu.pack_format<interleaved>} : vector<32xbf16> -> vector<16xf32>
          %parallel_loop3A_2339 = tpu.unpack_subelements %parallel_loop3A_2337, 1 {pack_format = #tpu.pack_format<interleaved>} : vector<32xbf16> -> vector<16xf32>
          %parallel_loop3A_2340 = arith.addf %parallel_loop3A_2281, %parallel_loop3A_2338 : vector<16xf32>
          %parallel_loop3A_2341 = arith.addf %parallel_loop3A_2282, %parallel_loop3A_2339 : vector<16xf32>
          %parallel_loop3A_2342 = tpu.vector_load_idx %arg5[%parallel_loop3A_2305, %select_n3A_1316] : memref<777x64xi32, #tpu.memory_space<vmem>>[vector<16xi32>, vector<16xi32>], vector<16xi32>,
          %parallel_loop3A_2343 = vector.bitcast %parallel_loop3A_2342 : vector<16xi32> to vector<32xbf16>
          %parallel_loop3A_2344 = tpu.unpack_subelements %parallel_loop3A_2343, 0 {pack_format = #tpu.pack_format<interleaved>} : vector<32xbf16> -> vector<16xf32>
          %parallel_loop3A_2345 = tpu.unpack_subelements %parallel_loop3A_2343, 1 {pack_format = #tpu.pack_format<interleaved>} : vector<32xbf16> -> vector<16xf32>
          %parallel_loop3A_2346 = arith.addf %parallel_loop3A_2283, %parallel_loop3A_2344 : vector<16xf32>
          %parallel_loop3A_2347 = arith.addf %parallel_loop3A_2284, %parallel_loop3A_2345 : vector<16xf32>
          %parallel_loop3A_2348 = tpu.vector_load_idx %arg5[%parallel_loop3A_2305, %select_n3A_1341] : memref<777x64xi32, #tpu.memory_space<vmem>>[vector<16xi32>, vector<16xi32>], vector<16xi32>,
          %parallel_loop3A_2349 = vector.bitcast %parallel_loop3A_2348 : vector<16xi32> to vector<32xbf16>
          %parallel_loop3A_2350 = tpu.unpack_subelements %parallel_loop3A_2349, 0 {pack_format = #tpu.pack_format<interleaved>} : vector<32xbf16> -> vector<16xf32>
          %parallel_loop3A_2351 = tpu.unpack_subelements %parallel_loop3A_2349, 1 {pack_format = #tpu.pack_format<interleaved>} : vector<32xbf16> -> vector<16xf32>
          %parallel_loop3A_2352 = arith.addf %parallel_loop3A_2285, %parallel_loop3A_2350 : vector<16xf32>
          %parallel_loop3A_2353 = arith.addf %parallel_loop3A_2286, %parallel_loop3A_2351 : vector<16xf32>
          %parallel_loop3A_2354 = tpu.vector_load_idx %arg5[%parallel_loop3A_2305, %select_n3A_1366] : memref<777x64xi32, #tpu.memory_space<vmem>>[vector<16xi32>, vector<16xi32>], vector<16xi32>,
          %parallel_loop3A_2355 = vector.bitcast %parallel_loop3A_2354 : vector<16xi32> to vector<32xbf16>
          %parallel_loop3A_2356 = tpu.unpack_subelements %parallel_loop3A_2355, 0 {pack_format = #tpu.pack_format<interleaved>} : vector<32xbf16> -> vector<16xf32>
          %parallel_loop3A_2357 = tpu.unpack_subelements %parallel_loop3A_2355, 1 {pack_format = #tpu.pack_format<interleaved>} : vector<32xbf16> -> vector<16xf32>
          %parallel_loop3A_2358 = arith.addf %parallel_loop3A_2287, %parallel_loop3A_2356 : vector<16xf32>
          %parallel_loop3A_2359 = arith.addf %parallel_loop3A_2288, %parallel_loop3A_2357 : vector<16xf32>
          %parallel_loop3A_2360 = tpu.vector_load_idx %arg5[%parallel_loop3A_2305, %select_n3A_1391] : memref<777x64xi32, #tpu.memory_space<vmem>>[vector<16xi32>, vector<16xi32>], vector<16xi32>,
          %parallel_loop3A_2361 = vector.bitcast %parallel_loop3A_2360 : vector<16xi32> to vector<32xbf16>
          %parallel_loop3A_2362 = tpu.unpack_subelements %parallel_loop3A_2361, 0 {pack_format = #tpu.pack_format<interleaved>} : vector<32xbf16> -> vector<16xf32>
          %parallel_loop3A_2363 = tpu.unpack_subelements %parallel_loop3A_2361, 1 {pack_format = #tpu.pack_format<interleaved>} : vector<32xbf16> -> vector<16xf32>
          %parallel_loop3A_2364 = arith.addf %parallel_loop3A_2289, %parallel_loop3A_2362 : vector<16xf32>
          %parallel_loop3A_2365 = arith.addf %parallel_loop3A_2290, %parallel_loop3A_2363 : vector<16xf32>
          %parallel_loop3A_2366 = tpu.vector_load_idx %arg5[%parallel_loop3A_2305, %select_n3A_1416] : memref<777x64xi32, #tpu.memory_space<vmem>>[vector<16xi32>, vector<16xi32>], vector<16xi32>,
          %parallel_loop3A_2367 = vector.bitcast %parallel_loop3A_2366 : vector<16xi32> to vector<32xbf16>
          %parallel_loop3A_2368 = tpu.unpack_subelements %parallel_loop3A_2367, 0 {pack_format = #tpu.pack_format<interleaved>} : vector<32xbf16> -> vector<16xf32>
          %parallel_loop3A_2369 = tpu.unpack_subelements %parallel_loop3A_2367, 1 {pack_format = #tpu.pack_format<interleaved>} : vector<32xbf16> -> vector<16xf32>
          %parallel_loop3A_2370 = arith.addf %parallel_loop3A_2291, %parallel_loop3A_2368 : vector<16xf32>
          %parallel_loop3A_2371 = arith.addf %parallel_loop3A_2292, %parallel_loop3A_2369 : vector<16xf32>
          %parallel_loop3A_2372 = tpu.vector_load_idx %arg5[%parallel_loop3A_2305, %select_n3A_1441] : memref<777x64xi32, #tpu.memory_space<vmem>>[vector<16xi32>, vector<16xi32>], vector<16xi32>,
          %parallel_loop3A_2373 = vector.bitcast %parallel_loop3A_2372 : vector<16xi32> to vector<32xbf16>
          %parallel_loop3A_2374 = tpu.unpack_subelements %parallel_loop3A_2373, 0 {pack_format = #tpu.pack_format<interleaved>} : vector<32xbf16> -> vector<16xf32>
          %parallel_loop3A_2375 = tpu.unpack_subelements %parallel_loop3A_2373, 1 {pack_format = #tpu.pack_format<interleaved>} : vector<32xbf16> -> vector<16xf32>
          %parallel_loop3A_2376 = arith.addf %parallel_loop3A_2293, %parallel_loop3A_2374 : vector<16xf32>
          %parallel_loop3A_2377 = arith.addf %parallel_loop3A_2294, %parallel_loop3A_2375 : vector<16xf32>
          %parallel_loop3A_2378 = tpu.vector_load_idx %arg5[%parallel_loop3A_2305, %select_n3A_1466] : memref<777x64xi32, #tpu.memory_space<vmem>>[vector<16xi32>, vector<16xi32>], vector<16xi32>,
          %parallel_loop3A_2379 = vector.bitcast %parallel_loop3A_2378 : vector<16xi32> to vector<32xbf16>
          %parallel_loop3A_2380 = tpu.unpack_subelements %parallel_loop3A_2379, 0 {pack_format = #tpu.pack_format<interleaved>} : vector<32xbf16> -> vector<16xf32>
          %parallel_loop3A_2381 = tpu.unpack_subelements %parallel_loop3A_2379, 1 {pack_format = #tpu.pack_format<interleaved>} : vector<32xbf16> -> vector<16xf32>
          %parallel_loop3A_2382 = arith.addf %parallel_loop3A_2295, %parallel_loop3A_2380 : vector<16xf32>
          %parallel_loop3A_2383 = arith.addf %parallel_loop3A_2296, %parallel_loop3A_2381 : vector<16xf32>
          %parallel_loop3A_2384 = tpu.vector_load_idx %arg5[%parallel_loop3A_2305, %select_n3A_1491] : memref<777x64xi32, #tpu.memory_space<vmem>>[vector<16xi32>, vector<16xi32>], vector<16xi32>,
          %parallel_loop3A_2385 = vector.bitcast %parallel_loop3A_2384 : vector<16xi32> to vector<32xbf16>
          %parallel_loop3A_2386 = tpu.unpack_subelements %parallel_loop3A_2385, 0 {pack_format = #tpu.pack_format<interleaved>} : vector<32xbf16> -> vector<16xf32>
          %parallel_loop3A_2387 = tpu.unpack_subelements %parallel_loop3A_2385, 1 {pack_format = #tpu.pack_format<interleaved>} : vector<32xbf16> -> vector<16xf32>
          %parallel_loop3A_2388 = arith.addf %parallel_loop3A_2297, %parallel_loop3A_2386 : vector<16xf32>
          %parallel_loop3A_2389 = arith.addf %parallel_loop3A_2298, %parallel_loop3A_2387 : vector<16xf32>
          %parallel_loop3A_2390 = tpu.vector_load_idx %arg5[%parallel_loop3A_2305, %select_n3A_1516] : memref<777x64xi32, #tpu.memory_space<vmem>>[vector<16xi32>, vector<16xi32>], vector<16xi32>,
          %parallel_loop3A_2391 = vector.bitcast %parallel_loop3A_2390 : vector<16xi32> to vector<32xbf16>
          %parallel_loop3A_2392 = tpu.unpack_subelements %parallel_loop3A_2391, 0 {pack_format = #tpu.pack_format<interleaved>} : vector<32xbf16> -> vector<16xf32>
          %parallel_loop3A_2393 = tpu.unpack_subelements %parallel_loop3A_2391, 1 {pack_format = #tpu.pack_format<interleaved>} : vector<32xbf16> -> vector<16xf32>
          %parallel_loop3A_2394 = arith.addf %parallel_loop3A_2299, %parallel_loop3A_2392 : vector<16xf32>
          %parallel_loop3A_2395 = arith.addf %parallel_loop3A_2300, %parallel_loop3A_2393 : vector<16xf32>
          %parallel_loop3A_2396 = tpu.vector_load_idx %arg5[%parallel_loop3A_2305, %select_n3A_1541] : memref<777x64xi32, #tpu.memory_space<vmem>>[vector<16xi32>, vector<16xi32>], vector<16xi32>,
          %parallel_loop3A_2397 = vector.bitcast %parallel_loop3A_2396 : vector<16xi32> to vector<32xbf16>
          %parallel_loop3A_2398 = tpu.unpack_subelements %parallel_loop3A_2397, 0 {pack_format = #tpu.pack_format<interleaved>} : vector<32xbf16> -> vector<16xf32>
          %parallel_loop3A_2399 = tpu.unpack_subelements %parallel_loop3A_2397, 1 {pack_format = #tpu.pack_format<interleaved>} : vector<32xbf16> -> vector<16xf32>
          %parallel_loop3A_2400 = arith.addf %parallel_loop3A_2301, %parallel_loop3A_2398 : vector<16xf32>
          %parallel_loop3A_2401 = arith.addf %parallel_loop3A_2302, %parallel_loop3A_2399 : vector<16xf32>
          scf.yield %parallel_loop3A_2310, %parallel_loop3A_2311, %parallel_loop3A_2316, %parallel_loop3A_2317, %parallel_loop3A_2322, %parallel_loop3A_2323, %parallel_loop3A_2328, %parallel_loop3A_2329, %parallel_loop3A_2334, %parallel_loop3A_2335, %parallel_loop3A_2340, %parallel_loop3A_2341, %parallel_loop3A_2346, %parallel_loop3A_2347, %parallel_loop3A_2352, %parallel_loop3A_2353, %parallel_loop3A_2358, %parallel_loop3A_2359, %parallel_loop3A_2364, %parallel_loop3A_2365, %parallel_loop3A_2370, %parallel_loop3A_2371, %parallel_loop3A_2376, %parallel_loop3A_2377, %parallel_loop3A_2382, %parallel_loop3A_2383, %parallel_loop3A_2388, %parallel_loop3A_2389, %parallel_loop3A_2394, %parallel_loop3A_2395, %parallel_loop3A_2400, %parallel_loop3A_2401 : vector<16xf32>, vector<16xf32>, vector<16xf32>, vector<16xf32>, vector<16xf32>, vector<16xf32>, vector<16xf32>, vector<16xf32>, vector<16xf32>, vector<16xf32>, vector<16xf32>, vector<16xf32>, vector<16xf32>, vector<16xf32>, vector<16xf32>, vector<16xf32>, vector<16xf32>, vector<16xf32>, vector<16xf32>, vector<16xf32>, vector<16xf32>, vector<16xf32>, vector<16xf32>, vector<16xf32>, vector<16xf32>, vector<16xf32>, vector<16xf32>, vector<16xf32>, vector<16xf32>, vector<16xf32>, vector<16xf32>, vector<16xf32>
        } {sc.loop_unroll_factor = 2 : i64, sc.parallel_access}
        %mul3A_1610 = arith.constant 2 : i32
        %mul3A_1611 = vector.broadcast %mul3A_1610 : i32 to vector<16xi32>
        %mul3A_1612 = arith.muli %select_n3A_1166, %mul3A_1611 : vector<16xi32>
        tpu.vector_store_idx %arg7[%mul3A_1612, %add3A_22], %parallel_loop3A_1609#0 : memref<128x128xf32, #tpu.memory_space<vmem>>[vector<16xi32>, vector<16xi32>], vector<16xf32>,
        %add3A_1613 = arith.constant 1 : i32
        %add3A_1614 = vector.broadcast %add3A_1613 : i32 to vector<16xi32>
        %add3A_1615 = arith.addi %mul3A_1612, %add3A_1614 : vector<16xi32>
        tpu.vector_store_idx %arg7[%add3A_1615, %add3A_22], %parallel_loop3A_1609#1 : memref<128x128xf32, #tpu.memory_space<vmem>>[vector<16xi32>, vector<16xi32>], vector<16xf32>,
        %mul3A_1616 = arith.constant 2 : i32
        %mul3A_1617 = vector.broadcast %mul3A_1616 : i32 to vector<16xi32>
        %mul3A_1618 = arith.muli %select_n3A_1191, %mul3A_1617 : vector<16xi32>
        tpu.vector_store_idx %arg7[%mul3A_1618, %add3A_22], %parallel_loop3A_1609#2 : memref<128x128xf32, #tpu.memory_space<vmem>>[vector<16xi32>, vector<16xi32>], vector<16xf32>,
        %add3A_1619 = arith.constant 1 : i32
        %add3A_1620 = vector.broadcast %add3A_1619 : i32 to vector<16xi32>
        %add3A_1621 = arith.addi %mul3A_1618, %add3A_1620 : vector<16xi32>
        tpu.vector_store_idx %arg7[%add3A_1621, %add3A_22], %parallel_loop3A_1609#3 : memref<128x128xf32, #tpu.memory_space<vmem>>[vector<16xi32>, vector<16xi32>], vector<16xf32>,
        %mul3A_1622 = arith.constant 2 : i32
        %mul3A_1623 = vector.broadcast %mul3A_1622 : i32 to vector<16xi32>
        %mul3A_1624 = arith.muli %select_n3A_1216, %mul3A_1623 : vector<16xi32>
        tpu.vector_store_idx %arg7[%mul3A_1624, %add3A_22], %parallel_loop3A_1609#4 : memref<128x128xf32, #tpu.memory_space<vmem>>[vector<16xi32>, vector<16xi32>], vector<16xf32>,
        %add3A_1625 = arith.constant 1 : i32
        %add3A_1626 = vector.broadcast %add3A_1625 : i32 to vector<16xi32>
        %add3A_1627 = arith.addi %mul3A_1624, %add3A_1626 : vector<16xi32>
        tpu.vector_store_idx %arg7[%add3A_1627, %add3A_22], %parallel_loop3A_1609#5 : memref<128x128xf32, #tpu.memory_space<vmem>>[vector<16xi32>, vector<16xi32>], vector<16xf32>,
        %mul3A_1628 = arith.constant 2 : i32
        %mul3A_1629 = vector.broadcast %mul3A_1628 : i32 to vector<16xi32>
        %mul3A_1630 = arith.muli %select_n3A_1241, %mul3A_1629 : vector<16xi32>
        tpu.vector_store_idx %arg7[%mul3A_1630, %add3A_22], %parallel_loop3A_1609#6 : memref<128x128xf32, #tpu.memory_space<vmem>>[vector<16xi32>, vector<16xi32>], vector<16xf32>,
        %add3A_1631 = arith.constant 1 : i32
        %add3A_1632 = vector.broadcast %add3A_1631 : i32 to vector<16xi32>
        %add3A_1633 = arith.addi %mul3A_1630, %add3A_1632 : vector<16xi32>
        tpu.vector_store_idx %arg7[%add3A_1633, %add3A_22], %parallel_loop3A_1609#7 : memref<128x128xf32, #tpu.memory_space<vmem>>[vector<16xi32>, vector<16xi32>], vector<16xf32>,
        %mul3A_1634 = arith.constant 2 : i32
        %mul3A_1635 = vector.broadcast %mul3A_1634 : i32 to vector<16xi32>
        %mul3A_1636 = arith.muli %select_n3A_1266, %mul3A_1635 : vector<16xi32>
        tpu.vector_store_idx %arg7[%mul3A_1636, %add3A_22], %parallel_loop3A_1609#8 : memref<128x128xf32, #tpu.memory_space<vmem>>[vector<16xi32>, vector<16xi32>], vector<16xf32>,
        %add3A_1637 = arith.constant 1 : i32
        %add3A_1638 = vector.broadcast %add3A_1637 : i32 to vector<16xi32>
        %add3A_1639 = arith.addi %mul3A_1636, %add3A_1638 : vector<16xi32>
        tpu.vector_store_idx %arg7[%add3A_1639, %add3A_22], %parallel_loop3A_1609#9 : memref<128x128xf32, #tpu.memory_space<vmem>>[vector<16xi32>, vector<16xi32>], vector<16xf32>,
        %mul3A_1640 = arith.constant 2 : i32
        %mul3A_1641 = vector.broadcast %mul3A_1640 : i32 to vector<16xi32>
        %mul3A_1642 = arith.muli %select_n3A_1291, %mul3A_1641 : vector<16xi32>
        tpu.vector_store_idx %arg7[%mul3A_1642, %add3A_22], %parallel_loop3A_1609#10 : memref<128x128xf32, #tpu.memory_space<vmem>>[vector<16xi32>, vector<16xi32>], vector<16xf32>,
        %add3A_1643 = arith.constant 1 : i32
        %add3A_1644 = vector.broadcast %add3A_1643 : i32 to vector<16xi32>
        %add3A_1645 = arith.addi %mul3A_1642, %add3A_1644 : vector<16xi32>
        tpu.vector_store_idx %arg7[%add3A_1645, %add3A_22], %parallel_loop3A_1609#11 : memref<128x128xf32, #tpu.memory_space<vmem>>[vector<16xi32>, vector<16xi32>], vector<16xf32>,
        %mul3A_1646 = arith.constant 2 : i32
        %mul3A_1647 = vector.broadcast %mul3A_1646 : i32 to vector<16xi32>
        %mul3A_1648 = arith.muli %select_n3A_1316, %mul3A_1647 : vector<16xi32>
        tpu.vector_store_idx %arg7[%mul3A_1648, %add3A_22], %parallel_loop3A_1609#12 : memref<128x128xf32, #tpu.memory_space<vmem>>[vector<16xi32>, vector<16xi32>], vector<16xf32>,
        %add3A_1649 = arith.constant 1 : i32
        %add3A_1650 = vector.broadcast %add3A_1649 : i32 to vector<16xi32>
        %add3A_1651 = arith.addi %mul3A_1648, %add3A_1650 : vector<16xi32>
        tpu.vector_store_idx %arg7[%add3A_1651, %add3A_22], %parallel_loop3A_1609#13 : memref<128x128xf32, #tpu.memory_space<vmem>>[vector<16xi32>, vector<16xi32>], vector<16xf32>,
        %mul3A_1652 = arith.constant 2 : i32
        %mul3A_1653 = vector.broadcast %mul3A_1652 : i32 to vector<16xi32>
        %mul3A_1654 = arith.muli %select_n3A_1341, %mul3A_1653 : vector<16xi32>
        tpu.vector_store_idx %arg7[%mul3A_1654, %add3A_22], %parallel_loop3A_1609#14 : memref<128x128xf32, #tpu.memory_space<vmem>>[vector<16xi32>, vector<16xi32>], vector<16xf32>,
        %add3A_1655 = arith.constant 1 : i32
        %add3A_1656 = vector.broadcast %add3A_1655 : i32 to vector<16xi32>
        %add3A_1657 = arith.addi %mul3A_1654, %add3A_1656 : vector<16xi32>
        tpu.vector_store_idx %arg7[%add3A_1657, %add3A_22], %parallel_loop3A_1609#15 : memref<128x128xf32, #tpu.memory_space<vmem>>[vector<16xi32>, vector<16xi32>], vector<16xf32>,
        %mul3A_1658 = arith.constant 2 : i32
        %mul3A_1659 = vector.broadcast %mul3A_1658 : i32 to vector<16xi32>
        %mul3A_1660 = arith.muli %select_n3A_1366, %mul3A_1659 : vector<16xi32>
        tpu.vector_store_idx %arg7[%mul3A_1660, %add3A_22], %parallel_loop3A_1609#16 : memref<128x128xf32, #tpu.memory_space<vmem>>[vector<16xi32>, vector<16xi32>], vector<16xf32>,
        %add3A_1661 = arith.constant 1 : i32
        %add3A_1662 = vector.broadcast %add3A_1661 : i32 to vector<16xi32>
        %add3A_1663 = arith.addi %mul3A_1660, %add3A_1662 : vector<16xi32>
        tpu.vector_store_idx %arg7[%add3A_1663, %add3A_22], %parallel_loop3A_1609#17 : memref<128x128xf32, #tpu.memory_space<vmem>>[vector<16xi32>, vector<16xi32>], vector<16xf32>,
        %mul3A_1664 = arith.constant 2 : i32
        %mul3A_1665 = vector.broadcast %mul3A_1664 : i32 to vector<16xi32>
        %mul3A_1666 = arith.muli %select_n3A_1391, %mul3A_1665 : vector<16xi32>
        tpu.vector_store_idx %arg7[%mul3A_1666, %add3A_22], %parallel_loop3A_1609#18 : memref<128x128xf32, #tpu.memory_space<vmem>>[vector<16xi32>, vector<16xi32>], vector<16xf32>,
        %add3A_1667 = arith.constant 1 : i32
        %add3A_1668 = vector.broadcast %add3A_1667 : i32 to vector<16xi32>
        %add3A_1669 = arith.addi %mul3A_1666, %add3A_1668 : vector<16xi32>
        tpu.vector_store_idx %arg7[%add3A_1669, %add3A_22], %parallel_loop3A_1609#19 : memref<128x128xf32, #tpu.memory_space<vmem>>[vector<16xi32>, vector<16xi32>], vector<16xf32>,
        %mul3A_1670 = arith.constant 2 : i32
        %mul3A_1671 = vector.broadcast %mul3A_1670 : i32 to vector<16xi32>
        %mul3A_1672 = arith.muli %select_n3A_1416, %mul3A_1671 : vector<16xi32>
        tpu.vector_store_idx %arg7[%mul3A_1672, %add3A_22], %parallel_loop3A_1609#20 : memref<128x128xf32, #tpu.memory_space<vmem>>[vector<16xi32>, vector<16xi32>], vector<16xf32>,
        %add3A_1673 = arith.constant 1 : i32
        %add3A_1674 = vector.broadcast %add3A_1673 : i32 to vector<16xi32>
        %add3A_1675 = arith.addi %mul3A_1672, %add3A_1674 : vector<16xi32>
        tpu.vector_store_idx %arg7[%add3A_1675, %add3A_22], %parallel_loop3A_1609#21 : memref<128x128xf32, #tpu.memory_space<vmem>>[vector<16xi32>, vector<16xi32>], vector<16xf32>,
        %mul3A_1676 = arith.constant 2 : i32
        %mul3A_1677 = vector.broadcast %mul3A_1676 : i32 to vector<16xi32>
        %mul3A_1678 = arith.muli %select_n3A_1441, %mul3A_1677 : vector<16xi32>
        tpu.vector_store_idx %arg7[%mul3A_1678, %add3A_22], %parallel_loop3A_1609#22 : memref<128x128xf32, #tpu.memory_space<vmem>>[vector<16xi32>, vector<16xi32>], vector<16xf32>,
        %add3A_1679 = arith.constant 1 : i32
        %add3A_1680 = vector.broadcast %add3A_1679 : i32 to vector<16xi32>
        %add3A_1681 = arith.addi %mul3A_1678, %add3A_1680 : vector<16xi32>
        tpu.vector_store_idx %arg7[%add3A_1681, %add3A_22], %parallel_loop3A_1609#23 : memref<128x128xf32, #tpu.memory_space<vmem>>[vector<16xi32>, vector<16xi32>], vector<16xf32>,
        %mul3A_1682 = arith.constant 2 : i32
        %mul3A_1683 = vector.broadcast %mul3A_1682 : i32 to vector<16xi32>
        %mul3A_1684 = arith.muli %select_n3A_1466, %mul3A_1683 : vector<16xi32>
        tpu.vector_store_idx %arg7[%mul3A_1684, %add3A_22], %parallel_loop3A_1609#24 : memref<128x128xf32, #tpu.memory_space<vmem>>[vector<16xi32>, vector<16xi32>], vector<16xf32>,
        %add3A_1685 = arith.constant 1 : i32
        %add3A_1686 = vector.broadcast %add3A_1685 : i32 to vector<16xi32>
        %add3A_1687 = arith.addi %mul3A_1684, %add3A_1686 : vector<16xi32>
        tpu.vector_store_idx %arg7[%add3A_1687, %add3A_22], %parallel_loop3A_1609#25 : memref<128x128xf32, #tpu.memory_space<vmem>>[vector<16xi32>, vector<16xi32>], vector<16xf32>,
        %mul3A_1688 = arith.constant 2 : i32
        %mul3A_1689 = vector.broadcast %mul3A_1688 : i32 to vector<16xi32>
        %mul3A_1690 = arith.muli %select_n3A_1491, %mul3A_1689 : vector<16xi32>
        tpu.vector_store_idx %arg7[%mul3A_1690, %add3A_22], %parallel_loop3A_1609#26 : memref<128x128xf32, #tpu.memory_space<vmem>>[vector<16xi32>, vector<16xi32>], vector<16xf32>,
        %add3A_1691 = arith.constant 1 : i32
        %add3A_1692 = vector.broadcast %add3A_1691 : i32 to vector<16xi32>
        %add3A_1693 = arith.addi %mul3A_1690, %add3A_1692 : vector<16xi32>
        tpu.vector_store_idx %arg7[%add3A_1693, %add3A_22], %parallel_loop3A_1609#27 : memref<128x128xf32, #tpu.memory_space<vmem>>[vector<16xi32>, vector<16xi32>], vector<16xf32>,
        %mul3A_1694 = arith.constant 2 : i32
        %mul3A_1695 = vector.broadcast %mul3A_1694 : i32 to vector<16xi32>
        %mul3A_1696 = arith.muli %select_n3A_1516, %mul3A_1695 : vector<16xi32>
        tpu.vector_store_idx %arg7[%mul3A_1696, %add3A_22], %parallel_loop3A_1609#28 : memref<128x128xf32, #tpu.memory_space<vmem>>[vector<16xi32>, vector<16xi32>], vector<16xf32>,
        %add3A_1697 = arith.constant 1 : i32
        %add3A_1698 = vector.broadcast %add3A_1697 : i32 to vector<16xi32>
        %add3A_1699 = arith.addi %mul3A_1696, %add3A_1698 : vector<16xi32>
        tpu.vector_store_idx %arg7[%add3A_1699, %add3A_22], %parallel_loop3A_1609#29 : memref<128x128xf32, #tpu.memory_space<vmem>>[vector<16xi32>, vector<16xi32>], vector<16xf32>,
        %mul3A_1700 = arith.constant 2 : i32
        %mul3A_1701 = vector.broadcast %mul3A_1700 : i32 to vector<16xi32>
        %mul3A_1702 = arith.muli %select_n3A_1541, %mul3A_1701 : vector<16xi32>
        tpu.vector_store_idx %arg7[%mul3A_1702, %add3A_22], %parallel_loop3A_1609#30 : memref<128x128xf32, #tpu.memory_space<vmem>>[vector<16xi32>, vector<16xi32>], vector<16xf32>,
        %add3A_1703 = arith.constant 1 : i32
        %add3A_1704 = vector.broadcast %add3A_1703 : i32 to vector<16xi32>
        %add3A_1705 = arith.addi %mul3A_1702, %add3A_1704 : vector<16xi32>
        tpu.vector_store_idx %arg7[%add3A_1705, %add3A_22], %parallel_loop3A_1609#31 : memref<128x128xf32, #tpu.memory_space<vmem>>[vector<16xi32>, vector<16xi32>], vector<16xf32>,
        %add3A_1706 = arith.constant 48 : i32
        %add3A_1707 = vector.broadcast %add3A_1706 : i32 to vector<16xi32>
        %add3A_1708 = arith.addi %iota3A, %add3A_1707 : vector<16xi32>
        %jit3A_1709 = arith.constant 64 : i32
        %eq3A_1710 = arith.constant 0 : i32
        %eq3A_1711 = arith.cmpi eq, %jit3A_1709, %eq3A_1710 : i32
        %jit3A_1712 = arith.constant 1 : i32
        %select_n3A_1713 = arith.select %eq3A_1711, %jit3A_1712, %jit3A_1709 : i32
        %rem3A_1714 = vector.broadcast %select_n3A_1713 : i32 to vector<16xi32>
        %rem3A_1715 = arith.remsi %add3A_1708, %rem3A_1714 : vector<16xi32>
        %ne3A_1716 = arith.constant 0 : i32
        %ne3A_1717 = vector.broadcast %ne3A_1716 : i32 to vector<16xi32>
        %ne3A_1718 = arith.cmpi ne, %rem3A_1715, %ne3A_1717 : vector<16xi32>
        %lt3A_1719 = arith.constant 0 : i32
        %lt3A_1720 = vector.broadcast %lt3A_1719 : i32 to vector<16xi32>
        %lt3A_1721 = arith.cmpi slt, %rem3A_1715, %lt3A_1720 : vector<16xi32>
        %lt3A_1722 = arith.constant 0 : i32
        %lt3A_1723 = arith.cmpi slt, %select_n3A_1713, %lt3A_1722 : i32
        %ne3A_1724 = vector.broadcast %lt3A_1723 : i1 to vector<16xi1>
        %ne3A_1725 = vector.broadcast %ne3A_1724 : vector<16xi1> to vector<16xi1>
        %ne3A_1726 = arith.xori %lt3A_1721, %ne3A_1725 : vector<16xi1>
        %and3A_1727 = arith.andi %ne3A_1726, %ne3A_1718 : vector<16xi1>
        %add3A_1728 = vector.broadcast %select_n3A_1713 : i32 to vector<16xi32>
        %add3A_1729 = arith.addi %rem3A_1715, %add3A_1728 : vector<16xi32>
        %select_n3A_1730 = arith.select %and3A_1727, %add3A_1729, %rem3A_1715 : vector<16xi1>, vector<16xi32>
        %add3A_1731 = arith.constant 49 : i32
        %add3A_1732 = vector.broadcast %add3A_1731 : i32 to vector<16xi32>
        %add3A_1733 = arith.addi %iota3A, %add3A_1732 : vector<16xi32>
        %jit3A_1734 = arith.constant 64 : i32
        %eq3A_1735 = arith.constant 0 : i32
        %eq3A_1736 = arith.cmpi eq, %jit3A_1734, %eq3A_1735 : i32
        %jit3A_1737 = arith.constant 1 : i32
        %select_n3A_1738 = arith.select %eq3A_1736, %jit3A_1737, %jit3A_1734 : i32
        %rem3A_1739 = vector.broadcast %select_n3A_1738 : i32 to vector<16xi32>
        %rem3A_1740 = arith.remsi %add3A_1733, %rem3A_1739 : vector<16xi32>
        %ne3A_1741 = arith.constant 0 : i32
        %ne3A_1742 = vector.broadcast %ne3A_1741 : i32 to vector<16xi32>
        %ne3A_1743 = arith.cmpi ne, %rem3A_1740, %ne3A_1742 : vector<16xi32>
        %lt3A_1744 = arith.constant 0 : i32
        %lt3A_1745 = vector.broadcast %lt3A_1744 : i32 to vector<16xi32>
        %lt3A_1746 = arith.cmpi slt, %rem3A_1740, %lt3A_1745 : vector<16xi32>
        %lt3A_1747 = arith.constant 0 : i32
        %lt3A_1748 = arith.cmpi slt, %select_n3A_1738, %lt3A_1747 : i32
        %ne3A_1749 = vector.broadcast %lt3A_1748 : i1 to vector<16xi1>
        %ne3A_1750 = vector.broadcast %ne3A_1749 : vector<16xi1> to vector<16xi1>
        %ne3A_1751 = arith.xori %lt3A_1746, %ne3A_1750 : vector<16xi1>
        %and3A_1752 = arith.andi %ne3A_1751, %ne3A_1743 : vector<16xi1>
        %add3A_1753 = vector.broadcast %select_n3A_1738 : i32 to vector<16xi32>
        %add3A_1754 = arith.addi %rem3A_1740, %add3A_1753 : vector<16xi32>
        %select_n3A_1755 = arith.select %and3A_1752, %add3A_1754, %rem3A_1740 : vector<16xi1>, vector<16xi32>
        %add3A_1756 = arith.constant 50 : i32
        %add3A_1757 = vector.broadcast %add3A_1756 : i32 to vector<16xi32>
        %add3A_1758 = arith.addi %iota3A, %add3A_1757 : vector<16xi32>
        %jit3A_1759 = arith.constant 64 : i32
        %eq3A_1760 = arith.constant 0 : i32
        %eq3A_1761 = arith.cmpi eq, %jit3A_1759, %eq3A_1760 : i32
        %jit3A_1762 = arith.constant 1 : i32
        %select_n3A_1763 = arith.select %eq3A_1761, %jit3A_1762, %jit3A_1759 : i32
        %rem3A_1764 = vector.broadcast %select_n3A_1763 : i32 to vector<16xi32>
        %rem3A_1765 = arith.remsi %add3A_1758, %rem3A_1764 : vector<16xi32>
        %ne3A_1766 = arith.constant 0 : i32
        %ne3A_1767 = vector.broadcast %ne3A_1766 : i32 to vector<16xi32>
        %ne3A_1768 = arith.cmpi ne, %rem3A_1765, %ne3A_1767 : vector<16xi32>
        %lt3A_1769 = arith.constant 0 : i32
        %lt3A_1770 = vector.broadcast %lt3A_1769 : i32 to vector<16xi32>
        %lt3A_1771 = arith.cmpi slt, %rem3A_1765, %lt3A_1770 : vector<16xi32>
        %lt3A_1772 = arith.constant 0 : i32
        %lt3A_1773 = arith.cmpi slt, %select_n3A_1763, %lt3A_1772 : i32
        %ne3A_1774 = vector.broadcast %lt3A_1773 : i1 to vector<16xi1>
        %ne3A_1775 = vector.broadcast %ne3A_1774 : vector<16xi1> to vector<16xi1>
        %ne3A_1776 = arith.xori %lt3A_1771, %ne3A_1775 : vector<16xi1>
        %and3A_1777 = arith.andi %ne3A_1776, %ne3A_1768 : vector<16xi1>
        %add3A_1778 = vector.broadcast %select_n3A_1763 : i32 to vector<16xi32>
        %add3A_1779 = arith.addi %rem3A_1765, %add3A_1778 : vector<16xi32>
        %select_n3A_1780 = arith.select %and3A_1777, %add3A_1779, %rem3A_1765 : vector<16xi1>, vector<16xi32>
        %add3A_1781 = arith.constant 51 : i32
        %add3A_1782 = vector.broadcast %add3A_1781 : i32 to vector<16xi32>
        %add3A_1783 = arith.addi %iota3A, %add3A_1782 : vector<16xi32>
        %jit3A_1784 = arith.constant 64 : i32
        %eq3A_1785 = arith.constant 0 : i32
        %eq3A_1786 = arith.cmpi eq, %jit3A_1784, %eq3A_1785 : i32
        %jit3A_1787 = arith.constant 1 : i32
        %select_n3A_1788 = arith.select %eq3A_1786, %jit3A_1787, %jit3A_1784 : i32
        %rem3A_1789 = vector.broadcast %select_n3A_1788 : i32 to vector<16xi32>
        %rem3A_1790 = arith.remsi %add3A_1783, %rem3A_1789 : vector<16xi32>
        %ne3A_1791 = arith.constant 0 : i32
        %ne3A_1792 = vector.broadcast %ne3A_1791 : i32 to vector<16xi32>
        %ne3A_1793 = arith.cmpi ne, %rem3A_1790, %ne3A_1792 : vector<16xi32>
        %lt3A_1794 = arith.constant 0 : i32
        %lt3A_1795 = vector.broadcast %lt3A_1794 : i32 to vector<16xi32>
        %lt3A_1796 = arith.cmpi slt, %rem3A_1790, %lt3A_1795 : vector<16xi32>
        %lt3A_1797 = arith.constant 0 : i32
        %lt3A_1798 = arith.cmpi slt, %select_n3A_1788, %lt3A_1797 : i32
        %ne3A_1799 = vector.broadcast %lt3A_1798 : i1 to vector<16xi1>
        %ne3A_1800 = vector.broadcast %ne3A_1799 : vector<16xi1> to vector<16xi1>
        %ne3A_1801 = arith.xori %lt3A_1796, %ne3A_1800 : vector<16xi1>
        %and3A_1802 = arith.andi %ne3A_1801, %ne3A_1793 : vector<16xi1>
        %add3A_1803 = vector.broadcast %select_n3A_1788 : i32 to vector<16xi32>
        %add3A_1804 = arith.addi %rem3A_1790, %add3A_1803 : vector<16xi32>
        %select_n3A_1805 = arith.select %and3A_1802, %add3A_1804, %rem3A_1790 : vector<16xi1>, vector<16xi32>
        %add3A_1806 = arith.constant 52 : i32
        %add3A_1807 = vector.broadcast %add3A_1806 : i32 to vector<16xi32>
        %add3A_1808 = arith.addi %iota3A, %add3A_1807 : vector<16xi32>
        %jit3A_1809 = arith.constant 64 : i32
        %eq3A_1810 = arith.constant 0 : i32
        %eq3A_1811 = arith.cmpi eq, %jit3A_1809, %eq3A_1810 : i32
        %jit3A_1812 = arith.constant 1 : i32
        %select_n3A_1813 = arith.select %eq3A_1811, %jit3A_1812, %jit3A_1809 : i32
        %rem3A_1814 = vector.broadcast %select_n3A_1813 : i32 to vector<16xi32>
        %rem3A_1815 = arith.remsi %add3A_1808, %rem3A_1814 : vector<16xi32>
        %ne3A_1816 = arith.constant 0 : i32
        %ne3A_1817 = vector.broadcast %ne3A_1816 : i32 to vector<16xi32>
        %ne3A_1818 = arith.cmpi ne, %rem3A_1815, %ne3A_1817 : vector<16xi32>
        %lt3A_1819 = arith.constant 0 : i32
        %lt3A_1820 = vector.broadcast %lt3A_1819 : i32 to vector<16xi32>
        %lt3A_1821 = arith.cmpi slt, %rem3A_1815, %lt3A_1820 : vector<16xi32>
        %lt3A_1822 = arith.constant 0 : i32
        %lt3A_1823 = arith.cmpi slt, %select_n3A_1813, %lt3A_1822 : i32
        %ne3A_1824 = vector.broadcast %lt3A_1823 : i1 to vector<16xi1>
        %ne3A_1825 = vector.broadcast %ne3A_1824 : vector<16xi1> to vector<16xi1>
        %ne3A_1826 = arith.xori %lt3A_1821, %ne3A_1825 : vector<16xi1>
        %and3A_1827 = arith.andi %ne3A_1826, %ne3A_1818 : vector<16xi1>
        %add3A_1828 = vector.broadcast %select_n3A_1813 : i32 to vector<16xi32>
        %add3A_1829 = arith.addi %rem3A_1815, %add3A_1828 : vector<16xi32>
        %select_n3A_1830 = arith.select %and3A_1827, %add3A_1829, %rem3A_1815 : vector<16xi1>, vector<16xi32>
        %add3A_1831 = arith.constant 53 : i32
        %add3A_1832 = vector.broadcast %add3A_1831 : i32 to vector<16xi32>
        %add3A_1833 = arith.addi %iota3A, %add3A_1832 : vector<16xi32>
        %jit3A_1834 = arith.constant 64 : i32
        %eq3A_1835 = arith.constant 0 : i32
        %eq3A_1836 = arith.cmpi eq, %jit3A_1834, %eq3A_1835 : i32
        %jit3A_1837 = arith.constant 1 : i32
        %select_n3A_1838 = arith.select %eq3A_1836, %jit3A_1837, %jit3A_1834 : i32
        %rem3A_1839 = vector.broadcast %select_n3A_1838 : i32 to vector<16xi32>
        %rem3A_1840 = arith.remsi %add3A_1833, %rem3A_1839 : vector<16xi32>
        %ne3A_1841 = arith.constant 0 : i32
        %ne3A_1842 = vector.broadcast %ne3A_1841 : i32 to vector<16xi32>
        %ne3A_1843 = arith.cmpi ne, %rem3A_1840, %ne3A_1842 : vector<16xi32>
        %lt3A_1844 = arith.constant 0 : i32
        %lt3A_1845 = vector.broadcast %lt3A_1844 : i32 to vector<16xi32>
        %lt3A_1846 = arith.cmpi slt, %rem3A_1840, %lt3A_1845 : vector<16xi32>
        %lt3A_1847 = arith.constant 0 : i32
        %lt3A_1848 = arith.cmpi slt, %select_n3A_1838, %lt3A_1847 : i32
        %ne3A_1849 = vector.broadcast %lt3A_1848 : i1 to vector<16xi1>
        %ne3A_1850 = vector.broadcast %ne3A_1849 : vector<16xi1> to vector<16xi1>
        %ne3A_1851 = arith.xori %lt3A_1846, %ne3A_1850 : vector<16xi1>
        %and3A_1852 = arith.andi %ne3A_1851, %ne3A_1843 : vector<16xi1>
        %add3A_1853 = vector.broadcast %select_n3A_1838 : i32 to vector<16xi32>
        %add3A_1854 = arith.addi %rem3A_1840, %add3A_1853 : vector<16xi32>
        %select_n3A_1855 = arith.select %and3A_1852, %add3A_1854, %rem3A_1840 : vector<16xi1>, vector<16xi32>
        %add3A_1856 = arith.constant 54 : i32
        %add3A_1857 = vector.broadcast %add3A_1856 : i32 to vector<16xi32>
        %add3A_1858 = arith.addi %iota3A, %add3A_1857 : vector<16xi32>
        %jit3A_1859 = arith.constant 64 : i32
        %eq3A_1860 = arith.constant 0 : i32
        %eq3A_1861 = arith.cmpi eq, %jit3A_1859, %eq3A_1860 : i32
        %jit3A_1862 = arith.constant 1 : i32
        %select_n3A_1863 = arith.select %eq3A_1861, %jit3A_1862, %jit3A_1859 : i32
        %rem3A_1864 = vector.broadcast %select_n3A_1863 : i32 to vector<16xi32>
        %rem3A_1865 = arith.remsi %add3A_1858, %rem3A_1864 : vector<16xi32>
        %ne3A_1866 = arith.constant 0 : i32
        %ne3A_1867 = vector.broadcast %ne3A_1866 : i32 to vector<16xi32>
        %ne3A_1868 = arith.cmpi ne, %rem3A_1865, %ne3A_1867 : vector<16xi32>
        %lt3A_1869 = arith.constant 0 : i32
        %lt3A_1870 = vector.broadcast %lt3A_1869 : i32 to vector<16xi32>
        %lt3A_1871 = arith.cmpi slt, %rem3A_1865, %lt3A_1870 : vector<16xi32>
        %lt3A_1872 = arith.constant 0 : i32
        %lt3A_1873 = arith.cmpi slt, %select_n3A_1863, %lt3A_1872 : i32
        %ne3A_1874 = vector.broadcast %lt3A_1873 : i1 to vector<16xi1>
        %ne3A_1875 = vector.broadcast %ne3A_1874 : vector<16xi1> to vector<16xi1>
        %ne3A_1876 = arith.xori %lt3A_1871, %ne3A_1875 : vector<16xi1>
        %and3A_1877 = arith.andi %ne3A_1876, %ne3A_1868 : vector<16xi1>
        %add3A_1878 = vector.broadcast %select_n3A_1863 : i32 to vector<16xi32>
        %add3A_1879 = arith.addi %rem3A_1865, %add3A_1878 : vector<16xi32>
        %select_n3A_1880 = arith.select %and3A_1877, %add3A_1879, %rem3A_1865 : vector<16xi1>, vector<16xi32>
        %add3A_1881 = arith.constant 55 : i32
        %add3A_1882 = vector.broadcast %add3A_1881 : i32 to vector<16xi32>
        %add3A_1883 = arith.addi %iota3A, %add3A_1882 : vector<16xi32>
        %jit3A_1884 = arith.constant 64 : i32
        %eq3A_1885 = arith.constant 0 : i32
        %eq3A_1886 = arith.cmpi eq, %jit3A_1884, %eq3A_1885 : i32
        %jit3A_1887 = arith.constant 1 : i32
        %select_n3A_1888 = arith.select %eq3A_1886, %jit3A_1887, %jit3A_1884 : i32
        %rem3A_1889 = vector.broadcast %select_n3A_1888 : i32 to vector<16xi32>
        %rem3A_1890 = arith.remsi %add3A_1883, %rem3A_1889 : vector<16xi32>
        %ne3A_1891 = arith.constant 0 : i32
        %ne3A_1892 = vector.broadcast %ne3A_1891 : i32 to vector<16xi32>
        %ne3A_1893 = arith.cmpi ne, %rem3A_1890, %ne3A_1892 : vector<16xi32>
        %lt3A_1894 = arith.constant 0 : i32
        %lt3A_1895 = vector.broadcast %lt3A_1894 : i32 to vector<16xi32>
        %lt3A_1896 = arith.cmpi slt, %rem3A_1890, %lt3A_1895 : vector<16xi32>
        %lt3A_1897 = arith.constant 0 : i32
        %lt3A_1898 = arith.cmpi slt, %select_n3A_1888, %lt3A_1897 : i32
        %ne3A_1899 = vector.broadcast %lt3A_1898 : i1 to vector<16xi1>
        %ne3A_1900 = vector.broadcast %ne3A_1899 : vector<16xi1> to vector<16xi1>
        %ne3A_1901 = arith.xori %lt3A_1896, %ne3A_1900 : vector<16xi1>
        %and3A_1902 = arith.andi %ne3A_1901, %ne3A_1893 : vector<16xi1>
        %add3A_1903 = vector.broadcast %select_n3A_1888 : i32 to vector<16xi32>
        %add3A_1904 = arith.addi %rem3A_1890, %add3A_1903 : vector<16xi32>
        %select_n3A_1905 = arith.select %and3A_1902, %add3A_1904, %rem3A_1890 : vector<16xi1>, vector<16xi32>
        %add3A_1906 = arith.constant 56 : i32
        %add3A_1907 = vector.broadcast %add3A_1906 : i32 to vector<16xi32>
        %add3A_1908 = arith.addi %iota3A, %add3A_1907 : vector<16xi32>
        %jit3A_1909 = arith.constant 64 : i32
        %eq3A_1910 = arith.constant 0 : i32
        %eq3A_1911 = arith.cmpi eq, %jit3A_1909, %eq3A_1910 : i32
        %jit3A_1912 = arith.constant 1 : i32
        %select_n3A_1913 = arith.select %eq3A_1911, %jit3A_1912, %jit3A_1909 : i32
        %rem3A_1914 = vector.broadcast %select_n3A_1913 : i32 to vector<16xi32>
        %rem3A_1915 = arith.remsi %add3A_1908, %rem3A_1914 : vector<16xi32>
        %ne3A_1916 = arith.constant 0 : i32
        %ne3A_1917 = vector.broadcast %ne3A_1916 : i32 to vector<16xi32>
        %ne3A_1918 = arith.cmpi ne, %rem3A_1915, %ne3A_1917 : vector<16xi32>
        %lt3A_1919 = arith.constant 0 : i32
        %lt3A_1920 = vector.broadcast %lt3A_1919 : i32 to vector<16xi32>
        %lt3A_1921 = arith.cmpi slt, %rem3A_1915, %lt3A_1920 : vector<16xi32>
        %lt3A_1922 = arith.constant 0 : i32
        %lt3A_1923 = arith.cmpi slt, %select_n3A_1913, %lt3A_1922 : i32
        %ne3A_1924 = vector.broadcast %lt3A_1923 : i1 to vector<16xi1>
        %ne3A_1925 = vector.broadcast %ne3A_1924 : vector<16xi1> to vector<16xi1>
        %ne3A_1926 = arith.xori %lt3A_1921, %ne3A_1925 : vector<16xi1>
        %and3A_1927 = arith.andi %ne3A_1926, %ne3A_1918 : vector<16xi1>
        %add3A_1928 = vector.broadcast %select_n3A_1913 : i32 to vector<16xi32>
        %add3A_1929 = arith.addi %rem3A_1915, %add3A_1928 : vector<16xi32>
        %select_n3A_1930 = arith.select %and3A_1927, %add3A_1929, %rem3A_1915 : vector<16xi1>, vector<16xi32>
        %add3A_1931 = arith.constant 57 : i32
        %add3A_1932 = vector.broadcast %add3A_1931 : i32 to vector<16xi32>
        %add3A_1933 = arith.addi %iota3A, %add3A_1932 : vector<16xi32>
        %jit3A_1934 = arith.constant 64 : i32
        %eq3A_1935 = arith.constant 0 : i32
        %eq3A_1936 = arith.cmpi eq, %jit3A_1934, %eq3A_1935 : i32
        %jit3A_1937 = arith.constant 1 : i32
        %select_n3A_1938 = arith.select %eq3A_1936, %jit3A_1937, %jit3A_1934 : i32
        %rem3A_1939 = vector.broadcast %select_n3A_1938 : i32 to vector<16xi32>
        %rem3A_1940 = arith.remsi %add3A_1933, %rem3A_1939 : vector<16xi32>
        %ne3A_1941 = arith.constant 0 : i32
        %ne3A_1942 = vector.broadcast %ne3A_1941 : i32 to vector<16xi32>
        %ne3A_1943 = arith.cmpi ne, %rem3A_1940, %ne3A_1942 : vector<16xi32>
        %lt3A_1944 = arith.constant 0 : i32
        %lt3A_1945 = vector.broadcast %lt3A_1944 : i32 to vector<16xi32>
        %lt3A_1946 = arith.cmpi slt, %rem3A_1940, %lt3A_1945 : vector<16xi32>
        %lt3A_1947 = arith.constant 0 : i32
        %lt3A_1948 = arith.cmpi slt, %select_n3A_1938, %lt3A_1947 : i32
        %ne3A_1949 = vector.broadcast %lt3A_1948 : i1 to vector<16xi1>
        %ne3A_1950 = vector.broadcast %ne3A_1949 : vector<16xi1> to vector<16xi1>
        %ne3A_1951 = arith.xori %lt3A_1946, %ne3A_1950 : vector<16xi1>
        %and3A_1952 = arith.andi %ne3A_1951, %ne3A_1943 : vector<16xi1>
        %add3A_1953 = vector.broadcast %select_n3A_1938 : i32 to vector<16xi32>
        %add3A_1954 = arith.addi %rem3A_1940, %add3A_1953 : vector<16xi32>
        %select_n3A_1955 = arith.select %and3A_1952, %add3A_1954, %rem3A_1940 : vector<16xi1>, vector<16xi32>
        %add3A_1956 = arith.constant 58 : i32
        %add3A_1957 = vector.broadcast %add3A_1956 : i32 to vector<16xi32>
        %add3A_1958 = arith.addi %iota3A, %add3A_1957 : vector<16xi32>
        %jit3A_1959 = arith.constant 64 : i32
        %eq3A_1960 = arith.constant 0 : i32
        %eq3A_1961 = arith.cmpi eq, %jit3A_1959, %eq3A_1960 : i32
        %jit3A_1962 = arith.constant 1 : i32
        %select_n3A_1963 = arith.select %eq3A_1961, %jit3A_1962, %jit3A_1959 : i32
        %rem3A_1964 = vector.broadcast %select_n3A_1963 : i32 to vector<16xi32>
        %rem3A_1965 = arith.remsi %add3A_1958, %rem3A_1964 : vector<16xi32>
        %ne3A_1966 = arith.constant 0 : i32
        %ne3A_1967 = vector.broadcast %ne3A_1966 : i32 to vector<16xi32>
        %ne3A_1968 = arith.cmpi ne, %rem3A_1965, %ne3A_1967 : vector<16xi32>
        %lt3A_1969 = arith.constant 0 : i32
        %lt3A_1970 = vector.broadcast %lt3A_1969 : i32 to vector<16xi32>
        %lt3A_1971 = arith.cmpi slt, %rem3A_1965, %lt3A_1970 : vector<16xi32>
        %lt3A_1972 = arith.constant 0 : i32
        %lt3A_1973 = arith.cmpi slt, %select_n3A_1963, %lt3A_1972 : i32
        %ne3A_1974 = vector.broadcast %lt3A_1973 : i1 to vector<16xi1>
        %ne3A_1975 = vector.broadcast %ne3A_1974 : vector<16xi1> to vector<16xi1>
        %ne3A_1976 = arith.xori %lt3A_1971, %ne3A_1975 : vector<16xi1>
        %and3A_1977 = arith.andi %ne3A_1976, %ne3A_1968 : vector<16xi1>
        %add3A_1978 = vector.broadcast %select_n3A_1963 : i32 to vector<16xi32>
        %add3A_1979 = arith.addi %rem3A_1965, %add3A_1978 : vector<16xi32>
        %select_n3A_1980 = arith.select %and3A_1977, %add3A_1979, %rem3A_1965 : vector<16xi1>, vector<16xi32>
        %add3A_1981 = arith.constant 59 : i32
        %add3A_1982 = vector.broadcast %add3A_1981 : i32 to vector<16xi32>
        %add3A_1983 = arith.addi %iota3A, %add3A_1982 : vector<16xi32>
        %jit3A_1984 = arith.constant 64 : i32
        %eq3A_1985 = arith.constant 0 : i32
        %eq3A_1986 = arith.cmpi eq, %jit3A_1984, %eq3A_1985 : i32
        %jit3A_1987 = arith.constant 1 : i32
        %select_n3A_1988 = arith.select %eq3A_1986, %jit3A_1987, %jit3A_1984 : i32
        %rem3A_1989 = vector.broadcast %select_n3A_1988 : i32 to vector<16xi32>
        %rem3A_1990 = arith.remsi %add3A_1983, %rem3A_1989 : vector<16xi32>
        %ne3A_1991 = arith.constant 0 : i32
        %ne3A_1992 = vector.broadcast %ne3A_1991 : i32 to vector<16xi32>
        %ne3A_1993 = arith.cmpi ne, %rem3A_1990, %ne3A_1992 : vector<16xi32>
        %lt3A_1994 = arith.constant 0 : i32
        %lt3A_1995 = vector.broadcast %lt3A_1994 : i32 to vector<16xi32>
        %lt3A_1996 = arith.cmpi slt, %rem3A_1990, %lt3A_1995 : vector<16xi32>
        %lt3A_1997 = arith.constant 0 : i32
        %lt3A_1998 = arith.cmpi slt, %select_n3A_1988, %lt3A_1997 : i32
        %ne3A_1999 = vector.broadcast %lt3A_1998 : i1 to vector<16xi1>
        %ne3A_2000 = vector.broadcast %ne3A_1999 : vector<16xi1> to vector<16xi1>
        %ne3A_2001 = arith.xori %lt3A_1996, %ne3A_2000 : vector<16xi1>
        %and3A_2002 = arith.andi %ne3A_2001, %ne3A_1993 : vector<16xi1>
        %add3A_2003 = vector.broadcast %select_n3A_1988 : i32 to vector<16xi32>
        %add3A_2004 = arith.addi %rem3A_1990, %add3A_2003 : vector<16xi32>
        %select_n3A_2005 = arith.select %and3A_2002, %add3A_2004, %rem3A_1990 : vector<16xi1>, vector<16xi32>
        %add3A_2006 = arith.constant 60 : i32
        %add3A_2007 = vector.broadcast %add3A_2006 : i32 to vector<16xi32>
        %add3A_2008 = arith.addi %iota3A, %add3A_2007 : vector<16xi32>
        %jit3A_2009 = arith.constant 64 : i32
        %eq3A_2010 = arith.constant 0 : i32
        %eq3A_2011 = arith.cmpi eq, %jit3A_2009, %eq3A_2010 : i32
        %jit3A_2012 = arith.constant 1 : i32
        %select_n3A_2013 = arith.select %eq3A_2011, %jit3A_2012, %jit3A_2009 : i32
        %rem3A_2014 = vector.broadcast %select_n3A_2013 : i32 to vector<16xi32>
        %rem3A_2015 = arith.remsi %add3A_2008, %rem3A_2014 : vector<16xi32>
        %ne3A_2016 = arith.constant 0 : i32
        %ne3A_2017 = vector.broadcast %ne3A_2016 : i32 to vector<16xi32>
        %ne3A_2018 = arith.cmpi ne, %rem3A_2015, %ne3A_2017 : vector<16xi32>
        %lt3A_2019 = arith.constant 0 : i32
        %lt3A_2020 = vector.broadcast %lt3A_2019 : i32 to vector<16xi32>
        %lt3A_2021 = arith.cmpi slt, %rem3A_2015, %lt3A_2020 : vector<16xi32>
        %lt3A_2022 = arith.constant 0 : i32
        %lt3A_2023 = arith.cmpi slt, %select_n3A_2013, %lt3A_2022 : i32
        %ne3A_2024 = vector.broadcast %lt3A_2023 : i1 to vector<16xi1>
        %ne3A_2025 = vector.broadcast %ne3A_2024 : vector<16xi1> to vector<16xi1>
        %ne3A_2026 = arith.xori %lt3A_2021, %ne3A_2025 : vector<16xi1>
        %and3A_2027 = arith.andi %ne3A_2026, %ne3A_2018 : vector<16xi1>
        %add3A_2028 = vector.broadcast %select_n3A_2013 : i32 to vector<16xi32>
        %add3A_2029 = arith.addi %rem3A_2015, %add3A_2028 : vector<16xi32>
        %select_n3A_2030 = arith.select %and3A_2027, %add3A_2029, %rem3A_2015 : vector<16xi1>, vector<16xi32>
        %add3A_2031 = arith.constant 61 : i32
        %add3A_2032 = vector.broadcast %add3A_2031 : i32 to vector<16xi32>
        %add3A_2033 = arith.addi %iota3A, %add3A_2032 : vector<16xi32>
        %jit3A_2034 = arith.constant 64 : i32
        %eq3A_2035 = arith.constant 0 : i32
        %eq3A_2036 = arith.cmpi eq, %jit3A_2034, %eq3A_2035 : i32
        %jit3A_2037 = arith.constant 1 : i32
        %select_n3A_2038 = arith.select %eq3A_2036, %jit3A_2037, %jit3A_2034 : i32
        %rem3A_2039 = vector.broadcast %select_n3A_2038 : i32 to vector<16xi32>
        %rem3A_2040 = arith.remsi %add3A_2033, %rem3A_2039 : vector<16xi32>
        %ne3A_2041 = arith.constant 0 : i32
        %ne3A_2042 = vector.broadcast %ne3A_2041 : i32 to vector<16xi32>
        %ne3A_2043 = arith.cmpi ne, %rem3A_2040, %ne3A_2042 : vector<16xi32>
        %lt3A_2044 = arith.constant 0 : i32
        %lt3A_2045 = vector.broadcast %lt3A_2044 : i32 to vector<16xi32>
        %lt3A_2046 = arith.cmpi slt, %rem3A_2040, %lt3A_2045 : vector<16xi32>
        %lt3A_2047 = arith.constant 0 : i32
        %lt3A_2048 = arith.cmpi slt, %select_n3A_2038, %lt3A_2047 : i32
        %ne3A_2049 = vector.broadcast %lt3A_2048 : i1 to vector<16xi1>
        %ne3A_2050 = vector.broadcast %ne3A_2049 : vector<16xi1> to vector<16xi1>
        %ne3A_2051 = arith.xori %lt3A_2046, %ne3A_2050 : vector<16xi1>
        %and3A_2052 = arith.andi %ne3A_2051, %ne3A_2043 : vector<16xi1>
        %add3A_2053 = vector.broadcast %select_n3A_2038 : i32 to vector<16xi32>
        %add3A_2054 = arith.addi %rem3A_2040, %add3A_2053 : vector<16xi32>
        %select_n3A_2055 = arith.select %and3A_2052, %add3A_2054, %rem3A_2040 : vector<16xi1>, vector<16xi32>
        %add3A_2056 = arith.constant 62 : i32
        %add3A_2057 = vector.broadcast %add3A_2056 : i32 to vector<16xi32>
        %add3A_2058 = arith.addi %iota3A, %add3A_2057 : vector<16xi32>
        %jit3A_2059 = arith.constant 64 : i32
        %eq3A_2060 = arith.constant 0 : i32
        %eq3A_2061 = arith.cmpi eq, %jit3A_2059, %eq3A_2060 : i32
        %jit3A_2062 = arith.constant 1 : i32
        %select_n3A_2063 = arith.select %eq3A_2061, %jit3A_2062, %jit3A_2059 : i32
        %rem3A_2064 = vector.broadcast %select_n3A_2063 : i32 to vector<16xi32>
        %rem3A_2065 = arith.remsi %add3A_2058, %rem3A_2064 : vector<16xi32>
        %ne3A_2066 = arith.constant 0 : i32
        %ne3A_2067 = vector.broadcast %ne3A_2066 : i32 to vector<16xi32>
        %ne3A_2068 = arith.cmpi ne, %rem3A_2065, %ne3A_2067 : vector<16xi32>
        %lt3A_2069 = arith.constant 0 : i32
        %lt3A_2070 = vector.broadcast %lt3A_2069 : i32 to vector<16xi32>
        %lt3A_2071 = arith.cmpi slt, %rem3A_2065, %lt3A_2070 : vector<16xi32>
        %lt3A_2072 = arith.constant 0 : i32
        %lt3A_2073 = arith.cmpi slt, %select_n3A_2063, %lt3A_2072 : i32
        %ne3A_2074 = vector.broadcast %lt3A_2073 : i1 to vector<16xi1>
        %ne3A_2075 = vector.broadcast %ne3A_2074 : vector<16xi1> to vector<16xi1>
        %ne3A_2076 = arith.xori %lt3A_2071, %ne3A_2075 : vector<16xi1>
        %and3A_2077 = arith.andi %ne3A_2076, %ne3A_2068 : vector<16xi1>
        %add3A_2078 = vector.broadcast %select_n3A_2063 : i32 to vector<16xi32>
        %add3A_2079 = arith.addi %rem3A_2065, %add3A_2078 : vector<16xi32>
        %select_n3A_2080 = arith.select %and3A_2077, %add3A_2079, %rem3A_2065 : vector<16xi1>, vector<16xi32>
        %add3A_2081 = arith.constant 63 : i32
        %add3A_2082 = vector.broadcast %add3A_2081 : i32 to vector<16xi32>
        %add3A_2083 = arith.addi %iota3A, %add3A_2082 : vector<16xi32>
        %jit3A_2084 = arith.constant 64 : i32
        %eq3A_2085 = arith.constant 0 : i32
        %eq3A_2086 = arith.cmpi eq, %jit3A_2084, %eq3A_2085 : i32
        %jit3A_2087 = arith.constant 1 : i32
        %select_n3A_2088 = arith.select %eq3A_2086, %jit3A_2087, %jit3A_2084 : i32
        %rem3A_2089 = vector.broadcast %select_n3A_2088 : i32 to vector<16xi32>
        %rem3A_2090 = arith.remsi %add3A_2083, %rem3A_2089 : vector<16xi32>
        %ne3A_2091 = arith.constant 0 : i32
        %ne3A_2092 = vector.broadcast %ne3A_2091 : i32 to vector<16xi32>
        %ne3A_2093 = arith.cmpi ne, %rem3A_2090, %ne3A_2092 : vector<16xi32>
        %lt3A_2094 = arith.constant 0 : i32
        %lt3A_2095 = vector.broadcast %lt3A_2094 : i32 to vector<16xi32>
        %lt3A_2096 = arith.cmpi slt, %rem3A_2090, %lt3A_2095 : vector<16xi32>
        %lt3A_2097 = arith.constant 0 : i32
        %lt3A_2098 = arith.cmpi slt, %select_n3A_2088, %lt3A_2097 : i32
        %ne3A_2099 = vector.broadcast %lt3A_2098 : i1 to vector<16xi1>
        %ne3A_2100 = vector.broadcast %ne3A_2099 : vector<16xi1> to vector<16xi1>
        %ne3A_2101 = arith.xori %lt3A_2096, %ne3A_2100 : vector<16xi1>
        %and3A_2102 = arith.andi %ne3A_2101, %ne3A_2093 : vector<16xi1>
        %add3A_2103 = vector.broadcast %select_n3A_2088 : i32 to vector<16xi32>
        %add3A_2104 = arith.addi %rem3A_2090, %add3A_2103 : vector<16xi32>
        %select_n3A_2105 = arith.select %and3A_2102, %add3A_2104, %rem3A_2090 : vector<16xi1>, vector<16xi32>
        %broadcast_in_dim3A_2106 = arith.constant 0.000000e+00 : f32
        %broadcast_in_dim3A_2107 = vector.broadcast %broadcast_in_dim3A_2106 : f32 to vector<16xf32>
        %broadcast_in_dim3A_2108 = arith.constant 0.000000e+00 : f32
        %broadcast_in_dim3A_2109 = vector.broadcast %broadcast_in_dim3A_2108 : f32 to vector<16xf32>
        %broadcast_in_dim3A_2110 = arith.constant 0.000000e+00 : f32
        %broadcast_in_dim3A_2111 = vector.broadcast %broadcast_in_dim3A_2110 : f32 to vector<16xf32>
        %broadcast_in_dim3A_2112 = arith.constant 0.000000e+00 : f32
        %broadcast_in_dim3A_2113 = vector.broadcast %broadcast_in_dim3A_2112 : f32 to vector<16xf32>
        %broadcast_in_dim3A_2114 = arith.constant 0.000000e+00 : f32
        %broadcast_in_dim3A_2115 = vector.broadcast %broadcast_in_dim3A_2114 : f32 to vector<16xf32>
        %broadcast_in_dim3A_2116 = arith.constant 0.000000e+00 : f32
        %broadcast_in_dim3A_2117 = vector.broadcast %broadcast_in_dim3A_2116 : f32 to vector<16xf32>
        %broadcast_in_dim3A_2118 = arith.constant 0.000000e+00 : f32
        %broadcast_in_dim3A_2119 = vector.broadcast %broadcast_in_dim3A_2118 : f32 to vector<16xf32>
        %broadcast_in_dim3A_2120 = arith.constant 0.000000e+00 : f32
        %broadcast_in_dim3A_2121 = vector.broadcast %broadcast_in_dim3A_2120 : f32 to vector<16xf32>
        %broadcast_in_dim3A_2122 = arith.constant 0.000000e+00 : f32
        %broadcast_in_dim3A_2123 = vector.broadcast %broadcast_in_dim3A_2122 : f32 to vector<16xf32>
        %broadcast_in_dim3A_2124 = arith.constant 0.000000e+00 : f32
        %broadcast_in_dim3A_2125 = vector.broadcast %broadcast_in_dim3A_2124 : f32 to vector<16xf32>
        %broadcast_in_dim3A_2126 = arith.constant 0.000000e+00 : f32
        %broadcast_in_dim3A_2127 = vector.broadcast %broadcast_in_dim3A_2126 : f32 to vector<16xf32>
        %broadcast_in_dim3A_2128 = arith.constant 0.000000e+00 : f32
        %broadcast_in_dim3A_2129 = vector.broadcast %broadcast_in_dim3A_2128 : f32 to vector<16xf32>
        %broadcast_in_dim3A_2130 = arith.constant 0.000000e+00 : f32
        %broadcast_in_dim3A_2131 = vector.broadcast %broadcast_in_dim3A_2130 : f32 to vector<16xf32>
        %broadcast_in_dim3A_2132 = arith.constant 0.000000e+00 : f32
        %broadcast_in_dim3A_2133 = vector.broadcast %broadcast_in_dim3A_2132 : f32 to vector<16xf32>
        %broadcast_in_dim3A_2134 = arith.constant 0.000000e+00 : f32
        %broadcast_in_dim3A_2135 = vector.broadcast %broadcast_in_dim3A_2134 : f32 to vector<16xf32>
        %broadcast_in_dim3A_2136 = arith.constant 0.000000e+00 : f32
        %broadcast_in_dim3A_2137 = vector.broadcast %broadcast_in_dim3A_2136 : f32 to vector<16xf32>
        %broadcast_in_dim3A_2138 = arith.constant 0.000000e+00 : f32
        %broadcast_in_dim3A_2139 = vector.broadcast %broadcast_in_dim3A_2138 : f32 to vector<16xf32>
        %broadcast_in_dim3A_2140 = arith.constant 0.000000e+00 : f32
        %broadcast_in_dim3A_2141 = vector.broadcast %broadcast_in_dim3A_2140 : f32 to vector<16xf32>
        %broadcast_in_dim3A_2142 = arith.constant 0.000000e+00 : f32
        %broadcast_in_dim3A_2143 = vector.broadcast %broadcast_in_dim3A_2142 : f32 to vector<16xf32>
        %broadcast_in_dim3A_2144 = arith.constant 0.000000e+00 : f32
        %broadcast_in_dim3A_2145 = vector.broadcast %broadcast_in_dim3A_2144 : f32 to vector<16xf32>
        %broadcast_in_dim3A_2146 = arith.constant 0.000000e+00 : f32
        %broadcast_in_dim3A_2147 = vector.broadcast %broadcast_in_dim3A_2146 : f32 to vector<16xf32>
        %broadcast_in_dim3A_2148 = arith.constant 0.000000e+00 : f32
        %broadcast_in_dim3A_2149 = vector.broadcast %broadcast_in_dim3A_2148 : f32 to vector<16xf32>
        %broadcast_in_dim3A_2150 = arith.constant 0.000000e+00 : f32
        %broadcast_in_dim3A_2151 = vector.broadcast %broadcast_in_dim3A_2150 : f32 to vector<16xf32>
        %broadcast_in_dim3A_2152 = arith.constant 0.000000e+00 : f32
        %broadcast_in_dim3A_2153 = vector.broadcast %broadcast_in_dim3A_2152 : f32 to vector<16xf32>
        %broadcast_in_dim3A_2154 = arith.constant 0.000000e+00 : f32
        %broadcast_in_dim3A_2155 = vector.broadcast %broadcast_in_dim3A_2154 : f32 to vector<16xf32>
        %broadcast_in_dim3A_2156 = arith.constant 0.000000e+00 : f32
        %broadcast_in_dim3A_2157 = vector.broadcast %broadcast_in_dim3A_2156 : f32 to vector<16xf32>
        %broadcast_in_dim3A_2158 = arith.constant 0.000000e+00 : f32
        %broadcast_in_dim3A_2159 = vector.broadcast %broadcast_in_dim3A_2158 : f32 to vector<16xf32>
        %broadcast_in_dim3A_2160 = arith.constant 0.000000e+00 : f32
        %broadcast_in_dim3A_2161 = vector.broadcast %broadcast_in_dim3A_2160 : f32 to vector<16xf32>
        %broadcast_in_dim3A_2162 = arith.constant 0.000000e+00 : f32
        %broadcast_in_dim3A_2163 = vector.broadcast %broadcast_in_dim3A_2162 : f32 to vector<16xf32>
        %broadcast_in_dim3A_2164 = arith.constant 0.000000e+00 : f32
        %broadcast_in_dim3A_2165 = vector.broadcast %broadcast_in_dim3A_2164 : f32 to vector<16xf32>
        %broadcast_in_dim3A_2166 = arith.constant 0.000000e+00 : f32
        %broadcast_in_dim3A_2167 = vector.broadcast %broadcast_in_dim3A_2166 : f32 to vector<16xf32>
        %broadcast_in_dim3A_2168 = arith.constant 0.000000e+00 : f32
        %broadcast_in_dim3A_2169 = vector.broadcast %broadcast_in_dim3A_2168 : f32 to vector<16xf32>
        %parallel_loop3A_2170 = arith.constant 0 : i32
        %parallel_loop3A_2171 = arith.constant 50 : i32
        %parallel_loop3A_2172 = arith.constant 1 : i32
        %parallel_loop3A_2173:32 = scf.for %parallel_loop3A_2270 = %parallel_loop3A_2170 to %parallel_loop3A_2171 step %parallel_loop3A_2172 iter_args(%parallel_loop3A_2271 = %broadcast_in_dim3A_2107, %parallel_loop3A_2272 = %broadcast_in_dim3A_2109, %parallel_loop3A_2273 = %broadcast_in_dim3A_2111, %parallel_loop3A_2274 = %broadcast_in_dim3A_2113, %parallel_loop3A_2275 = %broadcast_in_dim3A_2115, %parallel_loop3A_2276 = %broadcast_in_dim3A_2117, %parallel_loop3A_2277 = %broadcast_in_dim3A_2119, %parallel_loop3A_2278 = %broadcast_in_dim3A_2121, %parallel_loop3A_2279 = %broadcast_in_dim3A_2123, %parallel_loop3A_2280 = %broadcast_in_dim3A_2125, %parallel_loop3A_2281 = %broadcast_in_dim3A_2127, %parallel_loop3A_2282 = %broadcast_in_dim3A_2129, %parallel_loop3A_2283 = %broadcast_in_dim3A_2131, %parallel_loop3A_2284 = %broadcast_in_dim3A_2133, %parallel_loop3A_2285 = %broadcast_in_dim3A_2135, %parallel_loop3A_2286 = %broadcast_in_dim3A_2137, %parallel_loop3A_2287 = %broadcast_in_dim3A_2139, %parallel_loop3A_2288 = %broadcast_in_dim3A_2141, %parallel_loop3A_2289 = %broadcast_in_dim3A_2143, %parallel_loop3A_2290 = %broadcast_in_dim3A_2145, %parallel_loop3A_2291 = %broadcast_in_dim3A_2147, %parallel_loop3A_2292 = %broadcast_in_dim3A_2149, %parallel_loop3A_2293 = %broadcast_in_dim3A_2151, %parallel_loop3A_2294 = %broadcast_in_dim3A_2153, %parallel_loop3A_2295 = %broadcast_in_dim3A_2155, %parallel_loop3A_2296 = %broadcast_in_dim3A_2157, %parallel_loop3A_2297 = %broadcast_in_dim3A_2159, %parallel_loop3A_2298 = %broadcast_in_dim3A_2161, %parallel_loop3A_2299 = %broadcast_in_dim3A_2163, %parallel_loop3A_2300 = %broadcast_in_dim3A_2165, %parallel_loop3A_2301 = %broadcast_in_dim3A_2167, %parallel_loop3A_2302 = %broadcast_in_dim3A_2169) -> (vector<16xf32>, vector<16xf32>, vector<16xf32>, vector<16xf32>, vector<16xf32>, vector<16xf32>, vector<16xf32>, vector<16xf32>, vector<16xf32>, vector<16xf32>, vector<16xf32>, vector<16xf32>, vector<16xf32>, vector<16xf32>, vector<16xf32>, vector<16xf32>, vector<16xf32>, vector<16xf32>, vector<16xf32>, vector<16xf32>, vector<16xf32>, vector<16xf32>, vector<16xf32>, vector<16xf32>, vector<16xf32>, vector<16xf32>, vector<16xf32>, vector<16xf32>, vector<16xf32>, vector<16xf32>, vector<16xf32>, vector<16xf32>)  : i32 {
          %parallel_loop3A_2303 = arith.index_cast %parallel_loop3A_2270 : i32 to index
          %parallel_loop3A_2304 = arith.index_cast %mul3A_20 : i32 to index
          %parallel_loop3A_2305 = tpu.vector_load %arg6[%parallel_loop3A_2303, %parallel_loop3A_2304] {strides = array<i32>} : memref<50x128xi32, #tpu.memory_space<vmem>>, vector<16xi32>,
          %parallel_loop3A_2306 = tpu.vector_load_idx %arg5[%parallel_loop3A_2305, %select_n3A_1730] : memref<777x64xi32, #tpu.memory_space<vmem>>[vector<16xi32>, vector<16xi32>], vector<16xi32>,
          %parallel_loop3A_2307 = vector.bitcast %parallel_loop3A_2306 : vector<16xi32> to vector<32xbf16>
          %parallel_loop3A_2308 = tpu.unpack_subelements %parallel_loop3A_2307, 0 {pack_format = #tpu.pack_format<interleaved>} : vector<32xbf16> -> vector<16xf32>
          %parallel_loop3A_2309 = tpu.unpack_subelements %parallel_loop3A_2307, 1 {pack_format = #tpu.pack_format<interleaved>} : vector<32xbf16> -> vector<16xf32>
          %parallel_loop3A_2310 = arith.addf %parallel_loop3A_2271, %parallel_loop3A_2308 : vector<16xf32>
          %parallel_loop3A_2311 = arith.addf %parallel_loop3A_2272, %parallel_loop3A_2309 : vector<16xf32>
          %parallel_loop3A_2312 = tpu.vector_load_idx %arg5[%parallel_loop3A_2305, %select_n3A_1755] : memref<777x64xi32, #tpu.memory_space<vmem>>[vector<16xi32>, vector<16xi32>], vector<16xi32>,
          %parallel_loop3A_2313 = vector.bitcast %parallel_loop3A_2312 : vector<16xi32> to vector<32xbf16>
          %parallel_loop3A_2314 = tpu.unpack_subelements %parallel_loop3A_2313, 0 {pack_format = #tpu.pack_format<interleaved>} : vector<32xbf16> -> vector<16xf32>
          %parallel_loop3A_2315 = tpu.unpack_subelements %parallel_loop3A_2313, 1 {pack_format = #tpu.pack_format<interleaved>} : vector<32xbf16> -> vector<16xf32>
          %parallel_loop3A_2316 = arith.addf %parallel_loop3A_2273, %parallel_loop3A_2314 : vector<16xf32>
          %parallel_loop3A_2317 = arith.addf %parallel_loop3A_2274, %parallel_loop3A_2315 : vector<16xf32>
          %parallel_loop3A_2318 = tpu.vector_load_idx %arg5[%parallel_loop3A_2305, %select_n3A_1780] : memref<777x64xi32, #tpu.memory_space<vmem>>[vector<16xi32>, vector<16xi32>], vector<16xi32>,
          %parallel_loop3A_2319 = vector.bitcast %parallel_loop3A_2318 : vector<16xi32> to vector<32xbf16>
          %parallel_loop3A_2320 = tpu.unpack_subelements %parallel_loop3A_2319, 0 {pack_format = #tpu.pack_format<interleaved>} : vector<32xbf16> -> vector<16xf32>
          %parallel_loop3A_2321 = tpu.unpack_subelements %parallel_loop3A_2319, 1 {pack_format = #tpu.pack_format<interleaved>} : vector<32xbf16> -> vector<16xf32>
          %parallel_loop3A_2322 = arith.addf %parallel_loop3A_2275, %parallel_loop3A_2320 : vector<16xf32>
          %parallel_loop3A_2323 = arith.addf %parallel_loop3A_2276, %parallel_loop3A_2321 : vector<16xf32>
          %parallel_loop3A_2324 = tpu.vector_load_idx %arg5[%parallel_loop3A_2305, %select_n3A_1805] : memref<777x64xi32, #tpu.memory_space<vmem>>[vector<16xi32>, vector<16xi32>], vector<16xi32>,
          %parallel_loop3A_2325 = vector.bitcast %parallel_loop3A_2324 : vector<16xi32> to vector<32xbf16>
          %parallel_loop3A_2326 = tpu.unpack_subelements %parallel_loop3A_2325, 0 {pack_format = #tpu.pack_format<interleaved>} : vector<32xbf16> -> vector<16xf32>
          %parallel_loop3A_2327 = tpu.unpack_subelements %parallel_loop3A_2325, 1 {pack_format = #tpu.pack_format<interleaved>} : vector<32xbf16> -> vector<16xf32>
          %parallel_loop3A_2328 = arith.addf %parallel_loop3A_2277, %parallel_loop3A_2326 : vector<16xf32>
          %parallel_loop3A_2329 = arith.addf %parallel_loop3A_2278, %parallel_loop3A_2327 : vector<16xf32>
          %parallel_loop3A_2330 = tpu.vector_load_idx %arg5[%parallel_loop3A_2305, %select_n3A_1830] : memref<777x64xi32, #tpu.memory_space<vmem>>[vector<16xi32>, vector<16xi32>], vector<16xi32>,
          %parallel_loop3A_2331 = vector.bitcast %parallel_loop3A_2330 : vector<16xi32> to vector<32xbf16>
          %parallel_loop3A_2332 = tpu.unpack_subelements %parallel_loop3A_2331, 0 {pack_format = #tpu.pack_format<interleaved>} : vector<32xbf16> -> vector<16xf32>
          %parallel_loop3A_2333 = tpu.unpack_subelements %parallel_loop3A_2331, 1 {pack_format = #tpu.pack_format<interleaved>} : vector<32xbf16> -> vector<16xf32>
          %parallel_loop3A_2334 = arith.addf %parallel_loop3A_2279, %parallel_loop3A_2332 : vector<16xf32>
          %parallel_loop3A_2335 = arith.addf %parallel_loop3A_2280, %parallel_loop3A_2333 : vector<16xf32>
          %parallel_loop3A_2336 = tpu.vector_load_idx %arg5[%parallel_loop3A_2305, %select_n3A_1855] : memref<777x64xi32, #tpu.memory_space<vmem>>[vector<16xi32>, vector<16xi32>], vector<16xi32>,
          %parallel_loop3A_2337 = vector.bitcast %parallel_loop3A_2336 : vector<16xi32> to vector<32xbf16>
          %parallel_loop3A_2338 = tpu.unpack_subelements %parallel_loop3A_2337, 0 {pack_format = #tpu.pack_format<interleaved>} : vector<32xbf16> -> vector<16xf32>
          %parallel_loop3A_2339 = tpu.unpack_subelements %parallel_loop3A_2337, 1 {pack_format = #tpu.pack_format<interleaved>} : vector<32xbf16> -> vector<16xf32>
          %parallel_loop3A_2340 = arith.addf %parallel_loop3A_2281, %parallel_loop3A_2338 : vector<16xf32>
          %parallel_loop3A_2341 = arith.addf %parallel_loop3A_2282, %parallel_loop3A_2339 : vector<16xf32>
          %parallel_loop3A_2342 = tpu.vector_load_idx %arg5[%parallel_loop3A_2305, %select_n3A_1880] : memref<777x64xi32, #tpu.memory_space<vmem>>[vector<16xi32>, vector<16xi32>], vector<16xi32>,
          %parallel_loop3A_2343 = vector.bitcast %parallel_loop3A_2342 : vector<16xi32> to vector<32xbf16>
          %parallel_loop3A_2344 = tpu.unpack_subelements %parallel_loop3A_2343, 0 {pack_format = #tpu.pack_format<interleaved>} : vector<32xbf16> -> vector<16xf32>
          %parallel_loop3A_2345 = tpu.unpack_subelements %parallel_loop3A_2343, 1 {pack_format = #tpu.pack_format<interleaved>} : vector<32xbf16> -> vector<16xf32>
          %parallel_loop3A_2346 = arith.addf %parallel_loop3A_2283, %parallel_loop3A_2344 : vector<16xf32>
          %parallel_loop3A_2347 = arith.addf %parallel_loop3A_2284, %parallel_loop3A_2345 : vector<16xf32>
          %parallel_loop3A_2348 = tpu.vector_load_idx %arg5[%parallel_loop3A_2305, %select_n3A_1905] : memref<777x64xi32, #tpu.memory_space<vmem>>[vector<16xi32>, vector<16xi32>], vector<16xi32>,
          %parallel_loop3A_2349 = vector.bitcast %parallel_loop3A_2348 : vector<16xi32> to vector<32xbf16>
          %parallel_loop3A_2350 = tpu.unpack_subelements %parallel_loop3A_2349, 0 {pack_format = #tpu.pack_format<interleaved>} : vector<32xbf16> -> vector<16xf32>
          %parallel_loop3A_2351 = tpu.unpack_subelements %parallel_loop3A_2349, 1 {pack_format = #tpu.pack_format<interleaved>} : vector<32xbf16> -> vector<16xf32>
          %parallel_loop3A_2352 = arith.addf %parallel_loop3A_2285, %parallel_loop3A_2350 : vector<16xf32>
          %parallel_loop3A_2353 = arith.addf %parallel_loop3A_2286, %parallel_loop3A_2351 : vector<16xf32>
          %parallel_loop3A_2354 = tpu.vector_load_idx %arg5[%parallel_loop3A_2305, %select_n3A_1930] : memref<777x64xi32, #tpu.memory_space<vmem>>[vector<16xi32>, vector<16xi32>], vector<16xi32>,
          %parallel_loop3A_2355 = vector.bitcast %parallel_loop3A_2354 : vector<16xi32> to vector<32xbf16>
          %parallel_loop3A_2356 = tpu.unpack_subelements %parallel_loop3A_2355, 0 {pack_format = #tpu.pack_format<interleaved>} : vector<32xbf16> -> vector<16xf32>
          %parallel_loop3A_2357 = tpu.unpack_subelements %parallel_loop3A_2355, 1 {pack_format = #tpu.pack_format<interleaved>} : vector<32xbf16> -> vector<16xf32>
          %parallel_loop3A_2358 = arith.addf %parallel_loop3A_2287, %parallel_loop3A_2356 : vector<16xf32>
          %parallel_loop3A_2359 = arith.addf %parallel_loop3A_2288, %parallel_loop3A_2357 : vector<16xf32>
          %parallel_loop3A_2360 = tpu.vector_load_idx %arg5[%parallel_loop3A_2305, %select_n3A_1955] : memref<777x64xi32, #tpu.memory_space<vmem>>[vector<16xi32>, vector<16xi32>], vector<16xi32>,
          %parallel_loop3A_2361 = vector.bitcast %parallel_loop3A_2360 : vector<16xi32> to vector<32xbf16>
          %parallel_loop3A_2362 = tpu.unpack_subelements %parallel_loop3A_2361, 0 {pack_format = #tpu.pack_format<interleaved>} : vector<32xbf16> -> vector<16xf32>
          %parallel_loop3A_2363 = tpu.unpack_subelements %parallel_loop3A_2361, 1 {pack_format = #tpu.pack_format<interleaved>} : vector<32xbf16> -> vector<16xf32>
          %parallel_loop3A_2364 = arith.addf %parallel_loop3A_2289, %parallel_loop3A_2362 : vector<16xf32>
          %parallel_loop3A_2365 = arith.addf %parallel_loop3A_2290, %parallel_loop3A_2363 : vector<16xf32>
          %parallel_loop3A_2366 = tpu.vector_load_idx %arg5[%parallel_loop3A_2305, %select_n3A_1980] : memref<777x64xi32, #tpu.memory_space<vmem>>[vector<16xi32>, vector<16xi32>], vector<16xi32>,
          %parallel_loop3A_2367 = vector.bitcast %parallel_loop3A_2366 : vector<16xi32> to vector<32xbf16>
          %parallel_loop3A_2368 = tpu.unpack_subelements %parallel_loop3A_2367, 0 {pack_format = #tpu.pack_format<interleaved>} : vector<32xbf16> -> vector<16xf32>
          %parallel_loop3A_2369 = tpu.unpack_subelements %parallel_loop3A_2367, 1 {pack_format = #tpu.pack_format<interleaved>} : vector<32xbf16> -> vector<16xf32>
          %parallel_loop3A_2370 = arith.addf %parallel_loop3A_2291, %parallel_loop3A_2368 : vector<16xf32>
          %parallel_loop3A_2371 = arith.addf %parallel_loop3A_2292, %parallel_loop3A_2369 : vector<16xf32>
          %parallel_loop3A_2372 = tpu.vector_load_idx %arg5[%parallel_loop3A_2305, %select_n3A_2005] : memref<777x64xi32, #tpu.memory_space<vmem>>[vector<16xi32>, vector<16xi32>], vector<16xi32>,
          %parallel_loop3A_2373 = vector.bitcast %parallel_loop3A_2372 : vector<16xi32> to vector<32xbf16>
          %parallel_loop3A_2374 = tpu.unpack_subelements %parallel_loop3A_2373, 0 {pack_format = #tpu.pack_format<interleaved>} : vector<32xbf16> -> vector<16xf32>
          %parallel_loop3A_2375 = tpu.unpack_subelements %parallel_loop3A_2373, 1 {pack_format = #tpu.pack_format<interleaved>} : vector<32xbf16> -> vector<16xf32>
          %parallel_loop3A_2376 = arith.addf %parallel_loop3A_2293, %parallel_loop3A_2374 : vector<16xf32>
          %parallel_loop3A_2377 = arith.addf %parallel_loop3A_2294, %parallel_loop3A_2375 : vector<16xf32>
          %parallel_loop3A_2378 = tpu.vector_load_idx %arg5[%parallel_loop3A_2305, %select_n3A_2030] : memref<777x64xi32, #tpu.memory_space<vmem>>[vector<16xi32>, vector<16xi32>], vector<16xi32>,
          %parallel_loop3A_2379 = vector.bitcast %parallel_loop3A_2378 : vector<16xi32> to vector<32xbf16>
          %parallel_loop3A_2380 = tpu.unpack_subelements %parallel_loop3A_2379, 0 {pack_format = #tpu.pack_format<interleaved>} : vector<32xbf16> -> vector<16xf32>
          %parallel_loop3A_2381 = tpu.unpack_subelements %parallel_loop3A_2379, 1 {pack_format = #tpu.pack_format<interleaved>} : vector<32xbf16> -> vector<16xf32>
          %parallel_loop3A_2382 = arith.addf %parallel_loop3A_2295, %parallel_loop3A_2380 : vector<16xf32>
          %parallel_loop3A_2383 = arith.addf %parallel_loop3A_2296, %parallel_loop3A_2381 : vector<16xf32>
          %parallel_loop3A_2384 = tpu.vector_load_idx %arg5[%parallel_loop3A_2305, %select_n3A_2055] : memref<777x64xi32, #tpu.memory_space<vmem>>[vector<16xi32>, vector<16xi32>], vector<16xi32>,
          %parallel_loop3A_2385 = vector.bitcast %parallel_loop3A_2384 : vector<16xi32> to vector<32xbf16>
          %parallel_loop3A_2386 = tpu.unpack_subelements %parallel_loop3A_2385, 0 {pack_format = #tpu.pack_format<interleaved>} : vector<32xbf16> -> vector<16xf32>
          %parallel_loop3A_2387 = tpu.unpack_subelements %parallel_loop3A_2385, 1 {pack_format = #tpu.pack_format<interleaved>} : vector<32xbf16> -> vector<16xf32>
          %parallel_loop3A_2388 = arith.addf %parallel_loop3A_2297, %parallel_loop3A_2386 : vector<16xf32>
          %parallel_loop3A_2389 = arith.addf %parallel_loop3A_2298, %parallel_loop3A_2387 : vector<16xf32>
          %parallel_loop3A_2390 = tpu.vector_load_idx %arg5[%parallel_loop3A_2305, %select_n3A_2080] : memref<777x64xi32, #tpu.memory_space<vmem>>[vector<16xi32>, vector<16xi32>], vector<16xi32>,
          %parallel_loop3A_2391 = vector.bitcast %parallel_loop3A_2390 : vector<16xi32> to vector<32xbf16>
          %parallel_loop3A_2392 = tpu.unpack_subelements %parallel_loop3A_2391, 0 {pack_format = #tpu.pack_format<interleaved>} : vector<32xbf16> -> vector<16xf32>
          %parallel_loop3A_2393 = tpu.unpack_subelements %parallel_loop3A_2391, 1 {pack_format = #tpu.pack_format<interleaved>} : vector<32xbf16> -> vector<16xf32>
          %parallel_loop3A_2394 = arith.addf %parallel_loop3A_2299, %parallel_loop3A_2392 : vector<16xf32>
          %parallel_loop3A_2395 = arith.addf %parallel_loop3A_2300, %parallel_loop3A_2393 : vector<16xf32>
          %parallel_loop3A_2396 = tpu.vector_load_idx %arg5[%parallel_loop3A_2305, %select_n3A_2105] : memref<777x64xi32, #tpu.memory_space<vmem>>[vector<16xi32>, vector<16xi32>], vector<16xi32>,
          %parallel_loop3A_2397 = vector.bitcast %parallel_loop3A_2396 : vector<16xi32> to vector<32xbf16>
          %parallel_loop3A_2398 = tpu.unpack_subelements %parallel_loop3A_2397, 0 {pack_format = #tpu.pack_format<interleaved>} : vector<32xbf16> -> vector<16xf32>
          %parallel_loop3A_2399 = tpu.unpack_subelements %parallel_loop3A_2397, 1 {pack_format = #tpu.pack_format<interleaved>} : vector<32xbf16> -> vector<16xf32>
          %parallel_loop3A_2400 = arith.addf %parallel_loop3A_2301, %parallel_loop3A_2398 : vector<16xf32>
          %parallel_loop3A_2401 = arith.addf %parallel_loop3A_2302, %parallel_loop3A_2399 : vector<16xf32>
          scf.yield %parallel_loop3A_2310, %parallel_loop3A_2311, %parallel_loop3A_2316, %parallel_loop3A_2317, %parallel_loop3A_2322, %parallel_loop3A_2323, %parallel_loop3A_2328, %parallel_loop3A_2329, %parallel_loop3A_2334, %parallel_loop3A_2335, %parallel_loop3A_2340, %parallel_loop3A_2341, %parallel_loop3A_2346, %parallel_loop3A_2347, %parallel_loop3A_2352, %parallel_loop3A_2353, %parallel_loop3A_2358, %parallel_loop3A_2359, %parallel_loop3A_2364, %parallel_loop3A_2365, %parallel_loop3A_2370, %parallel_loop3A_2371, %parallel_loop3A_2376, %parallel_loop3A_2377, %parallel_loop3A_2382, %parallel_loop3A_2383, %parallel_loop3A_2388, %parallel_loop3A_2389, %parallel_loop3A_2394, %parallel_loop3A_2395, %parallel_loop3A_2400, %parallel_loop3A_2401 : vector<16xf32>, vector<16xf32>, vector<16xf32>, vector<16xf32>, vector<16xf32>, vector<16xf32>, vector<16xf32>, vector<16xf32>, vector<16xf32>, vector<16xf32>, vector<16xf32>, vector<16xf32>, vector<16xf32>, vector<16xf32>, vector<16xf32>, vector<16xf32>, vector<16xf32>, vector<16xf32>, vector<16xf32>, vector<16xf32>, vector<16xf32>, vector<16xf32>, vector<16xf32>, vector<16xf32>, vector<16xf32>, vector<16xf32>, vector<16xf32>, vector<16xf32>, vector<16xf32>, vector<16xf32>, vector<16xf32>, vector<16xf32>
        } {sc.loop_unroll_factor = 2 : i64, sc.parallel_access}
        %mul3A_2174 = arith.constant 2 : i32
        %mul3A_2175 = vector.broadcast %mul3A_2174 : i32 to vector<16xi32>
        %mul3A_2176 = arith.muli %select_n3A_1730, %mul3A_2175 : vector<16xi32>
        tpu.vector_store_idx %arg7[%mul3A_2176, %add3A_22], %parallel_loop3A_2173#0 : memref<128x128xf32, #tpu.memory_space<vmem>>[vector<16xi32>, vector<16xi32>], vector<16xf32>,
        %add3A_2177 = arith.constant 1 : i32
        %add3A_2178 = vector.broadcast %add3A_2177 : i32 to vector<16xi32>
        %add3A_2179 = arith.addi %mul3A_2176, %add3A_2178 : vector<16xi32>
        tpu.vector_store_idx %arg7[%add3A_2179, %add3A_22], %parallel_loop3A_2173#1 : memref<128x128xf32, #tpu.memory_space<vmem>>[vector<16xi32>, vector<16xi32>], vector<16xf32>,
        %mul3A_2180 = arith.constant 2 : i32
        %mul3A_2181 = vector.broadcast %mul3A_2180 : i32 to vector<16xi32>
        %mul3A_2182 = arith.muli %select_n3A_1755, %mul3A_2181 : vector<16xi32>
        tpu.vector_store_idx %arg7[%mul3A_2182, %add3A_22], %parallel_loop3A_2173#2 : memref<128x128xf32, #tpu.memory_space<vmem>>[vector<16xi32>, vector<16xi32>], vector<16xf32>,
        %add3A_2183 = arith.constant 1 : i32
        %add3A_2184 = vector.broadcast %add3A_2183 : i32 to vector<16xi32>
        %add3A_2185 = arith.addi %mul3A_2182, %add3A_2184 : vector<16xi32>
        tpu.vector_store_idx %arg7[%add3A_2185, %add3A_22], %parallel_loop3A_2173#3 : memref<128x128xf32, #tpu.memory_space<vmem>>[vector<16xi32>, vector<16xi32>], vector<16xf32>,
        %mul3A_2186 = arith.constant 2 : i32
        %mul3A_2187 = vector.broadcast %mul3A_2186 : i32 to vector<16xi32>
        %mul3A_2188 = arith.muli %select_n3A_1780, %mul3A_2187 : vector<16xi32>
        tpu.vector_store_idx %arg7[%mul3A_2188, %add3A_22], %parallel_loop3A_2173#4 : memref<128x128xf32, #tpu.memory_space<vmem>>[vector<16xi32>, vector<16xi32>], vector<16xf32>,
        %add3A_2189 = arith.constant 1 : i32
        %add3A_2190 = vector.broadcast %add3A_2189 : i32 to vector<16xi32>
        %add3A_2191 = arith.addi %mul3A_2188, %add3A_2190 : vector<16xi32>
        tpu.vector_store_idx %arg7[%add3A_2191, %add3A_22], %parallel_loop3A_2173#5 : memref<128x128xf32, #tpu.memory_space<vmem>>[vector<16xi32>, vector<16xi32>], vector<16xf32>,
        %mul3A_2192 = arith.constant 2 : i32
        %mul3A_2193 = vector.broadcast %mul3A_2192 : i32 to vector<16xi32>
        %mul3A_2194 = arith.muli %select_n3A_1805, %mul3A_2193 : vector<16xi32>
        tpu.vector_store_idx %arg7[%mul3A_2194, %add3A_22], %parallel_loop3A_2173#6 : memref<128x128xf32, #tpu.memory_space<vmem>>[vector<16xi32>, vector<16xi32>], vector<16xf32>,
        %add3A_2195 = arith.constant 1 : i32
        %add3A_2196 = vector.broadcast %add3A_2195 : i32 to vector<16xi32>
        %add3A_2197 = arith.addi %mul3A_2194, %add3A_2196 : vector<16xi32>
        tpu.vector_store_idx %arg7[%add3A_2197, %add3A_22], %parallel_loop3A_2173#7 : memref<128x128xf32, #tpu.memory_space<vmem>>[vector<16xi32>, vector<16xi32>], vector<16xf32>,
        %mul3A_2198 = arith.constant 2 : i32
        %mul3A_2199 = vector.broadcast %mul3A_2198 : i32 to vector<16xi32>
        %mul3A_2200 = arith.muli %select_n3A_1830, %mul3A_2199 : vector<16xi32>
        tpu.vector_store_idx %arg7[%mul3A_2200, %add3A_22], %parallel_loop3A_2173#8 : memref<128x128xf32, #tpu.memory_space<vmem>>[vector<16xi32>, vector<16xi32>], vector<16xf32>,
        %add3A_2201 = arith.constant 1 : i32
        %add3A_2202 = vector.broadcast %add3A_2201 : i32 to vector<16xi32>
        %add3A_2203 = arith.addi %mul3A_2200, %add3A_2202 : vector<16xi32>
        tpu.vector_store_idx %arg7[%add3A_2203, %add3A_22], %parallel_loop3A_2173#9 : memref<128x128xf32, #tpu.memory_space<vmem>>[vector<16xi32>, vector<16xi32>], vector<16xf32>,
        %mul3A_2204 = arith.constant 2 : i32
        %mul3A_2205 = vector.broadcast %mul3A_2204 : i32 to vector<16xi32>
        %mul3A_2206 = arith.muli %select_n3A_1855, %mul3A_2205 : vector<16xi32>
        tpu.vector_store_idx %arg7[%mul3A_2206, %add3A_22], %parallel_loop3A_2173#10 : memref<128x128xf32, #tpu.memory_space<vmem>>[vector<16xi32>, vector<16xi32>], vector<16xf32>,
        %add3A_2207 = arith.constant 1 : i32
        %add3A_2208 = vector.broadcast %add3A_2207 : i32 to vector<16xi32>
        %add3A_2209 = arith.addi %mul3A_2206, %add3A_2208 : vector<16xi32>
        tpu.vector_store_idx %arg7[%add3A_2209, %add3A_22], %parallel_loop3A_2173#11 : memref<128x128xf32, #tpu.memory_space<vmem>>[vector<16xi32>, vector<16xi32>], vector<16xf32>,
        %mul3A_2210 = arith.constant 2 : i32
        %mul3A_2211 = vector.broadcast %mul3A_2210 : i32 to vector<16xi32>
        %mul3A_2212 = arith.muli %select_n3A_1880, %mul3A_2211 : vector<16xi32>
        tpu.vector_store_idx %arg7[%mul3A_2212, %add3A_22], %parallel_loop3A_2173#12 : memref<128x128xf32, #tpu.memory_space<vmem>>[vector<16xi32>, vector<16xi32>], vector<16xf32>,
        %add3A_2213 = arith.constant 1 : i32
        %add3A_2214 = vector.broadcast %add3A_2213 : i32 to vector<16xi32>
        %add3A_2215 = arith.addi %mul3A_2212, %add3A_2214 : vector<16xi32>
        tpu.vector_store_idx %arg7[%add3A_2215, %add3A_22], %parallel_loop3A_2173#13 : memref<128x128xf32, #tpu.memory_space<vmem>>[vector<16xi32>, vector<16xi32>], vector<16xf32>,
        %mul3A_2216 = arith.constant 2 : i32
        %mul3A_2217 = vector.broadcast %mul3A_2216 : i32 to vector<16xi32>
        %mul3A_2218 = arith.muli %select_n3A_1905, %mul3A_2217 : vector<16xi32>
        tpu.vector_store_idx %arg7[%mul3A_2218, %add3A_22], %parallel_loop3A_2173#14 : memref<128x128xf32, #tpu.memory_space<vmem>>[vector<16xi32>, vector<16xi32>], vector<16xf32>,
        %add3A_2219 = arith.constant 1 : i32
        %add3A_2220 = vector.broadcast %add3A_2219 : i32 to vector<16xi32>
        %add3A_2221 = arith.addi %mul3A_2218, %add3A_2220 : vector<16xi32>
        tpu.vector_store_idx %arg7[%add3A_2221, %add3A_22], %parallel_loop3A_2173#15 : memref<128x128xf32, #tpu.memory_space<vmem>>[vector<16xi32>, vector<16xi32>], vector<16xf32>,
        %mul3A_2222 = arith.constant 2 : i32
        %mul3A_2223 = vector.broadcast %mul3A_2222 : i32 to vector<16xi32>
        %mul3A_2224 = arith.muli %select_n3A_1930, %mul3A_2223 : vector<16xi32>
        tpu.vector_store_idx %arg7[%mul3A_2224, %add3A_22], %parallel_loop3A_2173#16 : memref<128x128xf32, #tpu.memory_space<vmem>>[vector<16xi32>, vector<16xi32>], vector<16xf32>,
        %add3A_2225 = arith.constant 1 : i32
        %add3A_2226 = vector.broadcast %add3A_2225 : i32 to vector<16xi32>
        %add3A_2227 = arith.addi %mul3A_2224, %add3A_2226 : vector<16xi32>
        tpu.vector_store_idx %arg7[%add3A_2227, %add3A_22], %parallel_loop3A_2173#17 : memref<128x128xf32, #tpu.memory_space<vmem>>[vector<16xi32>, vector<16xi32>], vector<16xf32>,
        %mul3A_2228 = arith.constant 2 : i32
        %mul3A_2229 = vector.broadcast %mul3A_2228 : i32 to vector<16xi32>
        %mul3A_2230 = arith.muli %select_n3A_1955, %mul3A_2229 : vector<16xi32>
        tpu.vector_store_idx %arg7[%mul3A_2230, %add3A_22], %parallel_loop3A_2173#18 : memref<128x128xf32, #tpu.memory_space<vmem>>[vector<16xi32>, vector<16xi32>], vector<16xf32>,
        %add3A_2231 = arith.constant 1 : i32
        %add3A_2232 = vector.broadcast %add3A_2231 : i32 to vector<16xi32>
        %add3A_2233 = arith.addi %mul3A_2230, %add3A_2232 : vector<16xi32>
        tpu.vector_store_idx %arg7[%add3A_2233, %add3A_22], %parallel_loop3A_2173#19 : memref<128x128xf32, #tpu.memory_space<vmem>>[vector<16xi32>, vector<16xi32>], vector<16xf32>,
        %mul3A_2234 = arith.constant 2 : i32
        %mul3A_2235 = vector.broadcast %mul3A_2234 : i32 to vector<16xi32>
        %mul3A_2236 = arith.muli %select_n3A_1980, %mul3A_2235 : vector<16xi32>
        tpu.vector_store_idx %arg7[%mul3A_2236, %add3A_22], %parallel_loop3A_2173#20 : memref<128x128xf32, #tpu.memory_space<vmem>>[vector<16xi32>, vector<16xi32>], vector<16xf32>,
        %add3A_2237 = arith.constant 1 : i32
        %add3A_2238 = vector.broadcast %add3A_2237 : i32 to vector<16xi32>
        %add3A_2239 = arith.addi %mul3A_2236, %add3A_2238 : vector<16xi32>
        tpu.vector_store_idx %arg7[%add3A_2239, %add3A_22], %parallel_loop3A_2173#21 : memref<128x128xf32, #tpu.memory_space<vmem>>[vector<16xi32>, vector<16xi32>], vector<16xf32>,
        %mul3A_2240 = arith.constant 2 : i32
        %mul3A_2241 = vector.broadcast %mul3A_2240 : i32 to vector<16xi32>
        %mul3A_2242 = arith.muli %select_n3A_2005, %mul3A_2241 : vector<16xi32>
        tpu.vector_store_idx %arg7[%mul3A_2242, %add3A_22], %parallel_loop3A_2173#22 : memref<128x128xf32, #tpu.memory_space<vmem>>[vector<16xi32>, vector<16xi32>], vector<16xf32>,
        %add3A_2243 = arith.constant 1 : i32
        %add3A_2244 = vector.broadcast %add3A_2243 : i32 to vector<16xi32>
        %add3A_2245 = arith.addi %mul3A_2242, %add3A_2244 : vector<16xi32>
        tpu.vector_store_idx %arg7[%add3A_2245, %add3A_22], %parallel_loop3A_2173#23 : memref<128x128xf32, #tpu.memory_space<vmem>>[vector<16xi32>, vector<16xi32>], vector<16xf32>,
        %mul3A_2246 = arith.constant 2 : i32
        %mul3A_2247 = vector.broadcast %mul3A_2246 : i32 to vector<16xi32>
        %mul3A_2248 = arith.muli %select_n3A_2030, %mul3A_2247 : vector<16xi32>
        tpu.vector_store_idx %arg7[%mul3A_2248, %add3A_22], %parallel_loop3A_2173#24 : memref<128x128xf32, #tpu.memory_space<vmem>>[vector<16xi32>, vector<16xi32>], vector<16xf32>,
        %add3A_2249 = arith.constant 1 : i32
        %add3A_2250 = vector.broadcast %add3A_2249 : i32 to vector<16xi32>
        %add3A_2251 = arith.addi %mul3A_2248, %add3A_2250 : vector<16xi32>
        tpu.vector_store_idx %arg7[%add3A_2251, %add3A_22], %parallel_loop3A_2173#25 : memref<128x128xf32, #tpu.memory_space<vmem>>[vector<16xi32>, vector<16xi32>], vector<16xf32>,
        %mul3A_2252 = arith.constant 2 : i32
        %mul3A_2253 = vector.broadcast %mul3A_2252 : i32 to vector<16xi32>
        %mul3A_2254 = arith.muli %select_n3A_2055, %mul3A_2253 : vector<16xi32>
        tpu.vector_store_idx %arg7[%mul3A_2254, %add3A_22], %parallel_loop3A_2173#26 : memref<128x128xf32, #tpu.memory_space<vmem>>[vector<16xi32>, vector<16xi32>], vector<16xf32>,
        %add3A_2255 = arith.constant 1 : i32
        %add3A_2256 = vector.broadcast %add3A_2255 : i32 to vector<16xi32>
        %add3A_2257 = arith.addi %mul3A_2254, %add3A_2256 : vector<16xi32>
        tpu.vector_store_idx %arg7[%add3A_2257, %add3A_22], %parallel_loop3A_2173#27 : memref<128x128xf32, #tpu.memory_space<vmem>>[vector<16xi32>, vector<16xi32>], vector<16xf32>,
        %mul3A_2258 = arith.constant 2 : i32
        %mul3A_2259 = vector.broadcast %mul3A_2258 : i32 to vector<16xi32>
        %mul3A_2260 = arith.muli %select_n3A_2080, %mul3A_2259 : vector<16xi32>
        tpu.vector_store_idx %arg7[%mul3A_2260, %add3A_22], %parallel_loop3A_2173#28 : memref<128x128xf32, #tpu.memory_space<vmem>>[vector<16xi32>, vector<16xi32>], vector<16xf32>,
        %add3A_2261 = arith.constant 1 : i32
        %add3A_2262 = vector.broadcast %add3A_2261 : i32 to vector<16xi32>
        %add3A_2263 = arith.addi %mul3A_2260, %add3A_2262 : vector<16xi32>
        tpu.vector_store_idx %arg7[%add3A_2263, %add3A_22], %parallel_loop3A_2173#29 : memref<128x128xf32, #tpu.memory_space<vmem>>[vector<16xi32>, vector<16xi32>], vector<16xf32>,
        %mul3A_2264 = arith.constant 2 : i32
        %mul3A_2265 = vector.broadcast %mul3A_2264 : i32 to vector<16xi32>
        %mul3A_2266 = arith.muli %select_n3A_2105, %mul3A_2265 : vector<16xi32>
        tpu.vector_store_idx %arg7[%mul3A_2266, %add3A_22], %parallel_loop3A_2173#30 : memref<128x128xf32, #tpu.memory_space<vmem>>[vector<16xi32>, vector<16xi32>], vector<16xf32>,
        %add3A_2267 = arith.constant 1 : i32
        %add3A_2268 = vector.broadcast %add3A_2267 : i32 to vector<16xi32>
        %add3A_2269 = arith.addi %mul3A_2266, %add3A_2268 : vector<16xi32>
        tpu.vector_store_idx %arg7[%add3A_2269, %add3A_22], %parallel_loop3A_2173#31 : memref<128x128xf32, #tpu.memory_space<vmem>>[vector<16xi32>, vector<16xi32>], vector<16xf32>,
      }
      %scan3A_17 = arith.constant 8 : i32
      "tpu.region"() ({
        %run_scoped3A = tpu.sem_alloc : memref<!tpu.dma_semaphore, #tpu.memory_space<semaphore_mem>>
        %dma_start3A = arith.constant 0 : i32
        %dma_start3A_18 = tpu.memref_slice %arg4[%dma_start3A, %add3A_11] : memref<128x16384xf32, #tpu.memory_space<hbm>> -> memref<128x128xf32, #tpu.memory_space<hbm>>
        %dma_start3A_19 = arith.constant 0 : i32
        %dma_start3A_20 = tpu.memref_slice %arg4[%dma_start3A_19, %add3A_11] : memref<128x16384xf32, #tpu.memory_space<hbm>> -> memref<128x128xf32, #tpu.memory_space<hbm>>
        tpu.enqueue_dma source(%arg7 : memref<128x128xf32, #tpu.memory_space<vmem>>) target(%dma_start3A_20 : memref<128x128xf32, #tpu.memory_space<hbm>>) target_semaphore(%run_scoped3A : memref<!tpu.dma_semaphore, #tpu.memory_space<semaphore_mem>>)
        %dma_wait3A = arith.constant 0 : i32
        %dma_wait3A_21 = tpu.memref_slice %arg4[%dma_wait3A, %add3A_11] : memref<128x16384xf32, #tpu.memory_space<hbm>> -> memref<128x128xf32, #tpu.memory_space<hbm>>
        %dma_wait3A_22 = arith.constant 0 : i32
        %dma_wait3A_23 = tpu.memref_slice %arg4[%dma_wait3A_22, %add3A_11] : memref<128x16384xf32, #tpu.memory_space<hbm>> -> memref<128x128xf32, #tpu.memory_space<hbm>>
        tpu.wait_dma2 semaphore(%run_scoped3A : memref<!tpu.dma_semaphore, #tpu.memory_space<semaphore_mem>>) src(%arg7 : memref<128x128xf32, #tpu.memory_space<vmem>>) dst(%dma_wait3A_23 : memref<128x128xf32, #tpu.memory_space<hbm>>)
        tpu.yield
      }) : () -> ()
    }
    %scan3A_7 = arith.constant 4 : i32
    return
  }
}

module attributes {stable_mosaic.version = 14 : i64} {
  func.func @_mlp_body(%arg0: i32, %arg1: memref<128x2048xf32, #tpu.memory_space<vmem>>, %arg2: memref<2048x32xf32, #tpu.memory_space<vmem>>, %arg3: memref<2048x32xf32, #tpu.memory_space<vmem>>, %arg4: memref<128x1xf32, #tpu.memory_space<vmem>>, %arg5: memref<32x128xf32, #tpu.memory_space<vmem>>, %arg6: memref<1x32xf32, #tpu.memory_space<vmem>>, %arg7: memref<32x32xf32, #tpu.memory_space<vmem>>, %arg8: memref<1x32xf32, #tpu.memory_space<vmem>>, %arg9: memref<1x32xf32, #tpu.memory_space<vmem>>, %arg10: memref<2048x1xf32, #tpu.memory_space<vmem>>, %arg11: memref<1x1xf32, #tpu.memory_space<vmem>>) attributes {dimension_semantics = [#tpu.dimension_semantics<arbitrary>], iteration_bounds = array<i64: 8>, scalar_prefetch = 0 : i64, scratch_operands = 0 : i64, tpu.core_type = #tpu.core_type<tc>, window_params = [{transform_indices = @transform_0, window_bounds = array<i64: 128, 2048>}, {transform_indices = @transform_1, window_bounds = array<i64: 2048, 32>}, {transform_indices = @transform_2, window_bounds = array<i64: 2048, 32>}, {pipeline_mode = #tpu.pipeline_mode<synchronous>, transform_indices = @transform_3, window_bounds = array<i64: 128, 1>}, {pipeline_mode = #tpu.pipeline_mode<synchronous>, transform_indices = @transform_4, window_bounds = array<i64: 32, 128>}, {pipeline_mode = #tpu.pipeline_mode<synchronous>, transform_indices = @transform_5, window_bounds = array<i64: 1, 32>}, {pipeline_mode = #tpu.pipeline_mode<synchronous>, transform_indices = @transform_6, window_bounds = array<i64: 32, 32>}, {pipeline_mode = #tpu.pipeline_mode<synchronous>, transform_indices = @transform_7, window_bounds = array<i64: 1, 32>}, {pipeline_mode = #tpu.pipeline_mode<synchronous>, transform_indices = @transform_8, window_bounds = array<i64: 1, 32>}, {transform_indices = @transform_9, window_bounds = array<i64: 2048, 1>}, {pipeline_mode = #tpu.pipeline_mode<synchronous>, transform_indices = @transform_10, window_bounds = array<i64: 1, 1>}]} {
    %get3A = arith.constant 0 : index
    %get3A_0 = arith.constant 0 : index
    %get3A_1 = vector.load %arg1[%get3A, %get3A_0] : memref<128x2048xf32, #tpu.memory_space<vmem>>, vector<128x2048xf32>
    %get3A_2 = arith.constant 0 : index
    %get3A_3 = arith.constant 0 : index
    %get3A_4 = vector.load %arg4[%get3A_2, %get3A_3] : memref<128x1xf32, #tpu.memory_space<vmem>>, vector<128x1xf32>
    %add3A = vector.broadcast %get3A_4 : vector<128x1xf32> to vector<128x2048xf32>
    %add3A_5 = arith.addf %get3A_1, %add3A : vector<128x2048xf32>
    %jit3A = arith.constant 0.000000e+00 : f32
    %jit3A_6 = arith.constant 1.000000e+00 : f32
    %max3A = vector.broadcast %jit3A : f32 to vector<128x2048xf32>
    %max3A_7 = arith.maximumf %max3A, %add3A_5 : vector<128x2048xf32>
    %min3A = vector.broadcast %jit3A_6 : f32 to vector<128x2048xf32>
    %min3A_8 = arith.minimumf %min3A, %max3A_7 : vector<128x2048xf32>
    %get3A_9 = arith.constant 0 : index
    %get3A_10 = arith.constant 0 : index
    %get3A_11 = vector.load %arg5[%get3A_9, %get3A_10] : memref<32x128xf32, #tpu.memory_space<vmem>>, vector<32x128xf32>
    %dot_general3A = arith.constant dense<0.000000e+00> : vector<2048x32xf32>
    %dot_general3A_12 = tpu.matmul %min3A_8, %get3A_11, %dot_general3A {dimension_numbers = #tpu.dot_dimension_numbers<[0], [1], [1], [0], [0, 1, 1, 0], [], []>, transpose_lhs_hint = false} : vector<128x2048xf32>, vector<32x128xf32>, vector<2048x32xf32> -> vector<2048x32xf32>
    %get3A_13 = arith.constant 0 : index
    %get3A_14 = arith.constant 0 : index
    %get3A_15 = vector.load %arg6[%get3A_13, %get3A_14] : memref<1x32xf32, #tpu.memory_space<vmem>>, vector<1x32xf32>
    %add3A_16 = vector.broadcast %get3A_15 : vector<1x32xf32> to vector<2048x32xf32>
    %add3A_17 = arith.addf %dot_general3A_12, %add3A_16 : vector<2048x32xf32>
    %mul3A = arith.constant 2.560000e+02 : f32
    %mul3A_18 = vector.broadcast %mul3A : f32 to vector<2048x32xf32>
    %mul3A_19 = arith.mulf %add3A_17, %mul3A_18 : vector<2048x32xf32>
    %abs3A = math.absf %mul3A_19 : vector<2048x32xf32>
    %sub3A = arith.constant 1.638400e+04 : f32
    %sub3A_20 = vector.broadcast %sub3A : f32 to vector<2048x32xf32>
    %sub3A_21 = arith.subf %abs3A, %sub3A_20 : vector<2048x32xf32>
    %max3A_22 = arith.constant 0.000000e+00 : f32
    %max3A_23 = vector.broadcast %max3A_22 : f32 to vector<2048x32xf32>
    %max3A_24 = arith.maximumf %sub3A_21, %max3A_23 : vector<2048x32xf32>
    %div3A = arith.constant 2.560000e+02 : f32
    %div3A_25 = vector.broadcast %div3A : f32 to vector<2048x32xf32>
    %div3A_26 = arith.divf %max3A_24, %div3A_25 : vector<2048x32xf32>
    %integer_pow3A = arith.mulf %div3A_26, %div3A_26 : vector<2048x32xf32>
    %reduce_sum3A = vector.shape_cast %integer_pow3A : vector<2048x32xf32> to vector<1x2048x32xf32>
    %reduce_sum3A_27 = arith.constant dense<0.000000e+00> : vector<1xf32>
    %reduce_sum3A_28 = vector.multi_reduction <add>, %reduce_sum3A, %reduce_sum3A_27 [1, 2] : vector<1x2048x32xf32> to vector<1xf32>
    %reduce_sum3A_29 = vector.shape_cast %reduce_sum3A_28 : vector<1xf32> to vector<1x1x1xf32>
    %reduce_sum3A_30 = vector.extract %reduce_sum3A_29[0, 0, 0] : f32 from vector<1x1x1xf32>
    %get3A_31 = arith.constant 0 : index
    %get3A_32 = arith.constant 0 : index
    %get3A_33 = vector.load %arg2[%get3A_31, %get3A_32] : memref<2048x32xf32, #tpu.memory_space<vmem>>, vector<2048x32xf32>
    %add3A_34 = arith.addf %mul3A_19, %get3A_33 : vector<2048x32xf32>
    %add3A_35 = arith.constant 3.604480e+05 : f32
    %add3A_36 = vector.broadcast %add3A_35 : f32 to vector<2048x32xf32>
    %add3A_37 = arith.addf %add3A_34, %add3A_36 : vector<2048x32xf32>
    %jit3A_38 = arith.constant 6.553600e+04 : f32
    %rem3A = vector.broadcast %jit3A_38 : f32 to vector<2048x32xf32>
    %rem3A_39 = arith.remf %add3A_37, %rem3A : vector<2048x32xf32>
    %ne3A = arith.constant 0.000000e+00 : f32
    %ne3A_40 = vector.broadcast %ne3A : f32 to vector<2048x32xf32>
    %ne3A_41 = arith.cmpf one, %rem3A_39, %ne3A_40 : vector<2048x32xf32>
    %lt3A = arith.constant 0.000000e+00 : f32
    %lt3A_42 = vector.broadcast %lt3A : f32 to vector<2048x32xf32>
    %lt3A_43 = arith.cmpf olt, %rem3A_39, %lt3A_42 : vector<2048x32xf32>
    %lt3A_44 = arith.constant 0.000000e+00 : f32
    %lt3A_45 = arith.cmpf olt, %jit3A_38, %lt3A_44 : f32
    %ne3A_46 = vector.broadcast %lt3A_45 : i1 to vector<2048x32xi1>
    %ne3A_47 = vector.broadcast %ne3A_46 : vector<2048x32xi1> to vector<2048x32xi1>
    %ne3A_48 = arith.xori %lt3A_43, %ne3A_47 : vector<2048x32xi1>
    %and3A = arith.andi %ne3A_48, %ne3A_41 : vector<2048x32xi1>
    %add3A_49 = vector.broadcast %jit3A_38 : f32 to vector<2048x32xf32>
    %add3A_50 = arith.addf %rem3A_39, %add3A_49 : vector<2048x32xf32>
    %select_n3A = arith.select %and3A, %add3A_50, %rem3A_39 : vector<2048x32xi1>, vector<2048x32xf32>
    %sub3A_51 = arith.constant 3.276800e+04 : f32
    %sub3A_52 = vector.broadcast %sub3A_51 : f32 to vector<2048x32xf32>
    %sub3A_53 = arith.subf %select_n3A, %sub3A_52 : vector<2048x32xf32>
    %div3A_54 = arith.constant 2.560000e+02 : f32
    %div3A_55 = vector.broadcast %div3A_54 : f32 to vector<2048x32xf32>
    %div3A_56 = arith.divf %sub3A_53, %div3A_55 : vector<2048x32xf32>
    %jit3A_57 = arith.constant 0.000000e+00 : f32
    %jit3A_58 = arith.constant 1.000000e+00 : f32
    %max3A_59 = vector.broadcast %jit3A_57 : f32 to vector<2048x32xf32>
    %max3A_60 = arith.maximumf %max3A_59, %div3A_56 : vector<2048x32xf32>
    %min3A_61 = vector.broadcast %jit3A_58 : f32 to vector<2048x32xf32>
    %min3A_62 = arith.minimumf %min3A_61, %max3A_60 : vector<2048x32xf32>
    %get3A_63 = arith.constant 0 : index
    %get3A_64 = arith.constant 0 : index
    %get3A_65 = vector.load %arg7[%get3A_63, %get3A_64] : memref<32x32xf32, #tpu.memory_space<vmem>>, vector<32x32xf32>
    %dot_general3A_66 = arith.constant dense<0.000000e+00> : vector<2048x32xf32>
    %dot_general3A_67 = tpu.matmul %min3A_62, %get3A_65, %dot_general3A_66 {dimension_numbers = #tpu.dot_dimension_numbers<[1], [1], [0], [0], [0, 0, 1, 0], [], []>, transpose_lhs_hint = false} : vector<2048x32xf32>, vector<32x32xf32>, vector<2048x32xf32> -> vector<2048x32xf32>
    %get3A_68 = arith.constant 0 : index
    %get3A_69 = arith.constant 0 : index
    %get3A_70 = vector.load %arg8[%get3A_68, %get3A_69] : memref<1x32xf32, #tpu.memory_space<vmem>>, vector<1x32xf32>
    %add3A_71 = vector.broadcast %get3A_70 : vector<1x32xf32> to vector<2048x32xf32>
    %add3A_72 = arith.addf %dot_general3A_67, %add3A_71 : vector<2048x32xf32>
    %mul3A_73 = arith.constant 2.560000e+02 : f32
    %mul3A_74 = vector.broadcast %mul3A_73 : f32 to vector<2048x32xf32>
    %mul3A_75 = arith.mulf %add3A_72, %mul3A_74 : vector<2048x32xf32>
    %abs3A_76 = math.absf %mul3A_75 : vector<2048x32xf32>
    %sub3A_77 = arith.constant 1.638400e+04 : f32
    %sub3A_78 = vector.broadcast %sub3A_77 : f32 to vector<2048x32xf32>
    %sub3A_79 = arith.subf %abs3A_76, %sub3A_78 : vector<2048x32xf32>
    %max3A_80 = arith.constant 0.000000e+00 : f32
    %max3A_81 = vector.broadcast %max3A_80 : f32 to vector<2048x32xf32>
    %max3A_82 = arith.maximumf %sub3A_79, %max3A_81 : vector<2048x32xf32>
    %div3A_83 = arith.constant 2.560000e+02 : f32
    %div3A_84 = vector.broadcast %div3A_83 : f32 to vector<2048x32xf32>
    %div3A_85 = arith.divf %max3A_82, %div3A_84 : vector<2048x32xf32>
    %integer_pow3A_86 = arith.mulf %div3A_85, %div3A_85 : vector<2048x32xf32>
    %reduce_sum3A_87 = vector.shape_cast %integer_pow3A_86 : vector<2048x32xf32> to vector<1x2048x32xf32>
    %reduce_sum3A_88 = arith.constant dense<0.000000e+00> : vector<1xf32>
    %reduce_sum3A_89 = vector.multi_reduction <add>, %reduce_sum3A_87, %reduce_sum3A_88 [1, 2] : vector<1x2048x32xf32> to vector<1xf32>
    %reduce_sum3A_90 = vector.shape_cast %reduce_sum3A_89 : vector<1xf32> to vector<1x1x1xf32>
    %reduce_sum3A_91 = vector.extract %reduce_sum3A_90[0, 0, 0] : f32 from vector<1x1x1xf32>
    %get3A_92 = arith.constant 0 : index
    %get3A_93 = arith.constant 0 : index
    %get3A_94 = vector.load %arg3[%get3A_92, %get3A_93] : memref<2048x32xf32, #tpu.memory_space<vmem>>, vector<2048x32xf32>
    %add3A_95 = arith.addf %mul3A_75, %get3A_94 : vector<2048x32xf32>
    %add3A_96 = arith.constant 3.604480e+05 : f32
    %add3A_97 = vector.broadcast %add3A_96 : f32 to vector<2048x32xf32>
    %add3A_98 = arith.addf %add3A_95, %add3A_97 : vector<2048x32xf32>
    %jit3A_99 = arith.constant 6.553600e+04 : f32
    %rem3A_100 = vector.broadcast %jit3A_99 : f32 to vector<2048x32xf32>
    %rem3A_101 = arith.remf %add3A_98, %rem3A_100 : vector<2048x32xf32>
    %ne3A_102 = arith.constant 0.000000e+00 : f32
    %ne3A_103 = vector.broadcast %ne3A_102 : f32 to vector<2048x32xf32>
    %ne3A_104 = arith.cmpf one, %rem3A_101, %ne3A_103 : vector<2048x32xf32>
    %lt3A_105 = arith.constant 0.000000e+00 : f32
    %lt3A_106 = vector.broadcast %lt3A_105 : f32 to vector<2048x32xf32>
    %lt3A_107 = arith.cmpf olt, %rem3A_101, %lt3A_106 : vector<2048x32xf32>
    %lt3A_108 = arith.constant 0.000000e+00 : f32
    %lt3A_109 = arith.cmpf olt, %jit3A_99, %lt3A_108 : f32
    %ne3A_110 = vector.broadcast %lt3A_109 : i1 to vector<2048x32xi1>
    %ne3A_111 = vector.broadcast %ne3A_110 : vector<2048x32xi1> to vector<2048x32xi1>
    %ne3A_112 = arith.xori %lt3A_107, %ne3A_111 : vector<2048x32xi1>
    %and3A_113 = arith.andi %ne3A_112, %ne3A_104 : vector<2048x32xi1>
    %add3A_114 = vector.broadcast %jit3A_99 : f32 to vector<2048x32xf32>
    %add3A_115 = arith.addf %rem3A_101, %add3A_114 : vector<2048x32xf32>
    %select_n3A_116 = arith.select %and3A_113, %add3A_115, %rem3A_101 : vector<2048x32xi1>, vector<2048x32xf32>
    %sub3A_117 = arith.constant 3.276800e+04 : f32
    %sub3A_118 = vector.broadcast %sub3A_117 : f32 to vector<2048x32xf32>
    %sub3A_119 = arith.subf %select_n3A_116, %sub3A_118 : vector<2048x32xf32>
    %div3A_120 = arith.constant 2.560000e+02 : f32
    %div3A_121 = vector.broadcast %div3A_120 : f32 to vector<2048x32xf32>
    %div3A_122 = arith.divf %sub3A_119, %div3A_121 : vector<2048x32xf32>
    %jit3A_123 = arith.constant 0.000000e+00 : f32
    %jit3A_124 = arith.constant 1.000000e+00 : f32
    %max3A_125 = vector.broadcast %jit3A_123 : f32 to vector<2048x32xf32>
    %max3A_126 = arith.maximumf %max3A_125, %div3A_122 : vector<2048x32xf32>
    %min3A_127 = vector.broadcast %jit3A_124 : f32 to vector<2048x32xf32>
    %min3A_128 = arith.minimumf %min3A_127, %max3A_126 : vector<2048x32xf32>
    %get3A_129 = arith.constant 0 : index
    %get3A_130 = arith.constant 0 : index
    %get3A_131 = vector.load %arg9[%get3A_129, %get3A_130] : memref<1x32xf32, #tpu.memory_space<vmem>>, vector<1x32xf32>
    %mul3A_132 = vector.broadcast %get3A_131 : vector<1x32xf32> to vector<2048x32xf32>
    %mul3A_133 = arith.mulf %min3A_128, %mul3A_132 : vector<2048x32xf32>
    %reduce_sum3A_134 = arith.constant dense<0.000000e+00> : vector<2048xf32>
    %reduce_sum3A_135 = vector.multi_reduction <add>, %mul3A_133, %reduce_sum3A_134 [1] : vector<2048x32xf32> to vector<2048xf32>
    %broadcast_in_dim3A = vector.shape_cast %reduce_sum3A_135 : vector<2048xf32> to vector<2048x1xf32>
    %swap3A = arith.constant 0 : index
    %swap3A_136 = arith.constant 0 : index
    %swap3A_137 = vector.load %arg10[%swap3A, %swap3A_136] : memref<2048x1xf32, #tpu.memory_space<vmem>>, vector<2048x1xf32>
    tpu.vector_store %arg10[%swap3A, %swap3A_136], %broadcast_in_dim3A {strides = array<i32>} : memref<2048x1xf32, #tpu.memory_space<vmem>>, vector<2048x1xf32>,
    %eq3A = arith.constant 0 : i32
    %eq3A_138 = arith.cmpi eq, %arg0, %eq3A : i32
    %convert_element_type3A = arith.extui %eq3A_138 : i1 to i32
    %cond3A = arith.constant 0 : i32
    %cond3A_139 = arith.cmpi ne, %convert_element_type3A, %cond3A : i32
    scf.if %cond3A_139 {
      %broadcast_in_dim3A_153 = arith.constant 0.000000e+00 : f32
      %broadcast_in_dim3A_154 = vector.broadcast %broadcast_in_dim3A_153 : f32 to vector<1x1xf32>
      %swap3A_155 = arith.constant 0 : index
      %swap3A_156 = arith.constant 0 : index
      %swap3A_157 = vector.load %arg11[%swap3A_155, %swap3A_156] : memref<1x1xf32, #tpu.memory_space<vmem>>, vector<1x1xf32>
      tpu.vector_store %arg11[%swap3A_155, %swap3A_156], %broadcast_in_dim3A_154 {strides = array<i32>} : memref<1x1xf32, #tpu.memory_space<vmem>>, vector<1x1xf32>,
    } else {
    }
    %get3A_140 = arith.constant 0 : index
    %get3A_141 = arith.constant 0 : index
    %get3A_142 = vector.load %arg11[%get3A_140, %get3A_141] : memref<1x1xf32, #tpu.memory_space<vmem>>, vector<1x1xf32>
    %add3A_143 = arith.addf %reduce_sum3A_30, %reduce_sum3A_91 : f32
    %reshape3A = vector.broadcast %add3A_143 : f32 to vector<1x1xf32>
    %add3A_144 = arith.addf %get3A_142, %reshape3A : vector<1x1xf32>
    %swap3A_145 = arith.constant 0 : index
    %swap3A_146 = arith.constant 0 : index
    %swap3A_147 = vector.load %arg11[%swap3A_145, %swap3A_146] : memref<1x1xf32, #tpu.memory_space<vmem>>, vector<1x1xf32>
    tpu.vector_store %arg11[%swap3A_145, %swap3A_146], %add3A_144 {strides = array<i32>} : memref<1x1xf32, #tpu.memory_space<vmem>>, vector<1x1xf32>,
    %eq3A_148 = arith.constant 7 : i32
    %eq3A_149 = arith.cmpi eq, %arg0, %eq3A_148 : i32
    %convert_element_type3A_150 = arith.extui %eq3A_149 : i1 to i32
    %cond3A_151 = arith.constant 0 : i32
    %cond3A_152 = arith.cmpi ne, %convert_element_type3A_150, %cond3A_151 : i32
    scf.if %cond3A_152 {
      %get3A_153 = arith.constant 0 : index
      %get3A_154 = arith.constant 0 : index
      %get3A_155 = vector.load %arg11[%get3A_153, %get3A_154] : memref<1x1xf32, #tpu.memory_space<vmem>>, vector<1x1xf32>
      %mul3A_156 = arith.constant 1.90734863E-6 : f32
      %mul3A_157 = vector.broadcast %mul3A_156 : f32 to vector<1x1xf32>
      %mul3A_158 = arith.mulf %get3A_155, %mul3A_157 : vector<1x1xf32>
      %swap3A_159 = arith.constant 0 : index
      %swap3A_160 = arith.constant 0 : index
      %swap3A_161 = vector.load %arg11[%swap3A_159, %swap3A_160] : memref<1x1xf32, #tpu.memory_space<vmem>>, vector<1x1xf32>
      tpu.vector_store %arg11[%swap3A_159, %swap3A_160], %mul3A_158 {strides = array<i32>} : memref<1x1xf32, #tpu.memory_space<vmem>>, vector<1x1xf32>,
    } else {
    }
    return
  }
  func.func @transform_0(%arg0: i32) -> (i32, i32) {
    %c0_i32 = arith.constant 0 : i32
    %c0_i32_0 = arith.constant 0 : i32
    return %c0_i32, %arg0 : i32, i32
  }
  func.func @transform_1(%arg0: i32) -> (i32, i32) {
    %c0_i32 = arith.constant 0 : i32
    %c0_i32_0 = arith.constant 0 : i32
    return %arg0, %c0_i32 : i32, i32
  }
  func.func @transform_2(%arg0: i32) -> (i32, i32) {
    %c0_i32 = arith.constant 0 : i32
    %c0_i32_0 = arith.constant 0 : i32
    return %arg0, %c0_i32 : i32, i32
  }
  func.func @transform_3(%arg0: i32) -> (i32, i32) {
    %c0_i32 = arith.constant 0 : i32
    %c0_i32_0 = arith.constant 0 : i32
    %c0_i32_1 = arith.constant 0 : i32
    return %c0_i32, %c0_i32_0 : i32, i32
  }
  func.func @transform_4(%arg0: i32) -> (i32, i32) {
    %c0_i32 = arith.constant 0 : i32
    %c0_i32_0 = arith.constant 0 : i32
    %c0_i32_1 = arith.constant 0 : i32
    return %c0_i32, %c0_i32_0 : i32, i32
  }
  func.func @transform_5(%arg0: i32) -> (i32, i32) {
    %c0_i32 = arith.constant 0 : i32
    %c0_i32_0 = arith.constant 0 : i32
    %c0_i32_1 = arith.constant 0 : i32
    return %c0_i32, %c0_i32_0 : i32, i32
  }
  func.func @transform_6(%arg0: i32) -> (i32, i32) {
    %c0_i32 = arith.constant 0 : i32
    %c0_i32_0 = arith.constant 0 : i32
    %c0_i32_1 = arith.constant 0 : i32
    return %c0_i32, %c0_i32_0 : i32, i32
  }
  func.func @transform_7(%arg0: i32) -> (i32, i32) {
    %c0_i32 = arith.constant 0 : i32
    %c0_i32_0 = arith.constant 0 : i32
    %c0_i32_1 = arith.constant 0 : i32
    return %c0_i32, %c0_i32_0 : i32, i32
  }
  func.func @transform_8(%arg0: i32) -> (i32, i32) {
    %c0_i32 = arith.constant 0 : i32
    %c0_i32_0 = arith.constant 0 : i32
    %c0_i32_1 = arith.constant 0 : i32
    return %c0_i32, %c0_i32_0 : i32, i32
  }
  func.func @transform_9(%arg0: i32) -> (i32, i32) {
    %c0_i32 = arith.constant 0 : i32
    %c0_i32_0 = arith.constant 0 : i32
    return %arg0, %c0_i32 : i32, i32
  }
  func.func @transform_10(%arg0: i32) -> (i32, i32) {
    %c0_i32 = arith.constant 0 : i32
    %c0_i32_0 = arith.constant 0 : i32
    %c0_i32_1 = arith.constant 0 : i32
    return %c0_i32, %c0_i32_0 : i32, i32
  }
}

</mosaic_0001>

<sc_bundles>
// kernel: kernel.4.cloned.1.call-start
scs
__scs_entry_jumppad:
0x0: {  	(pc) =	sbr.rel $0x88, $3  }
0x1: {  	(tag) =	ssettag $0x0;
	lr =	simm.s32 $0x1  }
0x2: {  	[smem:$0x3F8F] =	sst lr;
	_ =	strace $0xD0000000  }
0x3: {  	_ = 	snop  }
0x4: {  	_ = 	snop  }
0x5: {  	_ = 	snop  }
0x6: {  	_ = 	snop  }
0x7: {  	_ = 	snop  }
__scs_overlays_trampoline_lowered:
0x8: {  	[smem:$0x3F9E] =	sst s0  }
0x9: {  	[smem:$0x3F9F] =	sst s1  }
0xa: {  	[smem:$0x3FA0] =	sst s2  }
0xb: {  	[smem:$0x3FA1] =	sst s3  }
0xc: {  	[smem:$0x3FA2] =	sst s4  }
0xd: {  	[smem:$0x3FA3] =	sst s5  }
0xe: {  	[smem:$0x3FA4] =	sst s6  }
0xf: {  	[smem:$0x3FA5] =	sst s7  }
0x10: {  	[smem:$0x3FA6] =	sst s8  }
0x11: {  	[smem:$0x3FA7] =	sst s9;
	s0 =	simm.s32 @!p0 $0x0  }
0x12: {  	s1 =	sld [smem:$0x3F8D];
	s0 =	simm.s32 @p0 $0x1  }
0x13: {  	[smem:$0x3FA8] =	sst s0;
	s0 =	simm.s32 @!p1 $0x0  }
0x14: {  	s2 =	sld [smem:$0x3F8C];
	s0 =	simm.s32 @p1 $0x1  }
0x15: {  	[smem:$0x3FA9] =	sst s0;
	s0 =	simm.s32 @!p2 $0x0  }
0x16: {  	s3 =	sld [smem:$0x3FDB];
	s0 =	simm.s32 @p2 $0x1  }
0x17: {  	s4 =	simm.s32 $0x1BF5;
	[smem:$0x3FAB] =	sst s0  }
0x18: {  	s0 =	sld [smem:$0x3F8E];
	_ =	swait.ge [sflag:s4], $0x0  }
0x19: {  	s7 =	sld [smem:$0x3F8F]  }
0x1a: {  	s8 =	sadd.s32 $0xFFFFE003, lr  }
0x1b: {  	s9 =	sadd.s32 $0xFFFFFEF7, lr;
	s5 =	simm.s32 $0xFFFFFFFF;
	p2 =	slt.u32 s8, $0xFFFFF086  }
0x1c: {  	p1 =	slt.u32 s9, $0xF7A;
	s5 =	simm.s32 @!p2 $0x0  }
0x1d: {  	s5 =	simm.s32 @p1 $0x1;
	p0 =	seq.s32 s7, s2  }
0x1e: {  	s7 =	smul.u32 @!p0 $0xF7A, s2;
	p2 =	seq.s32 @!p0 s5, $0x0  }
0x1f: {  	s9 =	smul.u32 $0xF7A, s1;
	s8 =	simm.s32 @!p0 $0x1BF5;
	p2 =	por !p2, p0  }
0x20: {  	[sflag:s8] =	ssyncset.s32 @!p0 $0xFFFFF086;
	s6 =	sadd.s32 @!p0 s3, s7;
	s7 =	simm.s32 @!p0 $0x108  }
0x21: {  	s3 =	sadd.s32 s3, s9;
	s6 =	sadd.s32 @!p0 $0x88, s6;
	s7 =	simm.s32 @p2 $0x1082  }
0x22: {  	[simem:s7], [sflag:s8] =	dma.local @!p0 [hbm:s6], $0xF7A  }
0x23: {  	s9 =	sor.u32 $0xD0000000, s2;
	s6 =	simm.s32 $0x108;
	_ =	swait.ge @!p0 [sflag:s8], $0x0  }
0x24: {  	s3 =	sadd.s32 $0x88, s3;
	s6 =	simm.s32 @!p1 $0x1082;
	[sflag:s4] =	ssyncset.s32 $0xFFFFF086  }
0x25: {  	[simem:s6], [sflag:s4] =	dma.local [hbm:s3], $0xF7A  }
0x26: {  	[smem:$0x3F8F] =	sst s1;
	(tag) =	ssettag s2;
	_ =	strace s9  }
0x27: {  	s1 =	sld [smem:$0x3F9F]  }
0x28: {  	s2 =	sld [smem:$0x3FA0]  }
0x29: {  	s4 =	sld [smem:$0x3FA2]  }
0x2a: {  	p0 =	seq.s32 s5, $0x0;
	s5 =	sld [smem:$0x3FA3]  }
0x2b: {  	s6 =	sld [smem:$0x3FA4]  }
0x2c: {  	s7 =	sld [smem:$0x3FA5]  }
0x2d: {  	s3 =	simm.s32 $0x108;
	s8 =	sld [smem:$0x3FA6]  }
0x2e: {  	s3 =	simm.s32 @!p0 $0x1082;
	s9 =	sld [smem:$0x3FA7]  }
0x2f: {  	lr =	sadd.s32 s0, s3;
	s0 =	sld [smem:$0x3F9E]  }
0x30: {  	s3 =	sld [smem:$0x3FA1]  }
0x31: {  	[smem:$0x3FAA] =	sst s10  }
0x32: {  	s10 =	sld [smem:$0x3FA8];
	_ =	sdelay $0x3  }
0x33: {  	p0 =	seq.s32 s10, $0x1;
	s10 =	sld [smem:$0x3FAA];
	_ =	sdelay $0x3  }
0x34: {  	[smem:$0x3FAA] =	sst s10  }
0x35: {  	s10 =	sld [smem:$0x3FA9];
	_ =	sdelay $0x3  }
0x36: {  	p1 =	seq.s32 s10, $0x1;
	s10 =	sld [smem:$0x3FAA];
	_ =	sdelay $0x3  }
0x37: {  	[smem:$0x3FAA] =	sst s10  }
0x38: {  	s10 =	sld [smem:$0x3FAB]  }
0x39: {  	_ = 	snop;
	(pc) =	sbr.ind lr, $3  }
0x3a: {  	_ = 	snop  }
0x3b: {  	_ = 	snop  }
0x3c: {  	p2 =	seq.s32 s10, $0x1;
	s10 =	sld [smem:$0x3FAA]  }
0x3d: {  	_ =	shalt  }
0x3e: {  	_ =	shalt  }
0x3f: {  	_ =	shalt  }
0x40: {  	_ =	shalt  }
0x41: {  	_ =	shalt  }
0x42: {  	_ =	shalt  }
0x43: {  	_ =	shalt  }
0x44: {  	_ =	shalt  }
0x45: {  	_ =	shalt  }
0x46: {  	_ =	shalt  }
0x47: {  	_ =	shalt  }
0x48: {  	_ =	shalt  }
0x49: {  	_ =	shalt  }
0x4a: {  	_ =	shalt  }
0x4b: {  	_ =	shalt  }
0x4c: {  	_ =	shalt  }
0x4d: {  	_ =	shalt  }
0x4e: {  	_ =	shalt  }
0x4f: {  	_ =	shalt  }
0x50: {  	_ =	shalt  }
0x51: {  	_ =	shalt  }
0x52: {  	_ =	shalt  }
0x53: {  	_ =	shalt  }
0x54: {  	_ =	shalt  }
0x55: {  	_ =	shalt  }
0x56: {  	_ =	shalt  }
0x57: {  	_ =	shalt  }
0x58: {  	_ =	shalt  }
0x59: {  	_ =	shalt  }
0x5a: {  	_ =	shalt  }
0x5b: {  	_ =	shalt  }
0x5c: {  	_ =	shalt  }
0x5d: {  	_ =	shalt  }
0x5e: {  	_ =	shalt  }
0x5f: {  	_ =	shalt  }
0x60: {  	_ =	shalt  }
0x61: {  	_ =	shalt  }
0x62: {  	_ =	shalt  }
0x63: {  	_ =	shalt  }
0x64: {  	_ =	shalt  }
0x65: {  	_ =	shalt  }
0x66: {  	_ =	shalt  }
0x67: {  	_ =	shalt  }
0x68: {  	_ =	shalt  }
0x69: {  	_ =	shalt  }
0x6a: {  	_ =	shalt  }
0x6b: {  	_ =	shalt  }
0x6c: {  	_ =	shalt  }
0x6d: {  	_ =	shalt  }
0x6e: {  	_ =	shalt  }
0x6f: {  	_ =	shalt  }
0x70: {  	_ =	shalt  }
0x71: {  	_ =	shalt  }
0x72: {  	_ =	shalt  }
0x73: {  	_ =	shalt  }
0x74: {  	_ =	shalt  }
0x75: {  	_ =	shalt  }
0x76: {  	_ =	shalt  }
0x77: {  	_ =	shalt  }
0x78: {  	_ =	shalt  }
0x79: {  	_ =	shalt  }
0x7a: {  	_ =	shalt  }
0x7b: {  	_ =	shalt  }
0x7c: {  	_ =	shalt  }
0x7d: {  	_ =	shalt  }
0x7e: {  	_ =	shalt  }
0x7f: {  	_ =	shalt  }
0x80: {  	_ =	shalt  }
0x81: {  	_ =	shalt  }
0x82: {  	_ =	shalt  }
0x83: {  	_ =	shalt  }
0x84: {  	_ =	shalt  }
0x85: {  	_ =	shalt  }
0x86: {  	_ =	shalt  }
0x87: {  	_ =	shalt  }
.Lfunc_end0:
.L_simem_size_0:
called_computation_lowered:
.L_overlay_start_0:
0x88: {  	s2 =	sld [smem:$0x3FD9]  }
0x89: {  	s3 =	sld [smem:$0x3FFE];
	_ =	sdelay $0x1  }
0x8a: {  	s1 =	srdreg.scid  }
0x8b: {  	s0 =	sand.u32 $0x1, s1  }
0x8c: {  	s17 =	sshll.u32 s0, $0xA;
	s2 =	sadd.s32 s3, s2  }
0x8d: {  	s2 =	sadd.s32 s2, s17  }
0x8e: {  	[smem:$0x3FB6] =	sst s2  }
0x8f: {  	_ = 	snop  }
0x90: {  	s2 =	sld [smem:$0x3FC9];
	(tm) =	ssettm $0x1  }
0x91: {  	s18 =	sld [smem:$0x3FFB];
	_ =	sdelay $0x3  }
0x92: {  	_ =	strace s18  }
0x93: {  	s3 =	sld [smem:$0x3FFC];
	_ =	sdelay $0x3  }
0x94: {  	_ =	strace s3  }
0x95: {  	s3 =	sld [smem:$0x3FFD];
	_ =	sdelay $0x3  }
0x96: {  	_ =	strace s3  }
0x97: {  	_ =	strace $0x8FFFFFFF  }
0x98: {  	s19 =	sld [smem:$0x3FDB];
	_ =	sdelay $0x1  }
0x99: {  	s4 =	simm.s32 $_scs_section_size  }
0x9a: {  	s5 =	simm.s32 $_size__tile_overlayer_lowered;
	s6 =	simm.s32 $_tile_overlayer_lowered  }
0x9b: {  	s22 =	simm.s32 $0x1BFF;
	s21 =	sshll.u32 s6, $0x1;
	s3 =	sadd.s32 s4, s19  }
0x9c: {  	s7 =	simm.s32 $0x0;
	s20 =	sshll.u32 s5, $0x1;
	s5 =	sadd.s32 s21, s3  }
0x9d: {  	[timem:s7], [sflag:s22] =	dma.local [hbm:s5], s20  }
0x9e: {  	_ =	swait.ge [sflag:s22], s20  }
0x9f: {  	s4 =	ssub.s32 $0x0, s20;
	[sflag:s22] =	ssyncset.done $0x0  }
0xa0: {  	[sflag:s22] =	ssyncadd.s32 s4;
	_ =	sdelay $0x1  }
0xa1: {  	s23 =	simm.s32 $0x1B8B  }
0xa2: {  	_ =	swait.ge [sflag:s23], $0x1  }
0xa3: {  	[sflag:s23] =	ssyncset.done $0x0  }
0xa4: {  	s25 =	simm.s32 $0x1B8E;
	s24 =	sld [smem:$0x3FFE];
	[sflag:s23] =	ssyncadd.s32 $0xFFFFFFFF  }
0xa5: {  	s26 =	simm.s32 $execute0_lowered;
	[smem:$0x3FD2] =	sst s25  }
0xa6: {  	s5 =	sshll.u32 s26, $0x1;
	_ =	strace $0x80000046;
	[dreg:$0x1] =	wrdreg $0xFFFFFFFF  }
0xa7: {  	s28 =	simm.s32 $_size_execute0_lowered;
	s3 =	sadd.s32 s3, s5;
	[dreg:$0x0] =	wrdreg $0x0  }
0xa8: {  	s5 =	sshll.u32 s28, $0x1;
	[dreg:$0x2] =	wrdreg s3  }
0xa9: {  	[dreg:$0x3] =	wrdreg s5  }
0xaa: {  	[dreg:$0x4] =	wrdreg $0xC0  }
0xab: {  	_ =	task [dreg:s7], $0x5FFFF  }
0xac: {  	[dreg:$0x1] =	wrdreg $0xFFFFFFFF  }
0xad: {  	[dreg:$0x0] =	wrdreg $0x60  }
0xae: {  	[dreg:$0x2] =	wrdreg s24  }
0xaf: {  	[dreg:$0x3] =	wrdreg s2  }
0xb0: {  	[dreg:$0x4] =	wrdreg $0x9  }
0xb1: {  	_ =	task.clear_ibuf [dreg:s7], $0x5FFFF;
	_ =	strace $0x90000046  }
0xb2: {  	s29 =	simm.s32 $0x9;
	_ =	strace $0x80000048  }
0xb3: {  	_ =	swait.ge [sflag:s29], $0x1  }
0xb4: {  	[sflag:s29] =	ssyncadd.s32 $0xFFFFFFFF  }
0xb5: {  	_ =	strace $0x90000048  }
0xb6: {  	_ =	sfence  }
0xb7: {  	s30 =	sld [smem:$0x0];
	_ =	sdelay $0x2  }
0xb8: {  	s31 =	sshll.u32 s1, $0xD;
	s1 =	sshrl.u32 s1, $0x2  }
0xb9: {  	s3 =	sand.u32 $0x4000, s31;
	s1 =	sadd.s32 s1, s30  }
0xba: {  	s0 =	sor.u32 s3, s0;
	s1 =	sshll.u32 s1, $0x11  }
0xbb: {  	s0 =	sor.u32 s1, s0  }
0xbc: {  	s0 =	sadd.s32 $0x8F2B, s0  }
0xbd: {  	[sflag:s0] =	ssyncadd.remote.s32 $0x1  }
0xbe: {  	_ =	sfence.sel $0xFFFF  }
0xbf: {  	[dreg:$0x0] =	wrdreg $0xFFFFFFFF;
	(pc) =	sbr.abs _section_cstart, $3  }
0xc0: {  	[dreg:$0x1] =	wrdreg $0xFFFFFFFF  }
0xc1: {  	_ =	task.clear_ibuf [dreg:s7], $0x2FFFF;
	_ =	strace $0x9FFFFFFF  }
0xc2: {  	(tm) =	ssettm $0x7FFFFFFF  }
0xc3: {  	_ =	shalt  }
tec
execute0_lowered:
.L_overlay_start_1:
0x0: {  	(tag) =	ssettag $0x1  }
0x1: {  	v0 =	vimm.s32 $0x34333231;
	v1 =	vimm.s32 $0x38373635  }
0x2: {  	v46 =	vimm.s32 $0x35343332;
	v2 =	vimm.s32 $0x39383736;
	vm0 =	vcmask $0x1F10  }
0x3: {  	v47 =	vimm.s32 $0x3C3B3A39;
	v49 =	vimm.s32 $0x3F3E3D;
	v51 =	vimm.s32 $0x3D3C3B3A  }
0x4: {  	v52 =	vimm.s32 $0x36353433;
	v53 =	vimm.s32 $0x3A393837;
	v54 =	vimm.s32 $0x1003F3E  }
0x5: {  	v55 =	vimm.s32 $0x3E3D3C3B;
	v56 =	vimm.s32 $0x3020100;
	v57 =	vimm.s32 $0x201003F  }
0x6: {  	v58 =	vimm.s32 $0x3F3E3D3C;
	v59 =	vimm.s32 $0x37363534;
	v60 =	vimm.s32 $0x3B3A3938  }
0x7: {  	v62 =	vimm.s32 $0x4030201;
	v10 =	vimm.s32 $0x5040302;
	v24 =	vimm.s32 $0x6050403  }
0x8: {  	v26 =	vimm.s32 $0x87654321;
	v32 =	vimm.s32 $0x76543210;
	v33 =	vimm.s32 $0x32107654  }
0x9: {  	v34 =	vimm.s32 $0x98765432;
	v5 =	vimm.s32 $0xA9876543;
	v38 =	vimm.s32 $0x43218765  }
0xa: {  	vm1 =	vcmask $0x2F10;
	v39 =	vimm.s32 $0xB0A0908;
	v40 =	vimm.s32 $0x54329876  }
0xb: {  	vm2 =	vcmask $0x3F30;
	v42 =	vimm.s32 $0xC0B0A09;
	v44 =	vimm.s32 $0x6543A987  }
0xc: {  	v45 =	vimm.s32 $0xD0C0B0A;
	vm4 =	vcmask $0x300;
	vm5 =	vcmask $0x704  }
0xd: {  	vm6 =	vcmask $0xB08;
	vm7 =	vcmask $0xF0C;
	vm8 =	vcmask $0x1310  }
0xe: {  	vm9 =	vcmask $0x1714;
	vm10 =	vcmask $0x1B18;
	vm3 =	vcmask $0x2724  }
0xf: {  	vm11 =	vcmask $0x2B28;
	vm12 =	vcmask $0x2F2C;
	vm13 =	vcmask $0x3330  }
0x10: {  	vm14 =	vcmask $0x3734;
	vm15 =	vcmask $0x3B38;
	v0 =	vunpack.c.0.s8.s32 v0  }
0x11: {  	v3 =	vunpack.c.0.s8.s32 v1;
	v1 =	vunpack.c.0.s8.s32 v46;
	v4 =	vunpack.c.0.s8.s32 v2  }
0x12: {  	v6 =	vunpack.c.0.s8.s32 v49;
	v2 =	vunpack.c.0.s8.s32 v53;
	v7 =	vunpack.c.0.s8.s32 v54  }
0x13: {  	v8 =	vunpack.c.0.s8.s32 v58;
	v61 =	vunpack.c.0.s8.s32 v60;
	v9 =	vunpack.c.0.s8.s32 v57  }
0x14: {  	v63 =	vunpack.c.0.s8.s32 v62;
	v35 =	vunpack.c.l.s4.s8 v5;
	v5 =	vunpack.c.l.s4.s8 v40  }
0x15: {  	v53 =	vimm.s32 $0xE0D0C0B;
	v54 =	vimm.s32 $0x8F;
	v58 =	vimm.s32 $0x18F  }
0x16: {  	v60 =	vimm.s32 $0x28F;
	v40 =	vimm.s32 $0x88F;
	v0 =	vsel vm0, v3, v0  }
0x17: {  	[tilespmem:$0x1FB90] =	vst v3;
	v50 =	vsel vm0, v4, v1;
	v1 =	vunpack.c.0.s8.s32 v52;
	v3 =	vunpack.c.0.s8.s32 v10  }
0x18: {  	[tilespmem:$0x1FBC0] =	vst v4;
	v11 =	vsel vm0, v63, v6;
	v4 =	vunpack.c.l.s4.s8 v34;
	v43 =	vunpack.c.0.s8.s32 v5  }
0x19: {  	v63 =	vimm.s32 $0x30F;
	v5 =	vimm.s32 $0x40F;
	v10 =	vimm.s32 $0x58F  }
0x1a: {  	v34 =	vimm.s32 $0x68F;
	[tilespmem:$0x1FBA0] =	vst v0;
	v0 =	vunpack.c.0.s8.s32 v47;
	v47 =	vunpack.c.0.s8.s32 v45  }
0x1b: {  	[tilespmem:$0x1FBD0] =	vst v50;
	v50 =	vimm.s32 $0xF;
	v45 =	vimm.s32 $0xA0F;
	v1 =	vsel vm0, v2, v1  }
0x1c: {  	v25 =	vsel vm0, v3, v7;
	v3 =	vunpack.c.l.s4.s8 v33;
	[tilespmem:$0x1FBB0] =	vst v0;
	v0 =	vunpack.c.0.s8.s32 v51  }
0x1d: {  	[tilespmem:$0x1FBF0] =	vst v2;
	v2 =	vunpack.c.0.s8.s32 v59;
	v36 =	vunpack.c.0.s8.s32 v4;
	v4 =	vunpack.c.0.s8.s32 v39  }
0x1e: {  	v59 =	vimm.s32 $0x20F;
	v3 =	vunpack.c.0.s8.s32 v3;
	[tilespmem:$0x1FBE0] =	vst v0;
	v0 =	vunpack.c.0.s8.s32 v55  }
0x1f: {  	v33 =	vimm.s32 $0x60F;
	v39 =	vimm.s32 $0x80F;
	[tilespmem:$0x1FC00] =	vst v1;
	v1 =	vunpack.c.l.s4.s8 v26  }
0x20: {  	v37 =	vand.u32 $0xF, v3;
	v3 =	vunpack.c.l.s4.s8 v38;
	[tilespmem:$0x1FC10] =	vst v0;
	v0 =	vunpack.c.0.s8.s32 v56  }
0x21: {  	v51 =	vsel vm4, $0x3100, v50;
	v50 =	vimm.s32 $0xB0F;
	v1 =	vunpack.c.0.s8.s32 v1  }
0x22: {  	v2 =	vsel vm0, v61, v2;
	v3 =	vunpack.c.0.s8.s32 v3;
	v0 =	vsel vm0, v0, v8  }
0x23: {  	v1 =	vand.u32 $0xF, v1;
	v23 =	vcombine.low v2, v0;
	v0 =	vunpack.c.0.s8.s32 v24  }
0x24: {  	v2 =	vunpack.c.l.s4.s8 v32;
	v41 =	vand.u32 $0xF, v3;
	v3 =	vunpack.c.l.s4.s8 v44  }
0x25: {  	v55 =	vimm.s32 $0x10F;
	v38 =	vimm.s32 $0x78F;
	[tilespmem:$0x1FC70] =	vst v1;
	v1 =	vand.u32 $0xF, v36  }
0x26: {  	[tilespmem:$0x1FC90] =	vst v1;
	v0 =	vsel vm0, v0, v9;
	v2 =	vunpack.c.0.s8.s32 v2;
	v49 =	vunpack.c.0.s8.s32 v3  }
0x27: {  	v1 =	vunpack.c.0.s8.s32 v42;
	v44 =	vimm.s32 $0x98F;
	[tilespmem:$0x1FC50] =	vst v0;
	v0 =	vunpack.c.0.s8.s32 v35  }
0x28: {  	v35 =	vimm.s32 $0x70F;
	[tilespmem:$0x1FC60] =	vst v2;
	v2 =	vsel vm1, v37, v8;
	v52 =	vand.u32 $0xF, v49  }
0x29: {  	[tilespmem:$0x1FC80] =	vst v8;
	v8 =	vimm.s32 $0x48F;
	v49 =	vimm.s32 $0xA8F;
	v0 =	vand.u32 $0xF, v0  }
0x2a: {  	v24 =	vsel vm2, v4, v2;
	v2 =	vand.u32 $0xF, v43;
	[tilespmem:$0x1FCA0] =	vst v0;
	v0 =	vsel vm1, v41, v6  }
0x2b: {  	[tilespmem:$0x1FC40] =	vst v25;
	v46 =	vsel vm1, v2, v7;
	v2 =	vunpack.c.0.s8.s32 v53;
	v25 =	vsel vm2, v1, v0  }
0x2c: {  	v26 =	vsel vm2, v47, v46;
	v0 =	vsel vm5, $0x3201, v51;
	v1 =	vsel vm1, v52, v9  }
0x2d: {  	vm1 =	vcmask $0x1F1C;
	v27 =	vsel vm2, v2, v1;
	v2 =	vsel vm4, $0x3200, v55  }
0x2e: {  	v0 =	vsel vm6, $0x3302, v0;
	v1 =	vsel vm4, $0x3180, v54;
	v2 =	vsel vm5, $0x3301, v2  }
0x2f: {  	vm2 =	vcmask $0x2320;
	v0 =	vsel vm7, $0x3403, v0;
	v2 =	vsel vm6, $0x3402, v2  }
0x30: {  	v1 =	vsel vm5, $0x3281, v1;
	v0 =	vsel vm8, $0x3504, v0;
	v2 =	vsel vm7, $0x3503, v2  }
0x31: {  	v1 =	vsel vm6, $0x3382, v1;
	v0 =	vsel vm9, $0x3605, v0;
	v2 =	vsel vm8, $0x3604, v2  }
0x32: {  	v1 =	vsel vm7, $0x3483, v1;
	v0 =	vsel vm10, $0x3706, v0;
	v2 =	vsel vm9, $0x3705, v2  }
0x33: {  	v1 =	vsel vm8, $0x3584, v1;
	v0 =	vsel vm1, $0x3807, v0;
	v2 =	vsel vm10, $0x3806, v2  }
0x34: {  	v1 =	vsel vm9, $0x3685, v1;
	v0 =	vsel vm2, $0x3908, v0;
	v2 =	vsel vm1, $0x3907, v2  }
0x35: {  	v1 =	vsel vm10, $0x3786, v1;
	v0 =	vsel vm3, $0x3A09, v0;
	v2 =	vsel vm2, $0x3A08, v2  }
0x36: {  	v1 =	vsel vm1, $0x3887, v1;
	v0 =	vsel vm11, $0x3B0A, v0;
	v2 =	vsel vm3, $0x3B09, v2  }
0x37: {  	v1 =	vsel vm2, $0x3988, v1;
	v0 =	vsel vm12, $0x3C0B, v0;
	v2 =	vsel vm11, $0x3C0A, v2  }
0x38: {  	v1 =	vsel vm3, $0x3A89, v1;
	v0 =	vsel vm13, $0x3D0C, v0;
	v2 =	vsel vm12, $0x3D0B, v2  }
0x39: {  	v1 =	vsel vm11, $0x3B8A, v1;
	v0 =	vsel vm14, $0x3E0D, v0;
	v2 =	vsel vm13, $0x3E0C, v2  }
0x3a: {  	[tilespmem:$0x1FCD0] =	vst v9;
	v1 =	vsel vm12, $0x3C8B, v1;
	v0 =	vsel vm15, $0x3F0E, v0;
	v57 =	vsel vm14, $0x3F0D, v2  }
0x3b: {  	v4 =	vimm.s32 $0x38F;
	v1 =	vsel vm13, $0x3D8C, v1;
	[tilespmem:$0x1FCE0] =	vst v0;
	v0 =	vsel vm15, $0xE, v57  }
0x3c: {  	v9 =	vimm.s32 $0x50F;
	v1 =	vsel vm14, $0x3E8D, v1;
	[tilespmem:$0x1FD00] =	vst v0;
	v0 =	vsel vm4, $0x3280, v58  }
0x3d: {  	v2 =	vsel vm4, $0x3380, v60;
	v56 =	vsel vm15, $0x3F8E, v1;
	v0 =	vsel vm5, $0x3381, v0  }
0x3e: {  	v1 =	vsel vm4, $0x3300, v59;
	v2 =	vsel vm5, $0x3481, v2;
	v0 =	vsel vm6, $0x3482, v0  }
0x3f: {  	v1 =	vsel vm5, $0x3401, v1;
	v2 =	vsel vm6, $0x3582, v2;
	v0 =	vsel vm7, $0x3583, v0  }
0x40: {  	v1 =	vsel vm6, $0x3502, v1;
	v2 =	vsel vm7, $0x3683, v2;
	v0 =	vsel vm8, $0x3684, v0  }
0x41: {  	v1 =	vsel vm7, $0x3603, v1;
	v2 =	vsel vm8, $0x3784, v2;
	v0 =	vsel vm9, $0x3785, v0  }
0x42: {  	v1 =	vsel vm8, $0x3704, v1;
	v2 =	vsel vm9, $0x3885, v2;
	v0 =	vsel vm10, $0x3886, v0  }
0x43: {  	v1 =	vsel vm9, $0x3805, v1;
	v2 =	vsel vm10, $0x3986, v2;
	v0 =	vsel vm1, $0x3987, v0  }
0x44: {  	v1 =	vsel vm10, $0x3906, v1;
	v2 =	vsel vm1, $0x3A87, v2;
	v0 =	vsel vm2, $0x3A88, v0  }
0x45: {  	v1 =	vsel vm1, $0x3A07, v1;
	v2 =	vsel vm2, $0x3B88, v2;
	v0 =	vsel vm3, $0x3B89, v0  }
0x46: {  	v1 =	vsel vm2, $0x3B08, v1;
	v2 =	vsel vm3, $0x3C89, v2;
	v0 =	vsel vm11, $0x3C8A, v0  }
0x47: {  	v1 =	vsel vm3, $0x3C09, v1;
	v2 =	vsel vm11, $0x3D8A, v2;
	v0 =	vsel vm12, $0x3D8B, v0  }
0x48: {  	v1 =	vsel vm11, $0x3D0A, v1;
	v2 =	vsel vm12, $0x3E8B, v2;
	v0 =	vsel vm13, $0x3E8C, v0  }
0x49: {  	v1 =	vsel vm12, $0x3E0B, v1;
	v2 =	vsel vm13, $0x3F8C, v2;
	v0 =	vsel vm14, $0x3F8D, v0  }
0x4a: {  	[tilespmem:$0x1FC20] =	vst v61;
	v1 =	vsel vm13, $0x3F0C, v1;
	v62 =	vsel vm14, $0x8D, v2;
	v0 =	vsel vm15, $0x8E, v0  }
0x4b: {  	v2 =	vsel vm4, $0x3500, v5;
	v1 =	vsel vm14, $0xD, v1;
	[tilespmem:$0x1FD10] =	vst v0;
	v0 =	vsel vm15, $0x18E, v62  }
0x4c: {  	v61 =	vsel vm15, $0x10E, v1;
	v1 =	vsel vm4, $0x3480, v4;
	[tilespmem:$0x1FD30] =	vst v0;
	v0 =	vsel vm4, $0x3400, v63  }
0x4d: {  	v2 =	vsel vm5, $0x3601, v2;
	v1 =	vsel vm5, $0x3581, v1;
	v0 =	vsel vm5, $0x3501, v0  }
0x4e: {  	v2 =	vsel vm6, $0x3702, v2;
	v1 =	vsel vm6, $0x3682, v1;
	v0 =	vsel vm6, $0x3602, v0  }
0x4f: {  	v2 =	vsel vm7, $0x3803, v2;
	v1 =	vsel vm7, $0x3783, v1;
	v0 =	vsel vm7, $0x3703, v0  }
0x50: {  	v2 =	vsel vm8, $0x3904, v2;
	v1 =	vsel vm8, $0x3884, v1;
	v0 =	vsel vm8, $0x3804, v0  }
0x51: {  	v2 =	vsel vm9, $0x3A05, v2;
	v1 =	vsel vm9, $0x3985, v1;
	v0 =	vsel vm9, $0x3905, v0  }
0x52: {  	v2 =	vsel vm10, $0x3B06, v2;
	v1 =	vsel vm10, $0x3A86, v1;
	v0 =	vsel vm10, $0x3A06, v0  }
0x53: {  	v2 =	vsel vm1, $0x3C07, v2;
	v1 =	vsel vm1, $0x3B87, v1;
	v0 =	vsel vm1, $0x3B07, v0  }
0x54: {  	v2 =	vsel vm2, $0x3D08, v2;
	v1 =	vsel vm2, $0x3C88, v1;
	v0 =	vsel vm2, $0x3C08, v0  }
0x55: {  	v2 =	vsel vm3, $0x3E09, v2;
	v1 =	vsel vm3, $0x3D89, v1;
	v0 =	vsel vm3, $0x3D09, v0  }
0x56: {  	v2 =	vsel vm11, $0x3F0A, v2;
	v1 =	vsel vm11, $0x3E8A, v1;
	v0 =	vsel vm11, $0x3E0A, v0  }
0x57: {  	v2 =	vsel vm12, $0xB, v2;
	v1 =	vsel vm12, $0x3F8B, v1;
	v0 =	vsel vm12, $0x3F0B, v0  }
0x58: {  	v2 =	vsel vm13, $0x10C, v2;
	v1 =	vsel vm13, $0x8C, v1;
	v0 =	vsel vm13, $0xC, v0  }
0x59: {  	[tilespmem:$0x1FCC0] =	vst v7;
	v7 =	vsel vm14, $0x20D, v2;
	v1 =	vsel vm14, $0x18D, v1;
	v0 =	vsel vm14, $0x10D, v0  }
0x5a: {  	[tilespmem:$0x1FCB0] =	vst v6;
	v6 =	vsel vm15, $0x28E, v1;
	v1 =	vsel vm4, $0x3600, v9;
	v0 =	vsel vm15, $0x20E, v0  }
0x5b: {  	v43 =	vimm.s32 $0x90F;
	v1 =	vsel vm5, $0x3701, v1;
	[tilespmem:$0x1FD40] =	vst v0;
	v0 =	vsel vm15, $0x30E, v7  }
0x5c: {  	v2 =	vsel vm4, $0x3680, v10;
	v1 =	vsel vm6, $0x3802, v1;
	[tilespmem:$0x1FD60] =	vst v0;
	v0 =	vsel vm4, $0x3580, v8  }
0x5d: {  	v2 =	vsel vm5, $0x3781, v2;
	v1 =	vsel vm7, $0x3903, v1;
	v0 =	vsel vm5, $0x3681, v0  }
0x5e: {  	v2 =	vsel vm6, $0x3882, v2;
	v1 =	vsel vm8, $0x3A04, v1;
	v0 =	vsel vm6, $0x3782, v0  }
0x5f: {  	v2 =	vsel vm7, $0x3983, v2;
	v1 =	vsel vm9, $0x3B05, v1;
	v0 =	vsel vm7, $0x3883, v0  }
0x60: {  	v2 =	vsel vm8, $0x3A84, v2;
	v1 =	vsel vm10, $0x3C06, v1;
	v0 =	vsel vm8, $0x3984, v0  }
0x61: {  	v2 =	vsel vm9, $0x3B85, v2;
	v1 =	vsel vm1, $0x3D07, v1;
	v0 =	vsel vm9, $0x3A85, v0  }
0x62: {  	v2 =	vsel vm10, $0x3C86, v2;
	v1 =	vsel vm2, $0x3E08, v1;
	v0 =	vsel vm10, $0x3B86, v0  }
0x63: {  	v2 =	vsel vm1, $0x3D87, v2;
	v1 =	vsel vm3, $0x3F09, v1;
	v0 =	vsel vm1, $0x3C87, v0  }
0x64: {  	v2 =	vsel vm2, $0x3E88, v2;
	v1 =	vsel vm11, $0xA, v1;
	v0 =	vsel vm2, $0x3D88, v0  }
0x65: {  	v2 =	vsel vm3, $0x3F89, v2;
	v1 =	vsel vm12, $0x10B, v1;
	v0 =	vsel vm3, $0x3E89, v0  }
0x66: {  	v2 =	vsel vm11, $0x8A, v2;
	v1 =	vsel vm13, $0x20C, v1;
	v0 =	vsel vm11, $0x3F8A, v0  }
0x67: {  	v2 =	vsel vm12, $0x18B, v2;
	v1 =	vsel vm14, $0x30D, v1;
	v0 =	vsel vm12, $0x8B, v0  }
0x68: {  	[tilespmem:$0x1FC30] =	vst v11;
	v11 =	vsel vm15, $0x40E, v1;
	v1 =	vsel vm4, $0x3780, v34;
	v0 =	vsel vm13, $0x18C, v0  }
0x69: {  	v2 =	vsel vm13, $0x28C, v2;
	v1 =	vsel vm5, $0x3881, v1;
	v0 =	vsel vm14, $0x28D, v0  }
0x6a: {  	v32 =	vsel vm14, $0x38D, v2;
	v1 =	vsel vm6, $0x3982, v1;
	v0 =	vsel vm15, $0x38E, v0  }
0x6b: {  	v51 =	vimm.s32 $0xB8F;
	v1 =	vsel vm7, $0x3A83, v1;
	[tilespmem:$0x1FD70] =	vst v0;
	v0 =	vsel vm15, $0x48E, v32  }
0x6c: {  	v2 =	vsel vm4, $0x3800, v35;
	v1 =	vsel vm8, $0x3B84, v1;
	[tilespmem:$0x1FD90] =	vst v0;
	v0 =	vsel vm4, $0x3700, v33  }
0x6d: {  	v2 =	vsel vm5, $0x3901, v2;
	v1 =	vsel vm9, $0x3C85, v1;
	v0 =	vsel vm5, $0x3801, v0  }
0x6e: {  	v2 =	vsel vm6, $0x3A02, v2;
	v1 =	vsel vm10, $0x3D86, v1;
	v0 =	vsel vm6, $0x3902, v0  }
0x6f: {  	v2 =	vsel vm7, $0x3B03, v2;
	v1 =	vsel vm1, $0x3E87, v1;
	v0 =	vsel vm7, $0x3A03, v0  }
0x70: {  	v2 =	vsel vm8, $0x3C04, v2;
	v1 =	vsel vm2, $0x3F88, v1;
	v0 =	vsel vm8, $0x3B04, v0  }
0x71: {  	v2 =	vsel vm9, $0x3D05, v2;
	v1 =	vsel vm3, $0x89, v1;
	v0 =	vsel vm9, $0x3C05, v0  }
0x72: {  	v2 =	vsel vm10, $0x3E06, v2;
	v1 =	vsel vm11, $0x18A, v1;
	v0 =	vsel vm10, $0x3D06, v0  }
0x73: {  	v2 =	vsel vm1, $0x3F07, v2;
	v1 =	vsel vm12, $0x28B, v1;
	v0 =	vsel vm1, $0x3E07, v0  }
0x74: {  	v2 =	vsel vm2, $0x8, v2;
	v1 =	vsel vm13, $0x38C, v1;
	v0 =	vsel vm2, $0x3F08, v0  }
0x75: {  	v2 =	vsel vm3, $0x109, v2;
	v1 =	vsel vm14, $0x48D, v1;
	v0 =	vsel vm3, $0x9, v0  }
0x76: {  	v36 =	vsel vm15, $0x58E, v1;
	v1 =	vsel vm4, $0x3900, v39;
	v0 =	vsel vm11, $0x10A, v0  }
0x77: {  	v2 =	vsel vm11, $0x20A, v2;
	v1 =	vsel vm5, $0x3A01, v1;
	v0 =	vsel vm12, $0x20B, v0  }
0x78: {  	v2 =	vsel vm12, $0x30B, v2;
	v1 =	vsel vm6, $0x3B02, v1;
	v0 =	vsel vm13, $0x30C, v0  }
0x79: {  	v2 =	vsel vm13, $0x40C, v2;
	v1 =	vsel vm7, $0x3C03, v1;
	v0 =	vsel vm14, $0x40D, v0  }
0x7a: {  	v37 =	vsel vm14, $0x50D, v2;
	v1 =	vsel vm8, $0x3D04, v1;
	v0 =	vsel vm15, $0x50E, v0  }
0x7b: {  	v54 =	vimm.s32 $0xC0F;
	v1 =	vsel vm9, $0x3E05, v1;
	[tilespmem:$0x1FDA0] =	vst v0;
	v0 =	vsel vm15, $0x60E, v37  }
0x7c: {  	v2 =	vsel vm4, $0x3980, v40;
	v1 =	vsel vm10, $0x3F06, v1;
	[tilespmem:$0x1FDC0] =	vst v0;
	v0 =	vsel vm4, $0x3880, v38  }
0x7d: {  	v2 =	vsel vm5, $0x3A81, v2;
	v1 =	vsel vm1, $0x7, v1;
	v0 =	vsel vm5, $0x3981, v0  }
0x7e: {  	v2 =	vsel vm6, $0x3B82, v2;
	v1 =	vsel vm2, $0x108, v1;
	v0 =	vsel vm6, $0x3A82, v0  }
0x7f: {  	v2 =	vsel vm7, $0x3C83, v2;
	v1 =	vsel vm3, $0x209, v1;
	v0 =	vsel vm7, $0x3B83, v0  }
0x80: {  	v2 =	vsel vm8, $0x3D84, v2;
	v1 =	vsel vm11, $0x30A, v1;
	v0 =	vsel vm8, $0x3C84, v0  }
0x81: {  	v2 =	vsel vm9, $0x3E85, v2;
	v1 =	vsel vm12, $0x40B, v1;
	v0 =	vsel vm9, $0x3D85, v0  }
0x82: {  	v2 =	vsel vm10, $0x3F86, v2;
	v1 =	vsel vm13, $0x50C, v1;
	v0 =	vsel vm10, $0x3E86, v0  }
0x83: {  	v2 =	vsel vm1, $0x87, v2;
	v1 =	vsel vm14, $0x60D, v1;
	v0 =	vsel vm1, $0x3F87, v0  }
0x84: {  	v41 =	vsel vm15, $0x70E, v1;
	v1 =	vsel vm4, $0x3A80, v44;
	v0 =	vsel vm2, $0x88, v0  }
0x85: {  	v2 =	vsel vm2, $0x188, v2;
	v1 =	vsel vm5, $0x3B81, v1;
	v0 =	vsel vm3, $0x189, v0  }
0x86: {  	v2 =	vsel vm3, $0x289, v2;
	v1 =	vsel vm6, $0x3C82, v1;
	v0 =	vsel vm11, $0x28A, v0  }
0x87: {  	v2 =	vsel vm11, $0x38A, v2;
	v1 =	vsel vm7, $0x3D83, v1;
	v0 =	vsel vm12, $0x38B, v0  }
0x88: {  	v2 =	vsel vm12, $0x48B, v2;
	v1 =	vsel vm8, $0x3E84, v1;
	v0 =	vsel vm13, $0x48C, v0  }
0x89: {  	v2 =	vsel vm13, $0x58C, v2;
	v1 =	vsel vm9, $0x3F85, v1;
	v0 =	vsel vm14, $0x58D, v0  }
0x8a: {  	v42 =	vsel vm14, $0x68D, v2;
	v1 =	vsel vm10, $0x86, v1;
	v0 =	vsel vm15, $0x68E, v0  }
0x8b: {  	v55 =	vimm.s32 $0xC8F;
	v1 =	vsel vm1, $0x187, v1;
	[tilespmem:$0x1FDD0] =	vst v0;
	v0 =	vsel vm15, $0x78E, v42  }
0x8c: {  	v2 =	vsel vm4, $0x3B00, v45;
	v1 =	vsel vm2, $0x288, v1;
	[tilespmem:$0x1FDF0] =	vst v0;
	v0 =	vsel vm4, $0x3A00, v43  }
0x8d: {  	v2 =	vsel vm5, $0x3C01, v2;
	v1 =	vsel vm3, $0x389, v1;
	v0 =	vsel vm5, $0x3B01, v0  }
0x8e: {  	v2 =	vsel vm6, $0x3D02, v2;
	v1 =	vsel vm11, $0x48A, v1;
	v0 =	vsel vm6, $0x3C02, v0  }
0x8f: {  	v2 =	vsel vm7, $0x3E03, v2;
	v1 =	vsel vm12, $0x58B, v1;
	v0 =	vsel vm7, $0x3D03, v0  }
0x90: {  	v2 =	vsel vm8, $0x3F04, v2;
	v1 =	vsel vm13, $0x68C, v1;
	v0 =	vsel vm8, $0x3E04, v0  }
0x91: {  	v2 =	vsel vm9, $0x5, v2;
	v1 =	vsel vm14, $0x78D, v1;
	v0 =	vsel vm9, $0x3F05, v0  }
0x92: {  	v46 =	vsel vm15, $0x88E, v1;
	v1 =	vsel vm4, $0x3C00, v50;
	v0 =	vsel vm10, $0x6, v0  }
0x93: {  	v2 =	vsel vm10, $0x106, v2;
	v1 =	vsel vm5, $0x3D01, v1;
	v0 =	vsel vm1, $0x107, v0  }
0x94: {  	v2 =	vsel vm1, $0x207, v2;
	v1 =	vsel vm6, $0x3E02, v1;
	v0 =	vsel vm2, $0x208, v0  }
0x95: {  	v2 =	vsel vm2, $0x308, v2;
	v1 =	vsel vm7, $0x3F03, v1;
	v0 =	vsel vm3, $0x309, v0  }
0x96: {  	v2 =	vsel vm3, $0x409, v2;
	v1 =	vsel vm8, $0x4, v1;
	v0 =	vsel vm11, $0x40A, v0  }
0x97: {  	v2 =	vsel vm11, $0x50A, v2;
	v1 =	vsel vm9, $0x105, v1;
	v0 =	vsel vm12, $0x50B, v0  }
0x98: {  	v2 =	vsel vm12, $0x60B, v2;
	v1 =	vsel vm10, $0x206, v1;
	v0 =	vsel vm13, $0x60C, v0  }
0x99: {  	v2 =	vsel vm13, $0x70C, v2;
	v1 =	vsel vm1, $0x307, v1;
	v0 =	vsel vm14, $0x70D, v0  }
0x9a: {  	v47 =	vsel vm14, $0x80D, v2;
	v1 =	vsel vm2, $0x408, v1;
	v0 =	vsel vm15, $0x80E, v0  }
0x9b: {  	v60 =	vimm.s32 $0xE0F;
	v1 =	vsel vm3, $0x509, v1;
	[tilespmem:$0x1FE00] =	vst v0;
	v0 =	vsel vm15, $0x90E, v47  }
0x9c: {  	v2 =	vsel vm4, $0x3C80, v51;
	v1 =	vsel vm11, $0x60A, v1;
	[tilespmem:$0x1FE20] =	vst v0;
	v0 =	vsel vm4, $0x3B80, v49  }
0x9d: {  	v2 =	vsel vm5, $0x3D81, v2;
	v1 =	vsel vm12, $0x70B, v1;
	v0 =	vsel vm5, $0x3C81, v0  }
0x9e: {  	v2 =	vsel vm6, $0x3E82, v2;
	v1 =	vsel vm13, $0x80C, v1;
	v0 =	vsel vm6, $0x3D82, v0  }
0x9f: {  	v2 =	vsel vm7, $0x3F83, v2;
	v1 =	vsel vm14, $0x90D, v1;
	v0 =	vsel vm7, $0x3E83, v0  }
0xa0: {  	v52 =	vsel vm15, $0xA0E, v1;
	v1 =	vsel vm4, $0x3D80, v55;
	v0 =	vsel vm8, $0x3F84, v0  }
0xa1: {  	v2 =	vsel vm8, $0x84, v2;
	v1 =	vsel vm5, $0x3E81, v1;
	v0 =	vsel vm9, $0x85, v0  }
0xa2: {  	v2 =	vsel vm9, $0x185, v2;
	v1 =	vsel vm6, $0x3F82, v1;
	v0 =	vsel vm10, $0x186, v0  }
0xa3: {  	v2 =	vsel vm10, $0x286, v2;
	v1 =	vsel vm7, $0x83, v1;
	v0 =	vsel vm1, $0x287, v0  }
0xa4: {  	v2 =	vsel vm1, $0x387, v2;
	v1 =	vsel vm8, $0x184, v1;
	v0 =	vsel vm2, $0x388, v0  }
0xa5: {  	v2 =	vsel vm2, $0x488, v2;
	v1 =	vsel vm9, $0x285, v1;
	v0 =	vsel vm3, $0x489, v0  }
0xa6: {  	v2 =	vsel vm3, $0x589, v2;
	v1 =	vsel vm10, $0x386, v1;
	v0 =	vsel vm11, $0x58A, v0  }
0xa7: {  	v2 =	vsel vm11, $0x68A, v2;
	v1 =	vsel vm1, $0x487, v1;
	v0 =	vsel vm12, $0x68B, v0  }
0xa8: {  	v2 =	vsel vm12, $0x78B, v2;
	v1 =	vsel vm2, $0x588, v1;
	v0 =	vsel vm13, $0x78C, v0  }
0xa9: {  	v2 =	vsel vm13, $0x88C, v2;
	v1 =	vsel vm3, $0x689, v1;
	v0 =	vsel vm14, $0x88D, v0  }
0xaa: {  	[tilespmem:$0x1FCF0] =	vst v56;
	v53 =	vsel vm14, $0x98D, v2;
	v1 =	vsel vm11, $0x78A, v1;
	v0 =	vsel vm15, $0x98E, v0  }
0xab: {  	v56 =	vimm.s32 $0xD0F;
	v1 =	vsel vm12, $0x88B, v1;
	[tilespmem:$0x1FE30] =	vst v0;
	v0 =	vsel vm15, $0xA8E, v53  }
0xac: {  	v2 =	vsel vm4, $0x3E00, v56;
	v1 =	vsel vm13, $0x98C, v1;
	[tilespmem:$0x1FE50] =	vst v0;
	v0 =	vsel vm4, $0x3D00, v54  }
0xad: {  	v2 =	vsel vm5, $0x3F01, v2;
	v1 =	vsel vm14, $0xA8D, v1;
	v0 =	vsel vm5, $0x3E01, v0  }
0xae: {  	v57 =	vsel vm15, $0xB8E, v1;
	v1 =	vsel vm4, $0x3F00, v60;
	v0 =	vsel vm6, $0x3F02, v0  }
0xaf: {  	v2 =	vsel vm6, $0x2, v2;
	v1 =	vsel vm5, $0x1, v1;
	v0 =	vsel vm7, $0x3, v0  }
0xb0: {  	v2 =	vsel vm7, $0x103, v2;
	v1 =	vsel vm6, $0x102, v1;
	v0 =	vsel vm8, $0x104, v0  }
0xb1: {  	v2 =	vsel vm8, $0x204, v2;
	v1 =	vsel vm7, $0x203, v1;
	v0 =	vsel vm9, $0x205, v0  }
0xb2: {  	v2 =	vsel vm9, $0x305, v2;
	v1 =	vsel vm8, $0x304, v1;
	v0 =	vsel vm10, $0x306, v0  }
0xb3: {  	[tilespmem:$0x1FD20] =	vst v61;
	v2 =	vsel vm10, $0x406, v2;
	v1 =	vsel vm9, $0x405, v1;
	v0 =	vsel vm1, $0x407, v0  }
0xb4: {  	[tilespmem:$0x1FD50] =	vst v6;
	v2 =	vsel vm1, $0x507, v2;
	v1 =	vsel vm10, $0x506, v1;
	v0 =	vsel vm2, $0x508, v0  }
0xb5: {  	[tilespmem:$0x1FD80] =	vst v11;
	v2 =	vsel vm2, $0x608, v2;
	v1 =	vsel vm1, $0x607, v1;
	v0 =	vsel vm3, $0x609, v0  }
0xb6: {  	[tilespmem:$0x1FDB0] =	vst v36;
	v2 =	vsel vm3, $0x709, v2;
	v1 =	vsel vm2, $0x708, v1;
	v0 =	vsel vm11, $0x70A, v0  }
0xb7: {  	[tilespmem:$0x1FDE0] =	vst v41;
	v2 =	vsel vm11, $0x80A, v2;
	v1 =	vsel vm3, $0x809, v1;
	v0 =	vsel vm12, $0x80B, v0  }
0xb8: {  	[tilespmem:$0x1FE10] =	vst v46;
	v2 =	vsel vm12, $0x90B, v2;
	v1 =	vsel vm11, $0x90A, v1;
	v0 =	vsel vm13, $0x90C, v0  }
0xb9: {  	[tilespmem:$0x1FE40] =	vst v52;
	v2 =	vsel vm13, $0xA0C, v2;
	v1 =	vsel vm12, $0xA0B, v1;
	v0 =	vsel vm14, $0xA0D, v0  }
0xba: {  	s4 =	rddreg [dreg:$0x0];
	v58 =	vsel vm14, $0xB0D, v2;
	[tilespmem:$0x1FE70] =	vst v57;
	v1 =	vsel vm13, $0xB0C, v1;
	v0 =	vsel vm15, $0xB0E, v0  }
0xbb: {  	s1 =	rddreg [dreg:$0x1];
	s2 =	simm.s32 $0x0;
	v1 =	vsel vm14, $0xC0D, v1;
	[tilespmem:$0x1FE60] =	vst v0;
	v0 =	vsel vm15, $0xC0E, v58  }
0xbc: {  	v48 =	vlaneseq.u32;
	[smem:$0x7FF] =	sst s2;
	v62 =	vsel vm15, $0xD0E, v1;
	[tilespmem:$0x1FE80] =	vst v0  }
0xbd: {  	s0 =	rddreg [dreg:$0x2];
	v12 =	vadd.s32 $0x1, v48;
	_ =	strace $0x80000047;
	[tilespmem:$0x1FEA0] =	vst v62  }
0xbe: {  	v13 =	vadd.s32 $0x2, v48;
	[tilespmem:$0x1FEC0] =	vst v12  }
0xbf: {  	v14 =	vadd.s32 $0x3, v48;
	[tilespmem:$0x1FED0] =	vst v13  }
0xc0: {  	v16 =	vadd.s32 $0x4, v48;
	[tilespmem:$0x1FEE0] =	vst v14  }
0xc1: {  	v17 =	vadd.s32 $0x5, v48;
	[tilespmem:$0x1FEF0] =	vst v16  }
0xc2: {  	v20 =	vadd.s32 $0x6, v48;
	v59 =	vimm.s32 $0xD8F;
	[tilespmem:$0x1FF00] =	vst v17  }
0xc3: {  	v18 =	vadd.s32 $0x7, v48;
	v61 =	vimm.s32 $0xE8F;
	v0 =	vsel vm4, $0x3E80, v59;
	[tilespmem:$0x1FF10] =	vst v20  }
0xc4: {  	v2 =	vsel vm4, $0x3F80, v61;
	v0 =	vsel vm5, $0x3F81, v0;
	[tilespmem:$0x1FF20] =	vst v18  }
0xc5: {  	v2 =	vsel vm5, $0x81, v2;
	[tilespmem:$0x1FF30] =	vst v23;
	v0 =	vsel vm6, $0x82, v0  }
0xc6: {  	v2 =	vsel vm6, $0x182, v2;
	[tilespmem:$0x1FF40] =	vst v24;
	v0 =	vsel vm7, $0x183, v0  }
0xc7: {  	v2 =	vsel vm7, $0x283, v2;
	[tilespmem:$0x1FF50] =	vst v25;
	v0 =	vsel vm8, $0x284, v0  }
0xc8: {  	v2 =	vsel vm8, $0x384, v2;
	[tilespmem:$0x1FF60] =	vst v26;
	v0 =	vsel vm9, $0x385, v0  }
0xc9: {  	v28 =	vadd.s32 $0x8, v48;
	v2 =	vsel vm9, $0x485, v2;
	[tilespmem:$0x1FF70] =	vst v27;
	v0 =	vsel vm10, $0x486, v0  }
0xca: {  	v32 =	vadd.s32 $0x9, v48;
	v2 =	vsel vm10, $0x586, v2;
	[tilespmem:$0x1FF80] =	vst v28;
	v0 =	vsel vm1, $0x587, v0  }
0xcb: {  	v21 =	vadd.s32 $0xA, v48;
	v2 =	vsel vm1, $0x687, v2;
	[tilespmem:$0x1FF90] =	vst v32;
	v0 =	vsel vm2, $0x688, v0  }
0xcc: {  	v36 =	vadd.s32 $0xB, v48;
	v2 =	vsel vm2, $0x788, v2;
	[tilespmem:$0x1FFA0] =	vst v21;
	v0 =	vsel vm3, $0x789, v0  }
0xcd: {  	s9 =	simm.s32 $0x400;
	v34 =	vadd.s32 $0xC, v48;
	v2 =	vsel vm3, $0x889, v2;
	[tilespmem:$0x1FFB0] =	vst v36;
	v0 =	vsel vm11, $0x88A, v0  }
0xce: {  	s3 =	srdreg.scid;
	s10 =	simm.s32 $0x20000;
	s11 =	simm.s32 $0x18800;
	v19 =	vadd.s32 $0xD, v48;
	v2 =	vsel vm11, $0x98A, v2;
	[tilespmem:$0x1FFC0] =	vst v34;
	v0 =	vsel vm12, $0x98B, v0  }
0xcf: {  	s12 =	simm.s32 $0x1A000;
	s13 =	simm.s32 $0x1A400;
	s6 =	sand.u32 $0x1, s3;
	v37 =	vadd.s32 $0xE, v48;
	v2 =	vsel vm12, $0xA8B, v2;
	[tilespmem:$0x1FFD0] =	vst v19;
	v0 =	vsel vm13, $0xA8C, v0  }
0xd0: {  	s14 =	simm.s32 $0x0;
	s3 =	sadd.s32 $0x1800, s4;
	s7 =	ssub.s32 $0x2, s6;
	v35 =	vadd.s32 $0xF, v48;
	v2 =	vsel vm13, $0xB8C, v2;
	[tilespmem:$0x1FFE0] =	vst v37;
	v0 =	vsel vm14, $0xB8D, v0  }
0xd1: {  	s5 =	sadd.s32 $0x4A00, s4;
	s4 =	stileid.u32;
	s8 =	sshrl.u32 s7, $0x1;
	v63 =	vsel vm14, $0xC8D, v2;
	[tilespmem:$0x1FFF0] =	vst v35;
	v0 =	vsel vm15, $0xC8E, v0  }
0xd2: {  	s31 =	sshll.u32 s4, $0xA;
	s6 =	sshll.u32 s6, $0x9;
	s7 =	ssub.s32 s7, s8;
	[tilespmem:$0x1FE90] =	vst v0;
	v0 =	vsel vm15, $0xD8E, v63  }
0xd3: {  	s6 =	sor.u32 s6, s31;
	s8 =	simm.s32 $0x1;
	s7 =	smax.u32 s7, $0x1;
	[tilespmem:$0x1FEB0] =	vst v0  }
.LBB2_1:
0xd4: {  	[tilespmem:s2], [sflag:$0x1] =	stream.linear.gather [hbm4b:s3+s2], $0x18480, $0x38;
	[tilespmem:$0x1E400] =	vst v63  }
0xd5: {  	_ =	swait.ge [sflag:s8], $0x18480  }
0xd6: {  	[sflag:s8] =	ssyncset.done $0x0  }
0xd7: {  	s15 =	simm.s32 $0x0;
	[sflag:s8] =	ssyncadd.s32 $0xFFFE7B80  }
.LBB2_2:
0xd8: {  	s16 =	sshll.u32 s15, $0x7  }
0xd9: {  	s16 =	sadd.s32 s6, s16  }
0xda: {  	s17 =	sadd.s32 s1, s16  }
0xdb: {  	[tilespmem:s11], [sflag:$0x1] =	stream.strided.gather [hbm4b:s17+s9], $0x1800, s10, s9, $0x38;
	[tilespmem:$0x1E400] =	vst v63  }
0xdc: {  	s18 =	sadd.s32 $0x18000, s17;
	s17 =	simm.s32 $0x0  }
0xdd: {  	[tilespmem:s12], [sflag:$0x1] =	stream.linear.gather [hbm4b:s18+s17], $0x100, $0x38;
	[tilespmem:$0x1E400] =	vst v63  }
0xde: {  	_ =	swait.ge [sflag:s8], $0x1900  }
0xdf: {  	[sflag:s8] =	ssyncset.done $0x0  }
0xe0: {  	s18 =	simm.s32 $0x18880;
	[sflag:s8] =	ssyncadd.s32 $0xFFFFE700  }
.LBB2_3:
0xe1: {  	v0 =	vld [tilespmem:s18+$0xFFFFFF80];
	_ =	sdelay $0x4  }
0xe2: {  	v1 =	vld [tilespmem:s18+$0x0];
	v0 =	vshll.u32 v0, $0x7  }
0xe3: {  	v2 =	vor.u32 v48, v0  }
0xe4: {  	v4 =	vor.u32 v16, v0  }
0xe5: {  	v5 =	vor.u32 v14, v0  }
0xe6: {  	v3 =	vor.u32 v12, v0  }
0xe7: {  	v58 =	vimm.f32 $0.0e+00;
	v1 =	vshll.u32 v1, $0x7;
	v11 =	vor.u32 v28, v0  }
0xe8: {  	v7 =	vor.u32 v20, v0;
	v8 =	vor.u32 v18, v0;
	v6 =	vor.u32 v32, v0;
	v2 =	vld.idx.msk [tilespmem:v2+s2+$0x0], $0xffff  }
0xe9: {  	v9 =	vor.u32 v21, v0;
	v10 =	vor.u32 v34, v0;
	v24 =	vor.u32 v28, v1;
	v4 =	vld.idx.msk [tilespmem:v4+s2+$0x0], $0xffff  }
0xea: {  	v15 =	vor.u32 v19, v0;
	v22 =	vor.u32 v35, v0;
	v27 =	vor.u32 v18, v1;
	v5 =	vld.idx.msk [tilespmem:v5+s2+$0x0], $0xffff  }
0xeb: {  	v23 =	vor.u32 v19, v1;
	v18 =	vor.u32 v37, v1;
	v19 =	vor.u32 v13, v1;
	v3 =	vld.idx.msk [tilespmem:v3+s2+$0x0], $0xffff  }
0xec: {  	v21 =	vor.u32 v21, v1;
	v29 =	vor.u32 v13, v0;
	v25 =	vor.u32 v32, v1;
	v11 =	vld.idx.msk [tilespmem:v11+s2+$0x0], $0xffff  }
0xed: {  	v30 =	vor.u32 v17, v0;
	v32 =	vor.u32 v36, v1;
	v62 =	vor.u32 v35, v1;
	v26 =	vld.idx.msk [tilespmem:v6+s2+$0x0], $0xffff  }
0xee: {  	v63 =	vor.u32 v37, v0;
	v0 =	vor.u32 v36, v0;
	v6 =	vor.u32 v48, v1;
	v42 =	vld.idx.msk [tilespmem:v24+s2+$0x0], $0xffff  }
0xef: {  	v61 =	vunpack.i.u.bf16.f32 v2;
	v2 =	vunpack.i.l.bf16.f32 v2;
	v41 =	vunpack.i.u.bf16.f32 v5  }
0xf0: {  	v38 =	vld.idx.msk [tilespmem:v19+s2+$0x0], $0xffff;
	v19 =	vunpack.i.u.bf16.f32 v4;
	v4 =	vunpack.i.l.bf16.f32 v4;
	v5 =	vunpack.i.l.bf16.f32 v5  }
0xf1: {  	v44 =	vld.idx.msk [tilespmem:v25+s2+$0x0], $0xffff;
	v39 =	vadd.f32 v19, v58;
	v19 =	vadd.f32 v5, v58;
	v5 =	vunpack.i.u.bf16.f32 v11  }
0xf2: {  	v9 =	vld.idx.msk [tilespmem:v9+s2+$0x0], $0xffff;
	v36 =	vadd.f32 v4, v58;
	v4 =	vor.u32 v16, v1;
	v5 =	vadd.f32 v5, v58  }
0xf3: {  	v43 =	vunpack.i.u.bf16.f32 v3;
	v3 =	vunpack.i.l.bf16.f32 v3;
	v49 =	vld.idx.msk [tilespmem:v6+s2+$0x0], $0xffff;
	v6 =	vunpack.i.u.bf16.f32 v42  }
0xf4: {  	v24 =	vld.idx.msk [tilespmem:v62+s2+$0x0], $0xffff;
	v11 =	vunpack.i.l.bf16.f32 v11;
	v55 =	vadd.f32 v3, v58;
	v3 =	vadd.f32 v6, v5  }
0xf5: {  	v28 =	vor.u32 v34, v1;
	v35 =	vld.idx.msk [tilespmem:v18+s2+$0x0], $0xffff;
	v6 =	vadd.f32 v2, v58;
	v2 =	vadd.f32 v11, v58  }
0xf6: {  	v54 =	vld.idx.msk [tilespmem:v21+s2+$0x0], $0xffff;
	v11 =	vunpack.i.l.bf16.f32 v42;
	[tilespmem:$0x1FB50] =	vst v3  }
0xf7: {  	v31 =	vor.u32 v14, v1;
	v2 =	vadd.f32 v11, v2;
	v3 =	vld.idx.msk [tilespmem:v4+s2+$0x0], $0xffff  }
0xf8: {  	v33 =	vor.u32 v12, v1;
	v5 =	vunpack.i.u.bf16.f32 v26;
	v26 =	vunpack.i.l.bf16.f32 v26;
	v4 =	vld.idx.msk [tilespmem:v10+s2+$0x0], $0xffff  }
0xf9: {  	v42 =	vunpack.i.u.bf16.f32 v9;
	v0 =	vld.idx.msk [tilespmem:v0+s2+$0x0], $0xffff;
	[tilespmem:$0x1FB60] =	vst v2;
	v2 =	vunpack.i.l.bf16.f32 v9;
	v9 =	vadd.f32 v61, v58  }
0xfa: {  	v40 =	vor.u32 v17, v1;
	v26 =	vadd.f32 v26, v58;
	v11 =	vld.idx.msk [tilespmem:v28+s2+$0x0], $0xffff;
	v28 =	vunpack.i.u.bf16.f32 v49  }
0xfb: {  	v1 =	vor.u32 v20, v1;
	v61 =	vunpack.i.l.bf16.f32 v44;
	v9 =	vadd.f32 v28, v9  }
0xfc: {  	v14 =	vld.idx.msk [tilespmem:v63+s2+$0x0], $0xffff;
	v47 =	vunpack.i.u.bf16.f32 v3;
	v46 =	vunpack.i.l.bf16.f32 v3;
	v3 =	vadd.f32 v61, v26  }
0xfd: {  	v50 =	vunpack.i.u.bf16.f32 v44;
	v18 =	vunpack.i.l.bf16.f32 v35;
	v2 =	vadd.f32 v2, v58;
	v51 =	vld.idx.msk [tilespmem:v15+s2+$0x0], $0xffff;
	[tilespmem:$0x1FB70] =	vst v9  }
0xfe: {  	v62 =	vunpack.i.l.bf16.f32 v54;
	v12 =	vadd.f32 v41, v58;
	v41 =	vunpack.i.u.bf16.f32 v38;
	v9 =	vld.idx.msk [tilespmem:v7+s2+$0x0], $0xffff;
	[tilespmem:$0x1FB80] =	vst v3  }
0xff: {  	v45 =	vunpack.i.l.bf16.f32 v4;
	v61 =	vadd.f32 v62, v2;
	v2 =	vunpack.i.u.bf16.f32 v4;
	v4 =	vld.idx.msk [tilespmem:v32+s2+$0x0], $0xffff  }
0x100: {  	v43 =	vadd.f32 v43, v58;
	v10 =	vunpack.i.u.bf16.f32 v24;
	v56 =	vunpack.i.u.bf16.f32 v0;
	v1 =	vld.idx.msk [tilespmem:v1+s2+$0x0], $0xffff  }
0x101: {  	v0 =	vunpack.i.l.bf16.f32 v0;
	v62 =	vunpack.i.l.bf16.f32 v38;
	v44 =	vadd.f32 v2, v58;
	v53 =	vld.idx.msk [tilespmem:v29+s2+$0x0], $0xffff  }
0x102: {  	v2 =	vadd.f32 v5, v58;
	v0 =	vadd.f32 v0, v58;
	v3 =	vunpack.i.u.bf16.f32 v11;
	v52 =	vld.idx.msk [tilespmem:v8+s2+$0x0], $0xffff  }
0x103: {  	v5 =	vunpack.i.u.bf16.f32 v14;
	v7 =	vunpack.i.l.bf16.f32 v14;
	v14 =	vunpack.i.l.bf16.f32 v51;
	v57 =	vld.idx.msk [tilespmem:v27+s2+$0x0], $0xffff  }
0x104: {  	v29 =	vunpack.i.u.bf16.f32 v35;
	v63 =	vadd.f32 v5, v58;
	v5 =	vadd.f32 v7, v58;
	v7 =	vld.idx.msk [tilespmem:v23+s2+$0x0], $0xffff  }
0x105: {  	v34 =	vadd.f32 v50, v2;
	v50 =	vunpack.i.u.bf16.f32 v51;
	v31 =	vld.idx.msk [tilespmem:v31+s2+$0x0], $0xffff;
	v23 =	vunpack.i.l.bf16.f32 v9  }
0x106: {  	v59 =	vadd.f32 v29, v63;
	v9 =	vunpack.i.u.bf16.f32 v9;
	v2 =	vadd.f32 v23, v58  }
0x107: {  	v9 =	vadd.f32 v9, v58;
	v8 =	vunpack.i.l.bf16.f32 v4;
	v13 =	vunpack.i.l.bf16.f32 v1  }
0x108: {  	v22 =	vld.idx.msk [tilespmem:v22+s2+$0x0], $0xffff;
	v15 =	vunpack.i.u.bf16.f32 v52;
	v1 =	vunpack.i.u.bf16.f32 v1;
	v51 =	vunpack.i.l.bf16.f32 v57  }
0x109: {  	v57 =	vunpack.i.u.bf16.f32 v57;
	v29 =	vadd.f32 v8, v0;
	v8 =	vadd.f32 v14, v58  }
0x10a: {  	v32 =	vld.idx.msk [tilespmem:v40+s2+$0x0], $0xffff;
	v63 =	vunpack.i.u.bf16.f32 v31;
	v37 =	vadd.f32 v13, v2;
	v2 =	vunpack.i.l.bf16.f32 v7  }
0x10b: {  	v31 =	vunpack.i.l.bf16.f32 v31;
	v0 =	vunpack.i.u.bf16.f32 v53;
	v27 =	vadd.f32 v2, v8;
	v8 =	vld.idx.msk [tilespmem:v33+s2+$0x0], $0xffff  }
0x10c: {  	v14 =	vunpack.i.l.bf16.f32 v53;
	v60 =	vadd.f32 v1, v9;
	v15 =	vadd.f32 v15, v58  }
0x10d: {  	v13 =	vunpack.i.u.bf16.f32 v22;
	v0 =	vadd.f32 v0, v58;
	v9 =	vadd.f32 v14, v58  }
0x10e: {  	v30 =	vld.idx.msk [tilespmem:v30+s2+$0x0], $0xffff;
	v1 =	vadd.f32 v13, v58;
	v33 =	vunpack.i.l.bf16.f32 v49;
	v40 =	vadd.f32 v57, v15  }
0x10f: {  	v2 =	vadd.f32 v41, v0;
	v41 =	vadd.f32 v62, v9;
	v9 =	vunpack.i.u.bf16.f32 v32  }
0x110: {  	v28 =	vadd.f32 v10, v1;
	v1 =	vadd.f32 v42, v58;
	v10 =	vunpack.i.u.bf16.f32 v8  }
0x111: {  	v42 =	vimm.f32 $0.0e+00;
	v53 =	vadd.f32 v10, v43;
	v10 =	vunpack.i.u.bf16.f32 v54  }
0x112: {  	v8 =	vunpack.i.l.bf16.f32 v8;
	v54 =	vunpack.i.l.bf16.f32 v22;
	v23 =	vadd.f32 v10, v1  }
0x113: {  	v1 =	vunpack.i.u.bf16.f32 v30;
	v10 =	vunpack.i.l.bf16.f32 v30;
	v30 =	vadd.f32 v8, v55  }
0x114: {  	v43 =	vimm.f32 $0.0e+00;
	v8 =	vadd.f32 v56, v58;
	v55 =	vadd.f32 v63, v12  }
0x115: {  	s19 =	sshll.u32 s17, $0x4;
	s20 =	simm.s32 $0x0;
	s21 =	sadd.s32 $0x100, s18;
	v10 =	vadd.f32 v10, v58;
	v22 =	vadd.f32 v1, v58;
	v1 =	vimm.f32 $0.0e+00  }
.LBB2_4:
0x116: {  	_ = 	snop  }
0x117: {  	v49 =	vld [tilespmem:s21+$0xFFFFFF80]  }
0x118: {  	v26 =	vld [tilespmem:$0x1FEC0]  }
0x119: {  	v15 =	vld [tilespmem:$0x1FEE0]  }
0x11a: {  	v35 =	vld [tilespmem:$0x1FEF0];
	v0 =	vadd.f32 v9, v22;
	v20 =	vadd.f32 v50, v58  }
0x11b: {  	v7 =	vunpack.i.u.bf16.f32 v7;
	v25 =	vld [tilespmem:$0x1FF10]  }
0x11c: {  	v12 =	vld [tilespmem:$0x1FF20];
	[tilespmem:$0x1FB40] =	vst v0;
	v0 =	vadd.f32 v7, v20  }
0x11d: {  	v4 =	vunpack.i.u.bf16.f32 v4;
	v16 =	vld [tilespmem:$0x1FF90]  }
0x11e: {  	v14 =	vld [tilespmem:$0x1FFA0];
	v7 =	vadd.f32 v3, v44;
	[tilespmem:$0x1FB10] =	vst v0;
	v0 =	vadd.f32 v4, v8;
	v4 =	vshll.u32 v49, $0x7  }
0x11f: {  	v17 =	vld [tilespmem:$0x1FF80];
	v3 =	vunpack.i.l.bf16.f32 v11;
	v11 =	vunpack.i.l.bf16.f32 v24;
	v24 =	vor.u32 v48, v4  }
0x120: {  	v13 =	vld [tilespmem:$0x1FFD0]  }
0x121: {  	v21 =	vld [tilespmem:$0x1FFF0]  }
0x122: {  	v1 =	vadd.f32 v54, v1;
	v58 =	vld [tilespmem:s21+$0x0]  }
0x123: {  	v6 =	vadd.f32 v33, v6;
	v20 =	vld [tilespmem:$0x1FFC0];
	v62 =	vor.u32 v15, v4  }
0x124: {  	v19 =	vadd.f32 v31, v19;
	v22 =	vadd.f32 v11, v1;
	v11 =	vld.idx.msk [tilespmem:v24+s2+$0x0], $0xffff;
	v24 =	vor.u32 v17, v4  }
0x125: {  	v52 =	vunpack.i.l.bf16.f32 v52;
	v5 =	vadd.f32 v18, v5;
	v18 =	vadd.f32 v45, v43;
	v1 =	vld [tilespmem:$0x1FED0]  }
0x126: {  	v39 =	vadd.f32 v47, v39;
	v36 =	vadd.f32 v46, v36;
	v49 =	vmovc v23;
	v23 =	vld [tilespmem:$0x1FFE0];
	v63 =	vor.u32 v35, v4  }
0x127: {  	v9 =	vunpack.i.l.bf16.f32 v32;
	v43 =	vadd.f32 v3, v18;
	v31 =	vor.u32 v26, v4;
	v48 =	vld [tilespmem:$0x1FF00]  }
0x128: {  	v8 =	vadd.f32 v52, v42;
	v44 =	vor.u32 v12, v4;
	v46 =	vor.u32 v13, v4;
	v57 =	vld.idx.msk [tilespmem:v62+s2+$0x0], $0xffff  }
0x129: {  	v50 =	vor.u32 v21, v4;
	[tilespmem:$0x1FB30] =	vst v0;
	v0 =	vadd.f32 v9, v10;
	v62 =	vld.idx.msk [tilespmem:v24+s2+$0x0], $0xffff  }
0x12a: {  	v38 =	vmovc v34;
	v34 =	vmovc v61;
	v33 =	vshll.u32 v58, $0x7;
	v42 =	vadd.f32 v51, v8;
	v8 =	vor.u32 v25, v4;
	v24 =	vld [tilespmem:$0x1FFB0]  }
0x12b: {  	v9 =	vor.u32 v16, v4;
	v10 =	vor.u32 v14, v4;
	v51 =	vor.u32 v12, v33;
	v47 =	vld.idx.msk [tilespmem:v63+s2+$0x0], $0xffff  }
0x12c: {  	v58 =	vor.u32 v14, v33;
	v18 =	vor.u32 v15, v33;
	v3 =	vld.idx.msk [tilespmem:v31+s2+$0x0], $0xffff;
	v31 =	vor.u32 v17, v33  }
0x12d: {  	v12 =	vlaneseq.u32;
	v61 =	vor.u32 v16, v33;
	v45 =	vor.u32 v20, v4;
	[tilespmem:$0x1FB20] =	vst v0;
	v0 =	vmovc v37;
	v37 =	vmovc v29  }
0x12e: {  	v29 =	vmovc v59;
	v59 =	vor.u32 v1, v4;
	v54 =	vor.u32 v48, v4;
	v63 =	vor.u32 v12, v33  }
0x12f: {  	v17 =	vor.u32 v23, v4;
	v14 =	vunpack.i.u.bf16.f32 v11;
	v12 =	vor.u32 v24, v33  }
0x130: {  	v4 =	vor.u32 v24, v4;
	v24 =	vunpack.i.u.bf16.f32 v47;
	v47 =	vunpack.i.l.bf16.f32 v47  }
0x131: {  	v16 =	vunpack.i.l.bf16.f32 v11;
	v11 =	vor.u32 v21, v33;
	v36 =	vadd.f32 v47, v36;
	v47 =	vld.idx.msk [tilespmem:v31+s2+$0x0], $0xffff  }
0x132: {  	v32 =	vor.u32 v13, v33;
	v13 =	vor.u32 v20, v33;
	v31 =	vld.idx.msk [tilespmem:v18+s2+$0x0], $0xffff  }
0x133: {  	v18 =	vor.u32 v35, v33;
	v35 =	vld [tilespmem:$0x1FB50];
	_ =	sdelay $0x1  }
0x134: {  	v9 =	vld.idx.msk [tilespmem:v9+s2+$0x0], $0xffff  }
0x135: {  	v21 =	vunpack.i.u.bf16.f32 v57;
	v57 =	vunpack.i.l.bf16.f32 v57;
	v39 =	vadd.f32 v24, v39;
	v24 =	vld.idx.msk [tilespmem:v11+s2+$0x0], $0xffff  }
0x136: {  	v52 =	vor.u32 v23, v33;
	v19 =	vadd.f32 v57, v19;
	v57 =	vunpack.i.u.bf16.f32 v62;
	v11 =	vld.idx.msk [tilespmem:v13+s2+$0x0], $0xffff  }
0x137: {  	v13 =	vadd.f32 v57, v35;
	v35 =	vld [tilespmem:$0x1FB60]  }
0x138: {  	v10 =	vld.idx.msk [tilespmem:v10+s2+$0x0], $0xffff  }
0x139: {  	v61 =	vld.idx.msk [tilespmem:v61+s2+$0x0], $0xffff;
	v15 =	vunpack.i.u.bf16.f32 v47  }
0x13a: {  	v58 =	vld.idx.msk [tilespmem:v58+s2+$0x0], $0xffff;
	v13 =	vadd.f32 v15, v13  }
0x13b: {  	v56 =	vor.u32 v1, v33;
	v20 =	vor.u32 v48, v33;
	v48 =	vld.idx.msk [tilespmem:v52+s2+$0x0], $0xffff;
	v62 =	vunpack.i.l.bf16.f32 v62  }
0x13c: {  	v1 =	vmov v60;
	v60 =	vor.u32 v26, v33;
	v63 =	vld.idx.msk [tilespmem:v63+s2+$0x0], $0xffff;
	[tilespmem:$0x1FB50] =	vst v13;
	v13 =	vadd.f32 v62, v35  }
0x13d: {  	v52 =	vunpack.i.u.bf16.f32 v3;
	v33 =	vor.u32 v25, v33;
	v25 =	vld.idx.msk [tilespmem:v4+s2+$0x0], $0xffff;
	v4 =	vunpack.i.l.bf16.f32 v47  }
0x13e: {  	v3 =	vunpack.i.l.bf16.f32 v3;
	v53 =	vadd.f32 v52, v53;
	v52 =	vld [tilespmem:$0x1FB80];
	v4 =	vadd.f32 v4, v13  }
0x13f: {  	v30 =	vadd.f32 v3, v30;
	v3 =	vld.idx.msk [tilespmem:v18+s2+$0x0], $0xffff  }
0x140: {  	[tilespmem:$0x1FB60] =	vst v4;
	v4 =	vld [tilespmem:$0x1FB70]  }
0x141: {  	v55 =	vadd.f32 v21, v55;
	v21 =	vld.idx.msk [tilespmem:v60+s2+$0x0], $0xffff;
	v60 =	vunpack.i.u.bf16.f32 v61;
	v23 =	vunpack.i.u.bf16.f32 v9  }
0x142: {  	v6 =	vadd.f32 v16, v6;
	v16 =	vld.idx.msk [tilespmem:v45+s2+$0x0], $0xffff;
	v26 =	vunpack.i.u.bf16.f32 v10;
	v10 =	vunpack.i.l.bf16.f32 v10  }
0x143: {  	v8 =	vld.idx.msk [tilespmem:v8+s2+$0x0], $0xffff;
	v9 =	vunpack.i.l.bf16.f32 v9;
	v10 =	vadd.f32 v10, v34;
	v34 =	vunpack.i.l.bf16.f32 v58  }
0x144: {  	v9 =	vadd.f32 v9, v52;
	v35 =	vmovc v27;
	v27 =	vld.idx.msk [tilespmem:v46+s2+$0x0], $0xffff;
	v47 =	vunpack.i.u.bf16.f32 v3;
	v46 =	vunpack.i.l.bf16.f32 v3  }
0x145: {  	v13 =	vld.idx.msk [tilespmem:v17+s2+$0x0], $0xffff;
	v17 =	vunpack.i.l.bf16.f32 v61;
	v61 =	vadd.f32 v34, v10;
	v4 =	vadd.f32 v14, v4  }
0x146: {  	v52 =	vld.idx.msk [tilespmem:v44+s2+$0x0], $0xffff;
	v10 =	vunpack.i.l.bf16.f32 v25;
	v3 =	vadd.f32 v17, v9;
	v14 =	vunpack.i.u.bf16.f32 v63  }
0x147: {  	v17 =	vunpack.i.u.bf16.f32 v25;
	v9 =	vunpack.i.u.bf16.f32 v16;
	v25 =	vld.idx.msk [tilespmem:v59+s2+$0x0], $0xffff;
	v4 =	vadd.f32 v14, v4  }
0x148: {  	v44 =	vadd.f32 v9, v7;
	v9 =	vld.idx.msk [tilespmem:v33+s2+$0x0], $0xffff;
	v7 =	vadd.f32 v23, v38  }
0x149: {  	v45 =	vunpack.i.l.bf16.f32 v16;
	v59 =	vunpack.i.l.bf16.f32 v8;
	[tilespmem:$0x1FB70] =	vst v4;
	v4 =	vld.idx.msk [tilespmem:v12+s2+$0x0], $0xffff  }
0x14a: {  	v10 =	vadd.f32 v10, v37;
	v8 =	vunpack.i.u.bf16.f32 v8;
	v34 =	vadd.f32 v60, v7;
	v7 =	vld.idx.msk [tilespmem:v32+s2+$0x0], $0xffff  }
0x14b: {  	v33 =	vadd.f32 v59, v0;
	v0 =	vadd.f32 v8, v1;
	v16 =	vunpack.i.u.bf16.f32 v13;
	v14 =	vld.idx.msk [tilespmem:v51+s2+$0x0], $0xffff  }
0x14c: {  	v60 =	vunpack.i.u.bf16.f32 v52;
	v32 =	vld.idx.msk [tilespmem:v20+s2+$0x0], $0xffff;
	v16 =	vadd.f32 v16, v29;
	v20 =	vunpack.i.l.bf16.f32 v25  }
0x14d: {  	v56 =	vld.idx.msk [tilespmem:v56+s2+$0x0], $0xffff;
	v37 =	vunpack.i.l.bf16.f32 v9;
	v41 =	vadd.f32 v20, v41;
	v12 =	vunpack.i.u.bf16.f32 v48  }
0x14e: {  	v9 =	vunpack.i.u.bf16.f32 v9;
	v59 =	vadd.f32 v12, v16;
	v29 =	vunpack.i.l.bf16.f32 v4  }
0x14f: {  	v23 =	vld.idx.msk [tilespmem:v50+s2+$0x0], $0xffff;
	v29 =	vadd.f32 v29, v10;
	v10 =	vadd.f32 v60, v40;
	v40 =	vunpack.i.l.bf16.f32 v27  }
0x150: {  	v20 =	vld.idx.msk [tilespmem:v54+s2+$0x0], $0xffff;
	v51 =	vunpack.i.l.bf16.f32 v14;
	v12 =	vunpack.i.u.bf16.f32 v14;
	v14 =	vadd.f32 v40, v35  }
0x151: {  	v8 =	vunpack.i.l.bf16.f32 v7;
	v60 =	vadd.f32 v9, v0;
	v0 =	vld [tilespmem:$0x1FB20]  }
0x152: {  	v50 =	vunpack.i.u.bf16.f32 v27;
	v27 =	vadd.f32 v8, v14;
	v8 =	vunpack.i.l.bf16.f32 v56  }
0x153: {  	v41 =	vadd.f32 v8, v41;
	v8 =	vadd.f32 v26, v49  }
0x154: {  	v54 =	vunpack.i.l.bf16.f32 v23;
	v40 =	vadd.f32 v12, v10;
	v10 =	vunpack.i.u.bf16.f32 v58  }
0x155: {  	v16 =	vunpack.i.u.bf16.f32 v23;
	v23 =	vadd.f32 v10, v8;
	v8 =	vunpack.i.l.bf16.f32 v20  }
0x156: {  	v10 =	vadd.f32 v8, v0;
	v0 =	vld [tilespmem:$0x1FB30];
	_ =	sdelay $0x1  }
0x157: {  	v57 =	vunpack.i.u.bf16.f32 v56  }
0x158: {  	v18 =	vunpack.i.l.bf16.f32 v48;
	v13 =	vunpack.i.l.bf16.f32 v13;
	v38 =	vunpack.i.u.bf16.f32 v25  }
0x159: {  	s20 =	sadd.s32 $0x2, s20;
	v62 =	vunpack.i.u.bf16.f32 v24;
	v5 =	vadd.f32 v13, v5;
	v2 =	vadd.f32 v38, v2  }
0x15a: {  	p0 =	slt.u32 s20, $0x30;
	[tilespmem:$0x1FB80] =	vst v3;
	v3 =	vunpack.i.u.bf16.f32 v11;
	v37 =	vadd.f32 v37, v33;
	v8 =	vadd.f32 v17, v0;
	v0 =	vld [tilespmem:$0x1FB40]  }
.Ltmp0:
0x15b: {  	v33 =	vunpack.i.l.bf16.f32 v63;
	v63 =	vunpack.i.u.bf16.f32 v31;
	v31 =	vunpack.i.l.bf16.f32 v31;
	(pc) =	sbr.rel @p0 .LBB2_4-.Ltmp0, $4  }
0x15c: {  	v2 =	vadd.f32 v57, v2;
	v57 =	vunpack.i.l.bf16.f32 v21;
	v16 =	vadd.f32 v16, v28  }
0x15d: {  	v55 =	vadd.f32 v63, v55;
	v30 =	vadd.f32 v57, v30;
	v48 =	vlaneseq.u32  }
0x15e: {  	v28 =	vadd.f32 v62, v16;
	v62 =	vunpack.i.u.bf16.f32 v20;
	v56 =	vunpack.i.u.bf16.f32 v21  }
0x15f: {  	s21 =	sadd.s32 $0x100, s21;
	v1 =	vmovc v22;
	v9 =	vunpack.i.u.bf16.f32 v32;
	v58 =	vld [tilespmem:$0x1FB10];
	v53 =	vadd.f32 v56, v53;
	v22 =	vadd.f32 v62, v0  }
0x160: {  	v21 =	vmul.u32 $0x101, v48;
	_ =	sdelay $0x1  }
0x161: {  	v12 =	vor.u32 s19, v21;
	v13 =	vadd.s32 $0x80, v21  }
0x162: {  	v0 =	vld [tilespmem:$0x1FB70];
	v14 =	vadd.s32 $0x100, v21;
	v13 =	vor.u32 s19, v13  }
0x163: {  	v16 =	vadd.s32 $0x180, v21;
	v14 =	vor.u32 s19, v14  }
0x164: {  	v6 =	vadd.f32 v33, v6;
	v17 =	vadd.s32 $0x200, v21;
	v16 =	vor.u32 s19, v16  }
0x165: {  	v20 =	vadd.s32 $0x280, v21;
	v17 =	vor.u32 s19, v17  }
0x166: {  	[tilespmem:v12+s13+$0x0] =	vst.idx.msk $0xffff, v6;
	v6 =	vor.u32 s19, v20;
	v12 =	vadd.s32 $0x300, v21  }
0x167: {  	[tilespmem:v13+s13+$0x0] =	vst.idx.msk $0xffff, v0;
	v12 =	vor.u32 s19, v12;
	v13 =	vadd.s32 $0x380, v21  }
0x168: {  	[tilespmem:v14+s13+$0x0] =	vst.idx.msk $0xffff, v30;
	v13 =	vor.u32 s19, v13;
	v14 =	vadd.s32 $0x400, v21  }
0x169: {  	[tilespmem:v16+s13+$0x0] =	vst.idx.msk $0xffff, v53;
	v14 =	vor.u32 s19, v14;
	v16 =	vadd.s32 $0x480, v21  }
0x16a: {  	v19 =	vadd.f32 v31, v19;
	[tilespmem:v17+s13+$0x0] =	vst.idx.msk $0xffff, v41;
	v16 =	vor.u32 s19, v16;
	v17 =	vadd.s32 $0x500, v21  }
0x16b: {  	v20 =	vunpack.i.l.bf16.f32 v32;
	[tilespmem:v6+s13+$0x0] =	vst.idx.msk $0xffff, v2;
	v2 =	vor.u32 s19, v17;
	v6 =	vadd.s32 $0x580, v21  }
0x16c: {  	v17 =	vadd.f32 v46, v36;
	[tilespmem:v12+s13+$0x0] =	vst.idx.msk $0xffff, v19;
	v6 =	vor.u32 s19, v6;
	v12 =	vadd.s32 $0x600, v21  }
0x16d: {  	v19 =	vadd.f32 v47, v39;
	[tilespmem:v13+s13+$0x0] =	vst.idx.msk $0xffff, v55;
	v12 =	vor.u32 s19, v12;
	v13 =	vadd.s32 $0x680, v21  }
0x16e: {  	v10 =	vadd.f32 v20, v10;
	[tilespmem:v14+s13+$0x0] =	vst.idx.msk $0xffff, v17;
	v13 =	vor.u32 s19, v13;
	v14 =	vadd.s32 $0x700, v21  }
0x16f: {  	v15 =	vunpack.i.l.bf16.f32 v52;
	v9 =	vadd.f32 v9, v22;
	[tilespmem:v16+s13+$0x0] =	vst.idx.msk $0xffff, v19;
	v14 =	vor.u32 s19, v14  }
0x170: {  	v15 =	vadd.f32 v15, v42;
	[tilespmem:v2+s13+$0x0] =	vst.idx.msk $0xffff, v10  }
0x171: {  	v16 =	vadd.s32 $0x780, v21;
	v10 =	vadd.s32 $0x800, v21;
	[tilespmem:v6+s13+$0x0] =	vst.idx.msk $0xffff, v9  }
0x172: {  	v2 =	vor.u32 s19, v16;
	v6 =	vor.u32 s19, v10;
	v10 =	vadd.f32 v51, v15;
	[tilespmem:v12+s13+$0x0] =	vst.idx.msk $0xffff, v37  }
0x173: {  	v9 =	vadd.s32 $0x880, v21;
	[tilespmem:v13+s13+$0x0] =	vst.idx.msk $0xffff, v60;
	v13 =	vld [tilespmem:$0x1FB60]  }
0x174: {  	v9 =	vor.u32 s19, v9;
	v12 =	vadd.s32 $0x900, v21;
	[tilespmem:v14+s13+$0x0] =	vst.idx.msk $0xffff, v10;
	v14 =	vld [tilespmem:$0x1FB50]  }
0x175: {  	v15 =	vld [tilespmem:$0x1FB80];
	v0 =	vor.u32 s19, v12;
	v12 =	vadd.s32 $0x980, v21  }
0x176: {  	[tilespmem:$0x1F9D0] =	vst v21;
	v10 =	vor.u32 s19, v12;
	v12 =	vadd.s32 $0xA00, v21  }
0x177: {  	[tilespmem:v2+s13+$0x0] =	vst.idx.msk $0xffff, v40;
	v2 =	vor.u32 s19, v12;
	v12 =	vadd.s32 $0xA80, v21  }
0x178: {  	[tilespmem:v6+s13+$0x0] =	vst.idx.msk $0xffff, v13;
	v6 =	vor.u32 s19, v12;
	v12 =	vadd.s32 $0xB00, v21  }
0x179: {  	v4 =	vunpack.i.u.bf16.f32 v4;
	[tilespmem:v9+s13+$0x0] =	vst.idx.msk $0xffff, v14;
	v9 =	vor.u32 s19, v12;
	v12 =	vadd.s32 $0xB80, v21  }
0x17a: {  	v11 =	vunpack.i.l.bf16.f32 v11;
	[tilespmem:v0+s13+$0x0] =	vst.idx.msk $0xffff, v15;
	v0 =	vor.u32 s19, v12;
	v12 =	vadd.s32 $0xC00, v21  }
0x17b: {  	v4 =	vadd.f32 v4, v8;
	[tilespmem:v10+s13+$0x0] =	vst.idx.msk $0xffff, v34;
	v10 =	vor.u32 s19, v12;
	v12 =	vadd.s32 $0xC80, v21  }
0x17c: {  	v8 =	vadd.s32 $0xD00, v21;
	v14 =	vadd.f32 v45, v43;
	[tilespmem:v2+s13+$0x0] =	vst.idx.msk $0xffff, v61;
	v2 =	vor.u32 s19, v12  }
0x17d: {  	v3 =	vadd.f32 v3, v44;
	[tilespmem:v6+s13+$0x0] =	vst.idx.msk $0xffff, v23;
	v6 =	vor.u32 s19, v8;
	v8 =	vadd.s32 $0xD80, v21  }
0x17e: {  	v11 =	vadd.f32 v11, v14;
	[tilespmem:v9+s13+$0x0] =	vst.idx.msk $0xffff, v29;
	v8 =	vor.u32 s19, v8;
	v9 =	vadd.s32 $0xE00, v21  }
0x17f: {  	v13 =	vadd.f32 v50, v58;
	[tilespmem:v0+s13+$0x0] =	vst.idx.msk $0xffff, v4;
	v0 =	vor.u32 s19, v9;
	v4 =	vadd.s32 $0xE80, v21  }
0x180: {  	v7 =	vunpack.i.u.bf16.f32 v7;
	v9 =	vadd.s32 $0xF00, v21;
	[tilespmem:v10+s13+$0x0] =	vst.idx.msk $0xffff, v11;
	v4 =	vor.u32 s19, v4  }
0x181: {  	v7 =	vadd.f32 v7, v13;
	[tilespmem:v2+s13+$0x0] =	vst.idx.msk $0xffff, v3;
	v2 =	vor.u32 s19, v9;
	v3 =	vadd.s32 $0xF80, v21  }
0x182: {  	v5 =	vadd.f32 v18, v5;
	v1 =	vadd.f32 v54, v1;
	[tilespmem:v6+s13+$0x0] =	vst.idx.msk $0xffff, v27;
	v3 =	vor.u32 s19, v3  }
0x183: {  	v6 =	vunpack.i.l.bf16.f32 v24;
	[tilespmem:v8+s13+$0x0] =	vst.idx.msk $0xffff, v7  }
0x184: {  	v1 =	vadd.f32 v6, v1;
	[tilespmem:v0+s13+$0x0] =	vst.idx.msk $0xffff, v5  }
0x185: {  	[tilespmem:v4+s13+$0x0] =	vst.idx.msk $0xffff, v59  }
0x186: {  	[tilespmem:v2+s13+$0x0] =	vst.idx.msk $0xffff, v1  }
0x187: {  	[tilespmem:v3+s13+$0x0] =	vst.idx.msk $0xffff, v28  }
0x188: {  	v0 =	vld [tilespmem:s18+$0x0];
	_ =	sdelay $0x4  }
0x189: {  	v12 =	vor.u32 $0x10, v48;
	v1 =	vmov s19;
	v0 =	vshll.u32 v0, $0x7  }
0x18a: {  	v19 =	vadd.s32 $0x11, v48;
	[tilespmem:$0x1F9E0] =	vst v1;
	v1 =	vor.u32 v12, v0  }
0x18b: {  	v20 =	vadd.s32 $0x12, v48;
	v2 =	vor.u32 v19, v0  }
0x18c: {  	v3 =	vor.u32 v20, v0  }
0x18d: {  	v21 =	vadd.s32 $0x13, v48  }
0x18e: {  	v5 =	vld [tilespmem:s18+$0xFFFFFF80];
	[tilespmem:$0x1F9F0] =	vst v12;
	v4 =	vor.u32 v21, v0  }
0x18f: {  	v1 =	vld.idx.msk [tilespmem:v1+s2+$0x0], $0xffff  }
0x190: {  	v16 =	vld.idx.msk [tilespmem:v2+s2+$0x0], $0xffff;
	[tilespmem:$0x1FA00] =	vst v19  }
0x191: {  	v3 =	vld.idx.msk [tilespmem:v3+s2+$0x0], $0xffff;
	[tilespmem:$0x1FA10] =	vst v20  }
0x192: {  	v24 =	vadd.s32 $0x14, v48;
	[tilespmem:$0x1FA20] =	vst v21  }
0x193: {  	v25 =	vadd.s32 $0x15, v48;
	v5 =	vshll.u32 v5, $0x7;
	v4 =	vld.idx.msk [tilespmem:v4+s2+$0x0], $0xffff;
	[tilespmem:$0x1FA30] =	vst v24  }
0x194: {  	v26 =	vadd.s32 $0x16, v48;
	v12 =	vor.u32 v12, v5;
	[tilespmem:$0x1FA40] =	vst v25  }
0x195: {  	v35 =	vadd.s32 $0x1B, v48;
	v27 =	vadd.s32 $0x17, v48;
	v6 =	vor.u32 v24, v0;
	[tilespmem:$0x1FA50] =	vst v26  }
0x196: {  	v49 =	vadd.s32 $0x1D, v48;
	v38 =	vadd.s32 $0x1E, v48;
	v28 =	vadd.s32 $0x18, v48;
	[tilespmem:$0x1FA60] =	vst v27  }
0x197: {  	v46 =	vadd.s32 $0x1A, v48;
	v47 =	vadd.s32 $0x1C, v48;
	v29 =	vadd.s32 $0x19, v48;
	[tilespmem:$0x1FA70] =	vst v28  }
0x198: {  	v7 =	vor.u32 v25, v0;
	v8 =	vor.u32 v26, v0;
	v9 =	vor.u32 v27, v0;
	[tilespmem:$0x1FA80] =	vst v29  }
0x199: {  	v10 =	vor.u32 v28, v0;
	v11 =	vor.u32 v29, v0;
	v13 =	vor.u32 v46, v0;
	v12 =	vld.idx.msk [tilespmem:v12+s2+$0x0], $0xffff  }
0x19a: {  	v50 =	vadd.s32 $0x1F, v48;
	v14 =	vor.u32 v35, v0;
	v15 =	vor.u32 v47, v0;
	v6 =	vld.idx.msk [tilespmem:v6+s2+$0x0], $0xffff;
	[tilespmem:$0x1FA90] =	vst v46  }
0x19b: {  	v17 =	vor.u32 v49, v0;
	v18 =	vor.u32 v38, v0;
	v19 =	vor.u32 v19, v5;
	[tilespmem:$0x1FAA0] =	vst v35  }
0x19c: {  	v40 =	vor.u32 v50, v0;
	v22 =	vor.u32 v21, v5;
	v30 =	vor.u32 v24, v5;
	[tilespmem:$0x1FAB0] =	vst v47  }
0x19d: {  	v31 =	vor.u32 v25, v5;
	v32 =	vor.u32 v26, v5;
	v33 =	vor.u32 v27, v5;
	[tilespmem:$0x1FAC0] =	vst v49  }
0x19e: {  	v53 =	vor.u32 v28, v5;
	v55 =	vor.u32 v29, v5;
	v58 =	vor.u32 v46, v5;
	[tilespmem:$0x1FAD0] =	vst v38  }
0x19f: {  	v59 =	vor.u32 v35, v5;
	v60 =	vor.u32 v47, v5;
	v20 =	vor.u32 v20, v5;
	[tilespmem:$0x1FAE0] =	vst v50  }
0x1a0: {  	v62 =	vor.u32 v49, v5;
	v0 =	vor.u32 v38, v5;
	v2 =	vor.u32 v50, v5;
	v5 =	vld.idx.msk [tilespmem:v19+s2+$0x0], $0xffff  }
0x1a1: {  	v23 =	vimm.f32 $0.0e+00  }
0x1a2: {  	v25 =	vimm.f32 $0.0e+00;
	v19 =	vunpack.i.u.bf16.f32 v1;
	v1 =	vunpack.i.l.bf16.f32 v1  }
0x1a3: {  	v7 =	vld.idx.msk [tilespmem:v7+s2+$0x0], $0xffff;
	v39 =	vunpack.i.u.bf16.f32 v16;
	v16 =	vunpack.i.l.bf16.f32 v16;
	v34 =	vunpack.i.u.bf16.f32 v3  }
0x1a4: {  	v3 =	vunpack.i.l.bf16.f32 v3;
	v20 =	vld.idx.msk [tilespmem:v20+s2+$0x0], $0xffff;
	v56 =	vunpack.i.l.bf16.f32 v12;
	v12 =	vunpack.i.u.bf16.f32 v12  }
0x1a5: {  	v35 =	vunpack.i.u.bf16.f32 v4;
	v12 =	vadd.f32 v12, v23;
	v61 =	vunpack.i.l.bf16.f32 v5  }
0x1a6: {  	v9 =	vld.idx.msk [tilespmem:v9+s2+$0x0], $0xffff;
	v4 =	vunpack.i.l.bf16.f32 v4;
	v43 =	vadd.f32 v56, v23;
	v63 =	vadd.f32 v61, v23  }
0x1a7: {  	v30 =	vld.idx.msk [tilespmem:v30+s2+$0x0], $0xffff;
	v57 =	vunpack.i.u.bf16.f32 v6;
	v6 =	vunpack.i.l.bf16.f32 v6;
	v12 =	vadd.f32 v19, v12  }
0x1a8: {  	v22 =	vld.idx.msk [tilespmem:v22+s2+$0x0], $0xffff;
	v5 =	vunpack.i.u.bf16.f32 v5;
	v43 =	vadd.f32 v1, v43;
	v16 =	vadd.f32 v16, v63  }
0x1a9: {  	v8 =	vld.idx.msk [tilespmem:v8+s2+$0x0], $0xffff;
	v1 =	vunpack.i.u.bf16.f32 v7;
	v5 =	vadd.f32 v5, v23;
	v19 =	vunpack.i.u.bf16.f32 v20;
	[tilespmem:$0x1FAF0] =	vst v12  }
0x1aa: {  	v7 =	vunpack.i.l.bf16.f32 v7;
	v19 =	vadd.f32 v19, v23;
	v12 =	vunpack.i.l.bf16.f32 v20;
	[tilespmem:$0x1FB00] =	vst v16  }
0x1ab: {  	v44 =	vadd.f32 v39, v5;
	v5 =	vunpack.i.u.bf16.f32 v9;
	v12 =	vadd.f32 v12, v23;
	v10 =	vld.idx.msk [tilespmem:v10+s2+$0x0], $0xffff  }
0x1ac: {  	v9 =	vunpack.i.l.bf16.f32 v9;
	v45 =	vadd.f32 v34, v19;
	v19 =	vunpack.i.l.bf16.f32 v30;
	v20 =	vld.idx.msk [tilespmem:v31+s2+$0x0], $0xffff  }
0x1ad: {  	v61 =	vadd.f32 v3, v12;
	v3 =	vunpack.i.l.bf16.f32 v22;
	v11 =	vld.idx.msk [tilespmem:v11+s2+$0x0], $0xffff;
	v12 =	vunpack.i.u.bf16.f32 v22  }
0x1ae: {  	v13 =	vld.idx.msk [tilespmem:v13+s2+$0x0], $0xffff;
	v22 =	vunpack.i.u.bf16.f32 v30;
	v3 =	vadd.f32 v3, v23;
	v12 =	vadd.f32 v12, v23  }
0x1af: {  	v16 =	vunpack.i.u.bf16.f32 v8;
	v19 =	vadd.f32 v19, v23;
	v0 =	vld.idx.msk [tilespmem:v0+s2+$0x0], $0xffff;
	v22 =	vadd.f32 v22, v23  }
0x1b0: {  	v8 =	vunpack.i.l.bf16.f32 v8;
	v38 =	vadd.f32 v4, v3;
	v4 =	vld.idx.msk [tilespmem:v32+s2+$0x0], $0xffff;
	v63 =	vadd.f32 v35, v12  }
0x1b1: {  	v31 =	vld.idx.msk [tilespmem:v2+s2+$0x0], $0xffff;
	v2 =	vimm.f32 $0.0e+00;
	v35 =	vadd.f32 v6, v19;
	v39 =	vadd.f32 v57, v22  }
0x1b2: {  	v12 =	vld.idx.msk [tilespmem:v33+s2+$0x0], $0xffff;
	v3 =	vunpack.i.u.bf16.f32 v10;
	v10 =	vunpack.i.l.bf16.f32 v10;
	v30 =	vunpack.i.l.bf16.f32 v20  }
0x1b3: {  	v19 =	vunpack.i.u.bf16.f32 v11;
	v11 =	vunpack.i.l.bf16.f32 v11;
	v6 =	vadd.f32 v30, v23  }
0x1b4: {  	v14 =	vld.idx.msk [tilespmem:v14+s2+$0x0], $0xffff;
	v22 =	vunpack.i.u.bf16.f32 v13;
	v20 =	vunpack.i.u.bf16.f32 v20;
	v13 =	vunpack.i.l.bf16.f32 v13  }
0x1b5: {  	v30 =	vld.idx.msk [tilespmem:v53+s2+$0x0], $0xffff;
	v20 =	vadd.f32 v20, v23;
	v41 =	vadd.f32 v7, v6;
	v6 =	vunpack.i.l.bf16.f32 v4  }
0x1b6: {  	v32 =	vunpack.i.l.bf16.f32 v0;
	v7 =	vld.idx.msk [tilespmem:v15+s2+$0x0], $0xffff;
	v4 =	vunpack.i.u.bf16.f32 v4;
	v6 =	vadd.f32 v6, v23  }
0x1b7: {  	v15 =	vld.idx.msk [tilespmem:v17+s2+$0x0], $0xffff;
	v47 =	vadd.f32 v1, v20;
	v1 =	vadd.f32 v4, v23;
	v4 =	vunpack.i.l.bf16.f32 v12  }
0x1b8: {  	v17 =	vld.idx.msk [tilespmem:v55+s2+$0x0], $0xffff;
	v12 =	vunpack.i.u.bf16.f32 v12;
	v4 =	vadd.f32 v4, v23;
	v20 =	vadd.f32 v8, v6  }
0x1b9: {  	v8 =	vunpack.i.u.bf16.f32 v14;
	v14 =	vunpack.i.l.bf16.f32 v14;
	v6 =	vadd.f32 v12, v23  }
0x1ba: {  	v12 =	vld.idx.msk [tilespmem:v18+s2+$0x0], $0xffff;
	v36 =	vadd.f32 v16, v1;
	v1 =	vunpack.i.l.bf16.f32 v30;
	v29 =	vadd.f32 v9, v4  }
0x1bb: {  	v4 =	vld.idx.msk [tilespmem:v58+s2+$0x0], $0xffff;
	v1 =	vadd.f32 v1, v23;
	v9 =	vunpack.i.u.bf16.f32 v7;
	v16 =	vunpack.i.l.bf16.f32 v7  }
0x1bc: {  	v42 =	vadd.f32 v5, v6;
	v5 =	vunpack.i.u.bf16.f32 v15;
	v6 =	vunpack.i.u.bf16.f32 v30;
	v7 =	vld.idx.msk [tilespmem:v59+s2+$0x0], $0xffff  }
0x1bd: {  	v18 =	vadd.f32 v6, v23;
	v26 =	vadd.f32 v10, v1;
	v1 =	vunpack.i.l.bf16.f32 v17  }
0x1be: {  	v6 =	vunpack.i.l.bf16.f32 v15;
	v10 =	vunpack.i.u.bf16.f32 v17;
	v1 =	vadd.f32 v1, v23  }
0x1bf: {  	v17 =	vld.idx.msk [tilespmem:v60+s2+$0x0], $0xffff;
	v10 =	vadd.f32 v10, v23;
	v15 =	vadd.f32 v3, v18;
	v3 =	vunpack.i.u.bf16.f32 v12  }
0x1c0: {  	v27 =	vadd.f32 v11, v1;
	v1 =	vunpack.i.u.bf16.f32 v4;
	v4 =	vunpack.i.l.bf16.f32 v4  }
0x1c1: {  	v11 =	vld.idx.msk [tilespmem:v62+s2+$0x0], $0xffff;
	v33 =	vadd.f32 v19, v10;
	v10 =	vadd.f32 v4, v23;
	v4 =	vunpack.i.l.bf16.f32 v7  }
0x1c2: {  	v7 =	vunpack.i.u.bf16.f32 v7;
	v18 =	vadd.f32 v1, v23;
	v19 =	vadd.f32 v4, v23  }
0x1c3: {  	v4 =	vunpack.i.l.bf16.f32 v12;
	v7 =	vadd.f32 v7, v23;
	v1 =	vadd.f32 v13, v10  }
0x1c4: {  	v12 =	vunpack.i.l.bf16.f32 v17;
	v34 =	vadd.f32 v22, v18;
	v28 =	vadd.f32 v14, v19  }
0x1c5: {  	v10 =	vunpack.i.u.bf16.f32 v17;
	v19 =	vadd.f32 v8, v7;
	v8 =	vadd.f32 v12, v23  }
0x1c6: {  	v12 =	vadd.f32 v10, v23;
	v13 =	vunpack.i.u.bf16.f32 v11;
	v7 =	vunpack.i.l.bf16.f32 v11  }
0x1c7: {  	v18 =	vimm.f32 $0.0e+00;
	v7 =	vadd.f32 v7, v23;
	v22 =	vadd.f32 v13, v23  }
0x1c8: {  	s20 =	sadd.s32 $0x100, s18;
	s19 =	simm.s32 $0x0;
	v30 =	vld.idx.msk [tilespmem:v40+s2+$0x0], $0xffff;
	v10 =	vunpack.i.u.bf16.f32 v0;
	v0 =	vadd.f32 v16, v8;
	v11 =	vadd.f32 v9, v12  }
.LBB2_6:
0x1c9: {  	v8 =	vld [tilespmem:s20+$0x0]  }
0x1ca: {  	v21 =	vld [tilespmem:$0x1F9F0]  }
0x1cb: {  	[tilespmem:$0x1F8E0] =	vst v29;
	v29 =	vld [tilespmem:$0x1FA10]  }
0x1cc: {  	v48 =	vld [tilespmem:$0x1FA20]  }
0x1cd: {  	v49 =	vld [tilespmem:$0x1FA30]  }
0x1ce: {  	v50 =	vld [tilespmem:$0x1FA40]  }
0x1cf: {  	[tilespmem:$0x1F940] =	vst v34;
	v51 =	vld [tilespmem:$0x1FA50]  }
0x1d0: {  	[tilespmem:$0x1F900] =	vst v15;
	v37 =	vld [tilespmem:$0x1FA60]  }
0x1d1: {  	[tilespmem:$0x1F910] =	vst v33;
	v6 =	vadd.f32 v6, v7;
	v52 =	vld [tilespmem:$0x1FA70]  }
0x1d2: {  	v53 =	vld [tilespmem:$0x1FA80];
	[tilespmem:$0x1F950] =	vst v28;
	v5 =	vadd.f32 v5, v22  }
0x1d3: {  	v54 =	vld [tilespmem:$0x1FA90];
	[tilespmem:$0x1F9B0] =	vst v6  }
0x1d4: {  	v55 =	vld [tilespmem:$0x1FAA0];
	[tilespmem:$0x1F9C0] =	vst v5;
	v5 =	vadd.f32 v32, v23;
	v2 =	vadd.f32 v10, v2;
	v6 =	vunpack.i.l.bf16.f32 v31  }
0x1d5: {  	[tilespmem:$0x1F980] =	vst v0;
	v28 =	vld [tilespmem:$0x1FA00];
	v9 =	vunpack.i.u.bf16.f32 v31;
	v0 =	vadd.f32 v6, v25  }
0x1d6: {  	[tilespmem:$0x1F960] =	vst v19;
	v56 =	vld [tilespmem:$0x1FAB0];
	v4 =	vadd.f32 v4, v5;
	v2 =	vadd.f32 v3, v2;
	v3 =	vunpack.i.l.bf16.f32 v30  }
0x1d7: {  	v57 =	vld [tilespmem:$0x1FAC0];
	[tilespmem:$0x1F920] =	vst v1;
	v6 =	vadd.f32 v9, v18;
	v0 =	vadd.f32 v3, v0;
	v3 =	vshll.u32 v8, $0x7  }
0x1d8: {  	v58 =	vld [tilespmem:$0x1FAD0];
	v9 =	vunpack.i.u.bf16.f32 v30;
	[tilespmem:$0x1F930] =	vst v4;
	v4 =	vor.u32 v21, v3  }
0x1d9: {  	v15 =	vmovc v35;
	v19 =	vmov v41;
	[tilespmem:$0x1F990] =	vst v11;
	v7 =	vadd.f32 v9, v6;
	v9 =	vld [tilespmem:s20+$0xFFFFFF80];
	v10 =	vor.u32 v49, v3  }
0x1da: {  	v46 =	vld [tilespmem:$0x1FAE0];
	v22 =	vmovc v36;
	v11 =	vmovc v38;
	v1 =	vmov v26;
	v5 =	vor.u32 v28, v3;
	v6 =	vor.u32 v29, v3  }
0x1db: {  	v18 =	vmovc v39;
	v8 =	vor.u32 v48, v3;
	v12 =	vor.u32 v50, v3;
	v13 =	vor.u32 v51, v3  }
0x1dc: {  	v30 =	vmovc v27;
	v14 =	vor.u32 v37, v3;
	v16 =	vor.u32 v52, v3;
	v31 =	vor.u32 v54, v3  }
0x1dd: {  	v23 =	vor.u32 v55, v3;
	v24 =	vor.u32 v56, v3;
	v27 =	vor.u32 v58, v3;
	v4 =	vld.idx.msk [tilespmem:v4+s2+$0x0], $0xffff  }
0x1de: {  	[tilespmem:$0x1F8F0] =	vst v2;
	v25 =	vor.u32 v57, v3;
	v9 =	vshll.u32 v9, $0x7;
	v17 =	vld.idx.msk [tilespmem:v10+s2+$0x0], $0xffff;
	v10 =	vor.u32 v53, v3  }
0x1df: {  	[tilespmem:$0x1F9A0] =	vst v0;
	v0 =	vor.u32 v46, v3;
	v2 =	vmov v42;
	v6 =	vld.idx.msk [tilespmem:v6+s2+$0x0], $0xffff;
	v26 =	vor.u32 v21, v9  }
0x1e0: {  	v8 =	vld.idx.msk [tilespmem:v8+s2+$0x0], $0xffff;
	v3 =	vor.u32 v28, v9;
	v28 =	vor.u32 v29, v9;
	v29 =	vor.u32 v48, v9  }
0x1e1: {  	v34 =	vor.u32 v49, v9;
	v35 =	vor.u32 v50, v9;
	v36 =	vor.u32 v51, v9;
	v21 =	vld.idx.msk [tilespmem:v31+s2+$0x0], $0xffff  }
0x1e2: {  	v37 =	vor.u32 v37, v9;
	v38 =	vor.u32 v52, v9;
	v39 =	vor.u32 v53, v9;
	v27 =	vld.idx.msk [tilespmem:v27+s2+$0x0], $0xffff  }
0x1e3: {  	v41 =	vor.u32 v54, v9;
	v42 =	vor.u32 v55, v9;
	v33 =	vor.u32 v57, v9;
	v40 =	vld.idx.msk [tilespmem:v10+s2+$0x0], $0xffff  }
0x1e4: {  	v32 =	vor.u32 v58, v9;
	v31 =	vor.u32 v46, v9;
	v10 =	vor.u32 v56, v9;
	v9 =	vld.idx.msk [tilespmem:v23+s2+$0x0], $0xffff  }
0x1e5: {  	v59 =	vmov v43;
	v23 =	vunpack.i.u.bf16.f32 v4;
	v43 =	vunpack.i.l.bf16.f32 v4;
	v4 =	vld.idx.msk [tilespmem:v24+s2+$0x0], $0xffff  }
0x1e6: {  	v26 =	vld.idx.msk [tilespmem:v26+s2+$0x0], $0xffff;
	_ =	sdelay $0x1  }
0x1e7: {  	v62 =	vmovc v45;
	v45 =	vunpack.i.u.bf16.f32 v6;
	v46 =	vunpack.i.l.bf16.f32 v6;
	v6 =	vld.idx.msk [tilespmem:v25+s2+$0x0], $0xffff;
	v25 =	vunpack.i.u.bf16.f32 v8  }
0x1e8: {  	[tilespmem:$0x1F970] =	vst v0;
	v0 =	vmovc v20;
	v20 =	vmovc v47;
	v47 =	vunpack.i.l.bf16.f32 v8;
	v50 =	vld.idx.msk [tilespmem:v3+s2+$0x0], $0xffff;
	v3 =	vunpack.i.u.bf16.f32 v27;
	v56 =	vunpack.i.u.bf16.f32 v9  }
0x1e9: {  	v57 =	vunpack.i.l.bf16.f32 v9;
	v8 =	vunpack.i.u.bf16.f32 v4;
	v9 =	vunpack.i.l.bf16.f32 v4  }
0x1ea: {  	v4 =	vunpack.i.l.bf16.f32 v27;
	v27 =	vunpack.i.u.bf16.f32 v26;
	v26 =	vunpack.i.l.bf16.f32 v26  }
0x1eb: {  	v26 =	vadd.f32 v26, v59;
	v59 =	vld [tilespmem:$0x1FAF0];
	_ =	sdelay $0x2  }
0x1ec: {  	v5 =	vld.idx.msk [tilespmem:v5+s2+$0x0], $0xffff  }
0x1ed: {  	v28 =	vld.idx.msk [tilespmem:v28+s2+$0x0], $0xffff  }
0x1ee: {  	v27 =	vadd.f32 v27, v59;
	v59 =	vld [tilespmem:$0x1FB00];
	_ =	sdelay $0x1  }
0x1ef: {  	v12 =	vld.idx.msk [tilespmem:v12+s2+$0x0], $0xffff  }
0x1f0: {  	v24 =	vunpack.i.l.bf16.f32 v5;
	v29 =	vld.idx.msk [tilespmem:v29+s2+$0x0], $0xffff  }
0x1f1: {  	v60 =	vmovc v44;
	v48 =	vunpack.i.u.bf16.f32 v17;
	v58 =	vunpack.i.u.bf16.f32 v50;
	v50 =	vunpack.i.l.bf16.f32 v50  }
0x1f2: {  	v34 =	vld.idx.msk [tilespmem:v34+s2+$0x0], $0xffff;
	v58 =	vadd.f32 v58, v60;
	v60 =	vunpack.i.u.bf16.f32 v28;
	v50 =	vadd.f32 v50, v59  }
0x1f3: {  	v17 =	vunpack.i.l.bf16.f32 v17;
	v23 =	vadd.f32 v23, v27;
	v27 =	vadd.f32 v60, v62  }
0x1f4: {  	v49 =	vunpack.i.u.bf16.f32 v12;
	v35 =	vld.idx.msk [tilespmem:v35+s2+$0x0], $0xffff;
	v28 =	vunpack.i.l.bf16.f32 v28;
	v24 =	vadd.f32 v24, v50  }
0x1f5: {  	v43 =	vadd.f32 v43, v26;
	v26 =	vld.idx.msk [tilespmem:v36+s2+$0x0], $0xffff;
	[tilespmem:$0x1FAF0] =	vst v23;
	v23 =	vunpack.i.u.bf16.f32 v29;
	v45 =	vadd.f32 v45, v27  }
0x1f6: {  	v23 =	vadd.f32 v23, v63;
	[tilespmem:$0x1FB00] =	vst v24;
	v24 =	vadd.f32 v28, v61;
	v28 =	vunpack.i.l.bf16.f32 v29  }
0x1f7: {  	v29 =	vunpack.i.u.bf16.f32 v34;
	v34 =	vunpack.i.l.bf16.f32 v34;
	v28 =	vadd.f32 v28, v11  }
0x1f8: {  	v12 =	vunpack.i.l.bf16.f32 v12;
	v63 =	vadd.f32 v25, v23;
	v23 =	vadd.f32 v34, v15  }
0x1f9: {  	v27 =	vld.idx.msk [tilespmem:v38+s2+$0x0], $0xffff;
	v25 =	vadd.f32 v29, v18;
	v38 =	vadd.f32 v47, v28;
	v28 =	vunpack.i.l.bf16.f32 v35  }
0x1fa: {  	v59 =	vld.idx.msk [tilespmem:v37+s2+$0x0], $0xffff;
	v29 =	vunpack.i.u.bf16.f32 v26;
	v26 =	vunpack.i.l.bf16.f32 v26;
	v28 =	vadd.f32 v28, v19  }
0x1fb: {  	v61 =	vadd.f32 v46, v24;
	v24 =	vunpack.i.u.bf16.f32 v35;
	v35 =	vadd.f32 v17, v23;
	v23 =	vld.idx.msk [tilespmem:v41+s2+$0x0], $0xffff  }
0x1fc: {  	v41 =	vadd.f32 v12, v28;
	v12 =	vadd.f32 v26, v0;
	v0 =	vld [tilespmem:$0x1F8E0];
	_ =	sdelay $0x2  }
0x1fd: {  	v14 =	vld.idx.msk [tilespmem:v14+s2+$0x0], $0xffff  }
0x1fe: {  	v62 =	vld.idx.msk [tilespmem:v39+s2+$0x0], $0xffff;
	v39 =	vadd.f32 v48, v25;
	v25 =	vunpack.i.l.bf16.f32 v59  }
0x1ff: {  	v25 =	vadd.f32 v25, v0;
	v0 =	vld [tilespmem:$0x1F900];
	_ =	sdelay $0x1  }
0x200: {  	v24 =	vadd.f32 v24, v20  }
0x201: {  	v13 =	vld.idx.msk [tilespmem:v13+s2+$0x0], $0xffff;
	v52 =	vunpack.i.u.bf16.f32 v14;
	v14 =	vunpack.i.l.bf16.f32 v14  }
0x202: {  	v47 =	vadd.f32 v49, v24;
	v24 =	vadd.f32 v29, v22;
	v26 =	vunpack.i.u.bf16.f32 v27  }
0x203: {  	v29 =	vadd.f32 v14, v25;
	v14 =	vadd.f32 v26, v0;
	v0 =	vld [tilespmem:$0x1F910];
	_ =	sdelay $0x2  }
0x204: {  	v51 =	vunpack.i.u.bf16.f32 v13;
	v13 =	vunpack.i.l.bf16.f32 v13  }
0x205: {  	v20 =	vadd.f32 v13, v12;
	v12 =	vunpack.i.u.bf16.f32 v62  }
0x206: {  	v12 =	vadd.f32 v12, v0;
	v0 =	vld [tilespmem:$0x1F920];
	_ =	sdelay $0x2  }
0x207: {  	v27 =	vunpack.i.l.bf16.f32 v27  }
0x208: {  	v36 =	vadd.f32 v51, v24;
	v24 =	vunpack.i.u.bf16.f32 v23;
	v23 =	vunpack.i.l.bf16.f32 v23  }
0x209: {  	v13 =	vadd.f32 v27, v1;
	v1 =	vadd.f32 v23, v0;
	v0 =	vld [tilespmem:$0x1F940];
	_ =	sdelay $0x1  }
0x20a: {  	v16 =	vld.idx.msk [tilespmem:v16+s2+$0x0], $0xffff  }
0x20b: {  	v28 =	vld.idx.msk [tilespmem:v42+s2+$0x0], $0xffff  }
0x20c: {  	v54 =	vunpack.i.u.bf16.f32 v40;
	v25 =	vld.idx.msk [tilespmem:v33+s2+$0x0], $0xffff  }
0x20d: {  	v33 =	vadd.f32 v54, v12;
	v12 =	vadd.f32 v24, v0;
	v0 =	vld [tilespmem:$0x1F950];
	_ =	sdelay $0x2  }
0x20e: {  	v53 =	vunpack.i.u.bf16.f32 v16;
	v16 =	vunpack.i.l.bf16.f32 v16  }
0x20f: {  	v26 =	vadd.f32 v16, v13;
	v16 =	vunpack.i.l.bf16.f32 v28  }
0x210: {  	v16 =	vadd.f32 v16, v0;
	v0 =	vld [tilespmem:$0x1F960];
	_ =	sdelay $0x3  }
0x211: {  	v13 =	vunpack.i.u.bf16.f32 v28  }
0x212: {  	v13 =	vadd.f32 v13, v0;
	v0 =	vld [tilespmem:$0x1F970];
	_ =	sdelay $0x3  }
0x213: {  	v17 =	vunpack.i.u.bf16.f32 v59  }
0x214: {  	v17 =	vadd.f32 v17, v2;
	_ =	sdelay $0x1  }
0x215: {  	v10 =	vld.idx.msk [tilespmem:v10+s2+$0x0], $0xffff;
	v42 =	vadd.f32 v52, v17;
	v17 =	vunpack.i.l.bf16.f32 v62  }
0x216: {  	v17 =	vadd.f32 v17, v30;
	v30 =	vld.idx.msk [tilespmem:v0+s2+$0x0], $0xffff  }
0x217: {  	v0 =	vld [tilespmem:$0x1F980];
	_ =	sdelay $0x2  }
0x218: {  	v40 =	vunpack.i.l.bf16.f32 v40  }
0x219: {  	v27 =	vadd.f32 v40, v17;
	v17 =	vunpack.i.u.bf16.f32 v10;
	v10 =	vunpack.i.l.bf16.f32 v10  }
0x21a: {  	v19 =	vadd.f32 v56, v13;
	v13 =	vadd.f32 v10, v0;
	v0 =	vld [tilespmem:$0x1F990];
	_ =	sdelay $0x4  }
0x21b: {  	v11 =	vadd.f32 v17, v0;
	v0 =	vld [tilespmem:$0x1F9B0];
	_ =	sdelay $0x2  }
0x21c: {  	v15 =	vadd.f32 v53, v14;
	v14 =	vld.idx.msk [tilespmem:v32+s2+$0x0], $0xffff  }
0x21d: {  	s19 =	sadd.s32 $0x2, s19;
	v10 =	vunpack.i.l.bf16.f32 v25  }
0x21e: {  	p0 =	slt.u32 s19, $0x30;
	v18 =	vmov v7;
	v7 =	vadd.f32 v10, v0;
	v0 =	vld [tilespmem:$0x1F9C0]  }
.Ltmp1:
0x21f: {  	v44 =	vunpack.i.u.bf16.f32 v5;
	v55 =	vunpack.i.u.bf16.f32 v21;
	v21 =	vunpack.i.l.bf16.f32 v21;
	(pc) =	sbr.rel @p0 .LBB2_6-.Ltmp1, $4  }
0x220: {  	v31 =	vld.idx.msk [tilespmem:v31+s2+$0x0], $0xffff;
	v5 =	vunpack.i.u.bf16.f32 v6;
	v6 =	vunpack.i.l.bf16.f32 v6;
	v44 =	vadd.f32 v44, v58  }
0x221: {  	v2 =	vld [tilespmem:$0x1F8F0];
	v32 =	vunpack.i.l.bf16.f32 v14;
	v1 =	vadd.f32 v21, v1;
	v34 =	vadd.f32 v55, v12  }
0x222: {  	v23 =	vld [tilespmem:$0x1F930];
	v12 =	vunpack.i.u.bf16.f32 v25;
	v28 =	vadd.f32 v57, v16;
	v11 =	vadd.f32 v8, v11  }
0x223: {  	s20 =	sadd.s32 $0x100, s20;
	v25 =	vld [tilespmem:$0x1F9A0];
	v10 =	vunpack.i.u.bf16.f32 v14;
	v22 =	vadd.f32 v12, v0;
	v0 =	vadd.f32 v9, v13  }
0x224: {  	v17 =	vld [tilespmem:$0x1F9D0]  }
0x225: {  	v21 =	vld [tilespmem:$0x1F9E0];
	_ =	sdelay $0x3  }
0x226: {  	v8 =	vor.u32 $0x1000, v17  }
0x227: {  	v9 =	vadd.s32 $0x1080, v17;
	v8 =	vor.u32 v8, v21  }
0x228: {  	v24 =	vld [tilespmem:$0x1FAF0];
	v9 =	vor.u32 v9, v21;
	_ =	sdelay $0x3  }
0x229: {  	v12 =	vadd.s32 $0x1100, v17;
	[tilespmem:v8+s13+$0x0] =	vst.idx.msk $0xffff, v43  }
0x22a: {  	v13 =	vadd.s32 $0x1180, v17;
	v12 =	vor.u32 v12, v21;
	[tilespmem:v9+s13+$0x0] =	vst.idx.msk $0xffff, v24;
	v24 =	vld [tilespmem:$0x1FB00]  }
0x22b: {  	v14 =	vadd.s32 $0x1200, v17;
	v13 =	vor.u32 v13, v21  }
0x22c: {  	v16 =	vadd.s32 $0x1280, v17;
	v14 =	vor.u32 v14, v21  }
0x22d: {  	v8 =	vor.u32 v16, v21;
	v16 =	vadd.s32 $0x1300, v17  }
0x22e: {  	v9 =	vor.u32 v16, v21;
	v16 =	vadd.s32 $0x1380, v17  }
0x22f: {  	[tilespmem:v12+s13+$0x0] =	vst.idx.msk $0xffff, v24;
	v12 =	vor.u32 v16, v21;
	v16 =	vadd.s32 $0x1400, v17  }
0x230: {  	[tilespmem:v13+s13+$0x0] =	vst.idx.msk $0xffff, v44;
	v13 =	vor.u32 v16, v21;
	v16 =	vadd.s32 $0x1480, v17  }
0x231: {  	[tilespmem:v14+s13+$0x0] =	vst.idx.msk $0xffff, v61;
	v14 =	vor.u32 v16, v21;
	v16 =	vadd.s32 $0x1500, v17  }
0x232: {  	[tilespmem:v8+s13+$0x0] =	vst.idx.msk $0xffff, v45;
	v8 =	vor.u32 v16, v21;
	v16 =	vadd.s32 $0x1580, v17  }
0x233: {  	[tilespmem:v9+s13+$0x0] =	vst.idx.msk $0xffff, v38;
	v9 =	vor.u32 v16, v21;
	v16 =	vadd.s32 $0x1600, v17  }
0x234: {  	[tilespmem:v12+s13+$0x0] =	vst.idx.msk $0xffff, v63;
	v12 =	vor.u32 v16, v21;
	v16 =	vadd.s32 $0x1680, v17  }
0x235: {  	[tilespmem:v13+s13+$0x0] =	vst.idx.msk $0xffff, v35;
	v13 =	vor.u32 v16, v21;
	v16 =	vadd.s32 $0x1700, v17  }
0x236: {  	[tilespmem:v14+s13+$0x0] =	vst.idx.msk $0xffff, v39;
	v14 =	vor.u32 v16, v21;
	v16 =	vadd.s32 $0x1780, v17  }
0x237: {  	[tilespmem:v8+s13+$0x0] =	vst.idx.msk $0xffff, v41;
	v8 =	vor.u32 v16, v21;
	v16 =	vadd.s32 $0x1800, v17  }
0x238: {  	[tilespmem:v9+s13+$0x0] =	vst.idx.msk $0xffff, v47;
	v9 =	vor.u32 v16, v21;
	v16 =	vadd.s32 $0x1880, v17  }
0x239: {  	[tilespmem:v12+s13+$0x0] =	vst.idx.msk $0xffff, v20;
	v12 =	vor.u32 v16, v21;
	v16 =	vadd.s32 $0x1900, v17  }
0x23a: {  	[tilespmem:v13+s13+$0x0] =	vst.idx.msk $0xffff, v36;
	v13 =	vor.u32 v16, v21;
	v16 =	vadd.s32 $0x1980, v17  }
0x23b: {  	[tilespmem:v14+s13+$0x0] =	vst.idx.msk $0xffff, v29;
	v14 =	vor.u32 v16, v21;
	v16 =	vadd.s32 $0x1A00, v17  }
0x23c: {  	[tilespmem:v8+s13+$0x0] =	vst.idx.msk $0xffff, v42;
	v8 =	vor.u32 v16, v21;
	v16 =	vadd.s32 $0x1A80, v17  }
0x23d: {  	[tilespmem:v9+s13+$0x0] =	vst.idx.msk $0xffff, v26;
	v9 =	vor.u32 v16, v21;
	v16 =	vadd.s32 $0x1B00, v17  }
0x23e: {  	[tilespmem:v12+s13+$0x0] =	vst.idx.msk $0xffff, v15;
	v12 =	vor.u32 v16, v21;
	v16 =	vadd.s32 $0x1B80, v17  }
0x23f: {  	[tilespmem:v13+s13+$0x0] =	vst.idx.msk $0xffff, v27;
	v13 =	vor.u32 v16, v21;
	v16 =	vadd.s32 $0x1C00, v17  }
0x240: {  	v15 =	vadd.s32 $0x1C80, v17;
	[tilespmem:v14+s13+$0x0] =	vst.idx.msk $0xffff, v33;
	v14 =	vor.u32 v16, v21  }
0x241: {  	v6 =	vadd.f32 v6, v7;
	v7 =	vadd.s32 $0x1D00, v17;
	[tilespmem:v8+s13+$0x0] =	vst.idx.msk $0xffff, v1;
	v1 =	vor.u32 v15, v21  }
0x242: {  	v5 =	vadd.f32 v5, v22;
	v7 =	vor.u32 v7, v21;
	v8 =	vadd.s32 $0x1D80, v17;
	[tilespmem:v9+s13+$0x0] =	vst.idx.msk $0xffff, v34  }
0x243: {  	v2 =	vadd.f32 v10, v2;
	v8 =	vor.u32 v8, v21;
	[tilespmem:v12+s13+$0x0] =	vst.idx.msk $0xffff, v28;
	v12 =	vadd.s32 $0x1E00, v17  }
0x244: {  	v9 =	vadd.f32 v32, v23;
	[tilespmem:v13+s13+$0x0] =	vst.idx.msk $0xffff, v19;
	v10 =	vor.u32 v12, v21;
	v12 =	vadd.s32 $0x1E80, v17  }
0x245: {  	v13 =	vunpack.i.l.bf16.f32 v31;
	[tilespmem:v14+s13+$0x0] =	vst.idx.msk $0xffff, v0;
	v12 =	vor.u32 v12, v21;
	v14 =	vadd.s32 $0x1F00, v17  }
0x246: {  	v4 =	vadd.f32 v4, v9;
	[tilespmem:v1+s13+$0x0] =	vst.idx.msk $0xffff, v11;
	v1 =	vor.u32 v14, v21;
	v11 =	vadd.s32 $0x1F80, v17  }
0x247: {  	v0 =	vadd.f32 v13, v25;
	v13 =	vunpack.i.u.bf16.f32 v31;
	[tilespmem:v7+s13+$0x0] =	vst.idx.msk $0xffff, v6;
	v6 =	vor.u32 v11, v21  }
0x248: {  	v2 =	vadd.f32 v3, v2;
	v3 =	vunpack.i.l.bf16.f32 v30;
	v7 =	vadd.f32 v13, v18;
	[tilespmem:v8+s13+$0x0] =	vst.idx.msk $0xffff, v5  }
0x249: {  	v0 =	vadd.f32 v3, v0;
	v5 =	vunpack.i.u.bf16.f32 v30;
	[tilespmem:v10+s13+$0x0] =	vst.idx.msk $0xffff, v4  }
0x24a: {  	v3 =	vadd.f32 v5, v7;
	[tilespmem:v12+s13+$0x0] =	vst.idx.msk $0xffff, v2  }
0x24b: {  	[tilespmem:v1+s13+$0x0] =	vst.idx.msk $0xffff, v0  }
0x24c: {  	[tilespmem:v6+s13+$0x0] =	vst.idx.msk $0xffff, v3  }
0x24d: {  	v0 =	vld [tilespmem:s18+$0x0];
	_ =	sdelay $0x3  }
0x24e: {  	v10 =	vlaneseq.u32  }
0x24f: {  	v12 =	vor.u32 $0x20, v10;
	v0 =	vshll.u32 v0, $0x7  }
0x250: {  	v19 =	vadd.s32 $0x21, v10;
	v1 =	vor.u32 v12, v0  }
0x251: {  	v20 =	vadd.s32 $0x22, v10;
	v2 =	vor.u32 v19, v0  }
0x252: {  	v3 =	vor.u32 v20, v0  }
0x253: {  	v21 =	vadd.s32 $0x23, v10  }
0x254: {  	v5 =	vld [tilespmem:s18+$0xFFFFFF80];
	[tilespmem:$0x1F7C0] =	vst v12;
	v4 =	vor.u32 v21, v0  }
0x255: {  	v1 =	vld.idx.msk [tilespmem:v1+s2+$0x0], $0xffff  }
0x256: {  	v16 =	vld.idx.msk [tilespmem:v2+s2+$0x0], $0xffff;
	[tilespmem:$0x1F7D0] =	vst v19  }
0x257: {  	v3 =	vld.idx.msk [tilespmem:v3+s2+$0x0], $0xffff;
	[tilespmem:$0x1F7E0] =	vst v20  }
0x258: {  	v24 =	vadd.s32 $0x24, v10;
	[tilespmem:$0x1F7F0] =	vst v21  }
0x259: {  	v25 =	vadd.s32 $0x25, v10;
	v5 =	vshll.u32 v5, $0x7;
	v4 =	vld.idx.msk [tilespmem:v4+s2+$0x0], $0xffff;
	[tilespmem:$0x1F800] =	vst v24  }
0x25a: {  	v26 =	vadd.s32 $0x26, v10;
	v12 =	vor.u32 v12, v5;
	[tilespmem:$0x1F810] =	vst v25  }
0x25b: {  	v27 =	vadd.s32 $0x27, v10;
	v6 =	vor.u32 v24, v0;
	[tilespmem:$0x1F820] =	vst v26  }
0x25c: {  	v23 =	vimm.f32 $0.0e+00;
	v28 =	vadd.s32 $0x28, v10;
	[tilespmem:$0x1F830] =	vst v27  }
0x25d: {  	v29 =	vadd.s32 $0x29, v10;
	v46 =	vadd.s32 $0x2A, v10;
	v47 =	vadd.s32 $0x2B, v10;
	[tilespmem:$0x1F840] =	vst v28  }
0x25e: {  	v48 =	vadd.s32 $0x2C, v10;
	v37 =	vadd.s32 $0x2D, v10;
	v49 =	vadd.s32 $0x2E, v10;
	[tilespmem:$0x1F850] =	vst v29  }
0x25f: {  	v7 =	vor.u32 v25, v0;
	v8 =	vor.u32 v26, v0;
	v9 =	vor.u32 v27, v0;
	v12 =	vld.idx.msk [tilespmem:v12+s2+$0x0], $0xffff  }
0x260: {  	v50 =	vadd.s32 $0x2F, v10;
	v10 =	vor.u32 v28, v0;
	v11 =	vor.u32 v29, v0;
	v6 =	vld.idx.msk [tilespmem:v6+s2+$0x0], $0xffff;
	[tilespmem:$0x1F860] =	vst v46  }
0x261: {  	v13 =	vor.u32 v46, v0;
	v14 =	vor.u32 v47, v0;
	v19 =	vor.u32 v19, v5;
	[tilespmem:$0x1F870] =	vst v47  }
0x262: {  	v15 =	vor.u32 v48, v0;
	v22 =	vor.u32 v21, v5;
	v30 =	vor.u32 v24, v5;
	[tilespmem:$0x1F880] =	vst v48  }
0x263: {  	v31 =	vor.u32 v25, v5;
	v32 =	vor.u32 v26, v5;
	v33 =	vor.u32 v27, v5;
	[tilespmem:$0x1F890] =	vst v37  }
0x264: {  	v53 =	vor.u32 v28, v5;
	v55 =	vor.u32 v29, v5;
	v58 =	vor.u32 v46, v5;
	[tilespmem:$0x1F8A0] =	vst v49  }
0x265: {  	v59 =	vor.u32 v47, v5;
	v60 =	vor.u32 v48, v5;
	v20 =	vor.u32 v20, v5;
	[tilespmem:$0x1F8B0] =	vst v50  }
0x266: {  	v62 =	vor.u32 v37, v5;
	v63 =	vor.u32 v49, v5;
	v2 =	vor.u32 v50, v5;
	v5 =	vld.idx.msk [tilespmem:v19+s2+$0x0], $0xffff  }
0x267: {  	v17 =	vor.u32 v37, v0;
	v18 =	vor.u32 v49, v0;
	v0 =	vor.u32 v50, v0  }
0x268: {  	v19 =	vunpack.i.u.bf16.f32 v1;
	v1 =	vunpack.i.l.bf16.f32 v1;
	v46 =	vunpack.i.u.bf16.f32 v16  }
0x269: {  	v7 =	vld.idx.msk [tilespmem:v7+s2+$0x0], $0xffff;
	v16 =	vunpack.i.l.bf16.f32 v16;
	v48 =	vunpack.i.u.bf16.f32 v3;
	v3 =	vunpack.i.l.bf16.f32 v3  }
0x26a: {  	v20 =	vld.idx.msk [tilespmem:v20+s2+$0x0], $0xffff;
	v50 =	vunpack.i.u.bf16.f32 v4;
	v56 =	vunpack.i.l.bf16.f32 v12;
	v12 =	vunpack.i.u.bf16.f32 v12  }
0x26b: {  	v4 =	vunpack.i.l.bf16.f32 v4;
	v12 =	vadd.f32 v12, v23;
	v57 =	vunpack.i.l.bf16.f32 v5  }
0x26c: {  	v9 =	vld.idx.msk [tilespmem:v9+s2+$0x0], $0xffff;
	v52 =	vunpack.i.u.bf16.f32 v6;
	v43 =	vadd.f32 v56, v23;
	v61 =	vadd.f32 v57, v23  }
0x26d: {  	v22 =	vld.idx.msk [tilespmem:v22+s2+$0x0], $0xffff;
	v6 =	vunpack.i.l.bf16.f32 v6;
	v5 =	vunpack.i.u.bf16.f32 v5;
	v12 =	vadd.f32 v19, v12  }
0x26e: {  	v30 =	vld.idx.msk [tilespmem:v30+s2+$0x0], $0xffff;
	v43 =	vadd.f32 v1, v43;
	v1 =	vunpack.i.u.bf16.f32 v7;
	v16 =	vadd.f32 v16, v61  }
0x26f: {  	v8 =	vld.idx.msk [tilespmem:v8+s2+$0x0], $0xffff;
	v5 =	vadd.f32 v5, v23;
	v19 =	vunpack.i.u.bf16.f32 v20;
	[tilespmem:$0x1F8C0] =	vst v12;
	v12 =	vunpack.i.l.bf16.f32 v20  }
0x270: {  	v7 =	vunpack.i.l.bf16.f32 v7;
	v19 =	vadd.f32 v19, v23;
	v12 =	vadd.f32 v12, v23;
	[tilespmem:$0x1F8D0] =	vst v16  }
0x271: {  	v44 =	vadd.f32 v46, v5;
	v5 =	vunpack.i.u.bf16.f32 v9;
	v9 =	vunpack.i.l.bf16.f32 v9;
	v10 =	vld.idx.msk [tilespmem:v10+s2+$0x0], $0xffff  }
0x272: {  	v45 =	vadd.f32 v48, v19;
	v20 =	vld.idx.msk [tilespmem:v31+s2+$0x0], $0xffff;
	v61 =	vadd.f32 v3, v12;
	v3 =	vunpack.i.l.bf16.f32 v22  }
0x273: {  	v19 =	vunpack.i.l.bf16.f32 v30;
	v11 =	vld.idx.msk [tilespmem:v11+s2+$0x0], $0xffff;
	v12 =	vunpack.i.u.bf16.f32 v22;
	v3 =	vadd.f32 v3, v23  }
0x274: {  	v19 =	vadd.f32 v19, v23;
	v13 =	vld.idx.msk [tilespmem:v13+s2+$0x0], $0xffff;
	v22 =	vunpack.i.u.bf16.f32 v30;
	v12 =	vadd.f32 v12, v23  }
0x275: {  	v16 =	vunpack.i.u.bf16.f32 v8;
	v22 =	vadd.f32 v22, v23;
	v38 =	vadd.f32 v4, v3;
	v4 =	vld.idx.msk [tilespmem:v32+s2+$0x0], $0xffff  }
0x276: {  	v8 =	vunpack.i.l.bf16.f32 v8;
	v35 =	vadd.f32 v6, v19;
	v46 =	vadd.f32 v50, v12  }
0x277: {  	v12 =	vld.idx.msk [tilespmem:v33+s2+$0x0], $0xffff;
	v39 =	vadd.f32 v52, v22;
	v3 =	vunpack.i.u.bf16.f32 v10;
	v30 =	vunpack.i.l.bf16.f32 v20  }
0x278: {  	v10 =	vunpack.i.l.bf16.f32 v10;
	v19 =	vunpack.i.u.bf16.f32 v11;
	v6 =	vadd.f32 v30, v23  }
0x279: {  	v14 =	vld.idx.msk [tilespmem:v14+s2+$0x0], $0xffff;
	v11 =	vunpack.i.l.bf16.f32 v11;
	v22 =	vunpack.i.u.bf16.f32 v13;
	v20 =	vunpack.i.u.bf16.f32 v20  }
0x27a: {  	v30 =	vld.idx.msk [tilespmem:v53+s2+$0x0], $0xffff;
	v20 =	vadd.f32 v20, v23;
	v41 =	vadd.f32 v7, v6;
	v6 =	vunpack.i.l.bf16.f32 v4  }
0x27b: {  	v13 =	vunpack.i.l.bf16.f32 v13;
	v7 =	vld.idx.msk [tilespmem:v15+s2+$0x0], $0xffff;
	v4 =	vunpack.i.u.bf16.f32 v4;
	v6 =	vadd.f32 v6, v23  }
0x27c: {  	v15 =	vld.idx.msk [tilespmem:v17+s2+$0x0], $0xffff;
	v47 =	vadd.f32 v1, v20;
	v1 =	vadd.f32 v4, v23;
	v4 =	vunpack.i.l.bf16.f32 v12  }
0x27d: {  	v17 =	vld.idx.msk [tilespmem:v55+s2+$0x0], $0xffff;
	v12 =	vunpack.i.u.bf16.f32 v12;
	v4 =	vadd.f32 v4, v23;
	v20 =	vadd.f32 v8, v6  }
0x27e: {  	v8 =	vunpack.i.u.bf16.f32 v14;
	v14 =	vunpack.i.l.bf16.f32 v14;
	v6 =	vadd.f32 v12, v23  }
0x27f: {  	v29 =	vadd.f32 v16, v1;
	v1 =	vunpack.i.l.bf16.f32 v30;
	v25 =	vadd.f32 v9, v4  }
0x280: {  	v4 =	vld.idx.msk [tilespmem:v58+s2+$0x0], $0xffff;
	v1 =	vadd.f32 v1, v23;
	v9 =	vunpack.i.u.bf16.f32 v7;
	v16 =	vunpack.i.l.bf16.f32 v7  }
0x281: {  	v12 =	vld.idx.msk [tilespmem:v18+s2+$0x0], $0xffff;
	v36 =	vadd.f32 v5, v6;
	v5 =	vunpack.i.u.bf16.f32 v15;
	v6 =	vunpack.i.u.bf16.f32 v30  }
0x282: {  	v7 =	vld.idx.msk [tilespmem:v59+s2+$0x0], $0xffff;
	v18 =	vadd.f32 v6, v23;
	v26 =	vadd.f32 v10, v1;
	v1 =	vunpack.i.l.bf16.f32 v17  }
0x283: {  	v6 =	vunpack.i.l.bf16.f32 v15;
	v10 =	vunpack.i.u.bf16.f32 v17;
	v1 =	vadd.f32 v1, v23  }
0x284: {  	v17 =	vld.idx.msk [tilespmem:v60+s2+$0x0], $0xffff;
	v15 =	vimm.f32 $0.0e+00;
	v10 =	vadd.f32 v10, v23;
	v27 =	vadd.f32 v3, v18  }
0x285: {  	v11 =	vadd.f32 v11, v1;
	v1 =	vunpack.i.u.bf16.f32 v4;
	v4 =	vunpack.i.l.bf16.f32 v4  }
0x286: {  	v30 =	vld.idx.msk [tilespmem:v62+s2+$0x0], $0xffff;
	v3 =	vunpack.i.u.bf16.f32 v12;
	v33 =	vadd.f32 v19, v10;
	v10 =	vadd.f32 v4, v23  }
0x287: {  	v4 =	vunpack.i.l.bf16.f32 v7;
	v7 =	vunpack.i.u.bf16.f32 v7;
	v18 =	vadd.f32 v1, v23  }
0x288: {  	v19 =	vld.idx.msk [tilespmem:v63+s2+$0x0], $0xffff;
	v31 =	vadd.f32 v4, v23;
	v4 =	vunpack.i.l.bf16.f32 v12;
	v7 =	vadd.f32 v7, v23  }
0x289: {  	v12 =	vunpack.i.l.bf16.f32 v17;
	v1 =	vadd.f32 v13, v10;
	v40 =	vadd.f32 v22, v18  }
0x28a: {  	v10 =	vunpack.i.u.bf16.f32 v17;
	v28 =	vadd.f32 v14, v31;
	v18 =	vadd.f32 v8, v7  }
0x28b: {  	v13 =	vunpack.i.u.bf16.f32 v30;
	v8 =	vadd.f32 v12, v23;
	v12 =	vadd.f32 v10, v23  }
0x28c: {  	v7 =	vunpack.i.l.bf16.f32 v30;
	v22 =	vadd.f32 v13, v23;
	v31 =	vld.idx.msk [tilespmem:v2+s2+$0x0], $0xffff;
	v2 =	vimm.f32 $0.0e+00  }
0x28d: {  	v30 =	vld.idx.msk [tilespmem:v0+s2+$0x0], $0xffff;
	v0 =	vimm.f32 $0.0e+00;
	v7 =	vadd.f32 v7, v23;
	v10 =	vunpack.i.u.bf16.f32 v19  }
0x28e: {  	s19 =	simm.s32 $0x0;
	s20 =	sadd.s32 $0x100, s18;
	v32 =	vunpack.i.l.bf16.f32 v19;
	v34 =	vadd.f32 v16, v8;
	v19 =	vadd.f32 v9, v12  }
.LBB2_8:
0x28f: {  	v8 =	vld [tilespmem:s20+$0x0]  }
0x290: {  	v21 =	vld [tilespmem:$0x1F7C0]  }
0x291: {  	[tilespmem:$0x1F750] =	vst v28;
	v28 =	vld [tilespmem:$0x1F7D0]  }
0x292: {  	[tilespmem:$0x1F6E0] =	vst v29;
	v29 =	vld [tilespmem:$0x1F7E0]  }
0x293: {  	v48 =	vld [tilespmem:$0x1F800]  }
0x294: {  	v49 =	vld [tilespmem:$0x1F810]  }
0x295: {  	v50 =	vld [tilespmem:$0x1F820]  }
0x296: {  	v37 =	vld [tilespmem:$0x1F830]  }
0x297: {  	[tilespmem:$0x1F6F0] =	vst v36;
	v6 =	vadd.f32 v6, v7;
	v51 =	vld [tilespmem:$0x1F840]  }
0x298: {  	[tilespmem:$0x1F710] =	vst v11;
	v52 =	vld [tilespmem:$0x1F850];
	v5 =	vadd.f32 v5, v22  }
0x299: {  	v53 =	vld [tilespmem:$0x1F860];
	[tilespmem:$0x1F7A0] =	vst v6  }
0x29a: {  	v42 =	vld [tilespmem:$0x1F870];
	[tilespmem:$0x1F7B0] =	vst v5;
	v5 =	vadd.f32 v32, v23;
	v2 =	vadd.f32 v10, v2;
	v6 =	vunpack.i.l.bf16.f32 v31  }
0x29b: {  	[tilespmem:$0x1F720] =	vst v33;
	v54 =	vld [tilespmem:$0x1F880];
	v9 =	vunpack.i.u.bf16.f32 v31;
	v0 =	vadd.f32 v6, v0  }
0x29c: {  	[tilespmem:$0x1F760] =	vst v18;
	v55 =	vld [tilespmem:$0x1F890];
	v4 =	vadd.f32 v4, v5;
	v2 =	vadd.f32 v3, v2;
	v3 =	vunpack.i.l.bf16.f32 v30  }
0x29d: {  	[tilespmem:$0x1F730] =	vst v1;
	v32 =	vld [tilespmem:$0x1F7F0];
	v6 =	vadd.f32 v9, v15;
	v0 =	vadd.f32 v3, v0;
	v3 =	vshll.u32 v8, $0x7  }
0x29e: {  	v56 =	vld [tilespmem:$0x1F8A0];
	v9 =	vunpack.i.u.bf16.f32 v30;
	[tilespmem:$0x1F740] =	vst v4;
	v4 =	vor.u32 v21, v3  }
0x29f: {  	v11 =	vmovc v38;
	v18 =	vmov v39;
	[tilespmem:$0x1F780] =	vst v34;
	v7 =	vadd.f32 v9, v6;
	v9 =	vld [tilespmem:s20+$0xFFFFFF80];
	v10 =	vor.u32 v48, v3  }
0x2a0: {  	v57 =	vld [tilespmem:$0x1F8B0];
	[tilespmem:$0x1F790] =	vst v19;
	v5 =	vor.u32 v28, v3;
	v6 =	vor.u32 v29, v3;
	v12 =	vor.u32 v49, v3  }
0x2a1: {  	v19 =	vmovc v41;
	v13 =	vor.u32 v50, v3;
	v14 =	vor.u32 v37, v3;
	v31 =	vor.u32 v53, v3  }
0x2a2: {  	v1 =	vmovc v25;
	v16 =	vor.u32 v51, v3;
	v23 =	vor.u32 v42, v3;
	v8 =	vor.u32 v32, v3  }
0x2a3: {  	[tilespmem:$0x1F700] =	vst v2;
	v24 =	vor.u32 v54, v3;
	v2 =	vmov v27;
	v27 =	vor.u32 v56, v3;
	v4 =	vld.idx.msk [tilespmem:v4+s2+$0x0], $0xffff  }
0x2a4: {  	v22 =	vmovc v26;
	v25 =	vor.u32 v55, v3;
	v9 =	vshll.u32 v9, $0x7;
	v17 =	vld.idx.msk [tilespmem:v10+s2+$0x0], $0xffff;
	v10 =	vor.u32 v52, v3  }
0x2a5: {  	v15 =	vmov v35;
	[tilespmem:$0x1F6D0] =	vst v0;
	v0 =	vor.u32 v57, v3;
	v6 =	vld.idx.msk [tilespmem:v6+s2+$0x0], $0xffff;
	v26 =	vor.u32 v21, v9  }
0x2a6: {  	v3 =	vor.u32 v28, v9;
	v28 =	vor.u32 v29, v9;
	v29 =	vor.u32 v32, v9;
	v21 =	vld.idx.msk [tilespmem:v31+s2+$0x0], $0xffff  }
0x2a7: {  	v34 =	vor.u32 v48, v9;
	v35 =	vor.u32 v49, v9;
	v36 =	vor.u32 v50, v9;
	v8 =	vld.idx.msk [tilespmem:v8+s2+$0x0], $0xffff  }
0x2a8: {  	v37 =	vor.u32 v37, v9;
	v38 =	vor.u32 v51, v9;
	v39 =	vor.u32 v52, v9;
	v27 =	vld.idx.msk [tilespmem:v27+s2+$0x0], $0xffff  }
0x2a9: {  	v41 =	vor.u32 v53, v9;
	v42 =	vor.u32 v42, v9;
	v33 =	vor.u32 v55, v9;
	v58 =	vld.idx.msk [tilespmem:v10+s2+$0x0], $0xffff  }
0x2aa: {  	v32 =	vor.u32 v56, v9;
	v31 =	vor.u32 v57, v9;
	v10 =	vor.u32 v54, v9;
	v9 =	vld.idx.msk [tilespmem:v23+s2+$0x0], $0xffff  }
0x2ab: {  	v59 =	vmov v43;
	v23 =	vunpack.i.u.bf16.f32 v4;
	v43 =	vunpack.i.l.bf16.f32 v4;
	v4 =	vld.idx.msk [tilespmem:v24+s2+$0x0], $0xffff  }
0x2ac: {  	v26 =	vld.idx.msk [tilespmem:v26+s2+$0x0], $0xffff;
	_ =	sdelay $0x1  }
0x2ad: {  	v62 =	vmovc v45;
	v63 =	vmovc v46;
	v45 =	vunpack.i.u.bf16.f32 v6;
	v46 =	vunpack.i.l.bf16.f32 v6;
	v6 =	vld.idx.msk [tilespmem:v25+s2+$0x0], $0xffff;
	v25 =	vunpack.i.u.bf16.f32 v8  }
0x2ae: {  	[tilespmem:$0x1F770] =	vst v0;
	v0 =	vmovc v20;
	v20 =	vmovc v47;
	v50 =	vld.idx.msk [tilespmem:v3+s2+$0x0], $0xffff;
	v47 =	vunpack.i.l.bf16.f32 v8;
	v3 =	vunpack.i.u.bf16.f32 v27;
	v56 =	vunpack.i.u.bf16.f32 v9  }
0x2af: {  	v57 =	vunpack.i.l.bf16.f32 v9;
	v8 =	vunpack.i.u.bf16.f32 v4;
	v9 =	vunpack.i.l.bf16.f32 v4  }
0x2b0: {  	v4 =	vunpack.i.l.bf16.f32 v27;
	v27 =	vunpack.i.u.bf16.f32 v26;
	v26 =	vunpack.i.l.bf16.f32 v26  }
0x2b1: {  	v26 =	vadd.f32 v26, v59;
	v59 =	vld [tilespmem:$0x1F8C0];
	_ =	sdelay $0x1  }
0x2b2: {  	v5 =	vld.idx.msk [tilespmem:v5+s2+$0x0], $0xffff;
	_ =	sdelay $0x1  }
0x2b3: {  	v12 =	vld.idx.msk [tilespmem:v12+s2+$0x0], $0xffff  }
0x2b4: {  	v27 =	vadd.f32 v27, v59;
	v59 =	vld [tilespmem:$0x1F8D0]  }
0x2b5: {  	v28 =	vld.idx.msk [tilespmem:v28+s2+$0x0], $0xffff  }
0x2b6: {  	v13 =	vld.idx.msk [tilespmem:v13+s2+$0x0], $0xffff;
	v24 =	vunpack.i.l.bf16.f32 v5  }
0x2b7: {  	v48 =	vunpack.i.u.bf16.f32 v17;
	v17 =	vunpack.i.l.bf16.f32 v17;
	v54 =	vunpack.i.u.bf16.f32 v58  }
0x2b8: {  	v30 =	vmovc v40;
	v29 =	vld.idx.msk [tilespmem:v29+s2+$0x0], $0xffff;
	v40 =	vunpack.i.l.bf16.f32 v58;
	v58 =	vunpack.i.u.bf16.f32 v50;
	v50 =	vunpack.i.l.bf16.f32 v50  }
0x2b9: {  	v60 =	vmovc v44;
	v49 =	vunpack.i.u.bf16.f32 v12;
	v12 =	vunpack.i.l.bf16.f32 v12;
	v34 =	vld.idx.msk [tilespmem:v34+s2+$0x0], $0xffff;
	v50 =	vadd.f32 v50, v59  }
0x2ba: {  	v58 =	vadd.f32 v58, v60;
	v60 =	vunpack.i.u.bf16.f32 v28;
	v23 =	vadd.f32 v23, v27  }
0x2bb: {  	v51 =	vunpack.i.u.bf16.f32 v13;
	v35 =	vld.idx.msk [tilespmem:v35+s2+$0x0], $0xffff;
	v27 =	vadd.f32 v60, v62;
	v24 =	vadd.f32 v24, v50  }
0x2bc: {  	v14 =	vld.idx.msk [tilespmem:v14+s2+$0x0], $0xffff;
	v13 =	vunpack.i.l.bf16.f32 v13;
	v28 =	vunpack.i.l.bf16.f32 v28;
	v43 =	vadd.f32 v43, v26;
	[tilespmem:$0x1F8C0] =	vst v23  }
0x2bd: {  	v16 =	vld.idx.msk [tilespmem:v16+s2+$0x0], $0xffff;
	v23 =	vunpack.i.u.bf16.f32 v29;
	v45 =	vadd.f32 v45, v27;
	[tilespmem:$0x1F8D0] =	vst v24;
	v24 =	vadd.f32 v28, v61  }
0x2be: {  	v26 =	vld.idx.msk [tilespmem:v36+s2+$0x0], $0xffff;
	v23 =	vadd.f32 v23, v63;
	v28 =	vunpack.i.l.bf16.f32 v29;
	v29 =	vunpack.i.u.bf16.f32 v34  }
0x2bf: {  	v59 =	vld.idx.msk [tilespmem:v37+s2+$0x0], $0xffff;
	v34 =	vunpack.i.l.bf16.f32 v34;
	v28 =	vadd.f32 v28, v11;
	v61 =	vadd.f32 v46, v24  }
0x2c0: {  	v24 =	vunpack.i.u.bf16.f32 v35;
	v46 =	vadd.f32 v25, v23;
	v23 =	vadd.f32 v34, v15;
	v15 =	vmovc v7;
	v7 =	vld [tilespmem:$0x1F6E0]  }
0x2c1: {  	v27 =	vld.idx.msk [tilespmem:v38+s2+$0x0], $0xffff;
	v25 =	vadd.f32 v29, v18;
	v38 =	vadd.f32 v47, v28;
	v28 =	vunpack.i.l.bf16.f32 v35  }
0x2c2: {  	v52 =	vunpack.i.u.bf16.f32 v14;
	v63 =	vld.idx.msk [tilespmem:v39+s2+$0x0], $0xffff;
	v24 =	vadd.f32 v24, v20;
	v28 =	vadd.f32 v28, v19  }
0x2c3: {  	v29 =	vunpack.i.u.bf16.f32 v26;
	v35 =	vadd.f32 v17, v23;
	v39 =	vadd.f32 v48, v25;
	v23 =	vld.idx.msk [tilespmem:v41+s2+$0x0], $0xffff  }
0x2c4: {  	v26 =	vunpack.i.l.bf16.f32 v26;
	v47 =	vadd.f32 v49, v24;
	v41 =	vadd.f32 v12, v28;
	v28 =	vld.idx.msk [tilespmem:v42+s2+$0x0], $0xffff  }
0x2c5: {  	v25 =	vunpack.i.l.bf16.f32 v59;
	v12 =	vadd.f32 v26, v0;
	v24 =	vadd.f32 v29, v7;
	v7 =	vld [tilespmem:$0x1F750]  }
0x2c6: {  	v25 =	vadd.f32 v25, v1;
	v1 =	vld [tilespmem:$0x1F6F0];
	v26 =	vunpack.i.u.bf16.f32 v27;
	v27 =	vunpack.i.l.bf16.f32 v27  }
0x2c7: {  	v14 =	vunpack.i.l.bf16.f32 v14;
	v20 =	vadd.f32 v13, v12;
	v13 =	vadd.f32 v27, v22  }
0x2c8: {  	v53 =	vunpack.i.u.bf16.f32 v16;
	v16 =	vunpack.i.l.bf16.f32 v16;
	v25 =	vadd.f32 v14, v25  }
0x2c9: {  	v14 =	vadd.f32 v26, v2;
	v26 =	vadd.f32 v16, v13;
	v16 =	vunpack.i.l.bf16.f32 v28  }
0x2ca: {  	v17 =	vunpack.i.u.bf16.f32 v59;
	v16 =	vadd.f32 v16, v7;
	v7 =	vld [tilespmem:$0x1F760]  }
0x2cb: {  	v17 =	vadd.f32 v17, v1;
	v1 =	vld [tilespmem:$0x1F710];
	_ =	sdelay $0x2  }
0x2cc: {  	v13 =	vunpack.i.u.bf16.f32 v28  }
0x2cd: {  	v36 =	vadd.f32 v52, v17;
	v17 =	vunpack.i.l.bf16.f32 v63;
	v13 =	vadd.f32 v13, v7;
	v7 =	vld [tilespmem:$0x1F770]  }
0x2ce: {  	v11 =	vadd.f32 v17, v1;
	v1 =	vld [tilespmem:$0x1F720];
	_ =	sdelay $0x3  }
0x2cf: {  	v12 =	vunpack.i.u.bf16.f32 v63  }
0x2d0: {  	v10 =	vld.idx.msk [tilespmem:v10+s2+$0x0], $0xffff;
	v12 =	vadd.f32 v12, v1  }
0x2d1: {  	v29 =	vadd.f32 v51, v24;
	v24 =	vld.idx.msk [tilespmem:v33+s2+$0x0], $0xffff;
	v17 =	vunpack.i.u.bf16.f32 v23  }
0x2d2: {  	v33 =	vadd.f32 v54, v12;
	v12 =	vadd.f32 v17, v30;
	v30 =	vld.idx.msk [tilespmem:v7+s2+$0x0], $0xffff  }
0x2d3: {  	v7 =	vld [tilespmem:$0x1F780];
	_ =	sdelay $0x3  }
0x2d4: {  	v17 =	vunpack.i.u.bf16.f32 v10;
	v10 =	vunpack.i.l.bf16.f32 v10  }
0x2d5: {  	v18 =	vadd.f32 v56, v13;
	v13 =	vadd.f32 v10, v7;
	v7 =	vld [tilespmem:$0x1F790];
	_ =	sdelay $0x4  }
0x2d6: {  	v28 =	vadd.f32 v57, v16;
	v16 =	vadd.f32 v17, v7;
	v7 =	vld [tilespmem:$0x1F7A0];
	_ =	sdelay $0x1  }
0x2d7: {  	v1 =	vld [tilespmem:$0x1F730]  }
0x2d8: {  	v27 =	vadd.f32 v53, v14;
	v14 =	vld.idx.msk [tilespmem:v32+s2+$0x0], $0xffff  }
0x2d9: {  	s19 =	sadd.s32 $0x2, s19;
	v10 =	vunpack.i.l.bf16.f32 v24  }
0x2da: {  	p0 =	slt.u32 s19, $0x30;
	v44 =	vunpack.i.u.bf16.f32 v5;
	v55 =	vunpack.i.u.bf16.f32 v21;
	v7 =	vadd.f32 v10, v7;
	v10 =	vld [tilespmem:$0x1F7B0]  }
.Ltmp2:
0x2db: {  	v21 =	vunpack.i.l.bf16.f32 v21;
	v5 =	vunpack.i.u.bf16.f32 v6;
	v23 =	vunpack.i.l.bf16.f32 v23;
	(pc) =	sbr.rel @p0 .LBB2_8-.Ltmp2, $4  }
0x2dc: {  	v31 =	vld.idx.msk [tilespmem:v31+s2+$0x0], $0xffff;
	v6 =	vunpack.i.l.bf16.f32 v6;
	v44 =	vadd.f32 v44, v58;
	v1 =	vadd.f32 v23, v1  }
0x2dd: {  	v0 =	vld [tilespmem:$0x1F6D0];
	v32 =	vunpack.i.l.bf16.f32 v14;
	v11 =	vadd.f32 v40, v11;
	v40 =	vadd.f32 v55, v12  }
0x2de: {  	v2 =	vld [tilespmem:$0x1F700];
	v12 =	vunpack.i.u.bf16.f32 v24;
	v1 =	vadd.f32 v21, v1;
	v34 =	vadd.f32 v9, v13  }
0x2df: {  	s20 =	sadd.s32 $0x100, s20;
	v23 =	vld [tilespmem:$0x1F740];
	v19 =	vadd.f32 v8, v16;
	v22 =	vadd.f32 v12, v10;
	v10 =	vunpack.i.u.bf16.f32 v14  }
0x2e0: {  	v17 =	vld [tilespmem:$0x1F9D0]  }
0x2e1: {  	v21 =	vld [tilespmem:$0x1F9E0];
	_ =	sdelay $0x3  }
0x2e2: {  	v8 =	vor.u32 $0x2000, v17  }
0x2e3: {  	v9 =	vadd.s32 $0x2080, v17;
	v8 =	vor.u32 v8, v21  }
0x2e4: {  	v24 =	vld [tilespmem:$0x1F8C0];
	v9 =	vor.u32 v9, v21;
	_ =	sdelay $0x3  }
0x2e5: {  	v12 =	vadd.s32 $0x2100, v17;
	[tilespmem:v8+s13+$0x0] =	vst.idx.msk $0xffff, v43  }
0x2e6: {  	v13 =	vadd.s32 $0x2180, v17;
	v12 =	vor.u32 v12, v21;
	[tilespmem:v9+s13+$0x0] =	vst.idx.msk $0xffff, v24;
	v24 =	vld [tilespmem:$0x1F8D0]  }
0x2e7: {  	v14 =	vadd.s32 $0x2200, v17;
	v13 =	vor.u32 v13, v21  }
0x2e8: {  	v16 =	vadd.s32 $0x2280, v17;
	v14 =	vor.u32 v14, v21  }
0x2e9: {  	v8 =	vor.u32 v16, v21;
	v16 =	vadd.s32 $0x2300, v17  }
0x2ea: {  	v9 =	vor.u32 v16, v21;
	v16 =	vadd.s32 $0x2380, v17  }
0x2eb: {  	[tilespmem:v12+s13+$0x0] =	vst.idx.msk $0xffff, v24;
	v12 =	vor.u32 v16, v21;
	v16 =	vadd.s32 $0x2400, v17  }
0x2ec: {  	[tilespmem:v13+s13+$0x0] =	vst.idx.msk $0xffff, v44;
	v13 =	vor.u32 v16, v21;
	v16 =	vadd.s32 $0x2480, v17  }
0x2ed: {  	[tilespmem:v14+s13+$0x0] =	vst.idx.msk $0xffff, v61;
	v14 =	vor.u32 v16, v21;
	v16 =	vadd.s32 $0x2500, v17  }
0x2ee: {  	[tilespmem:v8+s13+$0x0] =	vst.idx.msk $0xffff, v45;
	v8 =	vor.u32 v16, v21;
	v16 =	vadd.s32 $0x2580, v17  }
0x2ef: {  	[tilespmem:v9+s13+$0x0] =	vst.idx.msk $0xffff, v38;
	v9 =	vor.u32 v16, v21;
	v16 =	vadd.s32 $0x2600, v17  }
0x2f0: {  	[tilespmem:v12+s13+$0x0] =	vst.idx.msk $0xffff, v46;
	v12 =	vor.u32 v16, v21;
	v16 =	vadd.s32 $0x2680, v17  }
0x2f1: {  	[tilespmem:v13+s13+$0x0] =	vst.idx.msk $0xffff, v35;
	v13 =	vor.u32 v16, v21;
	v16 =	vadd.s32 $0x2700, v17  }
0x2f2: {  	[tilespmem:v14+s13+$0x0] =	vst.idx.msk $0xffff, v39;
	v14 =	vor.u32 v16, v21;
	v16 =	vadd.s32 $0x2780, v17  }
0x2f3: {  	[tilespmem:v8+s13+$0x0] =	vst.idx.msk $0xffff, v41;
	v8 =	vor.u32 v16, v21;
	v16 =	vadd.s32 $0x2800, v17  }
0x2f4: {  	[tilespmem:v9+s13+$0x0] =	vst.idx.msk $0xffff, v47;
	v9 =	vor.u32 v16, v21;
	v16 =	vadd.s32 $0x2880, v17  }
0x2f5: {  	[tilespmem:v12+s13+$0x0] =	vst.idx.msk $0xffff, v20;
	v12 =	vor.u32 v16, v21;
	v16 =	vadd.s32 $0x2900, v17  }
0x2f6: {  	[tilespmem:v13+s13+$0x0] =	vst.idx.msk $0xffff, v29;
	v13 =	vor.u32 v16, v21;
	v16 =	vadd.s32 $0x2980, v17  }
0x2f7: {  	[tilespmem:v14+s13+$0x0] =	vst.idx.msk $0xffff, v25;
	v14 =	vor.u32 v16, v21;
	v16 =	vadd.s32 $0x2A00, v17  }
0x2f8: {  	[tilespmem:v8+s13+$0x0] =	vst.idx.msk $0xffff, v36;
	v8 =	vor.u32 v16, v21;
	v16 =	vadd.s32 $0x2A80, v17  }
0x2f9: {  	[tilespmem:v9+s13+$0x0] =	vst.idx.msk $0xffff, v26;
	v9 =	vor.u32 v16, v21;
	v16 =	vadd.s32 $0x2B00, v17  }
0x2fa: {  	[tilespmem:v12+s13+$0x0] =	vst.idx.msk $0xffff, v27;
	v12 =	vor.u32 v16, v21;
	v16 =	vadd.s32 $0x2B80, v17  }
0x2fb: {  	[tilespmem:v13+s13+$0x0] =	vst.idx.msk $0xffff, v11;
	v11 =	vor.u32 v16, v21;
	v13 =	vadd.s32 $0x2C00, v17  }
0x2fc: {  	[tilespmem:v14+s13+$0x0] =	vst.idx.msk $0xffff, v33;
	v13 =	vor.u32 v13, v21;
	v14 =	vadd.s32 $0x2C80, v17  }
0x2fd: {  	v6 =	vadd.f32 v6, v7;
	v7 =	vadd.s32 $0x2D00, v17;
	[tilespmem:v8+s13+$0x0] =	vst.idx.msk $0xffff, v1;
	v1 =	vor.u32 v14, v21  }
0x2fe: {  	v5 =	vadd.f32 v5, v22;
	v7 =	vor.u32 v7, v21;
	v8 =	vadd.s32 $0x2D80, v17;
	[tilespmem:v9+s13+$0x0] =	vst.idx.msk $0xffff, v40  }
0x2ff: {  	v2 =	vadd.f32 v10, v2;
	v8 =	vor.u32 v8, v21;
	[tilespmem:v12+s13+$0x0] =	vst.idx.msk $0xffff, v28;
	v12 =	vadd.s32 $0x2E00, v17  }
0x300: {  	v9 =	vadd.f32 v32, v23;
	[tilespmem:v11+s13+$0x0] =	vst.idx.msk $0xffff, v18;
	v10 =	vor.u32 v12, v21;
	v11 =	vadd.s32 $0x2E80, v17  }
0x301: {  	v12 =	vunpack.i.l.bf16.f32 v31;
	[tilespmem:v13+s13+$0x0] =	vst.idx.msk $0xffff, v34;
	v11 =	vor.u32 v11, v21;
	v13 =	vadd.s32 $0x2F00, v17  }
0x302: {  	v0 =	vadd.f32 v12, v0;
	v12 =	vadd.s32 $0x2F80, v17;
	[tilespmem:v1+s13+$0x0] =	vst.idx.msk $0xffff, v19;
	v1 =	vor.u32 v13, v21  }
0x303: {  	v4 =	vadd.f32 v4, v9;
	v13 =	vunpack.i.u.bf16.f32 v31;
	[tilespmem:v7+s13+$0x0] =	vst.idx.msk $0xffff, v6;
	v6 =	vor.u32 v12, v21  }
0x304: {  	v2 =	vadd.f32 v3, v2;
	v3 =	vunpack.i.l.bf16.f32 v30;
	v7 =	vadd.f32 v13, v15;
	[tilespmem:v8+s13+$0x0] =	vst.idx.msk $0xffff, v5  }
0x305: {  	v0 =	vadd.f32 v3, v0;
	v5 =	vunpack.i.u.bf16.f32 v30;
	[tilespmem:v10+s13+$0x0] =	vst.idx.msk $0xffff, v4  }
0x306: {  	v3 =	vadd.f32 v5, v7;
	[tilespmem:v11+s13+$0x0] =	vst.idx.msk $0xffff, v2  }
0x307: {  	v7 =	vld [tilespmem:$0x1FCB0];
	[tilespmem:v1+s13+$0x0] =	vst.idx.msk $0xffff, v0  }
0x308: {  	[tilespmem:v6+s13+$0x0] =	vst.idx.msk $0xffff, v3;
	v6 =	vld [tilespmem:$0x1FBB0];
	_ =	sdelay $0x2  }
0x309: {  	v9 =	vld [tilespmem:$0x1FBE0]  }
0x30a: {  	v2 =	vld [tilespmem:$0x1FBC0]  }
0x30b: {  	v8 =	vsel vm0, v7, v6;
	v7 =	vld [tilespmem:$0x1FC40];
	_ =	sdelay $0x2  }
0x30c: {  	v4 =	vld [tilespmem:$0x1FC20]  }
0x30d: {  	v3 =	vld [tilespmem:$0x1FC80];
	v2 =	vsel vm0, v9, v2  }
0x30e: {  	v21 =	vcombine.low v2, v7;
	v2 =	vld [tilespmem:$0x1FC60];
	_ =	sdelay $0x3  }
0x30f: {  	v5 =	vld [tilespmem:$0x1FB90];
	v3 =	vsel vm0, v3, v4  }
0x310: {  	v14 =	vcombine.low v3, v2;
	v2 =	vld [tilespmem:$0x1FC30];
	_ =	sdelay $0x1  }
0x311: {  	v10 =	vld [tilespmem:$0x1FC10]  }
0x312: {  	v1 =	vld [tilespmem:$0x1FBF0]  }
0x313: {  	v5 =	vsel vm0, v6, v5;
	v6 =	vld [tilespmem:$0x1FCC0]  }
0x314: {  	v29 =	vcombine.low v5, v2;
	v2 =	vld [tilespmem:$0x1FC50];
	_ =	sdelay $0x3  }
0x315: {  	v1 =	vsel vm0, v10, v1;
	v9 =	vsel vm0, v6, v9;
	v6 =	vld [tilespmem:$0x1FCD0]  }
0x316: {  	v22 =	vcombine.low v1, v2;
	v2 =	vld [tilespmem:$0x1FC00];
	_ =	sdelay $0x1  }
0x317: {  	v0 =	vld [tilespmem:s18+$0xFFFFFF80]  }
0x318: {  	v7 =	vld [tilespmem:$0x1FC90]  }
0x319: {  	v23 =	vld [tilespmem:$0x1FF30];
	v6 =	vsel vm0, v6, v10  }
0x31a: {  	v31 =	vcombine.low v2, v6;
	v2 =	vld [tilespmem:$0x1FC70]  }
0x31b: {  	v4 =	vlaneseq.u32  }
0x31c: {  	v20 =	vor.u32 $0x30, v4;
	v0 =	vshll.u32 v0, $0x7  }
0x31d: {  	v59 =	vcombine.low v9, v7;
	v7 =	vld [tilespmem:$0x1FCA0];
	v1 =	vor.u32 v20, v0  }
0x31e: {  	v4 =	vld [tilespmem:s18+$0x0];
	v5 =	vor.u32 v14, v0  }
0x31f: {  	v58 =	vcombine.low v8, v2;
	v2 =	vor.u32 v23, v0;
	_ =	sdelay $0x1  }
0x320: {  	[tilespmem:$0x1F5F0] =	vst v14  }
0x321: {  	v60 =	vcombine.low v6, v7;
	v7 =	vld.idx.msk [tilespmem:v1+s2+$0x0], $0xffff  }
0x322: {  	v11 =	vshll.u32 v4, $0x7;
	v6 =	vld.idx.msk [tilespmem:v5+s2+$0x0], $0xffff;
	[tilespmem:$0x1F600] =	vst v20  }
0x323: {  	v5 =	vor.u32 v20, v11;
	v20 =	vld.idx.msk [tilespmem:v2+s2+$0x0], $0xffff  }
0x324: {  	v61 =	vor.u32 v21, v11;
	v10 =	vor.u32 v21, v0;
	[tilespmem:$0x1F630] =	vst v21;
	v21 =	vld [tilespmem:$0x1FBA0]  }
0x325: {  	v24 =	vld [tilespmem:$0x1FF40]  }
0x326: {  	v25 =	vld [tilespmem:$0x1FF50];
	v4 =	vor.u32 v14, v11  }
0x327: {  	v26 =	vld [tilespmem:$0x1FF60];
	v15 =	vor.u32 v23, v11  }
0x328: {  	v27 =	vld [tilespmem:$0x1FF70]  }
0x329: {  	v12 =	vor.u32 v22, v0;
	[tilespmem:$0x1F610] =	vst v31;
	v37 =	vcombine.low v21, v8;
	v21 =	vld [tilespmem:$0x1FBD0]  }
0x32a: {  	[tilespmem:$0x1F620] =	vst v22  }
0x32b: {  	v16 =	vor.u32 v24, v0;
	v1 =	vor.u32 v31, v0;
	v4 =	vld.idx.msk [tilespmem:v4+s2+$0x0], $0xffff;
	[tilespmem:$0x1F640] =	vst v59  }
0x32c: {  	v2 =	vor.u32 v31, v11;
	v31 =	vor.u32 v22, v11;
	v22 =	vld.idx.msk [tilespmem:v15+s2+$0x0], $0xffff;
	[tilespmem:$0x1F660] =	vst v60  }
0x32d: {  	v17 =	vor.u32 v25, v0;
	v18 =	vor.u32 v27, v0;
	v30 =	vor.u32 v26, v0;
	[tilespmem:$0x1F650] =	vst v37  }
0x32e: {  	v28 =	vimm.f32 $0.0e+00;
	v13 =	vor.u32 v58, v0;
	v12 =	vld.idx.msk [tilespmem:v12+s2+$0x0], $0xffff;
	[tilespmem:$0x1F670] =	vst v58;
	v21 =	vcombine.low v21, v9  }
0x32f: {  	v14 =	vor.u32 v59, v0;
	v3 =	vor.u32 v29, v0;
	v34 =	vunpack.i.u.bf16.f32 v6;
	v55 =	vld.idx.msk [tilespmem:v5+s2+$0x0], $0xffff  }
0x330: {  	v19 =	vor.u32 v60, v0;
	v62 =	vunpack.i.l.bf16.f32 v7;
	v36 =	vadd.f32 v34, v28;
	[tilespmem:$0x1F680] =	vst v21  }
0x331: {  	v63 =	vor.u32 v58, v11;
	v35 =	vunpack.i.u.bf16.f32 v4;
	v15 =	vor.u32 v37, v0;
	v31 =	vld.idx.msk [tilespmem:v31+s2+$0x0], $0xffff  }
0x332: {  	v0 =	vor.u32 v21, v0;
	v5 =	vor.u32 v21, v11;
	v21 =	vadd.f32 v35, v36;
	v10 =	vld.idx.msk [tilespmem:v10+s2+$0x0], $0xffff  }
0x333: {  	v33 =	vor.u32 v26, v11;
	v39 =	vadd.f32 v62, v28;
	v13 =	vld.idx.msk [tilespmem:v13+s2+$0x0], $0xffff;
	[tilespmem:$0x1F690] =	vst v29  }
0x334: {  	v38 =	vunpack.i.l.bf16.f32 v12;
	v12 =	vunpack.i.u.bf16.f32 v12;
	[tilespmem:$0x1F6A0] =	vst v21;
	v53 =	vunpack.i.l.bf16.f32 v55  }
0x335: {  	v42 =	vunpack.i.u.bf16.f32 v20;
	v57 =	vld.idx.msk [tilespmem:v1+s2+$0x0], $0xffff;
	v1 =	vadd.f32 v12, v28;
	v12 =	vadd.f32 v53, v39  }
0x336: {  	v48 =	vor.u32 v24, v11;
	v42 =	vadd.f32 v42, v28;
	v41 =	vor.u32 v37, v11;
	v32 =	vld.idx.msk [tilespmem:v61+s2+$0x0], $0xffff  }
0x337: {  	v37 =	vunpack.i.u.bf16.f32 v22;
	v9 =	vor.u32 v59, v11;
	v52 =	vadd.f32 v38, v28;
	v49 =	vld.idx.msk [tilespmem:v63+s2+$0x0], $0xffff;
	[tilespmem:$0x1F6B0] =	vst v12  }
0x338: {  	v54 =	vunpack.i.l.bf16.f32 v31;
	v12 =	vld.idx.msk [tilespmem:v14+s2+$0x0], $0xffff;
	v14 =	vunpack.i.u.bf16.f32 v31;
	v31 =	vunpack.i.u.bf16.f32 v10  }
0x339: {  	v63 =	vadd.f32 v14, v1;
	v1 =	vunpack.i.l.bf16.f32 v10;
	v10 =	vadd.f32 v37, v42  }
0x33a: {  	v44 =	vor.u32 v60, v11;
	v56 =	vor.u32 v29, v11;
	v8 =	vor.u32 v27, v11  }
0x33b: {  	v50 =	vld.idx.msk [tilespmem:v19+s2+$0x0], $0xffff;
	v62 =	vadd.f32 v54, v52;
	v1 =	vadd.f32 v1, v28;
	[tilespmem:$0x1F6C0] =	vst v10  }
0x33c: {  	v14 =	vunpack.i.u.bf16.f32 v32;
	v10 =	vor.u32 v25, v11;
	v11 =	vadd.f32 v31, v28;
	v9 =	vld.idx.msk [tilespmem:v9+s2+$0x0], $0xffff  }
0x33d: {  	v19 =	vunpack.i.l.bf16.f32 v32;
	v31 =	vunpack.i.l.bf16.f32 v49;
	v32 =	vld.idx.msk [tilespmem:v15+s2+$0x0], $0xffff;
	v15 =	vunpack.i.u.bf16.f32 v13  }
0x33e: {  	v0 =	vld.idx.msk [tilespmem:v0+s2+$0x0], $0xffff;
	v46 =	vadd.f32 v19, v1;
	v1 =	vunpack.i.l.bf16.f32 v13;
	v61 =	vadd.f32 v14, v11  }
0x33f: {  	v5 =	vld.idx.msk [tilespmem:v5+s2+$0x0], $0xffff;
	v11 =	vunpack.i.l.bf16.f32 v57;
	v13 =	vunpack.i.u.bf16.f32 v12;
	v1 =	vadd.f32 v1, v28  }
0x340: {  	v14 =	vld.idx.msk [tilespmem:v41+s2+$0x0], $0xffff;
	v51 =	vunpack.i.l.bf16.f32 v50;
	v15 =	vadd.f32 v15, v28;
	v13 =	vadd.f32 v13, v28  }
0x341: {  	v19 =	vunpack.i.u.bf16.f32 v49;
	v53 =	vld.idx.msk [tilespmem:v2+s2+$0x0], $0xffff;
	v11 =	vadd.f32 v11, v28;
	v60 =	vadd.f32 v51, v28  }
0x342: {  	v16 =	vld.idx.msk [tilespmem:v16+s2+$0x0], $0xffff;
	v45 =	vadd.f32 v31, v1;
	v37 =	vadd.f32 v19, v15  }
0x343: {  	v17 =	vld.idx.msk [tilespmem:v17+s2+$0x0], $0xffff;
	v59 =	vunpack.i.u.bf16.f32 v9;
	v1 =	vunpack.i.l.bf16.f32 v32;
	v2 =	vunpack.i.l.bf16.f32 v0  }
0x344: {  	v0 =	vunpack.i.u.bf16.f32 v0;
	v47 =	vadd.f32 v59, v13;
	v13 =	vld.idx.msk [tilespmem:v44+s2+$0x0], $0xffff;
	v1 =	vadd.f32 v1, v28  }
0x345: {  	v15 =	vunpack.i.l.bf16.f32 v14;
	v2 =	vadd.f32 v2, v28;
	v0 =	vadd.f32 v0, v28  }
0x346: {  	v31 =	vld.idx.msk [tilespmem:v48+s2+$0x0], $0xffff;
	v19 =	vadd.f32 v15, v1;
	v1 =	vunpack.i.l.bf16.f32 v5;
	v5 =	vunpack.i.u.bf16.f32 v5  }
0x347: {  	v10 =	vld.idx.msk [tilespmem:v10+s2+$0x0], $0xffff;
	v1 =	vadd.f32 v1, v2;
	v2 =	vunpack.i.l.bf16.f32 v53;
	v15 =	vadd.f32 v5, v0  }
0x348: {  	v58 =	vld.idx.msk [tilespmem:v30+s2+$0x0], $0xffff;
	v5 =	vunpack.i.l.bf16.f32 v12;
	v12 =	vunpack.i.u.bf16.f32 v17;
	v52 =	vadd.f32 v2, v11  }
0x349: {  	v2 =	vunpack.i.u.bf16.f32 v16;
	v11 =	vadd.f32 v5, v28;
	v0 =	vunpack.i.l.bf16.f32 v13  }
0x34a: {  	v5 =	vld.idx.msk [tilespmem:v33+s2+$0x0], $0xffff;
	v2 =	vadd.f32 v2, v28;
	v42 =	vadd.f32 v0, v60;
	v0 =	vunpack.i.l.bf16.f32 v9  }
0x34b: {  	v12 =	vadd.f32 v12, v28;
	v9 =	vld.idx.msk [tilespmem:v18+s2+$0x0], $0xffff;
	v0 =	vadd.f32 v0, v11;
	v11 =	vunpack.i.u.bf16.f32 v31  }
0x34c: {  	v18 =	vunpack.i.u.bf16.f32 v32;
	v2 =	vadd.f32 v11, v2;
	v11 =	vunpack.i.u.bf16.f32 v10  }
0x34d: {  	v8 =	vld.idx.msk [tilespmem:v8+s2+$0x0], $0xffff;
	v33 =	vadd.f32 v11, v12;
	v11 =	vunpack.i.l.bf16.f32 v58;
	v12 =	vadd.f32 v18, v28  }
0x34e: {  	v6 =	vunpack.i.l.bf16.f32 v6;
	v14 =	vunpack.i.u.bf16.f32 v14;
	v11 =	vadd.f32 v11, v28  }
0x34f: {  	v18 =	vunpack.i.u.bf16.f32 v50;
	v54 =	vadd.f32 v14, v12;
	v12 =	vunpack.i.l.bf16.f32 v5  }
0x350: {  	v51 =	vadd.f32 v12, v11;
	v11 =	vunpack.i.l.bf16.f32 v9;
	v12 =	vadd.f32 v18, v28  }
0x351: {  	v6 =	vadd.f32 v6, v28;
	v13 =	vunpack.i.u.bf16.f32 v13;
	v14 =	vadd.f32 v11, v28  }
0x352: {  	v16 =	vunpack.i.l.bf16.f32 v16;
	v11 =	vadd.f32 v13, v12;
	v12 =	vunpack.i.l.bf16.f32 v8  }
0x353: {  	v16 =	vadd.f32 v16, v28;
	v9 =	vunpack.i.u.bf16.f32 v9;
	v50 =	vadd.f32 v12, v14;
	v12 =	vld.idx.msk [tilespmem:v3+s2+$0x0], $0xffff  }
0x354: {  	v9 =	vadd.f32 v9, v28;
	v13 =	vunpack.i.l.bf16.f32 v31;
	v3 =	vunpack.i.u.bf16.f32 v7  }
0x355: {  	v4 =	vunpack.i.l.bf16.f32 v4;
	v18 =	vadd.f32 v13, v16;
	v16 =	vld.idx.msk [tilespmem:v56+s2+$0x0], $0xffff;
	v3 =	vadd.f32 v3, v28  }
0x356: {  	v8 =	vunpack.i.u.bf16.f32 v8;
	v7 =	vunpack.i.l.bf16.f32 v20;
	v14 =	vunpack.i.u.bf16.f32 v55  }
0x357: {  	v13 =	vunpack.i.l.bf16.f32 v17;
	v7 =	vadd.f32 v7, v28;
	v56 =	vadd.f32 v14, v3  }
0x358: {  	v14 =	vunpack.i.l.bf16.f32 v22;
	v3 =	vunpack.i.l.bf16.f32 v10;
	v10 =	vunpack.i.l.bf16.f32 v12  }
0x359: {  	v22 =	vadd.f32 v14, v7;
	v7 =	vunpack.i.u.bf16.f32 v12;
	v10 =	vadd.f32 v10, v28  }
0x35a: {  	v20 =	vadd.f32 v8, v9;
	v8 =	vunpack.i.l.bf16.f32 v16;
	v7 =	vadd.f32 v7, v28  }
0x35b: {  	v13 =	vadd.f32 v13, v28;
	v32 =	vadd.f32 v8, v10;
	v8 =	vunpack.i.u.bf16.f32 v16  }
0x35c: {  	v6 =	vadd.f32 v4, v6;
	v30 =	vadd.f32 v8, v7;
	v8 =	vunpack.i.u.bf16.f32 v57  }
0x35d: {  	s19 =	simm.s32 $0x0;
	s20 =	sadd.s32 $0x100, s18;
	v3 =	vadd.f32 v3, v13;
	v7 =	vunpack.i.u.bf16.f32 v58;
	v4 =	vadd.f32 v8, v28  }
.LBB2_10:
0x35e: {  	v8 =	vld [tilespmem:s20+$0xFFFFFF80]  }
0x35f: {  	v10 =	vld [tilespmem:s20+$0x0]  }
0x360: {  	v9 =	vunpack.i.u.bf16.f32 v53;
	v41 =	vld [tilespmem:$0x1F690]  }
0x361: {  	v21 =	vld [tilespmem:$0x1F600];
	v4 =	vadd.f32 v9, v4  }
0x362: {  	v34 =	vld [tilespmem:$0x1F620];
	v7 =	vadd.f32 v7, v28  }
0x363: {  	v5 =	vunpack.i.u.bf16.f32 v5;
	v29 =	vld [tilespmem:$0x1F5F0]  }
0x364: {  	v36 =	vld [tilespmem:$0x1F670];
	v5 =	vadd.f32 v5, v7;
	v7 =	vshll.u32 v8, $0x7  }
0x365: {  	[tilespmem:$0x1F5E0] =	vst v4;
	v4 =	vmov v33;
	v9 =	vor.u32 v41, v7;
	v33 =	vor.u32 v24, v7;
	v24 =	vld [tilespmem:$0x1F610]  }
0x366: {  	v35 =	vld [tilespmem:$0x1F640];
	[tilespmem:$0x1F5D0] =	vst v5;
	v5 =	vor.u32 v21, v7  }
0x367: {  	v48 =	vmov v37;
	v37 =	vld [tilespmem:$0x1F660];
	v8 =	vor.u32 v23, v7  }
0x368: {  	v28 =	vld [tilespmem:$0x1F630];
	v10 =	vshll.u32 v10, $0x7;
	v14 =	vor.u32 v29, v7  }
0x369: {  	v49 =	vor.u32 v25, v7;
	v25 =	vor.u32 v21, v10;
	v21 =	vld [tilespmem:$0x1F650]  }
0x36a: {  	v9 =	vld.idx.msk [tilespmem:v9+s2+$0x0], $0xffff;
	v57 =	vor.u32 v24, v10  }
0x36b: {  	v31 =	vld.idx.msk [tilespmem:v5+s2+$0x0], $0xffff  }
0x36c: {  	v43 =	vmov v62;
	v55 =	vor.u32 v23, v10;
	v58 =	vor.u32 v27, v10;
	v8 =	vld.idx.msk [tilespmem:v8+s2+$0x0], $0xffff  }
0x36d: {  	v12 =	vor.u32 v28, v7;
	v62 =	vor.u32 v24, v7;
	v24 =	vor.u32 v28, v10;
	v14 =	vld.idx.msk [tilespmem:v14+s2+$0x0], $0xffff  }
0x36e: {  	v5 =	vor.u32 v27, v7;
	v27 =	vor.u32 v21, v7;
	v28 =	vor.u32 v21, v10;
	v21 =	vld [tilespmem:$0x1F680]  }
0x36f: {  	v40 =	vor.u32 v29, v10;
	v59 =	vor.u32 v26, v10;
	v60 =	vor.u32 v34, v10;
	v53 =	vld.idx.msk [tilespmem:v57+s2+$0x0], $0xffff  }
0x370: {  	v13 =	vor.u32 v34, v7;
	v34 =	vunpack.i.l.bf16.f32 v31;
	v38 =	vunpack.i.u.bf16.f32 v31;
	v31 =	vld [tilespmem:$0x1FF40]  }
0x371: {  	v16 =	vor.u32 v36, v7;
	v17 =	vor.u32 v35, v7;
	v44 =	vor.u32 v37, v7;
	v57 =	vld [tilespmem:$0x1FF50]  }
0x372: {  	v23 =	vor.u32 v26, v7;
	v26 =	vor.u32 v35, v10;
	v29 =	vor.u32 v37, v10  }
0x373: {  	v39 =	vunpack.i.u.bf16.f32 v8;
	v8 =	vunpack.i.l.bf16.f32 v8;
	v7 =	vor.u32 v21, v7  }
0x374: {  	v35 =	vor.u32 v21, v10;
	v21 =	vor.u32 v36, v10;
	v22 =	vadd.f32 v8, v22  }
0x375: {  	v8 =	vunpack.i.l.bf16.f32 v9;
	v36 =	vor.u32 v31, v10;
	v31 =	vor.u32 v41, v10  }
0x376: {  	v10 =	vor.u32 v57, v10;
	v57 =	vunpack.i.u.bf16.f32 v9;
	v9 =	vld.idx.msk [tilespmem:v13+s2+$0x0], $0xffff;
	v13 =	vunpack.i.l.bf16.f32 v14  }
0x377: {  	v6 =	vadd.f32 v13, v6;
	v13 =	vld [tilespmem:$0x1F6A0]  }
0x378: {  	v37 =	vld.idx.msk [tilespmem:v40+s2+$0x0], $0xffff;
	_ =	sdelay $0x2  }
0x379: {  	v40 =	vld.idx.msk [tilespmem:v55+s2+$0x0], $0xffff;
	v55 =	vunpack.i.u.bf16.f32 v14  }
0x37a: {  	v13 =	vadd.f32 v55, v13  }
0x37b: {  	v14 =	vld.idx.msk [tilespmem:v25+s2+$0x0], $0xffff;
	v25 =	vunpack.i.u.bf16.f32 v37  }
0x37c: {  	v13 =	vadd.f32 v25, v13;
	_ =	sdelay $0x1  }
0x37d: {  	[tilespmem:$0x1F6A0] =	vst v13;
	v13 =	vld [tilespmem:$0x1F6C0]  }
0x37e: {  	v41 =	vld.idx.msk [tilespmem:v60+s2+$0x0], $0xffff  }
0x37f: {  	v12 =	vld.idx.msk [tilespmem:v12+s2+$0x0], $0xffff  }
0x380: {  	v60 =	vunpack.i.l.bf16.f32 v40;
	v30 =	vadd.f32 v57, v30;
	v55 =	vadd.f32 v8, v32;
	v8 =	vld.idx.msk [tilespmem:v33+s2+$0x0], $0xffff  }
0x381: {  	v17 =	vld.idx.msk [tilespmem:v17+s2+$0x0], $0xffff;
	v57 =	vunpack.i.l.bf16.f32 v37;
	v22 =	vadd.f32 v60, v22;
	v32 =	vadd.f32 v38, v56  }
0x382: {  	v56 =	vunpack.i.u.bf16.f32 v9;
	v9 =	vunpack.i.l.bf16.f32 v9;
	v13 =	vadd.f32 v39, v13;
	v39 =	vld [tilespmem:$0x1F6B0]  }
0x383: {  	v21 =	vld.idx.msk [tilespmem:v21+s2+$0x0], $0xffff;
	v6 =	vadd.f32 v57, v6;
	v37 =	vunpack.i.l.bf16.f32 v41;
	v9 =	vadd.f32 v9, v43  }
0x384: {  	v24 =	vld.idx.msk [tilespmem:v24+s2+$0x0], $0xffff;
	v38 =	vadd.f32 v56, v63;
	v63 =	vunpack.i.l.bf16.f32 v14;
	v14 =	vunpack.i.u.bf16.f32 v14  }
0x385: {  	v56 =	vld.idx.msk [tilespmem:v44+s2+$0x0], $0xffff;
	v44 =	vunpack.i.u.bf16.f32 v12;
	v43 =	vunpack.i.u.bf16.f32 v8;
	v8 =	vunpack.i.l.bf16.f32 v8  }
0x386: {  	v29 =	vld.idx.msk [tilespmem:v29+s2+$0x0], $0xffff;
	v25 =	vunpack.i.l.bf16.f32 v53;
	v2 =	vadd.f32 v43, v2;
	v8 =	vadd.f32 v8, v18  }
0x387: {  	v33 =	vadd.f32 v34, v39;
	v34 =	vunpack.i.u.bf16.f32 v40;
	v39 =	vld.idx.msk [tilespmem:v62+s2+$0x0], $0xffff;
	v62 =	vadd.f32 v37, v9  }
0x388: {  	v9 =	vunpack.i.l.bf16.f32 v12;
	v12 =	vld.idx.msk [tilespmem:v23+s2+$0x0], $0xffff;
	v23 =	vadd.f32 v44, v61;
	v37 =	vunpack.i.l.bf16.f32 v21  }
0x389: {  	v16 =	vld.idx.msk [tilespmem:v16+s2+$0x0], $0xffff;
	v13 =	vadd.f32 v34, v13;
	v9 =	vadd.f32 v9, v46;
	v46 =	vunpack.i.u.bf16.f32 v24  }
0x38a: {  	v26 =	vld.idx.msk [tilespmem:v26+s2+$0x0], $0xffff;
	v24 =	vunpack.i.l.bf16.f32 v24;
	v34 =	vunpack.i.l.bf16.f32 v56;
	v33 =	vadd.f32 v63, v33  }
0x38b: {  	v28 =	vld.idx.msk [tilespmem:v28+s2+$0x0], $0xffff;
	v61 =	vadd.f32 v46, v23;
	[tilespmem:$0x1F6C0] =	vst v13;
	v13 =	vunpack.i.l.bf16.f32 v29;
	v29 =	vunpack.i.u.bf16.f32 v29  }
0x38c: {  	v35 =	vld.idx.msk [tilespmem:v35+s2+$0x0], $0xffff;
	v46 =	vadd.f32 v24, v9;
	v24 =	vunpack.i.u.bf16.f32 v17;
	v17 =	vunpack.i.l.bf16.f32 v17  }
0x38d: {  	v36 =	vld.idx.msk [tilespmem:v36+s2+$0x0], $0xffff;
	v9 =	vunpack.i.u.bf16.f32 v56;
	v24 =	vadd.f32 v24, v47;
	v0 =	vadd.f32 v17, v0  }
0x38e: {  	v23 =	vld.idx.msk [tilespmem:v27+s2+$0x0], $0xffff;
	[tilespmem:$0x1F6B0] =	vst v33;
	v33 =	vunpack.i.u.bf16.f32 v41;
	v17 =	vadd.f32 v34, v42;
	v9 =	vadd.f32 v9, v11  }
0x38f: {  	v63 =	vadd.f32 v33, v38;
	v33 =	vld.idx.msk [tilespmem:v49+s2+$0x0], $0xffff;
	v40 =	vunpack.i.u.bf16.f32 v39;
	v49 =	vunpack.i.u.bf16.f32 v16  }
0x390: {  	v38 =	vld.idx.msk [tilespmem:v7+s2+$0x0], $0xffff;
	v27 =	vunpack.i.l.bf16.f32 v39;
	v7 =	vunpack.i.l.bf16.f32 v16;
	v16 =	vunpack.i.u.bf16.f32 v21  }
0x391: {  	v21 =	vadd.f32 v7, v45;
	v7 =	vunpack.i.u.bf16.f32 v12;
	v49 =	vadd.f32 v49, v48  }
0x392: {  	v12 =	vunpack.i.l.bf16.f32 v12;
	v42 =	vadd.f32 v13, v17;
	v13 =	vunpack.i.u.bf16.f32 v36  }
0x393: {  	v39 =	vunpack.i.l.bf16.f32 v28;
	v12 =	vadd.f32 v12, v51;
	v2 =	vadd.f32 v13, v2  }
0x394: {  	v45 =	vadd.f32 v37, v21;
	v21 =	vunpack.i.u.bf16.f32 v26;
	v37 =	vadd.f32 v16, v49  }
0x395: {  	v16 =	vunpack.i.u.bf16.f32 v35;
	v47 =	vadd.f32 v21, v24;
	v21 =	vunpack.i.l.bf16.f32 v23  }
0x396: {  	v56 =	vunpack.i.u.bf16.f32 v33;
	v33 =	vunpack.i.l.bf16.f32 v33;
	v44 =	vunpack.i.l.bf16.f32 v38  }
0x397: {  	v10 =	vld.idx.msk [tilespmem:v10+s2+$0x0], $0xffff;
	v24 =	vunpack.i.u.bf16.f32 v38;
	v19 =	vadd.f32 v21, v19;
	v1 =	vadd.f32 v44, v1  }
0x398: {  	v21 =	vadd.f32 v27, v52;
	v15 =	vadd.f32 v24, v15;
	v24 =	vld.idx.msk [tilespmem:v5+s2+$0x0], $0xffff;
	v5 =	vunpack.i.l.bf16.f32 v35  }
0x399: {  	v27 =	vunpack.i.u.bf16.f32 v28;
	v3 =	vadd.f32 v33, v3;
	v1 =	vadd.f32 v5, v1;
	v5 =	vld.idx.msk [tilespmem:v59+s2+$0x0], $0xffff  }
0x39a: {  	v17 =	vld.idx.msk [tilespmem:v58+s2+$0x0], $0xffff;
	v19 =	vadd.f32 v39, v19;
	v52 =	vadd.f32 v25, v21;
	v21 =	vunpack.i.u.bf16.f32 v23  }
0x39b: {  	v23 =	vadd.f32 v56, v4;
	v15 =	vadd.f32 v16, v15;
	v16 =	vunpack.i.l.bf16.f32 v26  }
0x39c: {  	v0 =	vadd.f32 v16, v0;
	v16 =	vadd.f32 v21, v54;
	v21 =	vunpack.i.u.bf16.f32 v10  }
0x39d: {  	v56 =	vadd.f32 v14, v32;
	v4 =	vld [tilespmem:$0x1F5E0];
	v33 =	vadd.f32 v21, v23;
	v21 =	vunpack.i.l.bf16.f32 v24  }
0x39e: {  	s19 =	sadd.s32 $0x2, s19;
	v54 =	vadd.f32 v27, v16;
	v16 =	vld.idx.msk [tilespmem:v31+s2+$0x0], $0xffff;
	v21 =	vadd.f32 v21, v50;
	v11 =	vunpack.i.l.bf16.f32 v5  }
0x39f: {  	p0 =	slt.u32 s19, $0x30;
	v28 =	vld [tilespmem:$0x1F5D0];
	v13 =	vunpack.i.u.bf16.f32 v24;
	v51 =	vadd.f32 v11, v12;
	v12 =	vunpack.i.l.bf16.f32 v17  }
.Ltmp3:
0x3a0: {  	v25 =	vld [tilespmem:$0x1FF50];
	v11 =	vadd.f32 v29, v9;
	v9 =	vunpack.i.l.bf16.f32 v36;
	v50 =	vadd.f32 v12, v21;
	(pc) =	sbr.rel @p0 .LBB2_10-.Ltmp3, $4  }
0x3a1: {  	v26 =	vld [tilespmem:$0x1FF60];
	v12 =	vadd.f32 v13, v20;
	v18 =	vadd.f32 v9, v8;
	v8 =	vunpack.i.l.bf16.f32 v10  }
0x3a2: {  	v23 =	vld [tilespmem:$0x1FF30];
	v4 =	vadd.f32 v40, v4;
	v3 =	vadd.f32 v8, v3;
	v8 =	vunpack.i.u.bf16.f32 v17  }
0x3a3: {  	v24 =	vld [tilespmem:$0x1FF40];
	v9 =	vunpack.i.l.bf16.f32 v16;
	v20 =	vadd.f32 v8, v12;
	v8 =	vunpack.i.u.bf16.f32 v16  }
0x3a4: {  	s20 =	sadd.s32 $0x100, s20;
	v27 =	vld [tilespmem:$0x1FF70];
	v32 =	vadd.f32 v9, v55;
	v30 =	vadd.f32 v8, v30  }
0x3a5: {  	v9 =	vld [tilespmem:$0x1F9D0]  }
0x3a6: {  	v14 =	vld [tilespmem:$0x1F9E0]  }
0x3a7: {  	v10 =	vld [tilespmem:$0x1FCE0]  }
0x3a8: {  	v12 =	vld [tilespmem:$0x1FCF0]  }
0x3a9: {  	v13 =	vld [tilespmem:$0x1FD00]  }
0x3aa: {  	v16 =	vld [tilespmem:$0x1F6B0];
	v8 =	vor.u32 $0x3000, v9  }
0x3ab: {  	v58 =	vld [tilespmem:$0x1FD10];
	v9 =	vadd.s32 $0x3080, v9;
	v8 =	vor.u32 v8, v14  }
0x3ac: {  	v59 =	vld [tilespmem:$0x1FD20];
	v9 =	vor.u32 v9, v14  }
0x3ad: {  	v60 =	vld [tilespmem:$0x1FD30];
	v10 =	vor.u32 v10, v14  }
0x3ae: {  	v25 =	vld [tilespmem:$0x1FD60];
	v12 =	vor.u32 v12, v14  }
0x3af: {  	v26 =	vld [tilespmem:$0x1FD70];
	v13 =	vor.u32 v13, v14  }
0x3b0: {  	v34 =	vld [tilespmem:$0x1FD80];
	[tilespmem:v8+s13+$0x0] =	vst.idx.msk $0xffff, v16  }
0x3b1: {  	v35 =	vld [tilespmem:$0x1FD90];
	[tilespmem:v9+s13+$0x0] =	vst.idx.msk $0xffff, v56  }
0x3b2: {  	v36 =	vld [tilespmem:$0x1F6C0];
	[tilespmem:v10+s13+$0x0] =	vst.idx.msk $0xffff, v19  }
0x3b3: {  	[tilespmem:v12+s13+$0x0] =	vst.idx.msk $0xffff, v54;
	v12 =	vld [tilespmem:$0x1FD40]  }
0x3b4: {  	[tilespmem:v13+s13+$0x0] =	vst.idx.msk $0xffff, v1;
	v13 =	vld [tilespmem:$0x1FD50]  }
0x3b5: {  	v38 =	vld [tilespmem:$0x1FDA0];
	v8 =	vor.u32 v58, v14  }
0x3b6: {  	v39 =	vld [tilespmem:$0x1FDB0];
	v9 =	vor.u32 v59, v14  }
0x3b7: {  	v40 =	vld [tilespmem:$0x1FDC0];
	v10 =	vor.u32 v60, v14  }
0x3b8: {  	v41 =	vld [tilespmem:$0x1FDD0];
	v12 =	vor.u32 v12, v14  }
0x3b9: {  	v24 =	vunpack.i.u.bf16.f32 v53;
	v43 =	vld [tilespmem:$0x1FDE0];
	v13 =	vor.u32 v13, v14  }
0x3ba: {  	v44 =	vld [tilespmem:$0x1FDF0];
	v1 =	vadd.f32 v24, v4;
	v4 =	vor.u32 v25, v14;
	[tilespmem:v8+s13+$0x0] =	vst.idx.msk $0xffff, v15  }
0x3bb: {  	v48 =	vld [tilespmem:$0x1FE10];
	v8 =	vor.u32 v26, v14;
	[tilespmem:v9+s13+$0x0] =	vst.idx.msk $0xffff, v52  }
0x3bc: {  	v49 =	vld [tilespmem:$0x1F6A0];
	[tilespmem:v10+s13+$0x0] =	vst.idx.msk $0xffff, v1;
	v1 =	vor.u32 v34, v14  }
0x3bd: {  	v53 =	vld [tilespmem:$0x1FE30];
	[tilespmem:v12+s13+$0x0] =	vst.idx.msk $0xffff, v22  }
0x3be: {  	v55 =	vld [tilespmem:$0x1FE50];
	[tilespmem:v13+s13+$0x0] =	vst.idx.msk $0xffff, v36  }
0x3bf: {  	v57 =	vld [tilespmem:$0x1FE70];
	v9 =	vor.u32 v35, v14;
	[tilespmem:v4+s13+$0x0] =	vst.idx.msk $0xffff, v32  }
0x3c0: {  	v17 =	vld [tilespmem:$0x1FF00];
	v10 =	vor.u32 v38, v14;
	[tilespmem:v8+s13+$0x0] =	vst.idx.msk $0xffff, v30  }
0x3c1: {  	v4 =	vor.u32 v39, v14;
	[tilespmem:v1+s13+$0x0] =	vst.idx.msk $0xffff, v46;
	v46 =	vld [tilespmem:$0x1FE00]  }
0x3c2: {  	v21 =	vld [tilespmem:$0x1FFA0];
	v8 =	vor.u32 v40, v14  }
0x3c3: {  	v52 =	vld [tilespmem:$0x1FE20];
	v1 =	vor.u32 v41, v14  }
0x3c4: {  	v58 =	vld [tilespmem:$0x1FE80];
	[tilespmem:v9+s13+$0x0] =	vst.idx.msk $0xffff, v61;
	v9 =	vor.u32 v43, v14  }
0x3c5: {  	v54 =	vld [tilespmem:$0x1FE40];
	[tilespmem:v10+s13+$0x0] =	vst.idx.msk $0xffff, v62;
	v10 =	vor.u32 v44, v14  }
0x3c6: {  	v16 =	vld [tilespmem:$0x1FEF0];
	[tilespmem:v4+s13+$0x0] =	vst.idx.msk $0xffff, v63;
	v4 =	vor.u32 v46, v14  }
0x3c7: {  	v56 =	vld [tilespmem:$0x1FE60];
	[tilespmem:v8+s13+$0x0] =	vst.idx.msk $0xffff, v6;
	v6 =	vor.u32 v48, v14  }
0x3c8: {  	v59 =	vld [tilespmem:$0x1FE90];
	[tilespmem:v1+s13+$0x0] =	vst.idx.msk $0xffff, v49;
	v1 =	vor.u32 v52, v14  }
0x3c9: {  	v60 =	vadd.f32 v7, v28;
	v28 =	vld [tilespmem:$0x1FF80];
	v8 =	vor.u32 v53, v14;
	[tilespmem:v9+s13+$0x0] =	vst.idx.msk $0xffff, v45  }
0x3ca: {  	v19 =	vld [tilespmem:$0x1FFD0];
	v9 =	vor.u32 v54, v14;
	[tilespmem:v10+s13+$0x0] =	vst.idx.msk $0xffff, v37  }
0x3cb: {  	v61 =	vld [tilespmem:$0x1FEA0];
	[tilespmem:v4+s13+$0x0] =	vst.idx.msk $0xffff, v0;
	v0 =	vor.u32 v55, v14  }
0x3cc: {  	v63 =	vld [tilespmem:$0x1FEB0];
	v4 =	vor.u32 v56, v14;
	[tilespmem:v6+s13+$0x0] =	vst.idx.msk $0xffff, v47  }
0x3cd: {  	v35 =	vld [tilespmem:$0x1FFF0];
	[tilespmem:v1+s13+$0x0] =	vst.idx.msk $0xffff, v42;
	v1 =	vor.u32 v57, v14  }
0x3ce: {  	v34 =	vld [tilespmem:$0x1FFC0];
	v6 =	vor.u32 v58, v14;
	[tilespmem:v8+s13+$0x0] =	vst.idx.msk $0xffff, v11  }
0x3cf: {  	v12 =	vld [tilespmem:$0x1FEC0];
	v8 =	vor.u32 v59, v14;
	[tilespmem:v9+s13+$0x0] =	vst.idx.msk $0xffff, v18  }
0x3d0: {  	s17 =	sadd.s32 $0x1, s17;
	v13 =	vld [tilespmem:$0x1FED0];
	[tilespmem:v0+s13+$0x0] =	vst.idx.msk $0xffff, v2;
	v2 =	vor.u32 v61, v14  }
0x3d1: {  	p0 =	sne.s32 s17, $0x8;
	v36 =	vld [tilespmem:$0x1FFB0];
	v62 =	vunpack.i.u.bf16.f32 v5;
	[tilespmem:v4+s13+$0x0] =	vst.idx.msk $0xffff, v3;
	v4 =	vor.u32 v63, v14  }
.Ltmp4:
0x3d2: {  	v32 =	vld [tilespmem:$0x1FF90];
	v0 =	vadd.f32 v62, v60;
	[tilespmem:v1+s13+$0x0] =	vst.idx.msk $0xffff, v33;
	(pc) =	sbr.rel @p0 .LBB2_3-.Ltmp4, $4  }
0x3d3: {  	v37 =	vld [tilespmem:$0x1FFE0];
	[tilespmem:v6+s13+$0x0] =	vst.idx.msk $0xffff, v51  }
0x3d4: {  	v18 =	vld [tilespmem:$0x1FF20];
	[tilespmem:v8+s13+$0x0] =	vst.idx.msk $0xffff, v0  }
0x3d5: {  	v14 =	vld [tilespmem:$0x1FEE0];
	[tilespmem:v2+s13+$0x0] =	vst.idx.msk $0xffff, v50  }
0x3d6: {  	s18 =	sadd.s32 $0x10, s18;
	v48 =	vlaneseq.u32;
	[tilespmem:v4+s13+$0x0] =	vst.idx.msk $0xffff, v20;
	v20 =	vld [tilespmem:$0x1FF10]  }
0x3d7: {  	s15 =	sadd.s32 $0x1, s15  }
0x3d8: {  	p0 =	sne.s32 s15, $0x4  }
.Ltmp5:
0x3d9: {  	s16 =	sadd.s32 s5, s16;
	(pc) =	sbr.rel @p0 .LBB2_2-.Ltmp5, $4  }
0x3da: {  	[hbm4b:s16+s9] =	stream.strided.scatter [tilespmem:s13], [sflag:$0x1], $0x4000, s10, s9, $0x38;
	[tilespmem:$0x1E400] =	vst v63  }
0x3db: {  	_ =	swait.ge [sflag:s8], $0x4000  }
0x3dc: {  	[sflag:s8] =	ssyncset.done $0x0  }
0x3dd: {  	[sflag:s8] =	ssyncadd.s32 $0xFFFFC000  }
0x3de: {  	s14 =	sadd.s32 $0x1, s14  }
0x3df: {  	p0 =	sne.s32 s14, s7  }
.Ltmp6:
0x3e0: {  	_ = 	snop;
	(pc) =	sbr.rel @p0 .LBB2_1-.Ltmp6, $1  }
0x3e1: {  	_ =	sdelay $0x3  }
0x3e2: {  	_ =	sfence.sel $0x180000  }
0x3e3: {  	[bflag:$0x0] =	sbarrier.arrive $0xFFFF  }
0x3e4: {  	p0 =	sne.s32 s4, $0x0;
	_ =	strace $0x90000047  }
0x3e5: {  	s0 =	sadd.s32 @!p0 $0x100000, s0;
	[bflag:$0x2] =	sbarrier.arrive $0xFFFF  }
0x3e6: {  	[sflag:s0] =	ssyncadd.tile.s32 @!p0 $0x1;
	_ =	shalt  }
.Lfunc_end2:
_tile_overlayer_lowered:
.L_overlay_start_2:
0x3e7: {  	(tag) =	ssettag $0x2  }
0x3e8: {  	s0 =	rddreg [dreg:$0x0];
	s2 =	stileid.u32  }
0x3e9: {  	s1 =	rddreg [dreg:$0x1];
	p0 =	sne.s32 s2, $0x0  }
0x3ea: {  	s3 =	rddreg [dreg:$0x2];
	[bflag:$0x3] =	sbarrier.arrive $0xFFFF;
	s2 =	simm.s32 @!p0 $0x1C01  }
0x3eb: {  	[timem:s3], [sflag:s2] =	dma.local @!p0 [hbm:s0], s1  }
0x3ec: {  	s0 =	simm.s32 @!p0 $0x1  }
0x3ed: {  	_ =	swait.ge @!p0 [sflag:s0], s1  }
0x3ee: {  	s1 =	ssub.s32 @!p0 $0x0, s1;
	[sflag:s0] =	ssyncset.done @!p0 $0x0  }
0x3ef: {  	[sflag:s0] =	ssyncadd.s32 @!p0 s1  }
0x3f0: {  	[bflag:$0x3] =	sbarrier.arrive $0xFFFF  }
0x3f1: {  	_ =	shalt  }

</sc_bundles>
